<compile_context>
chip_gen: v7x
topology: tpu7x:2x2x1
jax: 0.10.2.dev20260603
libtpu: 0.0.44.dev20260713+nightly
codegen_flags: <defaults>
</compile_context>

<pallas_src>
import functools

import jax
import jax.numpy as jnp
from jax import lax
from jax.experimental import pallas as pl
from jax.experimental.pallas import tpu as pltpu
from jax.experimental.pallas import tpu_sc as plsc

N = 10000
E = 320000
D_IN = 128
HID = 50
NUM_CLASS = 40
W1P = 56
W2P = 40

NC = 2
NS = 16
NW = NC * NS
EPT = E // NW
CHUNK = 80
NCHUNK = EPT // CHUNK
NBUF = 8
NP = 10240
RPT = NP // NS
ZROWS = 128
DEGW = 8

_mesh = plsc.VectorSubcoreMesh(
    core_axis_name="c", subcore_axis_name="s", num_cores=NC, num_subcores=NS
)
_sc_params = pltpu.CompilerParams(use_tc_tiling_on_sc=False)


@functools.partial(
    pl.kernel,
    out_type=jax.ShapeDtypeStruct((NC, NP, DEGW), jnp.float32),
    mesh=_mesh,
    compiler_params=_sc_params,
    scratch_types=[
        pltpu.VMEM((NCHUNK, CHUNK), jnp.int32),
        pltpu.VMEM((CHUNK, DEGW), jnp.float32),
        pltpu.VMEM((ZROWS, DEGW), jnp.float32),
        pltpu.VMEM_SHARED((NP, DEGW), jnp.float32),
        pltpu.SemaphoreType.DMA,
    ],
)
def _deg_kernel(dst_hbm, ones_hbm, zdeg_hbm, out_hbm, dstv, onesv, zv, acc,
                sem):
    cid = lax.axis_index("c")
    sid = lax.axis_index("s")
    wid = cid * NS + sid

    pltpu.sync_copy(zdeg_hbm, zv)
    for r in range(RPT // ZROWS):
        pltpu.sync_copy(zv, acc.at[pl.ds(sid * RPT + r * ZROWS, ZROWS)])
    pltpu.sync_copy(ones_hbm, onesv)
    pltpu.sync_copy(dst_hbm.at[wid], dstv)
    plsc.subcore_barrier()

    def fire(j, carry):
        pltpu.async_copy(onesv, acc.at[dstv.at[j]], sem, add=True)
        return carry

    def drain(j, carry):
        pltpu.make_async_copy(onesv, acc.at[dstv.at[j]], sem).wait()
        return carry

    lax.fori_loop(0, NCHUNK, fire, 0)
    lax.fori_loop(0, NCHUNK, drain, 0)
    plsc.subcore_barrier()

    for r in range(RPT // ZROWS):
        row0 = sid * RPT + r * ZROWS
        pltpu.sync_copy(acc.at[pl.ds(row0, ZROWS)],
                        out_hbm.at[cid, pl.ds(row0, ZROWS)])


def _make_agg_kernel(width):
    @functools.partial(
        pl.kernel,
        out_type=jax.ShapeDtypeStruct((NC, NP, width), jnp.float32),
        mesh=_mesh,
        compiler_params=_sc_params,
        scratch_types=[
            pltpu.VMEM((NCHUNK, CHUNK), jnp.int32),
            pltpu.VMEM((NCHUNK, CHUNK), jnp.int32),
            [pltpu.VMEM((CHUNK, width), jnp.float32) for _ in range(NBUF)],
            pltpu.VMEM((ZROWS, width), jnp.float32),
            pltpu.VMEM_SHARED((NP, width), jnp.float32),
            [pltpu.SemaphoreType.DMA for _ in range(NBUF)],
            [pltpu.SemaphoreType.DMA for _ in range(NBUF)],
        ],
    )
    def agg(table_hbm, src_hbm, dst_hbm, zpad_hbm, out_hbm,
            srcv, dstv, bufs, zv, acc, gsems, ssems):
        cid = lax.axis_index("c")
        sid = lax.axis_index("s")
        wid = cid * NS + sid

        def fire_g(j, k):
            pltpu.async_copy(table_hbm.at[srcv.at[j]], bufs[k], gsems[k])

        def drain_g(j, k):
            pltpu.make_async_copy(table_hbm.at[srcv.at[j]], bufs[k],
                                  gsems[k]).wait()

        def fire_s(j, k):
            pltpu.async_copy(bufs[k], acc.at[dstv.at[j]], ssems[k], add=True)

        def drain_s(j, k):
            pltpu.make_async_copy(bufs[k], acc.at[dstv.at[j]],
                                  ssems[k]).wait()

        pltpu.sync_copy(zpad_hbm, zv)
        for r in range(RPT // ZROWS):
            pltpu.sync_copy(zv, acc.at[pl.ds(sid * RPT + r * ZROWS, ZROWS)])
        pltpu.sync_copy(src_hbm.at[wid], srcv)
        pltpu.sync_copy(dst_hbm.at[wid], dstv)
        plsc.subcore_barrier()

        for k in range(NBUF):
            fire_g(k, k)

        def group(i, carry):
            j0 = NBUF * i
            for k in range(NBUF):
                drain_g(j0 + k, k)
                fire_s(j0 + k, k)
            for k in range(NBUF):
                drain_s(j0 + k, k)
                fire_g(j0 + NBUF + k, k)
            return carry

        nsteady = NCHUNK // NBUF - 1
        lax.fori_loop(0, nsteady, group, 0)

        j0 = nsteady * NBUF
        rem = NCHUNK - j0 - NBUF
        for k in range(NBUF):
            drain_g(j0 + k, k)
            fire_s(j0 + k, k)
        for k in range(rem):
            drain_s(j0 + k, k)
            fire_g(j0 + NBUF + k, k)
        for k in range(rem, NBUF):
            drain_s(j0 + k, k)
        for k in range(rem):
            drain_g(j0 + NBUF + k, k)
            fire_s(j0 + NBUF + k, k)
        for k in range(rem):
            drain_s(j0 + NBUF + k, k)
        plsc.subcore_barrier()

        for r in range(RPT // ZROWS):
            row0 = sid * RPT + r * ZROWS
            pltpu.sync_copy(acc.at[pl.ds(row0, ZROWS)],
                            out_hbm.at[cid, pl.ds(row0, ZROWS)])

    return agg


_agg1 = _make_agg_kernel(W1P)
_agg2 = _make_agg_kernel(W2P)


def _dinv(degp_ref):
    deg = degp_ref[0, :N, 0:1] + degp_ref[1, :N, 0:1] + 1.0
    return lax.rsqrt(deg)


def _t1_body(x_ref, w1_ref, degp_ref, h1p_ref):
    h = jnp.dot(x_ref[...], w1_ref[...], preferred_element_type=jnp.float32)
    h1p_ref[...] = h * _dinv(degp_ref)


def _t2_body(aggp_ref, h1p_ref, degp_ref, b1_ref, w2_ref, h2p_ref):
    dinv = _dinv(degp_ref)
    agg = aggp_ref[0, :N] + aggp_ref[1, :N]
    z = jax.nn.relu(dinv * (agg + h1p_ref[...]) + b1_ref[...])
    h2p_ref[...] = jnp.dot(z, w2_ref[...],
                           preferred_element_type=jnp.float32) * dinv


def _t3_body(aggp_ref, h2p_ref, degp_ref, b2_ref, out_ref):
    dinv = _dinv(degp_ref)
    agg = aggp_ref[0, :N] + aggp_ref[1, :N]
    logits = dinv * (agg + h2p_ref[...]) + b2_ref[...]
    m = jnp.max(logits, axis=1, keepdims=True)
    lse = jnp.log(jnp.sum(jnp.exp(logits - m), axis=1, keepdims=True))
    out_ref[...] = logits - m - lse


_t1 = pl.pallas_call(
    _t1_body, out_shape=jax.ShapeDtypeStruct((N, W1P), jnp.float32))
_t2 = pl.pallas_call(
    _t2_body, out_shape=jax.ShapeDtypeStruct((N, W2P), jnp.float32))
_t3 = pl.pallas_call(
    _t3_body, out_shape=jax.ShapeDtypeStruct((N, W2P), jnp.float32))


def kernel(x, edge_index, W1, b1, W2, b2):
    w1p = jnp.zeros((D_IN, W1P), jnp.float32).at[:, :HID].set(W1)
    w2p = jnp.zeros((W1P, W2P), jnp.float32).at[:HID, :].set(W2)
    b1p = jnp.zeros((1, W1P), jnp.float32).at[0, :HID].set(b1)
    b2p = b2.reshape(1, W2P)
    src = edge_index[0].reshape(NW, NCHUNK, CHUNK)
    dst = edge_index[1].reshape(NW, NCHUNK, CHUNK)
    ones_deg = jnp.ones((CHUNK, DEGW), jnp.float32)
    zdeg = jnp.zeros((ZROWS, DEGW), jnp.float32)
    zpad1 = jnp.zeros((ZROWS, W1P), jnp.float32)
    zpad2 = jnp.zeros((ZROWS, W2P), jnp.float32)

    degp = _deg_kernel(dst, ones_deg, zdeg)
    h1p = _t1(x, w1p, degp)
    agg1 = _agg1(h1p, src, dst, zpad1)
    h2p = _t2(agg1, h1p, degp, b1p, w2p)
    agg2 = _agg2(h2p, src, dst, zpad2)
    return _t3(agg2, h2p, degp, b2p)

# --- scband reference (transcript-rebuilt; emitter-appended) ---
"""Pipeline reference for scband-gcnmodel-3332894622178 (READ-ONLY COPY).

The authoritative reference and input builder live on the scoring server;
editing this copy changes nothing except your own understanding.
"""

import jax, jax.numpy as jnp
import numpy as np

N = 10000
E = 320000
D_IN = 128
HID = 50
NUM_CLASS = 40


def setup_inputs(seed: int = 0) -> dict:
    key = jax.random.key(seed)
    k1, k2, k3, k4, k5, k6 = jax.random.split(key, 6)
    x = jax.random.normal(k1, (N, D_IN), dtype=jnp.float32)
    edge_index = jax.random.randint(k2, (2, E), 0, N, dtype=jnp.int32)
    W1 = jax.random.normal(k3, (D_IN, HID), dtype=jnp.float32) / np.sqrt(D_IN)
    b1 = jnp.zeros((HID,), dtype=jnp.float32)
    W2 = jax.random.normal(k4, (HID, NUM_CLASS), dtype=jnp.float32) / np.sqrt(HID)
    b2 = jnp.zeros((NUM_CLASS,), dtype=jnp.float32)
    return {"x": x, "edge_index": edge_index, "W1": W1, "b1": b1, "W2": W2, "b2": b2}


def _gcn_conv(x, edge_index, W, b):
    # GCNConv: x' = D^{-1/2} (A + I) D^{-1/2} X W + b
    src = edge_index[0]
    dst = edge_index[1]
    loop = jnp.arange(N, dtype=src.dtype)
    src = jnp.concatenate([src, loop])
    dst = jnp.concatenate([dst, loop])
    h = x @ W
    deg = jnp.zeros((N,), jnp.float32).at[dst].add(1.0)
    deg_inv_sqrt = jnp.where(deg > 0, 1.0 / jnp.sqrt(deg), 0.0)
    norm = deg_inv_sqrt[src] * deg_inv_sqrt[dst]
    msg = h[src] * norm[:, None]
    out = jnp.zeros((N, W.shape[1]), jnp.float32).at[dst].add(msg)
    return out + b


def reference(x, edge_index, W1, b1, W2, b2):
    h = _gcn_conv(x, edge_index, W1, b1)
    h = jax.nn.relu(h)
    # F.dropout with training=False is identity (eval-mode reference)
    h = _gcn_conv(h, edge_index, W2, b2)
    return jax.nn.log_softmax(h, axis=1)

if __name__ == "__main__":
    import jax
    _d = setup_inputs()
    print(jax.jit(kernel)(*tuple(_d.values())))

</pallas_src>

<mosaic_0001>
#map = affine_map<(d0, d1) -> (0, 0)>
#map1 = affine_map<(d0, d1) -> (0, 0, 0)>
module attributes {stable_mosaic.version = 14 : i64} {
  func.func @agg(%arg0: i32, %arg1: i32, %arg2: memref<10000x40xf32, #tpu.memory_space<hbm>>, %arg3: memref<32x125x80xi32, #tpu.memory_space<hbm>>, %arg4: memref<32x125x80xi32, #tpu.memory_space<hbm>>, %arg5: memref<128x40xf32, #tpu.memory_space<hbm>>, %arg6: memref<2x10240x40xf32, #tpu.memory_space<hbm>>, %arg7: memref<125x80xi32, #tpu.memory_space<vmem>>, %arg8: memref<125x80xi32, #tpu.memory_space<vmem>>, %arg9: memref<80x40xf32, #tpu.memory_space<vmem>>, %arg10: memref<80x40xf32, #tpu.memory_space<vmem>>, %arg11: memref<80x40xf32, #tpu.memory_space<vmem>>, %arg12: memref<80x40xf32, #tpu.memory_space<vmem>>, %arg13: memref<80x40xf32, #tpu.memory_space<vmem>>, %arg14: memref<80x40xf32, #tpu.memory_space<vmem>>, %arg15: memref<80x40xf32, #tpu.memory_space<vmem>>, %arg16: memref<80x40xf32, #tpu.memory_space<vmem>>, %arg17: memref<128x40xf32, #tpu.memory_space<vmem>>, %arg18: memref<10240x40xf32, #tpu.memory_space<vmem_shared>>, %arg19: memref<!tpu.dma_semaphore, #tpu.memory_space<semaphore_mem>>, %arg20: memref<!tpu.dma_semaphore, #tpu.memory_space<semaphore_mem>>, %arg21: memref<!tpu.dma_semaphore, #tpu.memory_space<semaphore_mem>>, %arg22: memref<!tpu.dma_semaphore, #tpu.memory_space<semaphore_mem>>, %arg23: memref<!tpu.dma_semaphore, #tpu.memory_space<semaphore_mem>>, %arg24: memref<!tpu.dma_semaphore, #tpu.memory_space<semaphore_mem>>, %arg25: memref<!tpu.dma_semaphore, #tpu.memory_space<semaphore_mem>>, %arg26: memref<!tpu.dma_semaphore, #tpu.memory_space<semaphore_mem>>, %arg27: memref<!tpu.dma_semaphore, #tpu.memory_space<semaphore_mem>>, %arg28: memref<!tpu.dma_semaphore, #tpu.memory_space<semaphore_mem>>, %arg29: memref<!tpu.dma_semaphore, #tpu.memory_space<semaphore_mem>>, %arg30: memref<!tpu.dma_semaphore, #tpu.memory_space<semaphore_mem>>, %arg31: memref<!tpu.dma_semaphore, #tpu.memory_space<semaphore_mem>>, %arg32: memref<!tpu.dma_semaphore, #tpu.memory_space<semaphore_mem>>, %arg33: memref<!tpu.dma_semaphore, #tpu.memory_space<semaphore_mem>>, %arg34: memref<!tpu.dma_semaphore, #tpu.memory_space<semaphore_mem>>) attributes {dimension_semantics = [#tpu.dimension_semantics<core_parallel>, #tpu.dimension_semantics<subcore_parallel>], iteration_bounds = array<i64: 2, 16>, scalar_prefetch = 0 : i64, scratch_operands = 28 : i64, tpu.core_type = #tpu.core_type<sc_vector_subcore>, window_params = [{transform_indices = #map}, {transform_indices = #map1}, {transform_indices = #map1}, {transform_indices = #map}, {transform_indices = #map1}]} {
    %mul3A = arith.constant 16 : i32
    %mul3A_0 = arith.muli %arg0, %mul3A : i32
    %add3A = arith.addi %mul3A_0, %arg1 : i32
    "tpu.region"() ({
      %run_scoped3A = tpu.sem_alloc : memref<!tpu.dma_semaphore, #tpu.memory_space<semaphore_mem>>
      tpu.enqueue_dma source(%arg5 : memref<128x40xf32, #tpu.memory_space<hbm>>) target(%arg17 : memref<128x40xf32, #tpu.memory_space<vmem>>) target_semaphore(%run_scoped3A : memref<!tpu.dma_semaphore, #tpu.memory_space<semaphore_mem>>)
      tpu.wait_dma2 semaphore(%run_scoped3A : memref<!tpu.dma_semaphore, #tpu.memory_space<semaphore_mem>>) src(%arg5 : memref<128x40xf32, #tpu.memory_space<hbm>>) dst(%arg17 : memref<128x40xf32, #tpu.memory_space<vmem>>)
      tpu.yield
    }) : () -> ()
    %mul3A_1 = arith.constant 640 : i32
    %mul3A_2 = arith.muli %arg1, %mul3A_1 : i32
    %add3A_3 = arith.constant 0 : i32
    %add3A_4 = arith.addi %mul3A_2, %add3A_3 : i32
    "tpu.region"() ({
      %run_scoped3A = tpu.sem_alloc : memref<!tpu.dma_semaphore, #tpu.memory_space<semaphore_mem>>
      %dma_start3A_409 = arith.constant 0 : i32
      %dma_start3A_410 = tpu.memref_slice %arg18[%add3A_4, %dma_start3A_409] : memref<10240x40xf32, #tpu.memory_space<vmem_shared>> -> memref<128x40xf32, #tpu.memory_space<vmem_shared>>
      %dma_start3A_411 = arith.constant 0 : i32
      %dma_start3A_412 = tpu.memref_slice %arg18[%add3A_4, %dma_start3A_411] : memref<10240x40xf32, #tpu.memory_space<vmem_shared>> -> memref<128x40xf32, #tpu.memory_space<vmem_shared>>
      tpu.enqueue_dma source(%arg17 : memref<128x40xf32, #tpu.memory_space<vmem>>) target(%dma_start3A_412 : memref<128x40xf32, #tpu.memory_space<vmem_shared>>) target_semaphore(%run_scoped3A : memref<!tpu.dma_semaphore, #tpu.memory_space<semaphore_mem>>)
      %dma_wait3A_413 = arith.constant 0 : i32
      %dma_wait3A_414 = tpu.memref_slice %arg18[%add3A_4, %dma_wait3A_413] : memref<10240x40xf32, #tpu.memory_space<vmem_shared>> -> memref<128x40xf32, #tpu.memory_space<vmem_shared>>
      %dma_wait3A_415 = arith.constant 0 : i32
      %dma_wait3A_416 = tpu.memref_slice %arg18[%add3A_4, %dma_wait3A_415] : memref<10240x40xf32, #tpu.memory_space<vmem_shared>> -> memref<128x40xf32, #tpu.memory_space<vmem_shared>>
      tpu.wait_dma2 semaphore(%run_scoped3A : memref<!tpu.dma_semaphore, #tpu.memory_space<semaphore_mem>>) src(%arg17 : memref<128x40xf32, #tpu.memory_space<vmem>>) dst(%dma_wait3A_416 : memref<128x40xf32, #tpu.memory_space<vmem_shared>>)
      tpu.yield
    }) : () -> ()
    %mul3A_5 = arith.constant 640 : i32
    %mul3A_6 = arith.muli %arg1, %mul3A_5 : i32
    %add3A_7 = arith.constant 128 : i32
    %add3A_8 = arith.addi %mul3A_6, %add3A_7 : i32
    "tpu.region"() ({
      %run_scoped3A = tpu.sem_alloc : memref<!tpu.dma_semaphore, #tpu.memory_space<semaphore_mem>>
      %dma_start3A_409 = arith.constant 0 : i32
      %dma_start3A_410 = tpu.memref_slice %arg18[%add3A_8, %dma_start3A_409] : memref<10240x40xf32, #tpu.memory_space<vmem_shared>> -> memref<128x40xf32, #tpu.memory_space<vmem_shared>>
      %dma_start3A_411 = arith.constant 0 : i32
      %dma_start3A_412 = tpu.memref_slice %arg18[%add3A_8, %dma_start3A_411] : memref<10240x40xf32, #tpu.memory_space<vmem_shared>> -> memref<128x40xf32, #tpu.memory_space<vmem_shared>>
      tpu.enqueue_dma source(%arg17 : memref<128x40xf32, #tpu.memory_space<vmem>>) target(%dma_start3A_412 : memref<128x40xf32, #tpu.memory_space<vmem_shared>>) target_semaphore(%run_scoped3A : memref<!tpu.dma_semaphore, #tpu.memory_space<semaphore_mem>>)
      %dma_wait3A_413 = arith.constant 0 : i32
      %dma_wait3A_414 = tpu.memref_slice %arg18[%add3A_8, %dma_wait3A_413] : memref<10240x40xf32, #tpu.memory_space<vmem_shared>> -> memref<128x40xf32, #tpu.memory_space<vmem_shared>>
      %dma_wait3A_415 = arith.constant 0 : i32
      %dma_wait3A_416 = tpu.memref_slice %arg18[%add3A_8, %dma_wait3A_415] : memref<10240x40xf32, #tpu.memory_space<vmem_shared>> -> memref<128x40xf32, #tpu.memory_space<vmem_shared>>
      tpu.wait_dma2 semaphore(%run_scoped3A : memref<!tpu.dma_semaphore, #tpu.memory_space<semaphore_mem>>) src(%arg17 : memref<128x40xf32, #tpu.memory_space<vmem>>) dst(%dma_wait3A_416 : memref<128x40xf32, #tpu.memory_space<vmem_shared>>)
      tpu.yield
    }) : () -> ()
    %mul3A_9 = arith.constant 640 : i32
    %mul3A_10 = arith.muli %arg1, %mul3A_9 : i32
    %add3A_11 = arith.constant 256 : i32
    %add3A_12 = arith.addi %mul3A_10, %add3A_11 : i32
    "tpu.region"() ({
      %run_scoped3A = tpu.sem_alloc : memref<!tpu.dma_semaphore, #tpu.memory_space<semaphore_mem>>
      %dma_start3A_409 = arith.constant 0 : i32
      %dma_start3A_410 = tpu.memref_slice %arg18[%add3A_12, %dma_start3A_409] : memref<10240x40xf32, #tpu.memory_space<vmem_shared>> -> memref<128x40xf32, #tpu.memory_space<vmem_shared>>
      %dma_start3A_411 = arith.constant 0 : i32
      %dma_start3A_412 = tpu.memref_slice %arg18[%add3A_12, %dma_start3A_411] : memref<10240x40xf32, #tpu.memory_space<vmem_shared>> -> memref<128x40xf32, #tpu.memory_space<vmem_shared>>
      tpu.enqueue_dma source(%arg17 : memref<128x40xf32, #tpu.memory_space<vmem>>) target(%dma_start3A_412 : memref<128x40xf32, #tpu.memory_space<vmem_shared>>) target_semaphore(%run_scoped3A : memref<!tpu.dma_semaphore, #tpu.memory_space<semaphore_mem>>)
      %dma_wait3A_413 = arith.constant 0 : i32
      %dma_wait3A_414 = tpu.memref_slice %arg18[%add3A_12, %dma_wait3A_413] : memref<10240x40xf32, #tpu.memory_space<vmem_shared>> -> memref<128x40xf32, #tpu.memory_space<vmem_shared>>
      %dma_wait3A_415 = arith.constant 0 : i32
      %dma_wait3A_416 = tpu.memref_slice %arg18[%add3A_12, %dma_wait3A_415] : memref<10240x40xf32, #tpu.memory_space<vmem_shared>> -> memref<128x40xf32, #tpu.memory_space<vmem_shared>>
      tpu.wait_dma2 semaphore(%run_scoped3A : memref<!tpu.dma_semaphore, #tpu.memory_space<semaphore_mem>>) src(%arg17 : memref<128x40xf32, #tpu.memory_space<vmem>>) dst(%dma_wait3A_416 : memref<128x40xf32, #tpu.memory_space<vmem_shared>>)
      tpu.yield
    }) : () -> ()
    %mul3A_13 = arith.constant 640 : i32
    %mul3A_14 = arith.muli %arg1, %mul3A_13 : i32
    %add3A_15 = arith.constant 384 : i32
    %add3A_16 = arith.addi %mul3A_14, %add3A_15 : i32
    "tpu.region"() ({
      %run_scoped3A = tpu.sem_alloc : memref<!tpu.dma_semaphore, #tpu.memory_space<semaphore_mem>>
      %dma_start3A_409 = arith.constant 0 : i32
      %dma_start3A_410 = tpu.memref_slice %arg18[%add3A_16, %dma_start3A_409] : memref<10240x40xf32, #tpu.memory_space<vmem_shared>> -> memref<128x40xf32, #tpu.memory_space<vmem_shared>>
      %dma_start3A_411 = arith.constant 0 : i32
      %dma_start3A_412 = tpu.memref_slice %arg18[%add3A_16, %dma_start3A_411] : memref<10240x40xf32, #tpu.memory_space<vmem_shared>> -> memref<128x40xf32, #tpu.memory_space<vmem_shared>>
      tpu.enqueue_dma source(%arg17 : memref<128x40xf32, #tpu.memory_space<vmem>>) target(%dma_start3A_412 : memref<128x40xf32, #tpu.memory_space<vmem_shared>>) target_semaphore(%run_scoped3A : memref<!tpu.dma_semaphore, #tpu.memory_space<semaphore_mem>>)
      %dma_wait3A_413 = arith.constant 0 : i32
      %dma_wait3A_414 = tpu.memref_slice %arg18[%add3A_16, %dma_wait3A_413] : memref<10240x40xf32, #tpu.memory_space<vmem_shared>> -> memref<128x40xf32, #tpu.memory_space<vmem_shared>>
      %dma_wait3A_415 = arith.constant 0 : i32
      %dma_wait3A_416 = tpu.memref_slice %arg18[%add3A_16, %dma_wait3A_415] : memref<10240x40xf32, #tpu.memory_space<vmem_shared>> -> memref<128x40xf32, #tpu.memory_space<vmem_shared>>
      tpu.wait_dma2 semaphore(%run_scoped3A : memref<!tpu.dma_semaphore, #tpu.memory_space<semaphore_mem>>) src(%arg17 : memref<128x40xf32, #tpu.memory_space<vmem>>) dst(%dma_wait3A_416 : memref<128x40xf32, #tpu.memory_space<vmem_shared>>)
      tpu.yield
    }) : () -> ()
    %mul3A_17 = arith.constant 640 : i32
    %mul3A_18 = arith.muli %arg1, %mul3A_17 : i32
    %add3A_19 = arith.constant 512 : i32
    %add3A_20 = arith.addi %mul3A_18, %add3A_19 : i32
    "tpu.region"() ({
      %run_scoped3A = tpu.sem_alloc : memref<!tpu.dma_semaphore, #tpu.memory_space<semaphore_mem>>
      %dma_start3A_409 = arith.constant 0 : i32
      %dma_start3A_410 = tpu.memref_slice %arg18[%add3A_20, %dma_start3A_409] : memref<10240x40xf32, #tpu.memory_space<vmem_shared>> -> memref<128x40xf32, #tpu.memory_space<vmem_shared>>
      %dma_start3A_411 = arith.constant 0 : i32
      %dma_start3A_412 = tpu.memref_slice %arg18[%add3A_20, %dma_start3A_411] : memref<10240x40xf32, #tpu.memory_space<vmem_shared>> -> memref<128x40xf32, #tpu.memory_space<vmem_shared>>
      tpu.enqueue_dma source(%arg17 : memref<128x40xf32, #tpu.memory_space<vmem>>) target(%dma_start3A_412 : memref<128x40xf32, #tpu.memory_space<vmem_shared>>) target_semaphore(%run_scoped3A : memref<!tpu.dma_semaphore, #tpu.memory_space<semaphore_mem>>)
      %dma_wait3A_413 = arith.constant 0 : i32
      %dma_wait3A_414 = tpu.memref_slice %arg18[%add3A_20, %dma_wait3A_413] : memref<10240x40xf32, #tpu.memory_space<vmem_shared>> -> memref<128x40xf32, #tpu.memory_space<vmem_shared>>
      %dma_wait3A_415 = arith.constant 0 : i32
      %dma_wait3A_416 = tpu.memref_slice %arg18[%add3A_20, %dma_wait3A_415] : memref<10240x40xf32, #tpu.memory_space<vmem_shared>> -> memref<128x40xf32, #tpu.memory_space<vmem_shared>>
      tpu.wait_dma2 semaphore(%run_scoped3A : memref<!tpu.dma_semaphore, #tpu.memory_space<semaphore_mem>>) src(%arg17 : memref<128x40xf32, #tpu.memory_space<vmem>>) dst(%dma_wait3A_416 : memref<128x40xf32, #tpu.memory_space<vmem_shared>>)
      tpu.yield
    }) : () -> ()
    "tpu.region"() ({
      %run_scoped3A = tpu.sem_alloc : memref<!tpu.dma_semaphore, #tpu.memory_space<semaphore_mem>>
      %dma_start3A_409 = arith.constant 0 : i32
      %dma_start3A_410 = arith.constant 0 : i32
      %dma_start3A_411 = tpu.memref_slice %arg3[%add3A, %dma_start3A_409, %dma_start3A_410] : memref<32x125x80xi32, #tpu.memory_space<hbm>> -> memref<1x125x80xi32, #tpu.memory_space<hbm>>
      %dma_start3A_412 = tpu.memref_squeeze %dma_start3A_411 : memref<1x125x80xi32, #tpu.memory_space<hbm>> -> memref<125x80xi32, #tpu.memory_space<hbm>>
      %dma_start3A_413 = arith.constant 0 : i32
      %dma_start3A_414 = arith.constant 0 : i32
      %dma_start3A_415 = tpu.memref_slice %arg3[%add3A, %dma_start3A_413, %dma_start3A_414] : memref<32x125x80xi32, #tpu.memory_space<hbm>> -> memref<1x125x80xi32, #tpu.memory_space<hbm>>
      %dma_start3A_416 = tpu.memref_squeeze %dma_start3A_415 : memref<1x125x80xi32, #tpu.memory_space<hbm>> -> memref<125x80xi32, #tpu.memory_space<hbm>>
      tpu.enqueue_dma source(%dma_start3A_416 : memref<125x80xi32, #tpu.memory_space<hbm>>) target(%arg7 : memref<125x80xi32, #tpu.memory_space<vmem>>) target_semaphore(%run_scoped3A : memref<!tpu.dma_semaphore, #tpu.memory_space<semaphore_mem>>)
      %dma_wait3A_417 = arith.constant 0 : i32
      %dma_wait3A_418 = arith.constant 0 : i32
      %dma_wait3A_419 = tpu.memref_slice %arg3[%add3A, %dma_wait3A_417, %dma_wait3A_418] : memref<32x125x80xi32, #tpu.memory_space<hbm>> -> memref<1x125x80xi32, #tpu.memory_space<hbm>>
      %dma_wait3A_420 = tpu.memref_squeeze %dma_wait3A_419 : memref<1x125x80xi32, #tpu.memory_space<hbm>> -> memref<125x80xi32, #tpu.memory_space<hbm>>
      %dma_wait3A_421 = arith.constant 0 : i32
      %dma_wait3A_422 = arith.constant 0 : i32
      %dma_wait3A_423 = tpu.memref_slice %arg3[%add3A, %dma_wait3A_421, %dma_wait3A_422] : memref<32x125x80xi32, #tpu.memory_space<hbm>> -> memref<1x125x80xi32, #tpu.memory_space<hbm>>
      %dma_wait3A_424 = tpu.memref_squeeze %dma_wait3A_423 : memref<1x125x80xi32, #tpu.memory_space<hbm>> -> memref<125x80xi32, #tpu.memory_space<hbm>>
      tpu.wait_dma2 semaphore(%run_scoped3A : memref<!tpu.dma_semaphore, #tpu.memory_space<semaphore_mem>>) src(%dma_wait3A_424 : memref<125x80xi32, #tpu.memory_space<hbm>>) dst(%arg7 : memref<125x80xi32, #tpu.memory_space<vmem>>)
      tpu.yield
    }) : () -> ()
    "tpu.region"() ({
      %run_scoped3A = tpu.sem_alloc : memref<!tpu.dma_semaphore, #tpu.memory_space<semaphore_mem>>
      %dma_start3A_409 = arith.constant 0 : i32
      %dma_start3A_410 = arith.constant 0 : i32
      %dma_start3A_411 = tpu.memref_slice %arg4[%add3A, %dma_start3A_409, %dma_start3A_410] : memref<32x125x80xi32, #tpu.memory_space<hbm>> -> memref<1x125x80xi32, #tpu.memory_space<hbm>>
      %dma_start3A_412 = tpu.memref_squeeze %dma_start3A_411 : memref<1x125x80xi32, #tpu.memory_space<hbm>> -> memref<125x80xi32, #tpu.memory_space<hbm>>
      %dma_start3A_413 = arith.constant 0 : i32
      %dma_start3A_414 = arith.constant 0 : i32
      %dma_start3A_415 = tpu.memref_slice %arg4[%add3A, %dma_start3A_413, %dma_start3A_414] : memref<32x125x80xi32, #tpu.memory_space<hbm>> -> memref<1x125x80xi32, #tpu.memory_space<hbm>>
      %dma_start3A_416 = tpu.memref_squeeze %dma_start3A_415 : memref<1x125x80xi32, #tpu.memory_space<hbm>> -> memref<125x80xi32, #tpu.memory_space<hbm>>
      tpu.enqueue_dma source(%dma_start3A_416 : memref<125x80xi32, #tpu.memory_space<hbm>>) target(%arg8 : memref<125x80xi32, #tpu.memory_space<vmem>>) target_semaphore(%run_scoped3A : memref<!tpu.dma_semaphore, #tpu.memory_space<semaphore_mem>>)
      %dma_wait3A_417 = arith.constant 0 : i32
      %dma_wait3A_418 = arith.constant 0 : i32
      %dma_wait3A_419 = tpu.memref_slice %arg4[%add3A, %dma_wait3A_417, %dma_wait3A_418] : memref<32x125x80xi32, #tpu.memory_space<hbm>> -> memref<1x125x80xi32, #tpu.memory_space<hbm>>
      %dma_wait3A_420 = tpu.memref_squeeze %dma_wait3A_419 : memref<1x125x80xi32, #tpu.memory_space<hbm>> -> memref<125x80xi32, #tpu.memory_space<hbm>>
      %dma_wait3A_421 = arith.constant 0 : i32
      %dma_wait3A_422 = arith.constant 0 : i32
      %dma_wait3A_423 = tpu.memref_slice %arg4[%add3A, %dma_wait3A_421, %dma_wait3A_422] : memref<32x125x80xi32, #tpu.memory_space<hbm>> -> memref<1x125x80xi32, #tpu.memory_space<hbm>>
      %dma_wait3A_424 = tpu.memref_squeeze %dma_wait3A_423 : memref<1x125x80xi32, #tpu.memory_space<hbm>> -> memref<125x80xi32, #tpu.memory_space<hbm>>
      tpu.wait_dma2 semaphore(%run_scoped3A : memref<!tpu.dma_semaphore, #tpu.memory_space<semaphore_mem>>) src(%dma_wait3A_424 : memref<125x80xi32, #tpu.memory_space<hbm>>) dst(%arg8 : memref<125x80xi32, #tpu.memory_space<vmem>>)
      tpu.yield
    }) : () -> ()
    %barrier3A = arith.constant 0 : index
    tpu.barrier barrier_id(%barrier3A)
    %dma_start3A = arith.constant 0 : i32
    %dma_start3A_21 = arith.constant 0 : i32
    %dma_start3A_22 = tpu.memref_slice %arg7[%dma_start3A, %dma_start3A_21] : memref<125x80xi32, #tpu.memory_space<vmem>> -> memref<1x80xi32, #tpu.memory_space<vmem>>
    %dma_start3A_23 = tpu.memref_squeeze %dma_start3A_22 : memref<1x80xi32, #tpu.memory_space<vmem>> -> memref<80xi32, #tpu.memory_space<vmem>>
    %dma_start3A_24 = arith.constant 0 : i32
    %dma_start3A_25 = arith.constant 0 : i32
    %dma_start3A_26 = tpu.memref_slice %arg2[%dma_start3A_24, %dma_start3A_25] : memref<10000x40xf32, #tpu.memory_space<hbm>> -> memref<10000x40xf32, #tpu.memory_space<hbm>>
    tpu.enqueue_indirect_dma source(%dma_start3A_26 : memref<10000x40xf32, #tpu.memory_space<hbm>>) target(%arg9 : memref<80x40xf32, #tpu.memory_space<vmem>>) offsets(%dma_start3A_23 : memref<80xi32, #tpu.memory_space<vmem>>) semaphore(%arg19 : memref<!tpu.dma_semaphore, #tpu.memory_space<semaphore_mem>>)
    %dma_start3A_27 = arith.constant 1 : i32
    %dma_start3A_28 = arith.constant 0 : i32
    %dma_start3A_29 = tpu.memref_slice %arg7[%dma_start3A_27, %dma_start3A_28] : memref<125x80xi32, #tpu.memory_space<vmem>> -> memref<1x80xi32, #tpu.memory_space<vmem>>
    %dma_start3A_30 = tpu.memref_squeeze %dma_start3A_29 : memref<1x80xi32, #tpu.memory_space<vmem>> -> memref<80xi32, #tpu.memory_space<vmem>>
    %dma_start3A_31 = arith.constant 0 : i32
    %dma_start3A_32 = arith.constant 0 : i32
    %dma_start3A_33 = tpu.memref_slice %arg2[%dma_start3A_31, %dma_start3A_32] : memref<10000x40xf32, #tpu.memory_space<hbm>> -> memref<10000x40xf32, #tpu.memory_space<hbm>>
    tpu.enqueue_indirect_dma source(%dma_start3A_33 : memref<10000x40xf32, #tpu.memory_space<hbm>>) target(%arg10 : memref<80x40xf32, #tpu.memory_space<vmem>>) offsets(%dma_start3A_30 : memref<80xi32, #tpu.memory_space<vmem>>) semaphore(%arg20 : memref<!tpu.dma_semaphore, #tpu.memory_space<semaphore_mem>>)
    %dma_start3A_34 = arith.constant 2 : i32
    %dma_start3A_35 = arith.constant 0 : i32
    %dma_start3A_36 = tpu.memref_slice %arg7[%dma_start3A_34, %dma_start3A_35] : memref<125x80xi32, #tpu.memory_space<vmem>> -> memref<1x80xi32, #tpu.memory_space<vmem>>
    %dma_start3A_37 = tpu.memref_squeeze %dma_start3A_36 : memref<1x80xi32, #tpu.memory_space<vmem>> -> memref<80xi32, #tpu.memory_space<vmem>>
    %dma_start3A_38 = arith.constant 0 : i32
    %dma_start3A_39 = arith.constant 0 : i32
    %dma_start3A_40 = tpu.memref_slice %arg2[%dma_start3A_38, %dma_start3A_39] : memref<10000x40xf32, #tpu.memory_space<hbm>> -> memref<10000x40xf32, #tpu.memory_space<hbm>>
    tpu.enqueue_indirect_dma source(%dma_start3A_40 : memref<10000x40xf32, #tpu.memory_space<hbm>>) target(%arg11 : memref<80x40xf32, #tpu.memory_space<vmem>>) offsets(%dma_start3A_37 : memref<80xi32, #tpu.memory_space<vmem>>) semaphore(%arg21 : memref<!tpu.dma_semaphore, #tpu.memory_space<semaphore_mem>>)
    %dma_start3A_41 = arith.constant 3 : i32
    %dma_start3A_42 = arith.constant 0 : i32
    %dma_start3A_43 = tpu.memref_slice %arg7[%dma_start3A_41, %dma_start3A_42] : memref<125x80xi32, #tpu.memory_space<vmem>> -> memref<1x80xi32, #tpu.memory_space<vmem>>
    %dma_start3A_44 = tpu.memref_squeeze %dma_start3A_43 : memref<1x80xi32, #tpu.memory_space<vmem>> -> memref<80xi32, #tpu.memory_space<vmem>>
    %dma_start3A_45 = arith.constant 0 : i32
    %dma_start3A_46 = arith.constant 0 : i32
    %dma_start3A_47 = tpu.memref_slice %arg2[%dma_start3A_45, %dma_start3A_46] : memref<10000x40xf32, #tpu.memory_space<hbm>> -> memref<10000x40xf32, #tpu.memory_space<hbm>>
    tpu.enqueue_indirect_dma source(%dma_start3A_47 : memref<10000x40xf32, #tpu.memory_space<hbm>>) target(%arg12 : memref<80x40xf32, #tpu.memory_space<vmem>>) offsets(%dma_start3A_44 : memref<80xi32, #tpu.memory_space<vmem>>) semaphore(%arg22 : memref<!tpu.dma_semaphore, #tpu.memory_space<semaphore_mem>>)
    %dma_start3A_48 = arith.constant 4 : i32
    %dma_start3A_49 = arith.constant 0 : i32
    %dma_start3A_50 = tpu.memref_slice %arg7[%dma_start3A_48, %dma_start3A_49] : memref<125x80xi32, #tpu.memory_space<vmem>> -> memref<1x80xi32, #tpu.memory_space<vmem>>
    %dma_start3A_51 = tpu.memref_squeeze %dma_start3A_50 : memref<1x80xi32, #tpu.memory_space<vmem>> -> memref<80xi32, #tpu.memory_space<vmem>>
    %dma_start3A_52 = arith.constant 0 : i32
    %dma_start3A_53 = arith.constant 0 : i32
    %dma_start3A_54 = tpu.memref_slice %arg2[%dma_start3A_52, %dma_start3A_53] : memref<10000x40xf32, #tpu.memory_space<hbm>> -> memref<10000x40xf32, #tpu.memory_space<hbm>>
    tpu.enqueue_indirect_dma source(%dma_start3A_54 : memref<10000x40xf32, #tpu.memory_space<hbm>>) target(%arg13 : memref<80x40xf32, #tpu.memory_space<vmem>>) offsets(%dma_start3A_51 : memref<80xi32, #tpu.memory_space<vmem>>) semaphore(%arg23 : memref<!tpu.dma_semaphore, #tpu.memory_space<semaphore_mem>>)
    %dma_start3A_55 = arith.constant 5 : i32
    %dma_start3A_56 = arith.constant 0 : i32
    %dma_start3A_57 = tpu.memref_slice %arg7[%dma_start3A_55, %dma_start3A_56] : memref<125x80xi32, #tpu.memory_space<vmem>> -> memref<1x80xi32, #tpu.memory_space<vmem>>
    %dma_start3A_58 = tpu.memref_squeeze %dma_start3A_57 : memref<1x80xi32, #tpu.memory_space<vmem>> -> memref<80xi32, #tpu.memory_space<vmem>>
    %dma_start3A_59 = arith.constant 0 : i32
    %dma_start3A_60 = arith.constant 0 : i32
    %dma_start3A_61 = tpu.memref_slice %arg2[%dma_start3A_59, %dma_start3A_60] : memref<10000x40xf32, #tpu.memory_space<hbm>> -> memref<10000x40xf32, #tpu.memory_space<hbm>>
    tpu.enqueue_indirect_dma source(%dma_start3A_61 : memref<10000x40xf32, #tpu.memory_space<hbm>>) target(%arg14 : memref<80x40xf32, #tpu.memory_space<vmem>>) offsets(%dma_start3A_58 : memref<80xi32, #tpu.memory_space<vmem>>) semaphore(%arg24 : memref<!tpu.dma_semaphore, #tpu.memory_space<semaphore_mem>>)
    %dma_start3A_62 = arith.constant 6 : i32
    %dma_start3A_63 = arith.constant 0 : i32
    %dma_start3A_64 = tpu.memref_slice %arg7[%dma_start3A_62, %dma_start3A_63] : memref<125x80xi32, #tpu.memory_space<vmem>> -> memref<1x80xi32, #tpu.memory_space<vmem>>
    %dma_start3A_65 = tpu.memref_squeeze %dma_start3A_64 : memref<1x80xi32, #tpu.memory_space<vmem>> -> memref<80xi32, #tpu.memory_space<vmem>>
    %dma_start3A_66 = arith.constant 0 : i32
    %dma_start3A_67 = arith.constant 0 : i32
    %dma_start3A_68 = tpu.memref_slice %arg2[%dma_start3A_66, %dma_start3A_67] : memref<10000x40xf32, #tpu.memory_space<hbm>> -> memref<10000x40xf32, #tpu.memory_space<hbm>>
    tpu.enqueue_indirect_dma source(%dma_start3A_68 : memref<10000x40xf32, #tpu.memory_space<hbm>>) target(%arg15 : memref<80x40xf32, #tpu.memory_space<vmem>>) offsets(%dma_start3A_65 : memref<80xi32, #tpu.memory_space<vmem>>) semaphore(%arg25 : memref<!tpu.dma_semaphore, #tpu.memory_space<semaphore_mem>>)
    %dma_start3A_69 = arith.constant 7 : i32
    %dma_start3A_70 = arith.constant 0 : i32
    %dma_start3A_71 = tpu.memref_slice %arg7[%dma_start3A_69, %dma_start3A_70] : memref<125x80xi32, #tpu.memory_space<vmem>> -> memref<1x80xi32, #tpu.memory_space<vmem>>
    %dma_start3A_72 = tpu.memref_squeeze %dma_start3A_71 : memref<1x80xi32, #tpu.memory_space<vmem>> -> memref<80xi32, #tpu.memory_space<vmem>>
    %dma_start3A_73 = arith.constant 0 : i32
    %dma_start3A_74 = arith.constant 0 : i32
    %dma_start3A_75 = tpu.memref_slice %arg2[%dma_start3A_73, %dma_start3A_74] : memref<10000x40xf32, #tpu.memory_space<hbm>> -> memref<10000x40xf32, #tpu.memory_space<hbm>>
    tpu.enqueue_indirect_dma source(%dma_start3A_75 : memref<10000x40xf32, #tpu.memory_space<hbm>>) target(%arg16 : memref<80x40xf32, #tpu.memory_space<vmem>>) offsets(%dma_start3A_72 : memref<80xi32, #tpu.memory_space<vmem>>) semaphore(%arg26 : memref<!tpu.dma_semaphore, #tpu.memory_space<semaphore_mem>>)
    %scan3A = arith.constant 0 : i32
    %scan3A_76 = arith.constant 0 : i32
    %scan3A_77 = arith.constant 14 : i32
    %scan3A_78 = arith.addi %scan3A_76, %scan3A_77 : i32
    %scan3A_79 = arith.constant 1 : i32
    scf.for %scan3A_409 = %scan3A_76 to %scan3A_78 step %scan3A_79  : i32 {
      %mul3A_410 = arith.constant 8 : i32
      %mul3A_411 = arith.muli %mul3A_410, %scan3A_409 : i32
      %add3A_412 = arith.constant 0 : i32
      %add3A_413 = arith.addi %mul3A_411, %add3A_412 : i32
      %dma_wait3A_414 = arith.constant 0 : i32
      %dma_wait3A_415 = tpu.memref_slice %arg7[%add3A_413, %dma_wait3A_414] : memref<125x80xi32, #tpu.memory_space<vmem>> -> memref<1x80xi32, #tpu.memory_space<vmem>>
      %dma_wait3A_416 = tpu.memref_squeeze %dma_wait3A_415 : memref<1x80xi32, #tpu.memory_space<vmem>> -> memref<80xi32, #tpu.memory_space<vmem>>
      %dma_wait3A_417 = arith.constant 0 : i32
      %dma_wait3A_418 = arith.constant 0 : i32
      %dma_wait3A_419 = tpu.memref_slice %arg2[%dma_wait3A_417, %dma_wait3A_418] : memref<10000x40xf32, #tpu.memory_space<hbm>> -> memref<10000x40xf32, #tpu.memory_space<hbm>>
      tpu.wait_indirect_dma semaphore(%arg19 : memref<!tpu.dma_semaphore, #tpu.memory_space<semaphore_mem>>) src(%dma_wait3A_419 : memref<10000x40xf32, #tpu.memory_space<hbm>>) dst(%arg9 : memref<80x40xf32, #tpu.memory_space<vmem>>)
      %add3A_420 = arith.constant 0 : i32
      %add3A_421 = arith.addi %mul3A_411, %add3A_420 : i32
      %dma_start3A_422 = arith.constant 0 : i32
      %dma_start3A_423 = tpu.memref_slice %arg8[%add3A_421, %dma_start3A_422] : memref<125x80xi32, #tpu.memory_space<vmem>> -> memref<1x80xi32, #tpu.memory_space<vmem>>
      %dma_start3A_424 = tpu.memref_squeeze %dma_start3A_423 : memref<1x80xi32, #tpu.memory_space<vmem>> -> memref<80xi32, #tpu.memory_space<vmem>>
      %dma_start3A_425 = arith.constant 0 : i32
      %dma_start3A_426 = arith.constant 0 : i32
      %dma_start3A_427 = tpu.memref_slice %arg18[%dma_start3A_425, %dma_start3A_426] : memref<10240x40xf32, #tpu.memory_space<vmem_shared>> -> memref<10240x40xf32, #tpu.memory_space<vmem_shared>>
      tpu.enqueue_indirect_dma source(%arg9 : memref<80x40xf32, #tpu.memory_space<vmem>>) target(%dma_start3A_427 : memref<10240x40xf32, #tpu.memory_space<vmem_shared>>) offsets(%dma_start3A_424 : memref<80xi32, #tpu.memory_space<vmem>>) semaphore(%arg27 : memref<!tpu.dma_semaphore, #tpu.memory_space<semaphore_mem>>) {add = true}
      %add3A_428 = arith.constant 1 : i32
      %add3A_429 = arith.addi %mul3A_411, %add3A_428 : i32
      %dma_wait3A_430 = arith.constant 0 : i32
      %dma_wait3A_431 = tpu.memref_slice %arg7[%add3A_429, %dma_wait3A_430] : memref<125x80xi32, #tpu.memory_space<vmem>> -> memref<1x80xi32, #tpu.memory_space<vmem>>
      %dma_wait3A_432 = tpu.memref_squeeze %dma_wait3A_431 : memref<1x80xi32, #tpu.memory_space<vmem>> -> memref<80xi32, #tpu.memory_space<vmem>>
      %dma_wait3A_433 = arith.constant 0 : i32
      %dma_wait3A_434 = arith.constant 0 : i32
      %dma_wait3A_435 = tpu.memref_slice %arg2[%dma_wait3A_433, %dma_wait3A_434] : memref<10000x40xf32, #tpu.memory_space<hbm>> -> memref<10000x40xf32, #tpu.memory_space<hbm>>
      tpu.wait_indirect_dma semaphore(%arg20 : memref<!tpu.dma_semaphore, #tpu.memory_space<semaphore_mem>>) src(%dma_wait3A_435 : memref<10000x40xf32, #tpu.memory_space<hbm>>) dst(%arg10 : memref<80x40xf32, #tpu.memory_space<vmem>>)
      %add3A_436 = arith.constant 1 : i32
      %add3A_437 = arith.addi %mul3A_411, %add3A_436 : i32
      %dma_start3A_438 = arith.constant 0 : i32
      %dma_start3A_439 = tpu.memref_slice %arg8[%add3A_437, %dma_start3A_438] : memref<125x80xi32, #tpu.memory_space<vmem>> -> memref<1x80xi32, #tpu.memory_space<vmem>>
      %dma_start3A_440 = tpu.memref_squeeze %dma_start3A_439 : memref<1x80xi32, #tpu.memory_space<vmem>> -> memref<80xi32, #tpu.memory_space<vmem>>
      %dma_start3A_441 = arith.constant 0 : i32
      %dma_start3A_442 = arith.constant 0 : i32
      %dma_start3A_443 = tpu.memref_slice %arg18[%dma_start3A_441, %dma_start3A_442] : memref<10240x40xf32, #tpu.memory_space<vmem_shared>> -> memref<10240x40xf32, #tpu.memory_space<vmem_shared>>
      tpu.enqueue_indirect_dma source(%arg10 : memref<80x40xf32, #tpu.memory_space<vmem>>) target(%dma_start3A_443 : memref<10240x40xf32, #tpu.memory_space<vmem_shared>>) offsets(%dma_start3A_440 : memref<80xi32, #tpu.memory_space<vmem>>) semaphore(%arg28 : memref<!tpu.dma_semaphore, #tpu.memory_space<semaphore_mem>>) {add = true}
      %add3A_444 = arith.constant 2 : i32
      %add3A_445 = arith.addi %mul3A_411, %add3A_444 : i32
      %dma_wait3A_446 = arith.constant 0 : i32
      %dma_wait3A_447 = tpu.memref_slice %arg7[%add3A_445, %dma_wait3A_446] : memref<125x80xi32, #tpu.memory_space<vmem>> -> memref<1x80xi32, #tpu.memory_space<vmem>>
      %dma_wait3A_448 = tpu.memref_squeeze %dma_wait3A_447 : memref<1x80xi32, #tpu.memory_space<vmem>> -> memref<80xi32, #tpu.memory_space<vmem>>
      %dma_wait3A_449 = arith.constant 0 : i32
      %dma_wait3A_450 = arith.constant 0 : i32
      %dma_wait3A_451 = tpu.memref_slice %arg2[%dma_wait3A_449, %dma_wait3A_450] : memref<10000x40xf32, #tpu.memory_space<hbm>> -> memref<10000x40xf32, #tpu.memory_space<hbm>>
      tpu.wait_indirect_dma semaphore(%arg21 : memref<!tpu.dma_semaphore, #tpu.memory_space<semaphore_mem>>) src(%dma_wait3A_451 : memref<10000x40xf32, #tpu.memory_space<hbm>>) dst(%arg11 : memref<80x40xf32, #tpu.memory_space<vmem>>)
      %add3A_452 = arith.constant 2 : i32
      %add3A_453 = arith.addi %mul3A_411, %add3A_452 : i32
      %dma_start3A_454 = arith.constant 0 : i32
      %dma_start3A_455 = tpu.memref_slice %arg8[%add3A_453, %dma_start3A_454] : memref<125x80xi32, #tpu.memory_space<vmem>> -> memref<1x80xi32, #tpu.memory_space<vmem>>
      %dma_start3A_456 = tpu.memref_squeeze %dma_start3A_455 : memref<1x80xi32, #tpu.memory_space<vmem>> -> memref<80xi32, #tpu.memory_space<vmem>>
      %dma_start3A_457 = arith.constant 0 : i32
      %dma_start3A_458 = arith.constant 0 : i32
      %dma_start3A_459 = tpu.memref_slice %arg18[%dma_start3A_457, %dma_start3A_458] : memref<10240x40xf32, #tpu.memory_space<vmem_shared>> -> memref<10240x40xf32, #tpu.memory_space<vmem_shared>>
      tpu.enqueue_indirect_dma source(%arg11 : memref<80x40xf32, #tpu.memory_space<vmem>>) target(%dma_start3A_459 : memref<10240x40xf32, #tpu.memory_space<vmem_shared>>) offsets(%dma_start3A_456 : memref<80xi32, #tpu.memory_space<vmem>>) semaphore(%arg29 : memref<!tpu.dma_semaphore, #tpu.memory_space<semaphore_mem>>) {add = true}
      %add3A_460 = arith.constant 3 : i32
      %add3A_461 = arith.addi %mul3A_411, %add3A_460 : i32
      %dma_wait3A_462 = arith.constant 0 : i32
      %dma_wait3A_463 = tpu.memref_slice %arg7[%add3A_461, %dma_wait3A_462] : memref<125x80xi32, #tpu.memory_space<vmem>> -> memref<1x80xi32, #tpu.memory_space<vmem>>
      %dma_wait3A_464 = tpu.memref_squeeze %dma_wait3A_463 : memref<1x80xi32, #tpu.memory_space<vmem>> -> memref<80xi32, #tpu.memory_space<vmem>>
      %dma_wait3A_465 = arith.constant 0 : i32
      %dma_wait3A_466 = arith.constant 0 : i32
      %dma_wait3A_467 = tpu.memref_slice %arg2[%dma_wait3A_465, %dma_wait3A_466] : memref<10000x40xf32, #tpu.memory_space<hbm>> -> memref<10000x40xf32, #tpu.memory_space<hbm>>
      tpu.wait_indirect_dma semaphore(%arg22 : memref<!tpu.dma_semaphore, #tpu.memory_space<semaphore_mem>>) src(%dma_wait3A_467 : memref<10000x40xf32, #tpu.memory_space<hbm>>) dst(%arg12 : memref<80x40xf32, #tpu.memory_space<vmem>>)
      %add3A_468 = arith.constant 3 : i32
      %add3A_469 = arith.addi %mul3A_411, %add3A_468 : i32
      %dma_start3A_470 = arith.constant 0 : i32
      %dma_start3A_471 = tpu.memref_slice %arg8[%add3A_469, %dma_start3A_470] : memref<125x80xi32, #tpu.memory_space<vmem>> -> memref<1x80xi32, #tpu.memory_space<vmem>>
      %dma_start3A_472 = tpu.memref_squeeze %dma_start3A_471 : memref<1x80xi32, #tpu.memory_space<vmem>> -> memref<80xi32, #tpu.memory_space<vmem>>
      %dma_start3A_473 = arith.constant 0 : i32
      %dma_start3A_474 = arith.constant 0 : i32
      %dma_start3A_475 = tpu.memref_slice %arg18[%dma_start3A_473, %dma_start3A_474] : memref<10240x40xf32, #tpu.memory_space<vmem_shared>> -> memref<10240x40xf32, #tpu.memory_space<vmem_shared>>
      tpu.enqueue_indirect_dma source(%arg12 : memref<80x40xf32, #tpu.memory_space<vmem>>) target(%dma_start3A_475 : memref<10240x40xf32, #tpu.memory_space<vmem_shared>>) offsets(%dma_start3A_472 : memref<80xi32, #tpu.memory_space<vmem>>) semaphore(%arg30 : memref<!tpu.dma_semaphore, #tpu.memory_space<semaphore_mem>>) {add = true}
      %add3A_476 = arith.constant 4 : i32
      %add3A_477 = arith.addi %mul3A_411, %add3A_476 : i32
      %dma_wait3A_478 = arith.constant 0 : i32
      %dma_wait3A_479 = tpu.memref_slice %arg7[%add3A_477, %dma_wait3A_478] : memref<125x80xi32, #tpu.memory_space<vmem>> -> memref<1x80xi32, #tpu.memory_space<vmem>>
      %dma_wait3A_480 = tpu.memref_squeeze %dma_wait3A_479 : memref<1x80xi32, #tpu.memory_space<vmem>> -> memref<80xi32, #tpu.memory_space<vmem>>
      %dma_wait3A_481 = arith.constant 0 : i32
      %dma_wait3A_482 = arith.constant 0 : i32
      %dma_wait3A_483 = tpu.memref_slice %arg2[%dma_wait3A_481, %dma_wait3A_482] : memref<10000x40xf32, #tpu.memory_space<hbm>> -> memref<10000x40xf32, #tpu.memory_space<hbm>>
      tpu.wait_indirect_dma semaphore(%arg23 : memref<!tpu.dma_semaphore, #tpu.memory_space<semaphore_mem>>) src(%dma_wait3A_483 : memref<10000x40xf32, #tpu.memory_space<hbm>>) dst(%arg13 : memref<80x40xf32, #tpu.memory_space<vmem>>)
      %add3A_484 = arith.constant 4 : i32
      %add3A_485 = arith.addi %mul3A_411, %add3A_484 : i32
      %dma_start3A_486 = arith.constant 0 : i32
      %dma_start3A_487 = tpu.memref_slice %arg8[%add3A_485, %dma_start3A_486] : memref<125x80xi32, #tpu.memory_space<vmem>> -> memref<1x80xi32, #tpu.memory_space<vmem>>
      %dma_start3A_488 = tpu.memref_squeeze %dma_start3A_487 : memref<1x80xi32, #tpu.memory_space<vmem>> -> memref<80xi32, #tpu.memory_space<vmem>>
      %dma_start3A_489 = arith.constant 0 : i32
      %dma_start3A_490 = arith.constant 0 : i32
      %dma_start3A_491 = tpu.memref_slice %arg18[%dma_start3A_489, %dma_start3A_490] : memref<10240x40xf32, #tpu.memory_space<vmem_shared>> -> memref<10240x40xf32, #tpu.memory_space<vmem_shared>>
      tpu.enqueue_indirect_dma source(%arg13 : memref<80x40xf32, #tpu.memory_space<vmem>>) target(%dma_start3A_491 : memref<10240x40xf32, #tpu.memory_space<vmem_shared>>) offsets(%dma_start3A_488 : memref<80xi32, #tpu.memory_space<vmem>>) semaphore(%arg31 : memref<!tpu.dma_semaphore, #tpu.memory_space<semaphore_mem>>) {add = true}
      %add3A_492 = arith.constant 5 : i32
      %add3A_493 = arith.addi %mul3A_411, %add3A_492 : i32
      %dma_wait3A_494 = arith.constant 0 : i32
      %dma_wait3A_495 = tpu.memref_slice %arg7[%add3A_493, %dma_wait3A_494] : memref<125x80xi32, #tpu.memory_space<vmem>> -> memref<1x80xi32, #tpu.memory_space<vmem>>
      %dma_wait3A_496 = tpu.memref_squeeze %dma_wait3A_495 : memref<1x80xi32, #tpu.memory_space<vmem>> -> memref<80xi32, #tpu.memory_space<vmem>>
      %dma_wait3A_497 = arith.constant 0 : i32
      %dma_wait3A_498 = arith.constant 0 : i32
      %dma_wait3A_499 = tpu.memref_slice %arg2[%dma_wait3A_497, %dma_wait3A_498] : memref<10000x40xf32, #tpu.memory_space<hbm>> -> memref<10000x40xf32, #tpu.memory_space<hbm>>
      tpu.wait_indirect_dma semaphore(%arg24 : memref<!tpu.dma_semaphore, #tpu.memory_space<semaphore_mem>>) src(%dma_wait3A_499 : memref<10000x40xf32, #tpu.memory_space<hbm>>) dst(%arg14 : memref<80x40xf32, #tpu.memory_space<vmem>>)
      %add3A_500 = arith.constant 5 : i32
      %add3A_501 = arith.addi %mul3A_411, %add3A_500 : i32
      %dma_start3A_502 = arith.constant 0 : i32
      %dma_start3A_503 = tpu.memref_slice %arg8[%add3A_501, %dma_start3A_502] : memref<125x80xi32, #tpu.memory_space<vmem>> -> memref<1x80xi32, #tpu.memory_space<vmem>>
      %dma_start3A_504 = tpu.memref_squeeze %dma_start3A_503 : memref<1x80xi32, #tpu.memory_space<vmem>> -> memref<80xi32, #tpu.memory_space<vmem>>
      %dma_start3A_505 = arith.constant 0 : i32
      %dma_start3A_506 = arith.constant 0 : i32
      %dma_start3A_507 = tpu.memref_slice %arg18[%dma_start3A_505, %dma_start3A_506] : memref<10240x40xf32, #tpu.memory_space<vmem_shared>> -> memref<10240x40xf32, #tpu.memory_space<vmem_shared>>
      tpu.enqueue_indirect_dma source(%arg14 : memref<80x40xf32, #tpu.memory_space<vmem>>) target(%dma_start3A_507 : memref<10240x40xf32, #tpu.memory_space<vmem_shared>>) offsets(%dma_start3A_504 : memref<80xi32, #tpu.memory_space<vmem>>) semaphore(%arg32 : memref<!tpu.dma_semaphore, #tpu.memory_space<semaphore_mem>>) {add = true}
      %add3A_508 = arith.constant 6 : i32
      %add3A_509 = arith.addi %mul3A_411, %add3A_508 : i32
      %dma_wait3A_510 = arith.constant 0 : i32
      %dma_wait3A_511 = tpu.memref_slice %arg7[%add3A_509, %dma_wait3A_510] : memref<125x80xi32, #tpu.memory_space<vmem>> -> memref<1x80xi32, #tpu.memory_space<vmem>>
      %dma_wait3A_512 = tpu.memref_squeeze %dma_wait3A_511 : memref<1x80xi32, #tpu.memory_space<vmem>> -> memref<80xi32, #tpu.memory_space<vmem>>
      %dma_wait3A_513 = arith.constant 0 : i32
      %dma_wait3A_514 = arith.constant 0 : i32
      %dma_wait3A_515 = tpu.memref_slice %arg2[%dma_wait3A_513, %dma_wait3A_514] : memref<10000x40xf32, #tpu.memory_space<hbm>> -> memref<10000x40xf32, #tpu.memory_space<hbm>>
      tpu.wait_indirect_dma semaphore(%arg25 : memref<!tpu.dma_semaphore, #tpu.memory_space<semaphore_mem>>) src(%dma_wait3A_515 : memref<10000x40xf32, #tpu.memory_space<hbm>>) dst(%arg15 : memref<80x40xf32, #tpu.memory_space<vmem>>)
      %add3A_516 = arith.constant 6 : i32
      %add3A_517 = arith.addi %mul3A_411, %add3A_516 : i32
      %dma_start3A_518 = arith.constant 0 : i32
      %dma_start3A_519 = tpu.memref_slice %arg8[%add3A_517, %dma_start3A_518] : memref<125x80xi32, #tpu.memory_space<vmem>> -> memref<1x80xi32, #tpu.memory_space<vmem>>
      %dma_start3A_520 = tpu.memref_squeeze %dma_start3A_519 : memref<1x80xi32, #tpu.memory_space<vmem>> -> memref<80xi32, #tpu.memory_space<vmem>>
      %dma_start3A_521 = arith.constant 0 : i32
      %dma_start3A_522 = arith.constant 0 : i32
      %dma_start3A_523 = tpu.memref_slice %arg18[%dma_start3A_521, %dma_start3A_522] : memref<10240x40xf32, #tpu.memory_space<vmem_shared>> -> memref<10240x40xf32, #tpu.memory_space<vmem_shared>>
      tpu.enqueue_indirect_dma source(%arg15 : memref<80x40xf32, #tpu.memory_space<vmem>>) target(%dma_start3A_523 : memref<10240x40xf32, #tpu.memory_space<vmem_shared>>) offsets(%dma_start3A_520 : memref<80xi32, #tpu.memory_space<vmem>>) semaphore(%arg33 : memref<!tpu.dma_semaphore, #tpu.memory_space<semaphore_mem>>) {add = true}
      %add3A_524 = arith.constant 7 : i32
      %add3A_525 = arith.addi %mul3A_411, %add3A_524 : i32
      %dma_wait3A_526 = arith.constant 0 : i32
      %dma_wait3A_527 = tpu.memref_slice %arg7[%add3A_525, %dma_wait3A_526] : memref<125x80xi32, #tpu.memory_space<vmem>> -> memref<1x80xi32, #tpu.memory_space<vmem>>
      %dma_wait3A_528 = tpu.memref_squeeze %dma_wait3A_527 : memref<1x80xi32, #tpu.memory_space<vmem>> -> memref<80xi32, #tpu.memory_space<vmem>>
      %dma_wait3A_529 = arith.constant 0 : i32
      %dma_wait3A_530 = arith.constant 0 : i32
      %dma_wait3A_531 = tpu.memref_slice %arg2[%dma_wait3A_529, %dma_wait3A_530] : memref<10000x40xf32, #tpu.memory_space<hbm>> -> memref<10000x40xf32, #tpu.memory_space<hbm>>
      tpu.wait_indirect_dma semaphore(%arg26 : memref<!tpu.dma_semaphore, #tpu.memory_space<semaphore_mem>>) src(%dma_wait3A_531 : memref<10000x40xf32, #tpu.memory_space<hbm>>) dst(%arg16 : memref<80x40xf32, #tpu.memory_space<vmem>>)
      %add3A_532 = arith.constant 7 : i32
      %add3A_533 = arith.addi %mul3A_411, %add3A_532 : i32
      %dma_start3A_534 = arith.constant 0 : i32
      %dma_start3A_535 = tpu.memref_slice %arg8[%add3A_533, %dma_start3A_534] : memref<125x80xi32, #tpu.memory_space<vmem>> -> memref<1x80xi32, #tpu.memory_space<vmem>>
      %dma_start3A_536 = tpu.memref_squeeze %dma_start3A_535 : memref<1x80xi32, #tpu.memory_space<vmem>> -> memref<80xi32, #tpu.memory_space<vmem>>
      %dma_start3A_537 = arith.constant 0 : i32
      %dma_start3A_538 = arith.constant 0 : i32
      %dma_start3A_539 = tpu.memref_slice %arg18[%dma_start3A_537, %dma_start3A_538] : memref<10240x40xf32, #tpu.memory_space<vmem_shared>> -> memref<10240x40xf32, #tpu.memory_space<vmem_shared>>
      tpu.enqueue_indirect_dma source(%arg16 : memref<80x40xf32, #tpu.memory_space<vmem>>) target(%dma_start3A_539 : memref<10240x40xf32, #tpu.memory_space<vmem_shared>>) offsets(%dma_start3A_536 : memref<80xi32, #tpu.memory_space<vmem>>) semaphore(%arg34 : memref<!tpu.dma_semaphore, #tpu.memory_space<semaphore_mem>>) {add = true}
      %add3A_540 = arith.constant 0 : i32
      %add3A_541 = arith.addi %mul3A_411, %add3A_540 : i32
      %dma_wait3A_542 = arith.constant 0 : i32
      %dma_wait3A_543 = tpu.memref_slice %arg8[%add3A_541, %dma_wait3A_542] : memref<125x80xi32, #tpu.memory_space<vmem>> -> memref<1x80xi32, #tpu.memory_space<vmem>>
      %dma_wait3A_544 = tpu.memref_squeeze %dma_wait3A_543 : memref<1x80xi32, #tpu.memory_space<vmem>> -> memref<80xi32, #tpu.memory_space<vmem>>
      %dma_wait3A_545 = arith.constant 0 : i32
      %dma_wait3A_546 = arith.constant 0 : i32
      %dma_wait3A_547 = tpu.memref_slice %arg18[%dma_wait3A_545, %dma_wait3A_546] : memref<10240x40xf32, #tpu.memory_space<vmem_shared>> -> memref<10240x40xf32, #tpu.memory_space<vmem_shared>>
      tpu.wait_indirect_dma semaphore(%arg27 : memref<!tpu.dma_semaphore, #tpu.memory_space<semaphore_mem>>) src(%arg9 : memref<80x40xf32, #tpu.memory_space<vmem>>) dst(%dma_wait3A_547 : memref<10240x40xf32, #tpu.memory_space<vmem_shared>>)
      %add3A_548 = arith.constant 8 : i32
      %add3A_549 = arith.addi %mul3A_411, %add3A_548 : i32
      %add3A_550 = arith.constant 0 : i32
      %add3A_551 = arith.addi %add3A_549, %add3A_550 : i32
      %dma_start3A_552 = arith.constant 0 : i32
      %dma_start3A_553 = tpu.memref_slice %arg7[%add3A_551, %dma_start3A_552] : memref<125x80xi32, #tpu.memory_space<vmem>> -> memref<1x80xi32, #tpu.memory_space<vmem>>
      %dma_start3A_554 = tpu.memref_squeeze %dma_start3A_553 : memref<1x80xi32, #tpu.memory_space<vmem>> -> memref<80xi32, #tpu.memory_space<vmem>>
      %dma_start3A_555 = arith.constant 0 : i32
      %dma_start3A_556 = arith.constant 0 : i32
      %dma_start3A_557 = tpu.memref_slice %arg2[%dma_start3A_555, %dma_start3A_556] : memref<10000x40xf32, #tpu.memory_space<hbm>> -> memref<10000x40xf32, #tpu.memory_space<hbm>>
      tpu.enqueue_indirect_dma source(%dma_start3A_557 : memref<10000x40xf32, #tpu.memory_space<hbm>>) target(%arg9 : memref<80x40xf32, #tpu.memory_space<vmem>>) offsets(%dma_start3A_554 : memref<80xi32, #tpu.memory_space<vmem>>) semaphore(%arg19 : memref<!tpu.dma_semaphore, #tpu.memory_space<semaphore_mem>>)
      %add3A_558 = arith.constant 1 : i32
      %add3A_559 = arith.addi %mul3A_411, %add3A_558 : i32
      %dma_wait3A_560 = arith.constant 0 : i32
      %dma_wait3A_561 = tpu.memref_slice %arg8[%add3A_559, %dma_wait3A_560] : memref<125x80xi32, #tpu.memory_space<vmem>> -> memref<1x80xi32, #tpu.memory_space<vmem>>
      %dma_wait3A_562 = tpu.memref_squeeze %dma_wait3A_561 : memref<1x80xi32, #tpu.memory_space<vmem>> -> memref<80xi32, #tpu.memory_space<vmem>>
      %dma_wait3A_563 = arith.constant 0 : i32
      %dma_wait3A_564 = arith.constant 0 : i32
      %dma_wait3A_565 = tpu.memref_slice %arg18[%dma_wait3A_563, %dma_wait3A_564] : memref<10240x40xf32, #tpu.memory_space<vmem_shared>> -> memref<10240x40xf32, #tpu.memory_space<vmem_shared>>
      tpu.wait_indirect_dma semaphore(%arg28 : memref<!tpu.dma_semaphore, #tpu.memory_space<semaphore_mem>>) src(%arg10 : memref<80x40xf32, #tpu.memory_space<vmem>>) dst(%dma_wait3A_565 : memref<10240x40xf32, #tpu.memory_space<vmem_shared>>)
      %add3A_566 = arith.constant 8 : i32
      %add3A_567 = arith.addi %mul3A_411, %add3A_566 : i32
      %add3A_568 = arith.constant 1 : i32
      %add3A_569 = arith.addi %add3A_567, %add3A_568 : i32
      %dma_start3A_570 = arith.constant 0 : i32
      %dma_start3A_571 = tpu.memref_slice %arg7[%add3A_569, %dma_start3A_570] : memref<125x80xi32, #tpu.memory_space<vmem>> -> memref<1x80xi32, #tpu.memory_space<vmem>>
      %dma_start3A_572 = tpu.memref_squeeze %dma_start3A_571 : memref<1x80xi32, #tpu.memory_space<vmem>> -> memref<80xi32, #tpu.memory_space<vmem>>
      %dma_start3A_573 = arith.constant 0 : i32
      %dma_start3A_574 = arith.constant 0 : i32
      %dma_start3A_575 = tpu.memref_slice %arg2[%dma_start3A_573, %dma_start3A_574] : memref<10000x40xf32, #tpu.memory_space<hbm>> -> memref<10000x40xf32, #tpu.memory_space<hbm>>
      tpu.enqueue_indirect_dma source(%dma_start3A_575 : memref<10000x40xf32, #tpu.memory_space<hbm>>) target(%arg10 : memref<80x40xf32, #tpu.memory_space<vmem>>) offsets(%dma_start3A_572 : memref<80xi32, #tpu.memory_space<vmem>>) semaphore(%arg20 : memref<!tpu.dma_semaphore, #tpu.memory_space<semaphore_mem>>)
      %add3A_576 = arith.constant 2 : i32
      %add3A_577 = arith.addi %mul3A_411, %add3A_576 : i32
      %dma_wait3A_578 = arith.constant 0 : i32
      %dma_wait3A_579 = tpu.memref_slice %arg8[%add3A_577, %dma_wait3A_578] : memref<125x80xi32, #tpu.memory_space<vmem>> -> memref<1x80xi32, #tpu.memory_space<vmem>>
      %dma_wait3A_580 = tpu.memref_squeeze %dma_wait3A_579 : memref<1x80xi32, #tpu.memory_space<vmem>> -> memref<80xi32, #tpu.memory_space<vmem>>
      %dma_wait3A_581 = arith.constant 0 : i32
      %dma_wait3A_582 = arith.constant 0 : i32
      %dma_wait3A_583 = tpu.memref_slice %arg18[%dma_wait3A_581, %dma_wait3A_582] : memref<10240x40xf32, #tpu.memory_space<vmem_shared>> -> memref<10240x40xf32, #tpu.memory_space<vmem_shared>>
      tpu.wait_indirect_dma semaphore(%arg29 : memref<!tpu.dma_semaphore, #tpu.memory_space<semaphore_mem>>) src(%arg11 : memref<80x40xf32, #tpu.memory_space<vmem>>) dst(%dma_wait3A_583 : memref<10240x40xf32, #tpu.memory_space<vmem_shared>>)
      %add3A_584 = arith.constant 8 : i32
      %add3A_585 = arith.addi %mul3A_411, %add3A_584 : i32
      %add3A_586 = arith.constant 2 : i32
      %add3A_587 = arith.addi %add3A_585, %add3A_586 : i32
      %dma_start3A_588 = arith.constant 0 : i32
      %dma_start3A_589 = tpu.memref_slice %arg7[%add3A_587, %dma_start3A_588] : memref<125x80xi32, #tpu.memory_space<vmem>> -> memref<1x80xi32, #tpu.memory_space<vmem>>
      %dma_start3A_590 = tpu.memref_squeeze %dma_start3A_589 : memref<1x80xi32, #tpu.memory_space<vmem>> -> memref<80xi32, #tpu.memory_space<vmem>>
      %dma_start3A_591 = arith.constant 0 : i32
      %dma_start3A_592 = arith.constant 0 : i32
      %dma_start3A_593 = tpu.memref_slice %arg2[%dma_start3A_591, %dma_start3A_592] : memref<10000x40xf32, #tpu.memory_space<hbm>> -> memref<10000x40xf32, #tpu.memory_space<hbm>>
      tpu.enqueue_indirect_dma source(%dma_start3A_593 : memref<10000x40xf32, #tpu.memory_space<hbm>>) target(%arg11 : memref<80x40xf32, #tpu.memory_space<vmem>>) offsets(%dma_start3A_590 : memref<80xi32, #tpu.memory_space<vmem>>) semaphore(%arg21 : memref<!tpu.dma_semaphore, #tpu.memory_space<semaphore_mem>>)
      %add3A_594 = arith.constant 3 : i32
      %add3A_595 = arith.addi %mul3A_411, %add3A_594 : i32
      %dma_wait3A_596 = arith.constant 0 : i32
      %dma_wait3A_597 = tpu.memref_slice %arg8[%add3A_595, %dma_wait3A_596] : memref<125x80xi32, #tpu.memory_space<vmem>> -> memref<1x80xi32, #tpu.memory_space<vmem>>
      %dma_wait3A_598 = tpu.memref_squeeze %dma_wait3A_597 : memref<1x80xi32, #tpu.memory_space<vmem>> -> memref<80xi32, #tpu.memory_space<vmem>>
      %dma_wait3A_599 = arith.constant 0 : i32
      %dma_wait3A_600 = arith.constant 0 : i32
      %dma_wait3A_601 = tpu.memref_slice %arg18[%dma_wait3A_599, %dma_wait3A_600] : memref<10240x40xf32, #tpu.memory_space<vmem_shared>> -> memref<10240x40xf32, #tpu.memory_space<vmem_shared>>
      tpu.wait_indirect_dma semaphore(%arg30 : memref<!tpu.dma_semaphore, #tpu.memory_space<semaphore_mem>>) src(%arg12 : memref<80x40xf32, #tpu.memory_space<vmem>>) dst(%dma_wait3A_601 : memref<10240x40xf32, #tpu.memory_space<vmem_shared>>)
      %add3A_602 = arith.constant 8 : i32
      %add3A_603 = arith.addi %mul3A_411, %add3A_602 : i32
      %add3A_604 = arith.constant 3 : i32
      %add3A_605 = arith.addi %add3A_603, %add3A_604 : i32
      %dma_start3A_606 = arith.constant 0 : i32
      %dma_start3A_607 = tpu.memref_slice %arg7[%add3A_605, %dma_start3A_606] : memref<125x80xi32, #tpu.memory_space<vmem>> -> memref<1x80xi32, #tpu.memory_space<vmem>>
      %dma_start3A_608 = tpu.memref_squeeze %dma_start3A_607 : memref<1x80xi32, #tpu.memory_space<vmem>> -> memref<80xi32, #tpu.memory_space<vmem>>
      %dma_start3A_609 = arith.constant 0 : i32
      %dma_start3A_610 = arith.constant 0 : i32
      %dma_start3A_611 = tpu.memref_slice %arg2[%dma_start3A_609, %dma_start3A_610] : memref<10000x40xf32, #tpu.memory_space<hbm>> -> memref<10000x40xf32, #tpu.memory_space<hbm>>
      tpu.enqueue_indirect_dma source(%dma_start3A_611 : memref<10000x40xf32, #tpu.memory_space<hbm>>) target(%arg12 : memref<80x40xf32, #tpu.memory_space<vmem>>) offsets(%dma_start3A_608 : memref<80xi32, #tpu.memory_space<vmem>>) semaphore(%arg22 : memref<!tpu.dma_semaphore, #tpu.memory_space<semaphore_mem>>)
      %add3A_612 = arith.constant 4 : i32
      %add3A_613 = arith.addi %mul3A_411, %add3A_612 : i32
      %dma_wait3A_614 = arith.constant 0 : i32
      %dma_wait3A_615 = tpu.memref_slice %arg8[%add3A_613, %dma_wait3A_614] : memref<125x80xi32, #tpu.memory_space<vmem>> -> memref<1x80xi32, #tpu.memory_space<vmem>>
      %dma_wait3A_616 = tpu.memref_squeeze %dma_wait3A_615 : memref<1x80xi32, #tpu.memory_space<vmem>> -> memref<80xi32, #tpu.memory_space<vmem>>
      %dma_wait3A_617 = arith.constant 0 : i32
      %dma_wait3A_618 = arith.constant 0 : i32
      %dma_wait3A_619 = tpu.memref_slice %arg18[%dma_wait3A_617, %dma_wait3A_618] : memref<10240x40xf32, #tpu.memory_space<vmem_shared>> -> memref<10240x40xf32, #tpu.memory_space<vmem_shared>>
      tpu.wait_indirect_dma semaphore(%arg31 : memref<!tpu.dma_semaphore, #tpu.memory_space<semaphore_mem>>) src(%arg13 : memref<80x40xf32, #tpu.memory_space<vmem>>) dst(%dma_wait3A_619 : memref<10240x40xf32, #tpu.memory_space<vmem_shared>>)
      %add3A_620 = arith.constant 8 : i32
      %add3A_621 = arith.addi %mul3A_411, %add3A_620 : i32
      %add3A_622 = arith.constant 4 : i32
      %add3A_623 = arith.addi %add3A_621, %add3A_622 : i32
      %dma_start3A_624 = arith.constant 0 : i32
      %dma_start3A_625 = tpu.memref_slice %arg7[%add3A_623, %dma_start3A_624] : memref<125x80xi32, #tpu.memory_space<vmem>> -> memref<1x80xi32, #tpu.memory_space<vmem>>
      %dma_start3A_626 = tpu.memref_squeeze %dma_start3A_625 : memref<1x80xi32, #tpu.memory_space<vmem>> -> memref<80xi32, #tpu.memory_space<vmem>>
      %dma_start3A_627 = arith.constant 0 : i32
      %dma_start3A_628 = arith.constant 0 : i32
      %dma_start3A_629 = tpu.memref_slice %arg2[%dma_start3A_627, %dma_start3A_628] : memref<10000x40xf32, #tpu.memory_space<hbm>> -> memref<10000x40xf32, #tpu.memory_space<hbm>>
      tpu.enqueue_indirect_dma source(%dma_start3A_629 : memref<10000x40xf32, #tpu.memory_space<hbm>>) target(%arg13 : memref<80x40xf32, #tpu.memory_space<vmem>>) offsets(%dma_start3A_626 : memref<80xi32, #tpu.memory_space<vmem>>) semaphore(%arg23 : memref<!tpu.dma_semaphore, #tpu.memory_space<semaphore_mem>>)
      %add3A_630 = arith.constant 5 : i32
      %add3A_631 = arith.addi %mul3A_411, %add3A_630 : i32
      %dma_wait3A_632 = arith.constant 0 : i32
      %dma_wait3A_633 = tpu.memref_slice %arg8[%add3A_631, %dma_wait3A_632] : memref<125x80xi32, #tpu.memory_space<vmem>> -> memref<1x80xi32, #tpu.memory_space<vmem>>
      %dma_wait3A_634 = tpu.memref_squeeze %dma_wait3A_633 : memref<1x80xi32, #tpu.memory_space<vmem>> -> memref<80xi32, #tpu.memory_space<vmem>>
      %dma_wait3A_635 = arith.constant 0 : i32
      %dma_wait3A_636 = arith.constant 0 : i32
      %dma_wait3A_637 = tpu.memref_slice %arg18[%dma_wait3A_635, %dma_wait3A_636] : memref<10240x40xf32, #tpu.memory_space<vmem_shared>> -> memref<10240x40xf32, #tpu.memory_space<vmem_shared>>
      tpu.wait_indirect_dma semaphore(%arg32 : memref<!tpu.dma_semaphore, #tpu.memory_space<semaphore_mem>>) src(%arg14 : memref<80x40xf32, #tpu.memory_space<vmem>>) dst(%dma_wait3A_637 : memref<10240x40xf32, #tpu.memory_space<vmem_shared>>)
      %add3A_638 = arith.constant 8 : i32
      %add3A_639 = arith.addi %mul3A_411, %add3A_638 : i32
      %add3A_640 = arith.constant 5 : i32
      %add3A_641 = arith.addi %add3A_639, %add3A_640 : i32
      %dma_start3A_642 = arith.constant 0 : i32
      %dma_start3A_643 = tpu.memref_slice %arg7[%add3A_641, %dma_start3A_642] : memref<125x80xi32, #tpu.memory_space<vmem>> -> memref<1x80xi32, #tpu.memory_space<vmem>>
      %dma_start3A_644 = tpu.memref_squeeze %dma_start3A_643 : memref<1x80xi32, #tpu.memory_space<vmem>> -> memref<80xi32, #tpu.memory_space<vmem>>
      %dma_start3A_645 = arith.constant 0 : i32
      %dma_start3A_646 = arith.constant 0 : i32
      %dma_start3A_647 = tpu.memref_slice %arg2[%dma_start3A_645, %dma_start3A_646] : memref<10000x40xf32, #tpu.memory_space<hbm>> -> memref<10000x40xf32, #tpu.memory_space<hbm>>
      tpu.enqueue_indirect_dma source(%dma_start3A_647 : memref<10000x40xf32, #tpu.memory_space<hbm>>) target(%arg14 : memref<80x40xf32, #tpu.memory_space<vmem>>) offsets(%dma_start3A_644 : memref<80xi32, #tpu.memory_space<vmem>>) semaphore(%arg24 : memref<!tpu.dma_semaphore, #tpu.memory_space<semaphore_mem>>)
      %add3A_648 = arith.constant 6 : i32
      %add3A_649 = arith.addi %mul3A_411, %add3A_648 : i32
      %dma_wait3A_650 = arith.constant 0 : i32
      %dma_wait3A_651 = tpu.memref_slice %arg8[%add3A_649, %dma_wait3A_650] : memref<125x80xi32, #tpu.memory_space<vmem>> -> memref<1x80xi32, #tpu.memory_space<vmem>>
      %dma_wait3A_652 = tpu.memref_squeeze %dma_wait3A_651 : memref<1x80xi32, #tpu.memory_space<vmem>> -> memref<80xi32, #tpu.memory_space<vmem>>
      %dma_wait3A_653 = arith.constant 0 : i32
      %dma_wait3A_654 = arith.constant 0 : i32
      %dma_wait3A_655 = tpu.memref_slice %arg18[%dma_wait3A_653, %dma_wait3A_654] : memref<10240x40xf32, #tpu.memory_space<vmem_shared>> -> memref<10240x40xf32, #tpu.memory_space<vmem_shared>>
      tpu.wait_indirect_dma semaphore(%arg33 : memref<!tpu.dma_semaphore, #tpu.memory_space<semaphore_mem>>) src(%arg15 : memref<80x40xf32, #tpu.memory_space<vmem>>) dst(%dma_wait3A_655 : memref<10240x40xf32, #tpu.memory_space<vmem_shared>>)
      %add3A_656 = arith.constant 8 : i32
      %add3A_657 = arith.addi %mul3A_411, %add3A_656 : i32
      %add3A_658 = arith.constant 6 : i32
      %add3A_659 = arith.addi %add3A_657, %add3A_658 : i32
      %dma_start3A_660 = arith.constant 0 : i32
      %dma_start3A_661 = tpu.memref_slice %arg7[%add3A_659, %dma_start3A_660] : memref<125x80xi32, #tpu.memory_space<vmem>> -> memref<1x80xi32, #tpu.memory_space<vmem>>
      %dma_start3A_662 = tpu.memref_squeeze %dma_start3A_661 : memref<1x80xi32, #tpu.memory_space<vmem>> -> memref<80xi32, #tpu.memory_space<vmem>>
      %dma_start3A_663 = arith.constant 0 : i32
      %dma_start3A_664 = arith.constant 0 : i32
      %dma_start3A_665 = tpu.memref_slice %arg2[%dma_start3A_663, %dma_start3A_664] : memref<10000x40xf32, #tpu.memory_space<hbm>> -> memref<10000x40xf32, #tpu.memory_space<hbm>>
      tpu.enqueue_indirect_dma source(%dma_start3A_665 : memref<10000x40xf32, #tpu.memory_space<hbm>>) target(%arg15 : memref<80x40xf32, #tpu.memory_space<vmem>>) offsets(%dma_start3A_662 : memref<80xi32, #tpu.memory_space<vmem>>) semaphore(%arg25 : memref<!tpu.dma_semaphore, #tpu.memory_space<semaphore_mem>>)
      %add3A_666 = arith.constant 7 : i32
      %add3A_667 = arith.addi %mul3A_411, %add3A_666 : i32
      %dma_wait3A_668 = arith.constant 0 : i32
      %dma_wait3A_669 = tpu.memref_slice %arg8[%add3A_667, %dma_wait3A_668] : memref<125x80xi32, #tpu.memory_space<vmem>> -> memref<1x80xi32, #tpu.memory_space<vmem>>
      %dma_wait3A_670 = tpu.memref_squeeze %dma_wait3A_669 : memref<1x80xi32, #tpu.memory_space<vmem>> -> memref<80xi32, #tpu.memory_space<vmem>>
      %dma_wait3A_671 = arith.constant 0 : i32
      %dma_wait3A_672 = arith.constant 0 : i32
      %dma_wait3A_673 = tpu.memref_slice %arg18[%dma_wait3A_671, %dma_wait3A_672] : memref<10240x40xf32, #tpu.memory_space<vmem_shared>> -> memref<10240x40xf32, #tpu.memory_space<vmem_shared>>
      tpu.wait_indirect_dma semaphore(%arg34 : memref<!tpu.dma_semaphore, #tpu.memory_space<semaphore_mem>>) src(%arg16 : memref<80x40xf32, #tpu.memory_space<vmem>>) dst(%dma_wait3A_673 : memref<10240x40xf32, #tpu.memory_space<vmem_shared>>)
      %add3A_674 = arith.constant 8 : i32
      %add3A_675 = arith.addi %mul3A_411, %add3A_674 : i32
      %add3A_676 = arith.constant 7 : i32
      %add3A_677 = arith.addi %add3A_675, %add3A_676 : i32
      %dma_start3A_678 = arith.constant 0 : i32
      %dma_start3A_679 = tpu.memref_slice %arg7[%add3A_677, %dma_start3A_678] : memref<125x80xi32, #tpu.memory_space<vmem>> -> memref<1x80xi32, #tpu.memory_space<vmem>>
      %dma_start3A_680 = tpu.memref_squeeze %dma_start3A_679 : memref<1x80xi32, #tpu.memory_space<vmem>> -> memref<80xi32, #tpu.memory_space<vmem>>
      %dma_start3A_681 = arith.constant 0 : i32
      %dma_start3A_682 = arith.constant 0 : i32
      %dma_start3A_683 = tpu.memref_slice %arg2[%dma_start3A_681, %dma_start3A_682] : memref<10000x40xf32, #tpu.memory_space<hbm>> -> memref<10000x40xf32, #tpu.memory_space<hbm>>
      tpu.enqueue_indirect_dma source(%dma_start3A_683 : memref<10000x40xf32, #tpu.memory_space<hbm>>) target(%arg16 : memref<80x40xf32, #tpu.memory_space<vmem>>) offsets(%dma_start3A_680 : memref<80xi32, #tpu.memory_space<vmem>>) semaphore(%arg26 : memref<!tpu.dma_semaphore, #tpu.memory_space<semaphore_mem>>)
    }
    %scan3A_80 = arith.constant 14 : i32
    %dma_wait3A = arith.constant 112 : i32
    %dma_wait3A_81 = arith.constant 0 : i32
    %dma_wait3A_82 = tpu.memref_slice %arg7[%dma_wait3A, %dma_wait3A_81] : memref<125x80xi32, #tpu.memory_space<vmem>> -> memref<1x80xi32, #tpu.memory_space<vmem>>
    %dma_wait3A_83 = tpu.memref_squeeze %dma_wait3A_82 : memref<1x80xi32, #tpu.memory_space<vmem>> -> memref<80xi32, #tpu.memory_space<vmem>>
    %dma_wait3A_84 = arith.constant 0 : i32
    %dma_wait3A_85 = arith.constant 0 : i32
    %dma_wait3A_86 = tpu.memref_slice %arg2[%dma_wait3A_84, %dma_wait3A_85] : memref<10000x40xf32, #tpu.memory_space<hbm>> -> memref<10000x40xf32, #tpu.memory_space<hbm>>
    tpu.wait_indirect_dma semaphore(%arg19 : memref<!tpu.dma_semaphore, #tpu.memory_space<semaphore_mem>>) src(%dma_wait3A_86 : memref<10000x40xf32, #tpu.memory_space<hbm>>) dst(%arg9 : memref<80x40xf32, #tpu.memory_space<vmem>>)
    %dma_start3A_87 = arith.constant 112 : i32
    %dma_start3A_88 = arith.constant 0 : i32
    %dma_start3A_89 = tpu.memref_slice %arg8[%dma_start3A_87, %dma_start3A_88] : memref<125x80xi32, #tpu.memory_space<vmem>> -> memref<1x80xi32, #tpu.memory_space<vmem>>
    %dma_start3A_90 = tpu.memref_squeeze %dma_start3A_89 : memref<1x80xi32, #tpu.memory_space<vmem>> -> memref<80xi32, #tpu.memory_space<vmem>>
    %dma_start3A_91 = arith.constant 0 : i32
    %dma_start3A_92 = arith.constant 0 : i32
    %dma_start3A_93 = tpu.memref_slice %arg18[%dma_start3A_91, %dma_start3A_92] : memref<10240x40xf32, #tpu.memory_space<vmem_shared>> -> memref<10240x40xf32, #tpu.memory_space<vmem_shared>>
    tpu.enqueue_indirect_dma source(%arg9 : memref<80x40xf32, #tpu.memory_space<vmem>>) target(%dma_start3A_93 : memref<10240x40xf32, #tpu.memory_space<vmem_shared>>) offsets(%dma_start3A_90 : memref<80xi32, #tpu.memory_space<vmem>>) semaphore(%arg27 : memref<!tpu.dma_semaphore, #tpu.memory_space<semaphore_mem>>) {add = true}
    %dma_wait3A_94 = arith.constant 113 : i32
    %dma_wait3A_95 = arith.constant 0 : i32
    %dma_wait3A_96 = tpu.memref_slice %arg7[%dma_wait3A_94, %dma_wait3A_95] : memref<125x80xi32, #tpu.memory_space<vmem>> -> memref<1x80xi32, #tpu.memory_space<vmem>>
    %dma_wait3A_97 = tpu.memref_squeeze %dma_wait3A_96 : memref<1x80xi32, #tpu.memory_space<vmem>> -> memref<80xi32, #tpu.memory_space<vmem>>
    %dma_wait3A_98 = arith.constant 0 : i32
    %dma_wait3A_99 = arith.constant 0 : i32
    %dma_wait3A_100 = tpu.memref_slice %arg2[%dma_wait3A_98, %dma_wait3A_99] : memref<10000x40xf32, #tpu.memory_space<hbm>> -> memref<10000x40xf32, #tpu.memory_space<hbm>>
    tpu.wait_indirect_dma semaphore(%arg20 : memref<!tpu.dma_semaphore, #tpu.memory_space<semaphore_mem>>) src(%dma_wait3A_100 : memref<10000x40xf32, #tpu.memory_space<hbm>>) dst(%arg10 : memref<80x40xf32, #tpu.memory_space<vmem>>)
    %dma_start3A_101 = arith.constant 113 : i32
    %dma_start3A_102 = arith.constant 0 : i32
    %dma_start3A_103 = tpu.memref_slice %arg8[%dma_start3A_101, %dma_start3A_102] : memref<125x80xi32, #tpu.memory_space<vmem>> -> memref<1x80xi32, #tpu.memory_space<vmem>>
    %dma_start3A_104 = tpu.memref_squeeze %dma_start3A_103 : memref<1x80xi32, #tpu.memory_space<vmem>> -> memref<80xi32, #tpu.memory_space<vmem>>
    %dma_start3A_105 = arith.constant 0 : i32
    %dma_start3A_106 = arith.constant 0 : i32
    %dma_start3A_107 = tpu.memref_slice %arg18[%dma_start3A_105, %dma_start3A_106] : memref<10240x40xf32, #tpu.memory_space<vmem_shared>> -> memref<10240x40xf32, #tpu.memory_space<vmem_shared>>
    tpu.enqueue_indirect_dma source(%arg10 : memref<80x40xf32, #tpu.memory_space<vmem>>) target(%dma_start3A_107 : memref<10240x40xf32, #tpu.memory_space<vmem_shared>>) offsets(%dma_start3A_104 : memref<80xi32, #tpu.memory_space<vmem>>) semaphore(%arg28 : memref<!tpu.dma_semaphore, #tpu.memory_space<semaphore_mem>>) {add = true}
    %dma_wait3A_108 = arith.constant 114 : i32
    %dma_wait3A_109 = arith.constant 0 : i32
    %dma_wait3A_110 = tpu.memref_slice %arg7[%dma_wait3A_108, %dma_wait3A_109] : memref<125x80xi32, #tpu.memory_space<vmem>> -> memref<1x80xi32, #tpu.memory_space<vmem>>
    %dma_wait3A_111 = tpu.memref_squeeze %dma_wait3A_110 : memref<1x80xi32, #tpu.memory_space<vmem>> -> memref<80xi32, #tpu.memory_space<vmem>>
    %dma_wait3A_112 = arith.constant 0 : i32
    %dma_wait3A_113 = arith.constant 0 : i32
    %dma_wait3A_114 = tpu.memref_slice %arg2[%dma_wait3A_112, %dma_wait3A_113] : memref<10000x40xf32, #tpu.memory_space<hbm>> -> memref<10000x40xf32, #tpu.memory_space<hbm>>
    tpu.wait_indirect_dma semaphore(%arg21 : memref<!tpu.dma_semaphore, #tpu.memory_space<semaphore_mem>>) src(%dma_wait3A_114 : memref<10000x40xf32, #tpu.memory_space<hbm>>) dst(%arg11 : memref<80x40xf32, #tpu.memory_space<vmem>>)
    %dma_start3A_115 = arith.constant 114 : i32
    %dma_start3A_116 = arith.constant 0 : i32
    %dma_start3A_117 = tpu.memref_slice %arg8[%dma_start3A_115, %dma_start3A_116] : memref<125x80xi32, #tpu.memory_space<vmem>> -> memref<1x80xi32, #tpu.memory_space<vmem>>
    %dma_start3A_118 = tpu.memref_squeeze %dma_start3A_117 : memref<1x80xi32, #tpu.memory_space<vmem>> -> memref<80xi32, #tpu.memory_space<vmem>>
    %dma_start3A_119 = arith.constant 0 : i32
    %dma_start3A_120 = arith.constant 0 : i32
    %dma_start3A_121 = tpu.memref_slice %arg18[%dma_start3A_119, %dma_start3A_120] : memref<10240x40xf32, #tpu.memory_space<vmem_shared>> -> memref<10240x40xf32, #tpu.memory_space<vmem_shared>>
    tpu.enqueue_indirect_dma source(%arg11 : memref<80x40xf32, #tpu.memory_space<vmem>>) target(%dma_start3A_121 : memref<10240x40xf32, #tpu.memory_space<vmem_shared>>) offsets(%dma_start3A_118 : memref<80xi32, #tpu.memory_space<vmem>>) semaphore(%arg29 : memref<!tpu.dma_semaphore, #tpu.memory_space<semaphore_mem>>) {add = true}
    %dma_wait3A_122 = arith.constant 115 : i32
    %dma_wait3A_123 = arith.constant 0 : i32
    %dma_wait3A_124 = tpu.memref_slice %arg7[%dma_wait3A_122, %dma_wait3A_123] : memref<125x80xi32, #tpu.memory_space<vmem>> -> memref<1x80xi32, #tpu.memory_space<vmem>>
    %dma_wait3A_125 = tpu.memref_squeeze %dma_wait3A_124 : memref<1x80xi32, #tpu.memory_space<vmem>> -> memref<80xi32, #tpu.memory_space<vmem>>
    %dma_wait3A_126 = arith.constant 0 : i32
    %dma_wait3A_127 = arith.constant 0 : i32
    %dma_wait3A_128 = tpu.memref_slice %arg2[%dma_wait3A_126, %dma_wait3A_127] : memref<10000x40xf32, #tpu.memory_space<hbm>> -> memref<10000x40xf32, #tpu.memory_space<hbm>>
    tpu.wait_indirect_dma semaphore(%arg22 : memref<!tpu.dma_semaphore, #tpu.memory_space<semaphore_mem>>) src(%dma_wait3A_128 : memref<10000x40xf32, #tpu.memory_space<hbm>>) dst(%arg12 : memref<80x40xf32, #tpu.memory_space<vmem>>)
    %dma_start3A_129 = arith.constant 115 : i32
    %dma_start3A_130 = arith.constant 0 : i32
    %dma_start3A_131 = tpu.memref_slice %arg8[%dma_start3A_129, %dma_start3A_130] : memref<125x80xi32, #tpu.memory_space<vmem>> -> memref<1x80xi32, #tpu.memory_space<vmem>>
    %dma_start3A_132 = tpu.memref_squeeze %dma_start3A_131 : memref<1x80xi32, #tpu.memory_space<vmem>> -> memref<80xi32, #tpu.memory_space<vmem>>
    %dma_start3A_133 = arith.constant 0 : i32
    %dma_start3A_134 = arith.constant 0 : i32
    %dma_start3A_135 = tpu.memref_slice %arg18[%dma_start3A_133, %dma_start3A_134] : memref<10240x40xf32, #tpu.memory_space<vmem_shared>> -> memref<10240x40xf32, #tpu.memory_space<vmem_shared>>
    tpu.enqueue_indirect_dma source(%arg12 : memref<80x40xf32, #tpu.memory_space<vmem>>) target(%dma_start3A_135 : memref<10240x40xf32, #tpu.memory_space<vmem_shared>>) offsets(%dma_start3A_132 : memref<80xi32, #tpu.memory_space<vmem>>) semaphore(%arg30 : memref<!tpu.dma_semaphore, #tpu.memory_space<semaphore_mem>>) {add = true}
    %dma_wait3A_136 = arith.constant 116 : i32
    %dma_wait3A_137 = arith.constant 0 : i32
    %dma_wait3A_138 = tpu.memref_slice %arg7[%dma_wait3A_136, %dma_wait3A_137] : memref<125x80xi32, #tpu.memory_space<vmem>> -> memref<1x80xi32, #tpu.memory_space<vmem>>
    %dma_wait3A_139 = tpu.memref_squeeze %dma_wait3A_138 : memref<1x80xi32, #tpu.memory_space<vmem>> -> memref<80xi32, #tpu.memory_space<vmem>>
    %dma_wait3A_140 = arith.constant 0 : i32
    %dma_wait3A_141 = arith.constant 0 : i32
    %dma_wait3A_142 = tpu.memref_slice %arg2[%dma_wait3A_140, %dma_wait3A_141] : memref<10000x40xf32, #tpu.memory_space<hbm>> -> memref<10000x40xf32, #tpu.memory_space<hbm>>
    tpu.wait_indirect_dma semaphore(%arg23 : memref<!tpu.dma_semaphore, #tpu.memory_space<semaphore_mem>>) src(%dma_wait3A_142 : memref<10000x40xf32, #tpu.memory_space<hbm>>) dst(%arg13 : memref<80x40xf32, #tpu.memory_space<vmem>>)
    %dma_start3A_143 = arith.constant 116 : i32
    %dma_start3A_144 = arith.constant 0 : i32
    %dma_start3A_145 = tpu.memref_slice %arg8[%dma_start3A_143, %dma_start3A_144] : memref<125x80xi32, #tpu.memory_space<vmem>> -> memref<1x80xi32, #tpu.memory_space<vmem>>
    %dma_start3A_146 = tpu.memref_squeeze %dma_start3A_145 : memref<1x80xi32, #tpu.memory_space<vmem>> -> memref<80xi32, #tpu.memory_space<vmem>>
    %dma_start3A_147 = arith.constant 0 : i32
    %dma_start3A_148 = arith.constant 0 : i32
    %dma_start3A_149 = tpu.memref_slice %arg18[%dma_start3A_147, %dma_start3A_148] : memref<10240x40xf32, #tpu.memory_space<vmem_shared>> -> memref<10240x40xf32, #tpu.memory_space<vmem_shared>>
    tpu.enqueue_indirect_dma source(%arg13 : memref<80x40xf32, #tpu.memory_space<vmem>>) target(%dma_start3A_149 : memref<10240x40xf32, #tpu.memory_space<vmem_shared>>) offsets(%dma_start3A_146 : memref<80xi32, #tpu.memory_space<vmem>>) semaphore(%arg31 : memref<!tpu.dma_semaphore, #tpu.memory_space<semaphore_mem>>) {add = true}
    %dma_wait3A_150 = arith.constant 117 : i32
    %dma_wait3A_151 = arith.constant 0 : i32
    %dma_wait3A_152 = tpu.memref_slice %arg7[%dma_wait3A_150, %dma_wait3A_151] : memref<125x80xi32, #tpu.memory_space<vmem>> -> memref<1x80xi32, #tpu.memory_space<vmem>>
    %dma_wait3A_153 = tpu.memref_squeeze %dma_wait3A_152 : memref<1x80xi32, #tpu.memory_space<vmem>> -> memref<80xi32, #tpu.memory_space<vmem>>
    %dma_wait3A_154 = arith.constant 0 : i32
    %dma_wait3A_155 = arith.constant 0 : i32
    %dma_wait3A_156 = tpu.memref_slice %arg2[%dma_wait3A_154, %dma_wait3A_155] : memref<10000x40xf32, #tpu.memory_space<hbm>> -> memref<10000x40xf32, #tpu.memory_space<hbm>>
    tpu.wait_indirect_dma semaphore(%arg24 : memref<!tpu.dma_semaphore, #tpu.memory_space<semaphore_mem>>) src(%dma_wait3A_156 : memref<10000x40xf32, #tpu.memory_space<hbm>>) dst(%arg14 : memref<80x40xf32, #tpu.memory_space<vmem>>)
    %dma_start3A_157 = arith.constant 117 : i32
    %dma_start3A_158 = arith.constant 0 : i32
    %dma_start3A_159 = tpu.memref_slice %arg8[%dma_start3A_157, %dma_start3A_158] : memref<125x80xi32, #tpu.memory_space<vmem>> -> memref<1x80xi32, #tpu.memory_space<vmem>>
    %dma_start3A_160 = tpu.memref_squeeze %dma_start3A_159 : memref<1x80xi32, #tpu.memory_space<vmem>> -> memref<80xi32, #tpu.memory_space<vmem>>
    %dma_start3A_161 = arith.constant 0 : i32
    %dma_start3A_162 = arith.constant 0 : i32
    %dma_start3A_163 = tpu.memref_slice %arg18[%dma_start3A_161, %dma_start3A_162] : memref<10240x40xf32, #tpu.memory_space<vmem_shared>> -> memref<10240x40xf32, #tpu.memory_space<vmem_shared>>
    tpu.enqueue_indirect_dma source(%arg14 : memref<80x40xf32, #tpu.memory_space<vmem>>) target(%dma_start3A_163 : memref<10240x40xf32, #tpu.memory_space<vmem_shared>>) offsets(%dma_start3A_160 : memref<80xi32, #tpu.memory_space<vmem>>) semaphore(%arg32 : memref<!tpu.dma_semaphore, #tpu.memory_space<semaphore_mem>>) {add = true}
    %dma_wait3A_164 = arith.constant 118 : i32
    %dma_wait3A_165 = arith.constant 0 : i32
    %dma_wait3A_166 = tpu.memref_slice %arg7[%dma_wait3A_164, %dma_wait3A_165] : memref<125x80xi32, #tpu.memory_space<vmem>> -> memref<1x80xi32, #tpu.memory_space<vmem>>
    %dma_wait3A_167 = tpu.memref_squeeze %dma_wait3A_166 : memref<1x80xi32, #tpu.memory_space<vmem>> -> memref<80xi32, #tpu.memory_space<vmem>>
    %dma_wait3A_168 = arith.constant 0 : i32
    %dma_wait3A_169 = arith.constant 0 : i32
    %dma_wait3A_170 = tpu.memref_slice %arg2[%dma_wait3A_168, %dma_wait3A_169] : memref<10000x40xf32, #tpu.memory_space<hbm>> -> memref<10000x40xf32, #tpu.memory_space<hbm>>
    tpu.wait_indirect_dma semaphore(%arg25 : memref<!tpu.dma_semaphore, #tpu.memory_space<semaphore_mem>>) src(%dma_wait3A_170 : memref<10000x40xf32, #tpu.memory_space<hbm>>) dst(%arg15 : memref<80x40xf32, #tpu.memory_space<vmem>>)
    %dma_start3A_171 = arith.constant 118 : i32
    %dma_start3A_172 = arith.constant 0 : i32
    %dma_start3A_173 = tpu.memref_slice %arg8[%dma_start3A_171, %dma_start3A_172] : memref<125x80xi32, #tpu.memory_space<vmem>> -> memref<1x80xi32, #tpu.memory_space<vmem>>
    %dma_start3A_174 = tpu.memref_squeeze %dma_start3A_173 : memref<1x80xi32, #tpu.memory_space<vmem>> -> memref<80xi32, #tpu.memory_space<vmem>>
    %dma_start3A_175 = arith.constant 0 : i32
    %dma_start3A_176 = arith.constant 0 : i32
    %dma_start3A_177 = tpu.memref_slice %arg18[%dma_start3A_175, %dma_start3A_176] : memref<10240x40xf32, #tpu.memory_space<vmem_shared>> -> memref<10240x40xf32, #tpu.memory_space<vmem_shared>>
    tpu.enqueue_indirect_dma source(%arg15 : memref<80x40xf32, #tpu.memory_space<vmem>>) target(%dma_start3A_177 : memref<10240x40xf32, #tpu.memory_space<vmem_shared>>) offsets(%dma_start3A_174 : memref<80xi32, #tpu.memory_space<vmem>>) semaphore(%arg33 : memref<!tpu.dma_semaphore, #tpu.memory_space<semaphore_mem>>) {add = true}
    %dma_wait3A_178 = arith.constant 119 : i32
    %dma_wait3A_179 = arith.constant 0 : i32
    %dma_wait3A_180 = tpu.memref_slice %arg7[%dma_wait3A_178, %dma_wait3A_179] : memref<125x80xi32, #tpu.memory_space<vmem>> -> memref<1x80xi32, #tpu.memory_space<vmem>>
    %dma_wait3A_181 = tpu.memref_squeeze %dma_wait3A_180 : memref<1x80xi32, #tpu.memory_space<vmem>> -> memref<80xi32, #tpu.memory_space<vmem>>
    %dma_wait3A_182 = arith.constant 0 : i32
    %dma_wait3A_183 = arith.constant 0 : i32
    %dma_wait3A_184 = tpu.memref_slice %arg2[%dma_wait3A_182, %dma_wait3A_183] : memref<10000x40xf32, #tpu.memory_space<hbm>> -> memref<10000x40xf32, #tpu.memory_space<hbm>>
    tpu.wait_indirect_dma semaphore(%arg26 : memref<!tpu.dma_semaphore, #tpu.memory_space<semaphore_mem>>) src(%dma_wait3A_184 : memref<10000x40xf32, #tpu.memory_space<hbm>>) dst(%arg16 : memref<80x40xf32, #tpu.memory_space<vmem>>)
    %dma_start3A_185 = arith.constant 119 : i32
    %dma_start3A_186 = arith.constant 0 : i32
    %dma_start3A_187 = tpu.memref_slice %arg8[%dma_start3A_185, %dma_start3A_186] : memref<125x80xi32, #tpu.memory_space<vmem>> -> memref<1x80xi32, #tpu.memory_space<vmem>>
    %dma_start3A_188 = tpu.memref_squeeze %dma_start3A_187 : memref<1x80xi32, #tpu.memory_space<vmem>> -> memref<80xi32, #tpu.memory_space<vmem>>
    %dma_start3A_189 = arith.constant 0 : i32
    %dma_start3A_190 = arith.constant 0 : i32
    %dma_start3A_191 = tpu.memref_slice %arg18[%dma_start3A_189, %dma_start3A_190] : memref<10240x40xf32, #tpu.memory_space<vmem_shared>> -> memref<10240x40xf32, #tpu.memory_space<vmem_shared>>
    tpu.enqueue_indirect_dma source(%arg16 : memref<80x40xf32, #tpu.memory_space<vmem>>) target(%dma_start3A_191 : memref<10240x40xf32, #tpu.memory_space<vmem_shared>>) offsets(%dma_start3A_188 : memref<80xi32, #tpu.memory_space<vmem>>) semaphore(%arg34 : memref<!tpu.dma_semaphore, #tpu.memory_space<semaphore_mem>>) {add = true}
    %dma_wait3A_192 = arith.constant 112 : i32
    %dma_wait3A_193 = arith.constant 0 : i32
    %dma_wait3A_194 = tpu.memref_slice %arg8[%dma_wait3A_192, %dma_wait3A_193] : memref<125x80xi32, #tpu.memory_space<vmem>> -> memref<1x80xi32, #tpu.memory_space<vmem>>
    %dma_wait3A_195 = tpu.memref_squeeze %dma_wait3A_194 : memref<1x80xi32, #tpu.memory_space<vmem>> -> memref<80xi32, #tpu.memory_space<vmem>>
    %dma_wait3A_196 = arith.constant 0 : i32
    %dma_wait3A_197 = arith.constant 0 : i32
    %dma_wait3A_198 = tpu.memref_slice %arg18[%dma_wait3A_196, %dma_wait3A_197] : memref<10240x40xf32, #tpu.memory_space<vmem_shared>> -> memref<10240x40xf32, #tpu.memory_space<vmem_shared>>
    tpu.wait_indirect_dma semaphore(%arg27 : memref<!tpu.dma_semaphore, #tpu.memory_space<semaphore_mem>>) src(%arg9 : memref<80x40xf32, #tpu.memory_space<vmem>>) dst(%dma_wait3A_198 : memref<10240x40xf32, #tpu.memory_space<vmem_shared>>)
    %dma_start3A_199 = arith.constant 120 : i32
    %dma_start3A_200 = arith.constant 0 : i32
    %dma_start3A_201 = tpu.memref_slice %arg7[%dma_start3A_199, %dma_start3A_200] : memref<125x80xi32, #tpu.memory_space<vmem>> -> memref<1x80xi32, #tpu.memory_space<vmem>>
    %dma_start3A_202 = tpu.memref_squeeze %dma_start3A_201 : memref<1x80xi32, #tpu.memory_space<vmem>> -> memref<80xi32, #tpu.memory_space<vmem>>
    %dma_start3A_203 = arith.constant 0 : i32
    %dma_start3A_204 = arith.constant 0 : i32
    %dma_start3A_205 = tpu.memref_slice %arg2[%dma_start3A_203, %dma_start3A_204] : memref<10000x40xf32, #tpu.memory_space<hbm>> -> memref<10000x40xf32, #tpu.memory_space<hbm>>
    tpu.enqueue_indirect_dma source(%dma_start3A_205 : memref<10000x40xf32, #tpu.memory_space<hbm>>) target(%arg9 : memref<80x40xf32, #tpu.memory_space<vmem>>) offsets(%dma_start3A_202 : memref<80xi32, #tpu.memory_space<vmem>>) semaphore(%arg19 : memref<!tpu.dma_semaphore, #tpu.memory_space<semaphore_mem>>)
    %dma_wait3A_206 = arith.constant 113 : i32
    %dma_wait3A_207 = arith.constant 0 : i32
    %dma_wait3A_208 = tpu.memref_slice %arg8[%dma_wait3A_206, %dma_wait3A_207] : memref<125x80xi32, #tpu.memory_space<vmem>> -> memref<1x80xi32, #tpu.memory_space<vmem>>
    %dma_wait3A_209 = tpu.memref_squeeze %dma_wait3A_208 : memref<1x80xi32, #tpu.memory_space<vmem>> -> memref<80xi32, #tpu.memory_space<vmem>>
    %dma_wait3A_210 = arith.constant 0 : i32
    %dma_wait3A_211 = arith.constant 0 : i32
    %dma_wait3A_212 = tpu.memref_slice %arg18[%dma_wait3A_210, %dma_wait3A_211] : memref<10240x40xf32, #tpu.memory_space<vmem_shared>> -> memref<10240x40xf32, #tpu.memory_space<vmem_shared>>
    tpu.wait_indirect_dma semaphore(%arg28 : memref<!tpu.dma_semaphore, #tpu.memory_space<semaphore_mem>>) src(%arg10 : memref<80x40xf32, #tpu.memory_space<vmem>>) dst(%dma_wait3A_212 : memref<10240x40xf32, #tpu.memory_space<vmem_shared>>)
    %dma_start3A_213 = arith.constant 121 : i32
    %dma_start3A_214 = arith.constant 0 : i32
    %dma_start3A_215 = tpu.memref_slice %arg7[%dma_start3A_213, %dma_start3A_214] : memref<125x80xi32, #tpu.memory_space<vmem>> -> memref<1x80xi32, #tpu.memory_space<vmem>>
    %dma_start3A_216 = tpu.memref_squeeze %dma_start3A_215 : memref<1x80xi32, #tpu.memory_space<vmem>> -> memref<80xi32, #tpu.memory_space<vmem>>
    %dma_start3A_217 = arith.constant 0 : i32
    %dma_start3A_218 = arith.constant 0 : i32
    %dma_start3A_219 = tpu.memref_slice %arg2[%dma_start3A_217, %dma_start3A_218] : memref<10000x40xf32, #tpu.memory_space<hbm>> -> memref<10000x40xf32, #tpu.memory_space<hbm>>
    tpu.enqueue_indirect_dma source(%dma_start3A_219 : memref<10000x40xf32, #tpu.memory_space<hbm>>) target(%arg10 : memref<80x40xf32, #tpu.memory_space<vmem>>) offsets(%dma_start3A_216 : memref<80xi32, #tpu.memory_space<vmem>>) semaphore(%arg20 : memref<!tpu.dma_semaphore, #tpu.memory_space<semaphore_mem>>)
    %dma_wait3A_220 = arith.constant 114 : i32
    %dma_wait3A_221 = arith.constant 0 : i32
    %dma_wait3A_222 = tpu.memref_slice %arg8[%dma_wait3A_220, %dma_wait3A_221] : memref<125x80xi32, #tpu.memory_space<vmem>> -> memref<1x80xi32, #tpu.memory_space<vmem>>
    %dma_wait3A_223 = tpu.memref_squeeze %dma_wait3A_222 : memref<1x80xi32, #tpu.memory_space<vmem>> -> memref<80xi32, #tpu.memory_space<vmem>>
    %dma_wait3A_224 = arith.constant 0 : i32
    %dma_wait3A_225 = arith.constant 0 : i32
    %dma_wait3A_226 = tpu.memref_slice %arg18[%dma_wait3A_224, %dma_wait3A_225] : memref<10240x40xf32, #tpu.memory_space<vmem_shared>> -> memref<10240x40xf32, #tpu.memory_space<vmem_shared>>
    tpu.wait_indirect_dma semaphore(%arg29 : memref<!tpu.dma_semaphore, #tpu.memory_space<semaphore_mem>>) src(%arg11 : memref<80x40xf32, #tpu.memory_space<vmem>>) dst(%dma_wait3A_226 : memref<10240x40xf32, #tpu.memory_space<vmem_shared>>)
    %dma_start3A_227 = arith.constant 122 : i32
    %dma_start3A_228 = arith.constant 0 : i32
    %dma_start3A_229 = tpu.memref_slice %arg7[%dma_start3A_227, %dma_start3A_228] : memref<125x80xi32, #tpu.memory_space<vmem>> -> memref<1x80xi32, #tpu.memory_space<vmem>>
    %dma_start3A_230 = tpu.memref_squeeze %dma_start3A_229 : memref<1x80xi32, #tpu.memory_space<vmem>> -> memref<80xi32, #tpu.memory_space<vmem>>
    %dma_start3A_231 = arith.constant 0 : i32
    %dma_start3A_232 = arith.constant 0 : i32
    %dma_start3A_233 = tpu.memref_slice %arg2[%dma_start3A_231, %dma_start3A_232] : memref<10000x40xf32, #tpu.memory_space<hbm>> -> memref<10000x40xf32, #tpu.memory_space<hbm>>
    tpu.enqueue_indirect_dma source(%dma_start3A_233 : memref<10000x40xf32, #tpu.memory_space<hbm>>) target(%arg11 : memref<80x40xf32, #tpu.memory_space<vmem>>) offsets(%dma_start3A_230 : memref<80xi32, #tpu.memory_space<vmem>>) semaphore(%arg21 : memref<!tpu.dma_semaphore, #tpu.memory_space<semaphore_mem>>)
    %dma_wait3A_234 = arith.constant 115 : i32
    %dma_wait3A_235 = arith.constant 0 : i32
    %dma_wait3A_236 = tpu.memref_slice %arg8[%dma_wait3A_234, %dma_wait3A_235] : memref<125x80xi32, #tpu.memory_space<vmem>> -> memref<1x80xi32, #tpu.memory_space<vmem>>
    %dma_wait3A_237 = tpu.memref_squeeze %dma_wait3A_236 : memref<1x80xi32, #tpu.memory_space<vmem>> -> memref<80xi32, #tpu.memory_space<vmem>>
    %dma_wait3A_238 = arith.constant 0 : i32
    %dma_wait3A_239 = arith.constant 0 : i32
    %dma_wait3A_240 = tpu.memref_slice %arg18[%dma_wait3A_238, %dma_wait3A_239] : memref<10240x40xf32, #tpu.memory_space<vmem_shared>> -> memref<10240x40xf32, #tpu.memory_space<vmem_shared>>
    tpu.wait_indirect_dma semaphore(%arg30 : memref<!tpu.dma_semaphore, #tpu.memory_space<semaphore_mem>>) src(%arg12 : memref<80x40xf32, #tpu.memory_space<vmem>>) dst(%dma_wait3A_240 : memref<10240x40xf32, #tpu.memory_space<vmem_shared>>)
    %dma_start3A_241 = arith.constant 123 : i32
    %dma_start3A_242 = arith.constant 0 : i32
    %dma_start3A_243 = tpu.memref_slice %arg7[%dma_start3A_241, %dma_start3A_242] : memref<125x80xi32, #tpu.memory_space<vmem>> -> memref<1x80xi32, #tpu.memory_space<vmem>>
    %dma_start3A_244 = tpu.memref_squeeze %dma_start3A_243 : memref<1x80xi32, #tpu.memory_space<vmem>> -> memref<80xi32, #tpu.memory_space<vmem>>
    %dma_start3A_245 = arith.constant 0 : i32
    %dma_start3A_246 = arith.constant 0 : i32
    %dma_start3A_247 = tpu.memref_slice %arg2[%dma_start3A_245, %dma_start3A_246] : memref<10000x40xf32, #tpu.memory_space<hbm>> -> memref<10000x40xf32, #tpu.memory_space<hbm>>
    tpu.enqueue_indirect_dma source(%dma_start3A_247 : memref<10000x40xf32, #tpu.memory_space<hbm>>) target(%arg12 : memref<80x40xf32, #tpu.memory_space<vmem>>) offsets(%dma_start3A_244 : memref<80xi32, #tpu.memory_space<vmem>>) semaphore(%arg22 : memref<!tpu.dma_semaphore, #tpu.memory_space<semaphore_mem>>)
    %dma_wait3A_248 = arith.constant 116 : i32
    %dma_wait3A_249 = arith.constant 0 : i32
    %dma_wait3A_250 = tpu.memref_slice %arg8[%dma_wait3A_248, %dma_wait3A_249] : memref<125x80xi32, #tpu.memory_space<vmem>> -> memref<1x80xi32, #tpu.memory_space<vmem>>
    %dma_wait3A_251 = tpu.memref_squeeze %dma_wait3A_250 : memref<1x80xi32, #tpu.memory_space<vmem>> -> memref<80xi32, #tpu.memory_space<vmem>>
    %dma_wait3A_252 = arith.constant 0 : i32
    %dma_wait3A_253 = arith.constant 0 : i32
    %dma_wait3A_254 = tpu.memref_slice %arg18[%dma_wait3A_252, %dma_wait3A_253] : memref<10240x40xf32, #tpu.memory_space<vmem_shared>> -> memref<10240x40xf32, #tpu.memory_space<vmem_shared>>
    tpu.wait_indirect_dma semaphore(%arg31 : memref<!tpu.dma_semaphore, #tpu.memory_space<semaphore_mem>>) src(%arg13 : memref<80x40xf32, #tpu.memory_space<vmem>>) dst(%dma_wait3A_254 : memref<10240x40xf32, #tpu.memory_space<vmem_shared>>)
    %dma_start3A_255 = arith.constant 124 : i32
    %dma_start3A_256 = arith.constant 0 : i32
    %dma_start3A_257 = tpu.memref_slice %arg7[%dma_start3A_255, %dma_start3A_256] : memref<125x80xi32, #tpu.memory_space<vmem>> -> memref<1x80xi32, #tpu.memory_space<vmem>>
    %dma_start3A_258 = tpu.memref_squeeze %dma_start3A_257 : memref<1x80xi32, #tpu.memory_space<vmem>> -> memref<80xi32, #tpu.memory_space<vmem>>
    %dma_start3A_259 = arith.constant 0 : i32
    %dma_start3A_260 = arith.constant 0 : i32
    %dma_start3A_261 = tpu.memref_slice %arg2[%dma_start3A_259, %dma_start3A_260] : memref<10000x40xf32, #tpu.memory_space<hbm>> -> memref<10000x40xf32, #tpu.memory_space<hbm>>
    tpu.enqueue_indirect_dma source(%dma_start3A_261 : memref<10000x40xf32, #tpu.memory_space<hbm>>) target(%arg13 : memref<80x40xf32, #tpu.memory_space<vmem>>) offsets(%dma_start3A_258 : memref<80xi32, #tpu.memory_space<vmem>>) semaphore(%arg23 : memref<!tpu.dma_semaphore, #tpu.memory_space<semaphore_mem>>)
    %dma_wait3A_262 = arith.constant 117 : i32
    %dma_wait3A_263 = arith.constant 0 : i32
    %dma_wait3A_264 = tpu.memref_slice %arg8[%dma_wait3A_262, %dma_wait3A_263] : memref<125x80xi32, #tpu.memory_space<vmem>> -> memref<1x80xi32, #tpu.memory_space<vmem>>
    %dma_wait3A_265 = tpu.memref_squeeze %dma_wait3A_264 : memref<1x80xi32, #tpu.memory_space<vmem>> -> memref<80xi32, #tpu.memory_space<vmem>>
    %dma_wait3A_266 = arith.constant 0 : i32
    %dma_wait3A_267 = arith.constant 0 : i32
    %dma_wait3A_268 = tpu.memref_slice %arg18[%dma_wait3A_266, %dma_wait3A_267] : memref<10240x40xf32, #tpu.memory_space<vmem_shared>> -> memref<10240x40xf32, #tpu.memory_space<vmem_shared>>
    tpu.wait_indirect_dma semaphore(%arg32 : memref<!tpu.dma_semaphore, #tpu.memory_space<semaphore_mem>>) src(%arg14 : memref<80x40xf32, #tpu.memory_space<vmem>>) dst(%dma_wait3A_268 : memref<10240x40xf32, #tpu.memory_space<vmem_shared>>)
    %dma_wait3A_269 = arith.constant 118 : i32
    %dma_wait3A_270 = arith.constant 0 : i32
    %dma_wait3A_271 = tpu.memref_slice %arg8[%dma_wait3A_269, %dma_wait3A_270] : memref<125x80xi32, #tpu.memory_space<vmem>> -> memref<1x80xi32, #tpu.memory_space<vmem>>
    %dma_wait3A_272 = tpu.memref_squeeze %dma_wait3A_271 : memref<1x80xi32, #tpu.memory_space<vmem>> -> memref<80xi32, #tpu.memory_space<vmem>>
    %dma_wait3A_273 = arith.constant 0 : i32
    %dma_wait3A_274 = arith.constant 0 : i32
    %dma_wait3A_275 = tpu.memref_slice %arg18[%dma_wait3A_273, %dma_wait3A_274] : memref<10240x40xf32, #tpu.memory_space<vmem_shared>> -> memref<10240x40xf32, #tpu.memory_space<vmem_shared>>
    tpu.wait_indirect_dma semaphore(%arg33 : memref<!tpu.dma_semaphore, #tpu.memory_space<semaphore_mem>>) src(%arg15 : memref<80x40xf32, #tpu.memory_space<vmem>>) dst(%dma_wait3A_275 : memref<10240x40xf32, #tpu.memory_space<vmem_shared>>)
    %dma_wait3A_276 = arith.constant 119 : i32
    %dma_wait3A_277 = arith.constant 0 : i32
    %dma_wait3A_278 = tpu.memref_slice %arg8[%dma_wait3A_276, %dma_wait3A_277] : memref<125x80xi32, #tpu.memory_space<vmem>> -> memref<1x80xi32, #tpu.memory_space<vmem>>
    %dma_wait3A_279 = tpu.memref_squeeze %dma_wait3A_278 : memref<1x80xi32, #tpu.memory_space<vmem>> -> memref<80xi32, #tpu.memory_space<vmem>>
    %dma_wait3A_280 = arith.constant 0 : i32
    %dma_wait3A_281 = arith.constant 0 : i32
    %dma_wait3A_282 = tpu.memref_slice %arg18[%dma_wait3A_280, %dma_wait3A_281] : memref<10240x40xf32, #tpu.memory_space<vmem_shared>> -> memref<10240x40xf32, #tpu.memory_space<vmem_shared>>
    tpu.wait_indirect_dma semaphore(%arg34 : memref<!tpu.dma_semaphore, #tpu.memory_space<semaphore_mem>>) src(%arg16 : memref<80x40xf32, #tpu.memory_space<vmem>>) dst(%dma_wait3A_282 : memref<10240x40xf32, #tpu.memory_space<vmem_shared>>)
    %dma_wait3A_283 = arith.constant 120 : i32
    %dma_wait3A_284 = arith.constant 0 : i32
    %dma_wait3A_285 = tpu.memref_slice %arg7[%dma_wait3A_283, %dma_wait3A_284] : memref<125x80xi32, #tpu.memory_space<vmem>> -> memref<1x80xi32, #tpu.memory_space<vmem>>
    %dma_wait3A_286 = tpu.memref_squeeze %dma_wait3A_285 : memref<1x80xi32, #tpu.memory_space<vmem>> -> memref<80xi32, #tpu.memory_space<vmem>>
    %dma_wait3A_287 = arith.constant 0 : i32
    %dma_wait3A_288 = arith.constant 0 : i32
    %dma_wait3A_289 = tpu.memref_slice %arg2[%dma_wait3A_287, %dma_wait3A_288] : memref<10000x40xf32, #tpu.memory_space<hbm>> -> memref<10000x40xf32, #tpu.memory_space<hbm>>
    tpu.wait_indirect_dma semaphore(%arg19 : memref<!tpu.dma_semaphore, #tpu.memory_space<semaphore_mem>>) src(%dma_wait3A_289 : memref<10000x40xf32, #tpu.memory_space<hbm>>) dst(%arg9 : memref<80x40xf32, #tpu.memory_space<vmem>>)
    %dma_start3A_290 = arith.constant 120 : i32
    %dma_start3A_291 = arith.constant 0 : i32
    %dma_start3A_292 = tpu.memref_slice %arg8[%dma_start3A_290, %dma_start3A_291] : memref<125x80xi32, #tpu.memory_space<vmem>> -> memref<1x80xi32, #tpu.memory_space<vmem>>
    %dma_start3A_293 = tpu.memref_squeeze %dma_start3A_292 : memref<1x80xi32, #tpu.memory_space<vmem>> -> memref<80xi32, #tpu.memory_space<vmem>>
    %dma_start3A_294 = arith.constant 0 : i32
    %dma_start3A_295 = arith.constant 0 : i32
    %dma_start3A_296 = tpu.memref_slice %arg18[%dma_start3A_294, %dma_start3A_295] : memref<10240x40xf32, #tpu.memory_space<vmem_shared>> -> memref<10240x40xf32, #tpu.memory_space<vmem_shared>>
    tpu.enqueue_indirect_dma source(%arg9 : memref<80x40xf32, #tpu.memory_space<vmem>>) target(%dma_start3A_296 : memref<10240x40xf32, #tpu.memory_space<vmem_shared>>) offsets(%dma_start3A_293 : memref<80xi32, #tpu.memory_space<vmem>>) semaphore(%arg27 : memref<!tpu.dma_semaphore, #tpu.memory_space<semaphore_mem>>) {add = true}
    %dma_wait3A_297 = arith.constant 121 : i32
    %dma_wait3A_298 = arith.constant 0 : i32
    %dma_wait3A_299 = tpu.memref_slice %arg7[%dma_wait3A_297, %dma_wait3A_298] : memref<125x80xi32, #tpu.memory_space<vmem>> -> memref<1x80xi32, #tpu.memory_space<vmem>>
    %dma_wait3A_300 = tpu.memref_squeeze %dma_wait3A_299 : memref<1x80xi32, #tpu.memory_space<vmem>> -> memref<80xi32, #tpu.memory_space<vmem>>
    %dma_wait3A_301 = arith.constant 0 : i32
    %dma_wait3A_302 = arith.constant 0 : i32
    %dma_wait3A_303 = tpu.memref_slice %arg2[%dma_wait3A_301, %dma_wait3A_302] : memref<10000x40xf32, #tpu.memory_space<hbm>> -> memref<10000x40xf32, #tpu.memory_space<hbm>>
    tpu.wait_indirect_dma semaphore(%arg20 : memref<!tpu.dma_semaphore, #tpu.memory_space<semaphore_mem>>) src(%dma_wait3A_303 : memref<10000x40xf32, #tpu.memory_space<hbm>>) dst(%arg10 : memref<80x40xf32, #tpu.memory_space<vmem>>)
    %dma_start3A_304 = arith.constant 121 : i32
    %dma_start3A_305 = arith.constant 0 : i32
    %dma_start3A_306 = tpu.memref_slice %arg8[%dma_start3A_304, %dma_start3A_305] : memref<125x80xi32, #tpu.memory_space<vmem>> -> memref<1x80xi32, #tpu.memory_space<vmem>>
    %dma_start3A_307 = tpu.memref_squeeze %dma_start3A_306 : memref<1x80xi32, #tpu.memory_space<vmem>> -> memref<80xi32, #tpu.memory_space<vmem>>
    %dma_start3A_308 = arith.constant 0 : i32
    %dma_start3A_309 = arith.constant 0 : i32
    %dma_start3A_310 = tpu.memref_slice %arg18[%dma_start3A_308, %dma_start3A_309] : memref<10240x40xf32, #tpu.memory_space<vmem_shared>> -> memref<10240x40xf32, #tpu.memory_space<vmem_shared>>
    tpu.enqueue_indirect_dma source(%arg10 : memref<80x40xf32, #tpu.memory_space<vmem>>) target(%dma_start3A_310 : memref<10240x40xf32, #tpu.memory_space<vmem_shared>>) offsets(%dma_start3A_307 : memref<80xi32, #tpu.memory_space<vmem>>) semaphore(%arg28 : memref<!tpu.dma_semaphore, #tpu.memory_space<semaphore_mem>>) {add = true}
    %dma_wait3A_311 = arith.constant 122 : i32
    %dma_wait3A_312 = arith.constant 0 : i32
    %dma_wait3A_313 = tpu.memref_slice %arg7[%dma_wait3A_311, %dma_wait3A_312] : memref<125x80xi32, #tpu.memory_space<vmem>> -> memref<1x80xi32, #tpu.memory_space<vmem>>
    %dma_wait3A_314 = tpu.memref_squeeze %dma_wait3A_313 : memref<1x80xi32, #tpu.memory_space<vmem>> -> memref<80xi32, #tpu.memory_space<vmem>>
    %dma_wait3A_315 = arith.constant 0 : i32
    %dma_wait3A_316 = arith.constant 0 : i32
    %dma_wait3A_317 = tpu.memref_slice %arg2[%dma_wait3A_315, %dma_wait3A_316] : memref<10000x40xf32, #tpu.memory_space<hbm>> -> memref<10000x40xf32, #tpu.memory_space<hbm>>
    tpu.wait_indirect_dma semaphore(%arg21 : memref<!tpu.dma_semaphore, #tpu.memory_space<semaphore_mem>>) src(%dma_wait3A_317 : memref<10000x40xf32, #tpu.memory_space<hbm>>) dst(%arg11 : memref<80x40xf32, #tpu.memory_space<vmem>>)
    %dma_start3A_318 = arith.constant 122 : i32
    %dma_start3A_319 = arith.constant 0 : i32
    %dma_start3A_320 = tpu.memref_slice %arg8[%dma_start3A_318, %dma_start3A_319] : memref<125x80xi32, #tpu.memory_space<vmem>> -> memref<1x80xi32, #tpu.memory_space<vmem>>
    %dma_start3A_321 = tpu.memref_squeeze %dma_start3A_320 : memref<1x80xi32, #tpu.memory_space<vmem>> -> memref<80xi32, #tpu.memory_space<vmem>>
    %dma_start3A_322 = arith.constant 0 : i32
    %dma_start3A_323 = arith.constant 0 : i32
    %dma_start3A_324 = tpu.memref_slice %arg18[%dma_start3A_322, %dma_start3A_323] : memref<10240x40xf32, #tpu.memory_space<vmem_shared>> -> memref<10240x40xf32, #tpu.memory_space<vmem_shared>>
    tpu.enqueue_indirect_dma source(%arg11 : memref<80x40xf32, #tpu.memory_space<vmem>>) target(%dma_start3A_324 : memref<10240x40xf32, #tpu.memory_space<vmem_shared>>) offsets(%dma_start3A_321 : memref<80xi32, #tpu.memory_space<vmem>>) semaphore(%arg29 : memref<!tpu.dma_semaphore, #tpu.memory_space<semaphore_mem>>) {add = true}
    %dma_wait3A_325 = arith.constant 123 : i32
    %dma_wait3A_326 = arith.constant 0 : i32
    %dma_wait3A_327 = tpu.memref_slice %arg7[%dma_wait3A_325, %dma_wait3A_326] : memref<125x80xi32, #tpu.memory_space<vmem>> -> memref<1x80xi32, #tpu.memory_space<vmem>>
    %dma_wait3A_328 = tpu.memref_squeeze %dma_wait3A_327 : memref<1x80xi32, #tpu.memory_space<vmem>> -> memref<80xi32, #tpu.memory_space<vmem>>
    %dma_wait3A_329 = arith.constant 0 : i32
    %dma_wait3A_330 = arith.constant 0 : i32
    %dma_wait3A_331 = tpu.memref_slice %arg2[%dma_wait3A_329, %dma_wait3A_330] : memref<10000x40xf32, #tpu.memory_space<hbm>> -> memref<10000x40xf32, #tpu.memory_space<hbm>>
    tpu.wait_indirect_dma semaphore(%arg22 : memref<!tpu.dma_semaphore, #tpu.memory_space<semaphore_mem>>) src(%dma_wait3A_331 : memref<10000x40xf32, #tpu.memory_space<hbm>>) dst(%arg12 : memref<80x40xf32, #tpu.memory_space<vmem>>)
    %dma_start3A_332 = arith.constant 123 : i32
    %dma_start3A_333 = arith.constant 0 : i32
    %dma_start3A_334 = tpu.memref_slice %arg8[%dma_start3A_332, %dma_start3A_333] : memref<125x80xi32, #tpu.memory_space<vmem>> -> memref<1x80xi32, #tpu.memory_space<vmem>>
    %dma_start3A_335 = tpu.memref_squeeze %dma_start3A_334 : memref<1x80xi32, #tpu.memory_space<vmem>> -> memref<80xi32, #tpu.memory_space<vmem>>
    %dma_start3A_336 = arith.constant 0 : i32
    %dma_start3A_337 = arith.constant 0 : i32
    %dma_start3A_338 = tpu.memref_slice %arg18[%dma_start3A_336, %dma_start3A_337] : memref<10240x40xf32, #tpu.memory_space<vmem_shared>> -> memref<10240x40xf32, #tpu.memory_space<vmem_shared>>
    tpu.enqueue_indirect_dma source(%arg12 : memref<80x40xf32, #tpu.memory_space<vmem>>) target(%dma_start3A_338 : memref<10240x40xf32, #tpu.memory_space<vmem_shared>>) offsets(%dma_start3A_335 : memref<80xi32, #tpu.memory_space<vmem>>) semaphore(%arg30 : memref<!tpu.dma_semaphore, #tpu.memory_space<semaphore_mem>>) {add = true}
    %dma_wait3A_339 = arith.constant 124 : i32
    %dma_wait3A_340 = arith.constant 0 : i32
    %dma_wait3A_341 = tpu.memref_slice %arg7[%dma_wait3A_339, %dma_wait3A_340] : memref<125x80xi32, #tpu.memory_space<vmem>> -> memref<1x80xi32, #tpu.memory_space<vmem>>
    %dma_wait3A_342 = tpu.memref_squeeze %dma_wait3A_341 : memref<1x80xi32, #tpu.memory_space<vmem>> -> memref<80xi32, #tpu.memory_space<vmem>>
    %dma_wait3A_343 = arith.constant 0 : i32
    %dma_wait3A_344 = arith.constant 0 : i32
    %dma_wait3A_345 = tpu.memref_slice %arg2[%dma_wait3A_343, %dma_wait3A_344] : memref<10000x40xf32, #tpu.memory_space<hbm>> -> memref<10000x40xf32, #tpu.memory_space<hbm>>
    tpu.wait_indirect_dma semaphore(%arg23 : memref<!tpu.dma_semaphore, #tpu.memory_space<semaphore_mem>>) src(%dma_wait3A_345 : memref<10000x40xf32, #tpu.memory_space<hbm>>) dst(%arg13 : memref<80x40xf32, #tpu.memory_space<vmem>>)
    %dma_start3A_346 = arith.constant 124 : i32
    %dma_start3A_347 = arith.constant 0 : i32
    %dma_start3A_348 = tpu.memref_slice %arg8[%dma_start3A_346, %dma_start3A_347] : memref<125x80xi32, #tpu.memory_space<vmem>> -> memref<1x80xi32, #tpu.memory_space<vmem>>
    %dma_start3A_349 = tpu.memref_squeeze %dma_start3A_348 : memref<1x80xi32, #tpu.memory_space<vmem>> -> memref<80xi32, #tpu.memory_space<vmem>>
    %dma_start3A_350 = arith.constant 0 : i32
    %dma_start3A_351 = arith.constant 0 : i32
    %dma_start3A_352 = tpu.memref_slice %arg18[%dma_start3A_350, %dma_start3A_351] : memref<10240x40xf32, #tpu.memory_space<vmem_shared>> -> memref<10240x40xf32, #tpu.memory_space<vmem_shared>>
    tpu.enqueue_indirect_dma source(%arg13 : memref<80x40xf32, #tpu.memory_space<vmem>>) target(%dma_start3A_352 : memref<10240x40xf32, #tpu.memory_space<vmem_shared>>) offsets(%dma_start3A_349 : memref<80xi32, #tpu.memory_space<vmem>>) semaphore(%arg31 : memref<!tpu.dma_semaphore, #tpu.memory_space<semaphore_mem>>) {add = true}
    %dma_wait3A_353 = arith.constant 120 : i32
    %dma_wait3A_354 = arith.constant 0 : i32
    %dma_wait3A_355 = tpu.memref_slice %arg8[%dma_wait3A_353, %dma_wait3A_354] : memref<125x80xi32, #tpu.memory_space<vmem>> -> memref<1x80xi32, #tpu.memory_space<vmem>>
    %dma_wait3A_356 = tpu.memref_squeeze %dma_wait3A_355 : memref<1x80xi32, #tpu.memory_space<vmem>> -> memref<80xi32, #tpu.memory_space<vmem>>
    %dma_wait3A_357 = arith.constant 0 : i32
    %dma_wait3A_358 = arith.constant 0 : i32
    %dma_wait3A_359 = tpu.memref_slice %arg18[%dma_wait3A_357, %dma_wait3A_358] : memref<10240x40xf32, #tpu.memory_space<vmem_shared>> -> memref<10240x40xf32, #tpu.memory_space<vmem_shared>>
    tpu.wait_indirect_dma semaphore(%arg27 : memref<!tpu.dma_semaphore, #tpu.memory_space<semaphore_mem>>) src(%arg9 : memref<80x40xf32, #tpu.memory_space<vmem>>) dst(%dma_wait3A_359 : memref<10240x40xf32, #tpu.memory_space<vmem_shared>>)
    %dma_wait3A_360 = arith.constant 121 : i32
    %dma_wait3A_361 = arith.constant 0 : i32
    %dma_wait3A_362 = tpu.memref_slice %arg8[%dma_wait3A_360, %dma_wait3A_361] : memref<125x80xi32, #tpu.memory_space<vmem>> -> memref<1x80xi32, #tpu.memory_space<vmem>>
    %dma_wait3A_363 = tpu.memref_squeeze %dma_wait3A_362 : memref<1x80xi32, #tpu.memory_space<vmem>> -> memref<80xi32, #tpu.memory_space<vmem>>
    %dma_wait3A_364 = arith.constant 0 : i32
    %dma_wait3A_365 = arith.constant 0 : i32
    %dma_wait3A_366 = tpu.memref_slice %arg18[%dma_wait3A_364, %dma_wait3A_365] : memref<10240x40xf32, #tpu.memory_space<vmem_shared>> -> memref<10240x40xf32, #tpu.memory_space<vmem_shared>>
    tpu.wait_indirect_dma semaphore(%arg28 : memref<!tpu.dma_semaphore, #tpu.memory_space<semaphore_mem>>) src(%arg10 : memref<80x40xf32, #tpu.memory_space<vmem>>) dst(%dma_wait3A_366 : memref<10240x40xf32, #tpu.memory_space<vmem_shared>>)
    %dma_wait3A_367 = arith.constant 122 : i32
    %dma_wait3A_368 = arith.constant 0 : i32
    %dma_wait3A_369 = tpu.memref_slice %arg8[%dma_wait3A_367, %dma_wait3A_368] : memref<125x80xi32, #tpu.memory_space<vmem>> -> memref<1x80xi32, #tpu.memory_space<vmem>>
    %dma_wait3A_370 = tpu.memref_squeeze %dma_wait3A_369 : memref<1x80xi32, #tpu.memory_space<vmem>> -> memref<80xi32, #tpu.memory_space<vmem>>
    %dma_wait3A_371 = arith.constant 0 : i32
    %dma_wait3A_372 = arith.constant 0 : i32
    %dma_wait3A_373 = tpu.memref_slice %arg18[%dma_wait3A_371, %dma_wait3A_372] : memref<10240x40xf32, #tpu.memory_space<vmem_shared>> -> memref<10240x40xf32, #tpu.memory_space<vmem_shared>>
    tpu.wait_indirect_dma semaphore(%arg29 : memref<!tpu.dma_semaphore, #tpu.memory_space<semaphore_mem>>) src(%arg11 : memref<80x40xf32, #tpu.memory_space<vmem>>) dst(%dma_wait3A_373 : memref<10240x40xf32, #tpu.memory_space<vmem_shared>>)
    %dma_wait3A_374 = arith.constant 123 : i32
    %dma_wait3A_375 = arith.constant 0 : i32
    %dma_wait3A_376 = tpu.memref_slice %arg8[%dma_wait3A_374, %dma_wait3A_375] : memref<125x80xi32, #tpu.memory_space<vmem>> -> memref<1x80xi32, #tpu.memory_space<vmem>>
    %dma_wait3A_377 = tpu.memref_squeeze %dma_wait3A_376 : memref<1x80xi32, #tpu.memory_space<vmem>> -> memref<80xi32, #tpu.memory_space<vmem>>
    %dma_wait3A_378 = arith.constant 0 : i32
    %dma_wait3A_379 = arith.constant 0 : i32
    %dma_wait3A_380 = tpu.memref_slice %arg18[%dma_wait3A_378, %dma_wait3A_379] : memref<10240x40xf32, #tpu.memory_space<vmem_shared>> -> memref<10240x40xf32, #tpu.memory_space<vmem_shared>>
    tpu.wait_indirect_dma semaphore(%arg30 : memref<!tpu.dma_semaphore, #tpu.memory_space<semaphore_mem>>) src(%arg12 : memref<80x40xf32, #tpu.memory_space<vmem>>) dst(%dma_wait3A_380 : memref<10240x40xf32, #tpu.memory_space<vmem_shared>>)
    %dma_wait3A_381 = arith.constant 124 : i32
    %dma_wait3A_382 = arith.constant 0 : i32
    %dma_wait3A_383 = tpu.memref_slice %arg8[%dma_wait3A_381, %dma_wait3A_382] : memref<125x80xi32, #tpu.memory_space<vmem>> -> memref<1x80xi32, #tpu.memory_space<vmem>>
    %dma_wait3A_384 = tpu.memref_squeeze %dma_wait3A_383 : memref<1x80xi32, #tpu.memory_space<vmem>> -> memref<80xi32, #tpu.memory_space<vmem>>
    %dma_wait3A_385 = arith.constant 0 : i32
    %dma_wait3A_386 = arith.constant 0 : i32
    %dma_wait3A_387 = tpu.memref_slice %arg18[%dma_wait3A_385, %dma_wait3A_386] : memref<10240x40xf32, #tpu.memory_space<vmem_shared>> -> memref<10240x40xf32, #tpu.memory_space<vmem_shared>>
    tpu.wait_indirect_dma semaphore(%arg31 : memref<!tpu.dma_semaphore, #tpu.memory_space<semaphore_mem>>) src(%arg13 : memref<80x40xf32, #tpu.memory_space<vmem>>) dst(%dma_wait3A_387 : memref<10240x40xf32, #tpu.memory_space<vmem_shared>>)
    %barrier3A_388 = arith.constant 0 : index
    tpu.barrier barrier_id(%barrier3A_388)
    %mul3A_389 = arith.constant 640 : i32
    %mul3A_390 = arith.muli %arg1, %mul3A_389 : i32
    %add3A_391 = arith.constant 0 : i32
    %add3A_392 = arith.addi %mul3A_390, %add3A_391 : i32
    "tpu.region"() ({
      %run_scoped3A = tpu.sem_alloc : memref<!tpu.dma_semaphore, #tpu.memory_space<semaphore_mem>>
      %dma_start3A_409 = arith.constant 0 : i32
      %dma_start3A_410 = tpu.memref_slice %arg6[%arg0, %add3A_392, %dma_start3A_409] : memref<2x10240x40xf32, #tpu.memory_space<hbm>> -> memref<1x128x40xf32, #tpu.memory_space<hbm>>
      %dma_start3A_411 = tpu.memref_squeeze %dma_start3A_410 : memref<1x128x40xf32, #tpu.memory_space<hbm>> -> memref<128x40xf32, #tpu.memory_space<hbm>>
      %dma_start3A_412 = arith.constant 0 : i32
      %dma_start3A_413 = tpu.memref_slice %arg18[%add3A_392, %dma_start3A_412] : memref<10240x40xf32, #tpu.memory_space<vmem_shared>> -> memref<128x40xf32, #tpu.memory_space<vmem_shared>>
      tpu.enqueue_dma source(%dma_start3A_413 : memref<128x40xf32, #tpu.memory_space<vmem_shared>>) target(%dma_start3A_411 : memref<128x40xf32, #tpu.memory_space<hbm>>) target_semaphore(%run_scoped3A : memref<!tpu.dma_semaphore, #tpu.memory_space<semaphore_mem>>)
      %dma_wait3A_414 = arith.constant 0 : i32
      %dma_wait3A_415 = tpu.memref_slice %arg6[%arg0, %add3A_392, %dma_wait3A_414] : memref<2x10240x40xf32, #tpu.memory_space<hbm>> -> memref<1x128x40xf32, #tpu.memory_space<hbm>>
      %dma_wait3A_416 = tpu.memref_squeeze %dma_wait3A_415 : memref<1x128x40xf32, #tpu.memory_space<hbm>> -> memref<128x40xf32, #tpu.memory_space<hbm>>
      %dma_wait3A_417 = arith.constant 0 : i32
      %dma_wait3A_418 = tpu.memref_slice %arg18[%add3A_392, %dma_wait3A_417] : memref<10240x40xf32, #tpu.memory_space<vmem_shared>> -> memref<128x40xf32, #tpu.memory_space<vmem_shared>>
      tpu.wait_dma2 semaphore(%run_scoped3A : memref<!tpu.dma_semaphore, #tpu.memory_space<semaphore_mem>>) src(%dma_wait3A_418 : memref<128x40xf32, #tpu.memory_space<vmem_shared>>) dst(%dma_wait3A_416 : memref<128x40xf32, #tpu.memory_space<hbm>>)
      tpu.yield
    }) : () -> ()
    %mul3A_393 = arith.constant 640 : i32
    %mul3A_394 = arith.muli %arg1, %mul3A_393 : i32
    %add3A_395 = arith.constant 128 : i32
    %add3A_396 = arith.addi %mul3A_394, %add3A_395 : i32
    "tpu.region"() ({
      %run_scoped3A = tpu.sem_alloc : memref<!tpu.dma_semaphore, #tpu.memory_space<semaphore_mem>>
      %dma_start3A_409 = arith.constant 0 : i32
      %dma_start3A_410 = tpu.memref_slice %arg6[%arg0, %add3A_396, %dma_start3A_409] : memref<2x10240x40xf32, #tpu.memory_space<hbm>> -> memref<1x128x40xf32, #tpu.memory_space<hbm>>
      %dma_start3A_411 = tpu.memref_squeeze %dma_start3A_410 : memref<1x128x40xf32, #tpu.memory_space<hbm>> -> memref<128x40xf32, #tpu.memory_space<hbm>>
      %dma_start3A_412 = arith.constant 0 : i32
      %dma_start3A_413 = tpu.memref_slice %arg18[%add3A_396, %dma_start3A_412] : memref<10240x40xf32, #tpu.memory_space<vmem_shared>> -> memref<128x40xf32, #tpu.memory_space<vmem_shared>>
      tpu.enqueue_dma source(%dma_start3A_413 : memref<128x40xf32, #tpu.memory_space<vmem_shared>>) target(%dma_start3A_411 : memref<128x40xf32, #tpu.memory_space<hbm>>) target_semaphore(%run_scoped3A : memref<!tpu.dma_semaphore, #tpu.memory_space<semaphore_mem>>)
      %dma_wait3A_414 = arith.constant 0 : i32
      %dma_wait3A_415 = tpu.memref_slice %arg6[%arg0, %add3A_396, %dma_wait3A_414] : memref<2x10240x40xf32, #tpu.memory_space<hbm>> -> memref<1x128x40xf32, #tpu.memory_space<hbm>>
      %dma_wait3A_416 = tpu.memref_squeeze %dma_wait3A_415 : memref<1x128x40xf32, #tpu.memory_space<hbm>> -> memref<128x40xf32, #tpu.memory_space<hbm>>
      %dma_wait3A_417 = arith.constant 0 : i32
      %dma_wait3A_418 = tpu.memref_slice %arg18[%add3A_396, %dma_wait3A_417] : memref<10240x40xf32, #tpu.memory_space<vmem_shared>> -> memref<128x40xf32, #tpu.memory_space<vmem_shared>>
      tpu.wait_dma2 semaphore(%run_scoped3A : memref<!tpu.dma_semaphore, #tpu.memory_space<semaphore_mem>>) src(%dma_wait3A_418 : memref<128x40xf32, #tpu.memory_space<vmem_shared>>) dst(%dma_wait3A_416 : memref<128x40xf32, #tpu.memory_space<hbm>>)
      tpu.yield
    }) : () -> ()
    %mul3A_397 = arith.constant 640 : i32
    %mul3A_398 = arith.muli %arg1, %mul3A_397 : i32
    %add3A_399 = arith.constant 256 : i32
    %add3A_400 = arith.addi %mul3A_398, %add3A_399 : i32
    "tpu.region"() ({
      %run_scoped3A = tpu.sem_alloc : memref<!tpu.dma_semaphore, #tpu.memory_space<semaphore_mem>>
      %dma_start3A_409 = arith.constant 0 : i32
      %dma_start3A_410 = tpu.memref_slice %arg6[%arg0, %add3A_400, %dma_start3A_409] : memref<2x10240x40xf32, #tpu.memory_space<hbm>> -> memref<1x128x40xf32, #tpu.memory_space<hbm>>
      %dma_start3A_411 = tpu.memref_squeeze %dma_start3A_410 : memref<1x128x40xf32, #tpu.memory_space<hbm>> -> memref<128x40xf32, #tpu.memory_space<hbm>>
      %dma_start3A_412 = arith.constant 0 : i32
      %dma_start3A_413 = tpu.memref_slice %arg18[%add3A_400, %dma_start3A_412] : memref<10240x40xf32, #tpu.memory_space<vmem_shared>> -> memref<128x40xf32, #tpu.memory_space<vmem_shared>>
      tpu.enqueue_dma source(%dma_start3A_413 : memref<128x40xf32, #tpu.memory_space<vmem_shared>>) target(%dma_start3A_411 : memref<128x40xf32, #tpu.memory_space<hbm>>) target_semaphore(%run_scoped3A : memref<!tpu.dma_semaphore, #tpu.memory_space<semaphore_mem>>)
      %dma_wait3A_414 = arith.constant 0 : i32
      %dma_wait3A_415 = tpu.memref_slice %arg6[%arg0, %add3A_400, %dma_wait3A_414] : memref<2x10240x40xf32, #tpu.memory_space<hbm>> -> memref<1x128x40xf32, #tpu.memory_space<hbm>>
      %dma_wait3A_416 = tpu.memref_squeeze %dma_wait3A_415 : memref<1x128x40xf32, #tpu.memory_space<hbm>> -> memref<128x40xf32, #tpu.memory_space<hbm>>
      %dma_wait3A_417 = arith.constant 0 : i32
      %dma_wait3A_418 = tpu.memref_slice %arg18[%add3A_400, %dma_wait3A_417] : memref<10240x40xf32, #tpu.memory_space<vmem_shared>> -> memref<128x40xf32, #tpu.memory_space<vmem_shared>>
      tpu.wait_dma2 semaphore(%run_scoped3A : memref<!tpu.dma_semaphore, #tpu.memory_space<semaphore_mem>>) src(%dma_wait3A_418 : memref<128x40xf32, #tpu.memory_space<vmem_shared>>) dst(%dma_wait3A_416 : memref<128x40xf32, #tpu.memory_space<hbm>>)
      tpu.yield
    }) : () -> ()
    %mul3A_401 = arith.constant 640 : i32
    %mul3A_402 = arith.muli %arg1, %mul3A_401 : i32
    %add3A_403 = arith.constant 384 : i32
    %add3A_404 = arith.addi %mul3A_402, %add3A_403 : i32
    "tpu.region"() ({
      %run_scoped3A = tpu.sem_alloc : memref<!tpu.dma_semaphore, #tpu.memory_space<semaphore_mem>>
      %dma_start3A_409 = arith.constant 0 : i32
      %dma_start3A_410 = tpu.memref_slice %arg6[%arg0, %add3A_404, %dma_start3A_409] : memref<2x10240x40xf32, #tpu.memory_space<hbm>> -> memref<1x128x40xf32, #tpu.memory_space<hbm>>
      %dma_start3A_411 = tpu.memref_squeeze %dma_start3A_410 : memref<1x128x40xf32, #tpu.memory_space<hbm>> -> memref<128x40xf32, #tpu.memory_space<hbm>>
      %dma_start3A_412 = arith.constant 0 : i32
      %dma_start3A_413 = tpu.memref_slice %arg18[%add3A_404, %dma_start3A_412] : memref<10240x40xf32, #tpu.memory_space<vmem_shared>> -> memref<128x40xf32, #tpu.memory_space<vmem_shared>>
      tpu.enqueue_dma source(%dma_start3A_413 : memref<128x40xf32, #tpu.memory_space<vmem_shared>>) target(%dma_start3A_411 : memref<128x40xf32, #tpu.memory_space<hbm>>) target_semaphore(%run_scoped3A : memref<!tpu.dma_semaphore, #tpu.memory_space<semaphore_mem>>)
      %dma_wait3A_414 = arith.constant 0 : i32
      %dma_wait3A_415 = tpu.memref_slice %arg6[%arg0, %add3A_404, %dma_wait3A_414] : memref<2x10240x40xf32, #tpu.memory_space<hbm>> -> memref<1x128x40xf32, #tpu.memory_space<hbm>>
      %dma_wait3A_416 = tpu.memref_squeeze %dma_wait3A_415 : memref<1x128x40xf32, #tpu.memory_space<hbm>> -> memref<128x40xf32, #tpu.memory_space<hbm>>
      %dma_wait3A_417 = arith.constant 0 : i32
      %dma_wait3A_418 = tpu.memref_slice %arg18[%add3A_404, %dma_wait3A_417] : memref<10240x40xf32, #tpu.memory_space<vmem_shared>> -> memref<128x40xf32, #tpu.memory_space<vmem_shared>>
      tpu.wait_dma2 semaphore(%run_scoped3A : memref<!tpu.dma_semaphore, #tpu.memory_space<semaphore_mem>>) src(%dma_wait3A_418 : memref<128x40xf32, #tpu.memory_space<vmem_shared>>) dst(%dma_wait3A_416 : memref<128x40xf32, #tpu.memory_space<hbm>>)
      tpu.yield
    }) : () -> ()
    %mul3A_405 = arith.constant 640 : i32
    %mul3A_406 = arith.muli %arg1, %mul3A_405 : i32
    %add3A_407 = arith.constant 512 : i32
    %add3A_408 = arith.addi %mul3A_406, %add3A_407 : i32
    "tpu.region"() ({
      %run_scoped3A = tpu.sem_alloc : memref<!tpu.dma_semaphore, #tpu.memory_space<semaphore_mem>>
      %dma_start3A_409 = arith.constant 0 : i32
      %dma_start3A_410 = tpu.memref_slice %arg6[%arg0, %add3A_408, %dma_start3A_409] : memref<2x10240x40xf32, #tpu.memory_space<hbm>> -> memref<1x128x40xf32, #tpu.memory_space<hbm>>
      %dma_start3A_411 = tpu.memref_squeeze %dma_start3A_410 : memref<1x128x40xf32, #tpu.memory_space<hbm>> -> memref<128x40xf32, #tpu.memory_space<hbm>>
      %dma_start3A_412 = arith.constant 0 : i32
      %dma_start3A_413 = tpu.memref_slice %arg18[%add3A_408, %dma_start3A_412] : memref<10240x40xf32, #tpu.memory_space<vmem_shared>> -> memref<128x40xf32, #tpu.memory_space<vmem_shared>>
      tpu.enqueue_dma source(%dma_start3A_413 : memref<128x40xf32, #tpu.memory_space<vmem_shared>>) target(%dma_start3A_411 : memref<128x40xf32, #tpu.memory_space<hbm>>) target_semaphore(%run_scoped3A : memref<!tpu.dma_semaphore, #tpu.memory_space<semaphore_mem>>)
      %dma_wait3A_414 = arith.constant 0 : i32
      %dma_wait3A_415 = tpu.memref_slice %arg6[%arg0, %add3A_408, %dma_wait3A_414] : memref<2x10240x40xf32, #tpu.memory_space<hbm>> -> memref<1x128x40xf32, #tpu.memory_space<hbm>>
      %dma_wait3A_416 = tpu.memref_squeeze %dma_wait3A_415 : memref<1x128x40xf32, #tpu.memory_space<hbm>> -> memref<128x40xf32, #tpu.memory_space<hbm>>
      %dma_wait3A_417 = arith.constant 0 : i32
      %dma_wait3A_418 = tpu.memref_slice %arg18[%add3A_408, %dma_wait3A_417] : memref<10240x40xf32, #tpu.memory_space<vmem_shared>> -> memref<128x40xf32, #tpu.memory_space<vmem_shared>>
      tpu.wait_dma2 semaphore(%run_scoped3A : memref<!tpu.dma_semaphore, #tpu.memory_space<semaphore_mem>>) src(%dma_wait3A_418 : memref<128x40xf32, #tpu.memory_space<vmem_shared>>) dst(%dma_wait3A_416 : memref<128x40xf32, #tpu.memory_space<hbm>>)
      tpu.yield
    }) : () -> ()
    return
  }
}

#map = affine_map<(d0, d1) -> (0, 0, 0)>
#map1 = affine_map<(d0, d1) -> (0, 0)>
module attributes {stable_mosaic.version = 14 : i64} {
  func.func @_deg_kernel(%arg0: i32, %arg1: i32, %arg2: memref<32x125x80xi32, #tpu.memory_space<hbm>>, %arg3: memref<80x8xf32, #tpu.memory_space<hbm>>, %arg4: memref<128x8xf32, #tpu.memory_space<hbm>>, %arg5: memref<2x10240x8xf32, #tpu.memory_space<hbm>>, %arg6: memref<125x80xi32, #tpu.memory_space<vmem>>, %arg7: memref<80x8xf32, #tpu.memory_space<vmem>>, %arg8: memref<128x8xf32, #tpu.memory_space<vmem>>, %arg9: memref<10240x8xf32, #tpu.memory_space<vmem_shared>>, %arg10: memref<!tpu.dma_semaphore, #tpu.memory_space<semaphore_mem>>) attributes {dimension_semantics = [#tpu.dimension_semantics<core_parallel>, #tpu.dimension_semantics<subcore_parallel>], iteration_bounds = array<i64: 2, 16>, scalar_prefetch = 0 : i64, scratch_operands = 5 : i64, tpu.core_type = #tpu.core_type<sc_vector_subcore>, window_params = [{transform_indices = #map}, {transform_indices = #map1}, {transform_indices = #map1}, {transform_indices = #map}]} {
    %mul3A = arith.constant 16 : i32
    %mul3A_0 = arith.muli %arg0, %mul3A : i32
    %add3A = arith.addi %mul3A_0, %arg1 : i32
    "tpu.region"() ({
      %run_scoped3A = tpu.sem_alloc : memref<!tpu.dma_semaphore, #tpu.memory_space<semaphore_mem>>
      tpu.enqueue_dma source(%arg4 : memref<128x8xf32, #tpu.memory_space<hbm>>) target(%arg8 : memref<128x8xf32, #tpu.memory_space<vmem>>) target_semaphore(%run_scoped3A : memref<!tpu.dma_semaphore, #tpu.memory_space<semaphore_mem>>)
      tpu.wait_dma2 semaphore(%run_scoped3A : memref<!tpu.dma_semaphore, #tpu.memory_space<semaphore_mem>>) src(%arg4 : memref<128x8xf32, #tpu.memory_space<hbm>>) dst(%arg8 : memref<128x8xf32, #tpu.memory_space<vmem>>)
      tpu.yield
    }) : () -> ()
    %mul3A_1 = arith.constant 640 : i32
    %mul3A_2 = arith.muli %arg1, %mul3A_1 : i32
    %add3A_3 = arith.constant 0 : i32
    %add3A_4 = arith.addi %mul3A_2, %add3A_3 : i32
    "tpu.region"() ({
      %run_scoped3A = tpu.sem_alloc : memref<!tpu.dma_semaphore, #tpu.memory_space<semaphore_mem>>
      %dma_start3A = arith.constant 0 : i32
      %dma_start3A_53 = tpu.memref_slice %arg9[%add3A_4, %dma_start3A] : memref<10240x8xf32, #tpu.memory_space<vmem_shared>> -> memref<128x8xf32, #tpu.memory_space<vmem_shared>>
      %dma_start3A_54 = arith.constant 0 : i32
      %dma_start3A_55 = tpu.memref_slice %arg9[%add3A_4, %dma_start3A_54] : memref<10240x8xf32, #tpu.memory_space<vmem_shared>> -> memref<128x8xf32, #tpu.memory_space<vmem_shared>>
      tpu.enqueue_dma source(%arg8 : memref<128x8xf32, #tpu.memory_space<vmem>>) target(%dma_start3A_55 : memref<128x8xf32, #tpu.memory_space<vmem_shared>>) target_semaphore(%run_scoped3A : memref<!tpu.dma_semaphore, #tpu.memory_space<semaphore_mem>>)
      %dma_wait3A = arith.constant 0 : i32
      %dma_wait3A_56 = tpu.memref_slice %arg9[%add3A_4, %dma_wait3A] : memref<10240x8xf32, #tpu.memory_space<vmem_shared>> -> memref<128x8xf32, #tpu.memory_space<vmem_shared>>
      %dma_wait3A_57 = arith.constant 0 : i32
      %dma_wait3A_58 = tpu.memref_slice %arg9[%add3A_4, %dma_wait3A_57] : memref<10240x8xf32, #tpu.memory_space<vmem_shared>> -> memref<128x8xf32, #tpu.memory_space<vmem_shared>>
      tpu.wait_dma2 semaphore(%run_scoped3A : memref<!tpu.dma_semaphore, #tpu.memory_space<semaphore_mem>>) src(%arg8 : memref<128x8xf32, #tpu.memory_space<vmem>>) dst(%dma_wait3A_58 : memref<128x8xf32, #tpu.memory_space<vmem_shared>>)
      tpu.yield
    }) : () -> ()
    %mul3A_5 = arith.constant 640 : i32
    %mul3A_6 = arith.muli %arg1, %mul3A_5 : i32
    %add3A_7 = arith.constant 128 : i32
    %add3A_8 = arith.addi %mul3A_6, %add3A_7 : i32
    "tpu.region"() ({
      %run_scoped3A = tpu.sem_alloc : memref<!tpu.dma_semaphore, #tpu.memory_space<semaphore_mem>>
      %dma_start3A = arith.constant 0 : i32
      %dma_start3A_53 = tpu.memref_slice %arg9[%add3A_8, %dma_start3A] : memref<10240x8xf32, #tpu.memory_space<vmem_shared>> -> memref<128x8xf32, #tpu.memory_space<vmem_shared>>
      %dma_start3A_54 = arith.constant 0 : i32
      %dma_start3A_55 = tpu.memref_slice %arg9[%add3A_8, %dma_start3A_54] : memref<10240x8xf32, #tpu.memory_space<vmem_shared>> -> memref<128x8xf32, #tpu.memory_space<vmem_shared>>
      tpu.enqueue_dma source(%arg8 : memref<128x8xf32, #tpu.memory_space<vmem>>) target(%dma_start3A_55 : memref<128x8xf32, #tpu.memory_space<vmem_shared>>) target_semaphore(%run_scoped3A : memref<!tpu.dma_semaphore, #tpu.memory_space<semaphore_mem>>)
      %dma_wait3A = arith.constant 0 : i32
      %dma_wait3A_56 = tpu.memref_slice %arg9[%add3A_8, %dma_wait3A] : memref<10240x8xf32, #tpu.memory_space<vmem_shared>> -> memref<128x8xf32, #tpu.memory_space<vmem_shared>>
      %dma_wait3A_57 = arith.constant 0 : i32
      %dma_wait3A_58 = tpu.memref_slice %arg9[%add3A_8, %dma_wait3A_57] : memref<10240x8xf32, #tpu.memory_space<vmem_shared>> -> memref<128x8xf32, #tpu.memory_space<vmem_shared>>
      tpu.wait_dma2 semaphore(%run_scoped3A : memref<!tpu.dma_semaphore, #tpu.memory_space<semaphore_mem>>) src(%arg8 : memref<128x8xf32, #tpu.memory_space<vmem>>) dst(%dma_wait3A_58 : memref<128x8xf32, #tpu.memory_space<vmem_shared>>)
      tpu.yield
    }) : () -> ()
    %mul3A_9 = arith.constant 640 : i32
    %mul3A_10 = arith.muli %arg1, %mul3A_9 : i32
    %add3A_11 = arith.constant 256 : i32
    %add3A_12 = arith.addi %mul3A_10, %add3A_11 : i32
    "tpu.region"() ({
      %run_scoped3A = tpu.sem_alloc : memref<!tpu.dma_semaphore, #tpu.memory_space<semaphore_mem>>
      %dma_start3A = arith.constant 0 : i32
      %dma_start3A_53 = tpu.memref_slice %arg9[%add3A_12, %dma_start3A] : memref<10240x8xf32, #tpu.memory_space<vmem_shared>> -> memref<128x8xf32, #tpu.memory_space<vmem_shared>>
      %dma_start3A_54 = arith.constant 0 : i32
      %dma_start3A_55 = tpu.memref_slice %arg9[%add3A_12, %dma_start3A_54] : memref<10240x8xf32, #tpu.memory_space<vmem_shared>> -> memref<128x8xf32, #tpu.memory_space<vmem_shared>>
      tpu.enqueue_dma source(%arg8 : memref<128x8xf32, #tpu.memory_space<vmem>>) target(%dma_start3A_55 : memref<128x8xf32, #tpu.memory_space<vmem_shared>>) target_semaphore(%run_scoped3A : memref<!tpu.dma_semaphore, #tpu.memory_space<semaphore_mem>>)
      %dma_wait3A = arith.constant 0 : i32
      %dma_wait3A_56 = tpu.memref_slice %arg9[%add3A_12, %dma_wait3A] : memref<10240x8xf32, #tpu.memory_space<vmem_shared>> -> memref<128x8xf32, #tpu.memory_space<vmem_shared>>
      %dma_wait3A_57 = arith.constant 0 : i32
      %dma_wait3A_58 = tpu.memref_slice %arg9[%add3A_12, %dma_wait3A_57] : memref<10240x8xf32, #tpu.memory_space<vmem_shared>> -> memref<128x8xf32, #tpu.memory_space<vmem_shared>>
      tpu.wait_dma2 semaphore(%run_scoped3A : memref<!tpu.dma_semaphore, #tpu.memory_space<semaphore_mem>>) src(%arg8 : memref<128x8xf32, #tpu.memory_space<vmem>>) dst(%dma_wait3A_58 : memref<128x8xf32, #tpu.memory_space<vmem_shared>>)
      tpu.yield
    }) : () -> ()
    %mul3A_13 = arith.constant 640 : i32
    %mul3A_14 = arith.muli %arg1, %mul3A_13 : i32
    %add3A_15 = arith.constant 384 : i32
    %add3A_16 = arith.addi %mul3A_14, %add3A_15 : i32
    "tpu.region"() ({
      %run_scoped3A = tpu.sem_alloc : memref<!tpu.dma_semaphore, #tpu.memory_space<semaphore_mem>>
      %dma_start3A = arith.constant 0 : i32
      %dma_start3A_53 = tpu.memref_slice %arg9[%add3A_16, %dma_start3A] : memref<10240x8xf32, #tpu.memory_space<vmem_shared>> -> memref<128x8xf32, #tpu.memory_space<vmem_shared>>
      %dma_start3A_54 = arith.constant 0 : i32
      %dma_start3A_55 = tpu.memref_slice %arg9[%add3A_16, %dma_start3A_54] : memref<10240x8xf32, #tpu.memory_space<vmem_shared>> -> memref<128x8xf32, #tpu.memory_space<vmem_shared>>
      tpu.enqueue_dma source(%arg8 : memref<128x8xf32, #tpu.memory_space<vmem>>) target(%dma_start3A_55 : memref<128x8xf32, #tpu.memory_space<vmem_shared>>) target_semaphore(%run_scoped3A : memref<!tpu.dma_semaphore, #tpu.memory_space<semaphore_mem>>)
      %dma_wait3A = arith.constant 0 : i32
      %dma_wait3A_56 = tpu.memref_slice %arg9[%add3A_16, %dma_wait3A] : memref<10240x8xf32, #tpu.memory_space<vmem_shared>> -> memref<128x8xf32, #tpu.memory_space<vmem_shared>>
      %dma_wait3A_57 = arith.constant 0 : i32
      %dma_wait3A_58 = tpu.memref_slice %arg9[%add3A_16, %dma_wait3A_57] : memref<10240x8xf32, #tpu.memory_space<vmem_shared>> -> memref<128x8xf32, #tpu.memory_space<vmem_shared>>
      tpu.wait_dma2 semaphore(%run_scoped3A : memref<!tpu.dma_semaphore, #tpu.memory_space<semaphore_mem>>) src(%arg8 : memref<128x8xf32, #tpu.memory_space<vmem>>) dst(%dma_wait3A_58 : memref<128x8xf32, #tpu.memory_space<vmem_shared>>)
      tpu.yield
    }) : () -> ()
    %mul3A_17 = arith.constant 640 : i32
    %mul3A_18 = arith.muli %arg1, %mul3A_17 : i32
    %add3A_19 = arith.constant 512 : i32
    %add3A_20 = arith.addi %mul3A_18, %add3A_19 : i32
    "tpu.region"() ({
      %run_scoped3A = tpu.sem_alloc : memref<!tpu.dma_semaphore, #tpu.memory_space<semaphore_mem>>
      %dma_start3A = arith.constant 0 : i32
      %dma_start3A_53 = tpu.memref_slice %arg9[%add3A_20, %dma_start3A] : memref<10240x8xf32, #tpu.memory_space<vmem_shared>> -> memref<128x8xf32, #tpu.memory_space<vmem_shared>>
      %dma_start3A_54 = arith.constant 0 : i32
      %dma_start3A_55 = tpu.memref_slice %arg9[%add3A_20, %dma_start3A_54] : memref<10240x8xf32, #tpu.memory_space<vmem_shared>> -> memref<128x8xf32, #tpu.memory_space<vmem_shared>>
      tpu.enqueue_dma source(%arg8 : memref<128x8xf32, #tpu.memory_space<vmem>>) target(%dma_start3A_55 : memref<128x8xf32, #tpu.memory_space<vmem_shared>>) target_semaphore(%run_scoped3A : memref<!tpu.dma_semaphore, #tpu.memory_space<semaphore_mem>>)
      %dma_wait3A = arith.constant 0 : i32
      %dma_wait3A_56 = tpu.memref_slice %arg9[%add3A_20, %dma_wait3A] : memref<10240x8xf32, #tpu.memory_space<vmem_shared>> -> memref<128x8xf32, #tpu.memory_space<vmem_shared>>
      %dma_wait3A_57 = arith.constant 0 : i32
      %dma_wait3A_58 = tpu.memref_slice %arg9[%add3A_20, %dma_wait3A_57] : memref<10240x8xf32, #tpu.memory_space<vmem_shared>> -> memref<128x8xf32, #tpu.memory_space<vmem_shared>>
      tpu.wait_dma2 semaphore(%run_scoped3A : memref<!tpu.dma_semaphore, #tpu.memory_space<semaphore_mem>>) src(%arg8 : memref<128x8xf32, #tpu.memory_space<vmem>>) dst(%dma_wait3A_58 : memref<128x8xf32, #tpu.memory_space<vmem_shared>>)
      tpu.yield
    }) : () -> ()
    "tpu.region"() ({
      %run_scoped3A = tpu.sem_alloc : memref<!tpu.dma_semaphore, #tpu.memory_space<semaphore_mem>>
      tpu.enqueue_dma source(%arg3 : memref<80x8xf32, #tpu.memory_space<hbm>>) target(%arg7 : memref<80x8xf32, #tpu.memory_space<vmem>>) target_semaphore(%run_scoped3A : memref<!tpu.dma_semaphore, #tpu.memory_space<semaphore_mem>>)
      tpu.wait_dma2 semaphore(%run_scoped3A : memref<!tpu.dma_semaphore, #tpu.memory_space<semaphore_mem>>) src(%arg3 : memref<80x8xf32, #tpu.memory_space<hbm>>) dst(%arg7 : memref<80x8xf32, #tpu.memory_space<vmem>>)
      tpu.yield
    }) : () -> ()
    "tpu.region"() ({
      %run_scoped3A = tpu.sem_alloc : memref<!tpu.dma_semaphore, #tpu.memory_space<semaphore_mem>>
      %dma_start3A = arith.constant 0 : i32
      %dma_start3A_53 = arith.constant 0 : i32
      %dma_start3A_54 = tpu.memref_slice %arg2[%add3A, %dma_start3A, %dma_start3A_53] : memref<32x125x80xi32, #tpu.memory_space<hbm>> -> memref<1x125x80xi32, #tpu.memory_space<hbm>>
      %dma_start3A_55 = tpu.memref_squeeze %dma_start3A_54 : memref<1x125x80xi32, #tpu.memory_space<hbm>> -> memref<125x80xi32, #tpu.memory_space<hbm>>
      %dma_start3A_56 = arith.constant 0 : i32
      %dma_start3A_57 = arith.constant 0 : i32
      %dma_start3A_58 = tpu.memref_slice %arg2[%add3A, %dma_start3A_56, %dma_start3A_57] : memref<32x125x80xi32, #tpu.memory_space<hbm>> -> memref<1x125x80xi32, #tpu.memory_space<hbm>>
      %dma_start3A_59 = tpu.memref_squeeze %dma_start3A_58 : memref<1x125x80xi32, #tpu.memory_space<hbm>> -> memref<125x80xi32, #tpu.memory_space<hbm>>
      tpu.enqueue_dma source(%dma_start3A_59 : memref<125x80xi32, #tpu.memory_space<hbm>>) target(%arg6 : memref<125x80xi32, #tpu.memory_space<vmem>>) target_semaphore(%run_scoped3A : memref<!tpu.dma_semaphore, #tpu.memory_space<semaphore_mem>>)
      %dma_wait3A = arith.constant 0 : i32
      %dma_wait3A_60 = arith.constant 0 : i32
      %dma_wait3A_61 = tpu.memref_slice %arg2[%add3A, %dma_wait3A, %dma_wait3A_60] : memref<32x125x80xi32, #tpu.memory_space<hbm>> -> memref<1x125x80xi32, #tpu.memory_space<hbm>>
      %dma_wait3A_62 = tpu.memref_squeeze %dma_wait3A_61 : memref<1x125x80xi32, #tpu.memory_space<hbm>> -> memref<125x80xi32, #tpu.memory_space<hbm>>
      %dma_wait3A_63 = arith.constant 0 : i32
      %dma_wait3A_64 = arith.constant 0 : i32
      %dma_wait3A_65 = tpu.memref_slice %arg2[%add3A, %dma_wait3A_63, %dma_wait3A_64] : memref<32x125x80xi32, #tpu.memory_space<hbm>> -> memref<1x125x80xi32, #tpu.memory_space<hbm>>
      %dma_wait3A_66 = tpu.memref_squeeze %dma_wait3A_65 : memref<1x125x80xi32, #tpu.memory_space<hbm>> -> memref<125x80xi32, #tpu.memory_space<hbm>>
      tpu.wait_dma2 semaphore(%run_scoped3A : memref<!tpu.dma_semaphore, #tpu.memory_space<semaphore_mem>>) src(%dma_wait3A_66 : memref<125x80xi32, #tpu.memory_space<hbm>>) dst(%arg6 : memref<125x80xi32, #tpu.memory_space<vmem>>)
      tpu.yield
    }) : () -> ()
    %barrier3A = arith.constant 0 : index
    tpu.barrier barrier_id(%barrier3A)
    %scan3A = arith.constant 0 : i32
    %scan3A_21 = arith.constant 0 : i32
    %scan3A_22 = arith.constant 125 : i32
    %scan3A_23 = arith.addi %scan3A_21, %scan3A_22 : i32
    %scan3A_24 = arith.constant 1 : i32
    scf.for %scan3A_53 = %scan3A_21 to %scan3A_23 step %scan3A_24  : i32 {
      %dma_start3A = arith.constant 0 : i32
      %dma_start3A_54 = tpu.memref_slice %arg6[%scan3A_53, %dma_start3A] : memref<125x80xi32, #tpu.memory_space<vmem>> -> memref<1x80xi32, #tpu.memory_space<vmem>>
      %dma_start3A_55 = tpu.memref_squeeze %dma_start3A_54 : memref<1x80xi32, #tpu.memory_space<vmem>> -> memref<80xi32, #tpu.memory_space<vmem>>
      %dma_start3A_56 = arith.constant 0 : i32
      %dma_start3A_57 = arith.constant 0 : i32
      %dma_start3A_58 = tpu.memref_slice %arg9[%dma_start3A_56, %dma_start3A_57] : memref<10240x8xf32, #tpu.memory_space<vmem_shared>> -> memref<10240x8xf32, #tpu.memory_space<vmem_shared>>
      tpu.enqueue_indirect_dma source(%arg7 : memref<80x8xf32, #tpu.memory_space<vmem>>) target(%dma_start3A_58 : memref<10240x8xf32, #tpu.memory_space<vmem_shared>>) offsets(%dma_start3A_55 : memref<80xi32, #tpu.memory_space<vmem>>) semaphore(%arg10 : memref<!tpu.dma_semaphore, #tpu.memory_space<semaphore_mem>>) {add = true}
    }
    %scan3A_25 = arith.constant 125 : i32
    %scan3A_26 = arith.constant 0 : i32
    %scan3A_27 = arith.constant 0 : i32
    %scan3A_28 = arith.constant 125 : i32
    %scan3A_29 = arith.addi %scan3A_27, %scan3A_28 : i32
    %scan3A_30 = arith.constant 1 : i32
    scf.for %scan3A_53 = %scan3A_27 to %scan3A_29 step %scan3A_30  : i32 {
      %dma_wait3A = arith.constant 0 : i32
      %dma_wait3A_54 = tpu.memref_slice %arg6[%scan3A_53, %dma_wait3A] : memref<125x80xi32, #tpu.memory_space<vmem>> -> memref<1x80xi32, #tpu.memory_space<vmem>>
      %dma_wait3A_55 = tpu.memref_squeeze %dma_wait3A_54 : memref<1x80xi32, #tpu.memory_space<vmem>> -> memref<80xi32, #tpu.memory_space<vmem>>
      %dma_wait3A_56 = arith.constant 0 : i32
      %dma_wait3A_57 = arith.constant 0 : i32
      %dma_wait3A_58 = tpu.memref_slice %arg9[%dma_wait3A_56, %dma_wait3A_57] : memref<10240x8xf32, #tpu.memory_space<vmem_shared>> -> memref<10240x8xf32, #tpu.memory_space<vmem_shared>>
      tpu.wait_indirect_dma semaphore(%arg10 : memref<!tpu.dma_semaphore, #tpu.memory_space<semaphore_mem>>) src(%arg7 : memref<80x8xf32, #tpu.memory_space<vmem>>) dst(%dma_wait3A_58 : memref<10240x8xf32, #tpu.memory_space<vmem_shared>>)
    }
    %scan3A_31 = arith.constant 125 : i32
    %barrier3A_32 = arith.constant 0 : index
    tpu.barrier barrier_id(%barrier3A_32)
    %mul3A_33 = arith.constant 640 : i32
    %mul3A_34 = arith.muli %arg1, %mul3A_33 : i32
    %add3A_35 = arith.constant 0 : i32
    %add3A_36 = arith.addi %mul3A_34, %add3A_35 : i32
    "tpu.region"() ({
      %run_scoped3A = tpu.sem_alloc : memref<!tpu.dma_semaphore, #tpu.memory_space<semaphore_mem>>
      %dma_start3A = arith.constant 0 : i32
      %dma_start3A_53 = tpu.memref_slice %arg5[%arg0, %add3A_36, %dma_start3A] : memref<2x10240x8xf32, #tpu.memory_space<hbm>> -> memref<1x128x8xf32, #tpu.memory_space<hbm>>
      %dma_start3A_54 = tpu.memref_squeeze %dma_start3A_53 : memref<1x128x8xf32, #tpu.memory_space<hbm>> -> memref<128x8xf32, #tpu.memory_space<hbm>>
      %dma_start3A_55 = arith.constant 0 : i32
      %dma_start3A_56 = tpu.memref_slice %arg9[%add3A_36, %dma_start3A_55] : memref<10240x8xf32, #tpu.memory_space<vmem_shared>> -> memref<128x8xf32, #tpu.memory_space<vmem_shared>>
      tpu.enqueue_dma source(%dma_start3A_56 : memref<128x8xf32, #tpu.memory_space<vmem_shared>>) target(%dma_start3A_54 : memref<128x8xf32, #tpu.memory_space<hbm>>) target_semaphore(%run_scoped3A : memref<!tpu.dma_semaphore, #tpu.memory_space<semaphore_mem>>)
      %dma_wait3A = arith.constant 0 : i32
      %dma_wait3A_57 = tpu.memref_slice %arg5[%arg0, %add3A_36, %dma_wait3A] : memref<2x10240x8xf32, #tpu.memory_space<hbm>> -> memref<1x128x8xf32, #tpu.memory_space<hbm>>
      %dma_wait3A_58 = tpu.memref_squeeze %dma_wait3A_57 : memref<1x128x8xf32, #tpu.memory_space<hbm>> -> memref<128x8xf32, #tpu.memory_space<hbm>>
      %dma_wait3A_59 = arith.constant 0 : i32
      %dma_wait3A_60 = tpu.memref_slice %arg9[%add3A_36, %dma_wait3A_59] : memref<10240x8xf32, #tpu.memory_space<vmem_shared>> -> memref<128x8xf32, #tpu.memory_space<vmem_shared>>
      tpu.wait_dma2 semaphore(%run_scoped3A : memref<!tpu.dma_semaphore, #tpu.memory_space<semaphore_mem>>) src(%dma_wait3A_60 : memref<128x8xf32, #tpu.memory_space<vmem_shared>>) dst(%dma_wait3A_58 : memref<128x8xf32, #tpu.memory_space<hbm>>)
      tpu.yield
    }) : () -> ()
    %mul3A_37 = arith.constant 640 : i32
    %mul3A_38 = arith.muli %arg1, %mul3A_37 : i32
    %add3A_39 = arith.constant 128 : i32
    %add3A_40 = arith.addi %mul3A_38, %add3A_39 : i32
    "tpu.region"() ({
      %run_scoped3A = tpu.sem_alloc : memref<!tpu.dma_semaphore, #tpu.memory_space<semaphore_mem>>
      %dma_start3A = arith.constant 0 : i32
      %dma_start3A_53 = tpu.memref_slice %arg5[%arg0, %add3A_40, %dma_start3A] : memref<2x10240x8xf32, #tpu.memory_space<hbm>> -> memref<1x128x8xf32, #tpu.memory_space<hbm>>
      %dma_start3A_54 = tpu.memref_squeeze %dma_start3A_53 : memref<1x128x8xf32, #tpu.memory_space<hbm>> -> memref<128x8xf32, #tpu.memory_space<hbm>>
      %dma_start3A_55 = arith.constant 0 : i32
      %dma_start3A_56 = tpu.memref_slice %arg9[%add3A_40, %dma_start3A_55] : memref<10240x8xf32, #tpu.memory_space<vmem_shared>> -> memref<128x8xf32, #tpu.memory_space<vmem_shared>>
      tpu.enqueue_dma source(%dma_start3A_56 : memref<128x8xf32, #tpu.memory_space<vmem_shared>>) target(%dma_start3A_54 : memref<128x8xf32, #tpu.memory_space<hbm>>) target_semaphore(%run_scoped3A : memref<!tpu.dma_semaphore, #tpu.memory_space<semaphore_mem>>)
      %dma_wait3A = arith.constant 0 : i32
      %dma_wait3A_57 = tpu.memref_slice %arg5[%arg0, %add3A_40, %dma_wait3A] : memref<2x10240x8xf32, #tpu.memory_space<hbm>> -> memref<1x128x8xf32, #tpu.memory_space<hbm>>
      %dma_wait3A_58 = tpu.memref_squeeze %dma_wait3A_57 : memref<1x128x8xf32, #tpu.memory_space<hbm>> -> memref<128x8xf32, #tpu.memory_space<hbm>>
      %dma_wait3A_59 = arith.constant 0 : i32
      %dma_wait3A_60 = tpu.memref_slice %arg9[%add3A_40, %dma_wait3A_59] : memref<10240x8xf32, #tpu.memory_space<vmem_shared>> -> memref<128x8xf32, #tpu.memory_space<vmem_shared>>
      tpu.wait_dma2 semaphore(%run_scoped3A : memref<!tpu.dma_semaphore, #tpu.memory_space<semaphore_mem>>) src(%dma_wait3A_60 : memref<128x8xf32, #tpu.memory_space<vmem_shared>>) dst(%dma_wait3A_58 : memref<128x8xf32, #tpu.memory_space<hbm>>)
      tpu.yield
    }) : () -> ()
    %mul3A_41 = arith.constant 640 : i32
    %mul3A_42 = arith.muli %arg1, %mul3A_41 : i32
    %add3A_43 = arith.constant 256 : i32
    %add3A_44 = arith.addi %mul3A_42, %add3A_43 : i32
    "tpu.region"() ({
      %run_scoped3A = tpu.sem_alloc : memref<!tpu.dma_semaphore, #tpu.memory_space<semaphore_mem>>
      %dma_start3A = arith.constant 0 : i32
      %dma_start3A_53 = tpu.memref_slice %arg5[%arg0, %add3A_44, %dma_start3A] : memref<2x10240x8xf32, #tpu.memory_space<hbm>> -> memref<1x128x8xf32, #tpu.memory_space<hbm>>
      %dma_start3A_54 = tpu.memref_squeeze %dma_start3A_53 : memref<1x128x8xf32, #tpu.memory_space<hbm>> -> memref<128x8xf32, #tpu.memory_space<hbm>>
      %dma_start3A_55 = arith.constant 0 : i32
      %dma_start3A_56 = tpu.memref_slice %arg9[%add3A_44, %dma_start3A_55] : memref<10240x8xf32, #tpu.memory_space<vmem_shared>> -> memref<128x8xf32, #tpu.memory_space<vmem_shared>>
      tpu.enqueue_dma source(%dma_start3A_56 : memref<128x8xf32, #tpu.memory_space<vmem_shared>>) target(%dma_start3A_54 : memref<128x8xf32, #tpu.memory_space<hbm>>) target_semaphore(%run_scoped3A : memref<!tpu.dma_semaphore, #tpu.memory_space<semaphore_mem>>)
      %dma_wait3A = arith.constant 0 : i32
      %dma_wait3A_57 = tpu.memref_slice %arg5[%arg0, %add3A_44, %dma_wait3A] : memref<2x10240x8xf32, #tpu.memory_space<hbm>> -> memref<1x128x8xf32, #tpu.memory_space<hbm>>
      %dma_wait3A_58 = tpu.memref_squeeze %dma_wait3A_57 : memref<1x128x8xf32, #tpu.memory_space<hbm>> -> memref<128x8xf32, #tpu.memory_space<hbm>>
      %dma_wait3A_59 = arith.constant 0 : i32
      %dma_wait3A_60 = tpu.memref_slice %arg9[%add3A_44, %dma_wait3A_59] : memref<10240x8xf32, #tpu.memory_space<vmem_shared>> -> memref<128x8xf32, #tpu.memory_space<vmem_shared>>
      tpu.wait_dma2 semaphore(%run_scoped3A : memref<!tpu.dma_semaphore, #tpu.memory_space<semaphore_mem>>) src(%dma_wait3A_60 : memref<128x8xf32, #tpu.memory_space<vmem_shared>>) dst(%dma_wait3A_58 : memref<128x8xf32, #tpu.memory_space<hbm>>)
      tpu.yield
    }) : () -> ()
    %mul3A_45 = arith.constant 640 : i32
    %mul3A_46 = arith.muli %arg1, %mul3A_45 : i32
    %add3A_47 = arith.constant 384 : i32
    %add3A_48 = arith.addi %mul3A_46, %add3A_47 : i32
    "tpu.region"() ({
      %run_scoped3A = tpu.sem_alloc : memref<!tpu.dma_semaphore, #tpu.memory_space<semaphore_mem>>
      %dma_start3A = arith.constant 0 : i32
      %dma_start3A_53 = tpu.memref_slice %arg5[%arg0, %add3A_48, %dma_start3A] : memref<2x10240x8xf32, #tpu.memory_space<hbm>> -> memref<1x128x8xf32, #tpu.memory_space<hbm>>
      %dma_start3A_54 = tpu.memref_squeeze %dma_start3A_53 : memref<1x128x8xf32, #tpu.memory_space<hbm>> -> memref<128x8xf32, #tpu.memory_space<hbm>>
      %dma_start3A_55 = arith.constant 0 : i32
      %dma_start3A_56 = tpu.memref_slice %arg9[%add3A_48, %dma_start3A_55] : memref<10240x8xf32, #tpu.memory_space<vmem_shared>> -> memref<128x8xf32, #tpu.memory_space<vmem_shared>>
      tpu.enqueue_dma source(%dma_start3A_56 : memref<128x8xf32, #tpu.memory_space<vmem_shared>>) target(%dma_start3A_54 : memref<128x8xf32, #tpu.memory_space<hbm>>) target_semaphore(%run_scoped3A : memref<!tpu.dma_semaphore, #tpu.memory_space<semaphore_mem>>)
      %dma_wait3A = arith.constant 0 : i32
      %dma_wait3A_57 = tpu.memref_slice %arg5[%arg0, %add3A_48, %dma_wait3A] : memref<2x10240x8xf32, #tpu.memory_space<hbm>> -> memref<1x128x8xf32, #tpu.memory_space<hbm>>
      %dma_wait3A_58 = tpu.memref_squeeze %dma_wait3A_57 : memref<1x128x8xf32, #tpu.memory_space<hbm>> -> memref<128x8xf32, #tpu.memory_space<hbm>>
      %dma_wait3A_59 = arith.constant 0 : i32
      %dma_wait3A_60 = tpu.memref_slice %arg9[%add3A_48, %dma_wait3A_59] : memref<10240x8xf32, #tpu.memory_space<vmem_shared>> -> memref<128x8xf32, #tpu.memory_space<vmem_shared>>
      tpu.wait_dma2 semaphore(%run_scoped3A : memref<!tpu.dma_semaphore, #tpu.memory_space<semaphore_mem>>) src(%dma_wait3A_60 : memref<128x8xf32, #tpu.memory_space<vmem_shared>>) dst(%dma_wait3A_58 : memref<128x8xf32, #tpu.memory_space<hbm>>)
      tpu.yield
    }) : () -> ()
    %mul3A_49 = arith.constant 640 : i32
    %mul3A_50 = arith.muli %arg1, %mul3A_49 : i32
    %add3A_51 = arith.constant 512 : i32
    %add3A_52 = arith.addi %mul3A_50, %add3A_51 : i32
    "tpu.region"() ({
      %run_scoped3A = tpu.sem_alloc : memref<!tpu.dma_semaphore, #tpu.memory_space<semaphore_mem>>
      %dma_start3A = arith.constant 0 : i32
      %dma_start3A_53 = tpu.memref_slice %arg5[%arg0, %add3A_52, %dma_start3A] : memref<2x10240x8xf32, #tpu.memory_space<hbm>> -> memref<1x128x8xf32, #tpu.memory_space<hbm>>
      %dma_start3A_54 = tpu.memref_squeeze %dma_start3A_53 : memref<1x128x8xf32, #tpu.memory_space<hbm>> -> memref<128x8xf32, #tpu.memory_space<hbm>>
      %dma_start3A_55 = arith.constant 0 : i32
      %dma_start3A_56 = tpu.memref_slice %arg9[%add3A_52, %dma_start3A_55] : memref<10240x8xf32, #tpu.memory_space<vmem_shared>> -> memref<128x8xf32, #tpu.memory_space<vmem_shared>>
      tpu.enqueue_dma source(%dma_start3A_56 : memref<128x8xf32, #tpu.memory_space<vmem_shared>>) target(%dma_start3A_54 : memref<128x8xf32, #tpu.memory_space<hbm>>) target_semaphore(%run_scoped3A : memref<!tpu.dma_semaphore, #tpu.memory_space<semaphore_mem>>)
      %dma_wait3A = arith.constant 0 : i32
      %dma_wait3A_57 = tpu.memref_slice %arg5[%arg0, %add3A_52, %dma_wait3A] : memref<2x10240x8xf32, #tpu.memory_space<hbm>> -> memref<1x128x8xf32, #tpu.memory_space<hbm>>
      %dma_wait3A_58 = tpu.memref_squeeze %dma_wait3A_57 : memref<1x128x8xf32, #tpu.memory_space<hbm>> -> memref<128x8xf32, #tpu.memory_space<hbm>>
      %dma_wait3A_59 = arith.constant 0 : i32
      %dma_wait3A_60 = tpu.memref_slice %arg9[%add3A_52, %dma_wait3A_59] : memref<10240x8xf32, #tpu.memory_space<vmem_shared>> -> memref<128x8xf32, #tpu.memory_space<vmem_shared>>
      tpu.wait_dma2 semaphore(%run_scoped3A : memref<!tpu.dma_semaphore, #tpu.memory_space<semaphore_mem>>) src(%dma_wait3A_60 : memref<128x8xf32, #tpu.memory_space<vmem_shared>>) dst(%dma_wait3A_58 : memref<128x8xf32, #tpu.memory_space<hbm>>)
      tpu.yield
    }) : () -> ()
    return
  }
}

#map = affine_map<(d0, d1) -> (0, 0)>
#map1 = affine_map<(d0, d1) -> (0, 0, 0)>
module attributes {stable_mosaic.version = 14 : i64} {
  func.func @agg(%arg0: i32, %arg1: i32, %arg2: memref<10000x56xf32, #tpu.memory_space<hbm>>, %arg3: memref<32x125x80xi32, #tpu.memory_space<hbm>>, %arg4: memref<32x125x80xi32, #tpu.memory_space<hbm>>, %arg5: memref<128x56xf32, #tpu.memory_space<hbm>>, %arg6: memref<2x10240x56xf32, #tpu.memory_space<hbm>>, %arg7: memref<125x80xi32, #tpu.memory_space<vmem>>, %arg8: memref<125x80xi32, #tpu.memory_space<vmem>>, %arg9: memref<80x56xf32, #tpu.memory_space<vmem>>, %arg10: memref<80x56xf32, #tpu.memory_space<vmem>>, %arg11: memref<80x56xf32, #tpu.memory_space<vmem>>, %arg12: memref<80x56xf32, #tpu.memory_space<vmem>>, %arg13: memref<80x56xf32, #tpu.memory_space<vmem>>, %arg14: memref<80x56xf32, #tpu.memory_space<vmem>>, %arg15: memref<80x56xf32, #tpu.memory_space<vmem>>, %arg16: memref<80x56xf32, #tpu.memory_space<vmem>>, %arg17: memref<128x56xf32, #tpu.memory_space<vmem>>, %arg18: memref<10240x56xf32, #tpu.memory_space<vmem_shared>>, %arg19: memref<!tpu.dma_semaphore, #tpu.memory_space<semaphore_mem>>, %arg20: memref<!tpu.dma_semaphore, #tpu.memory_space<semaphore_mem>>, %arg21: memref<!tpu.dma_semaphore, #tpu.memory_space<semaphore_mem>>, %arg22: memref<!tpu.dma_semaphore, #tpu.memory_space<semaphore_mem>>, %arg23: memref<!tpu.dma_semaphore, #tpu.memory_space<semaphore_mem>>, %arg24: memref<!tpu.dma_semaphore, #tpu.memory_space<semaphore_mem>>, %arg25: memref<!tpu.dma_semaphore, #tpu.memory_space<semaphore_mem>>, %arg26: memref<!tpu.dma_semaphore, #tpu.memory_space<semaphore_mem>>, %arg27: memref<!tpu.dma_semaphore, #tpu.memory_space<semaphore_mem>>, %arg28: memref<!tpu.dma_semaphore, #tpu.memory_space<semaphore_mem>>, %arg29: memref<!tpu.dma_semaphore, #tpu.memory_space<semaphore_mem>>, %arg30: memref<!tpu.dma_semaphore, #tpu.memory_space<semaphore_mem>>, %arg31: memref<!tpu.dma_semaphore, #tpu.memory_space<semaphore_mem>>, %arg32: memref<!tpu.dma_semaphore, #tpu.memory_space<semaphore_mem>>, %arg33: memref<!tpu.dma_semaphore, #tpu.memory_space<semaphore_mem>>, %arg34: memref<!tpu.dma_semaphore, #tpu.memory_space<semaphore_mem>>) attributes {dimension_semantics = [#tpu.dimension_semantics<core_parallel>, #tpu.dimension_semantics<subcore_parallel>], iteration_bounds = array<i64: 2, 16>, scalar_prefetch = 0 : i64, scratch_operands = 28 : i64, tpu.core_type = #tpu.core_type<sc_vector_subcore>, window_params = [{transform_indices = #map}, {transform_indices = #map1}, {transform_indices = #map1}, {transform_indices = #map}, {transform_indices = #map1}]} {
    %mul3A = arith.constant 16 : i32
    %mul3A_0 = arith.muli %arg0, %mul3A : i32
    %add3A = arith.addi %mul3A_0, %arg1 : i32
    "tpu.region"() ({
      %run_scoped3A = tpu.sem_alloc : memref<!tpu.dma_semaphore, #tpu.memory_space<semaphore_mem>>
      tpu.enqueue_dma source(%arg5 : memref<128x56xf32, #tpu.memory_space<hbm>>) target(%arg17 : memref<128x56xf32, #tpu.memory_space<vmem>>) target_semaphore(%run_scoped3A : memref<!tpu.dma_semaphore, #tpu.memory_space<semaphore_mem>>)
      tpu.wait_dma2 semaphore(%run_scoped3A : memref<!tpu.dma_semaphore, #tpu.memory_space<semaphore_mem>>) src(%arg5 : memref<128x56xf32, #tpu.memory_space<hbm>>) dst(%arg17 : memref<128x56xf32, #tpu.memory_space<vmem>>)
      tpu.yield
    }) : () -> ()
    %mul3A_1 = arith.constant 640 : i32
    %mul3A_2 = arith.muli %arg1, %mul3A_1 : i32
    %add3A_3 = arith.constant 0 : i32
    %add3A_4 = arith.addi %mul3A_2, %add3A_3 : i32
    "tpu.region"() ({
      %run_scoped3A = tpu.sem_alloc : memref<!tpu.dma_semaphore, #tpu.memory_space<semaphore_mem>>
      %dma_start3A_409 = arith.constant 0 : i32
      %dma_start3A_410 = tpu.memref_slice %arg18[%add3A_4, %dma_start3A_409] : memref<10240x56xf32, #tpu.memory_space<vmem_shared>> -> memref<128x56xf32, #tpu.memory_space<vmem_shared>>
      %dma_start3A_411 = arith.constant 0 : i32
      %dma_start3A_412 = tpu.memref_slice %arg18[%add3A_4, %dma_start3A_411] : memref<10240x56xf32, #tpu.memory_space<vmem_shared>> -> memref<128x56xf32, #tpu.memory_space<vmem_shared>>
      tpu.enqueue_dma source(%arg17 : memref<128x56xf32, #tpu.memory_space<vmem>>) target(%dma_start3A_412 : memref<128x56xf32, #tpu.memory_space<vmem_shared>>) target_semaphore(%run_scoped3A : memref<!tpu.dma_semaphore, #tpu.memory_space<semaphore_mem>>)
      %dma_wait3A_413 = arith.constant 0 : i32
      %dma_wait3A_414 = tpu.memref_slice %arg18[%add3A_4, %dma_wait3A_413] : memref<10240x56xf32, #tpu.memory_space<vmem_shared>> -> memref<128x56xf32, #tpu.memory_space<vmem_shared>>
      %dma_wait3A_415 = arith.constant 0 : i32
      %dma_wait3A_416 = tpu.memref_slice %arg18[%add3A_4, %dma_wait3A_415] : memref<10240x56xf32, #tpu.memory_space<vmem_shared>> -> memref<128x56xf32, #tpu.memory_space<vmem_shared>>
      tpu.wait_dma2 semaphore(%run_scoped3A : memref<!tpu.dma_semaphore, #tpu.memory_space<semaphore_mem>>) src(%arg17 : memref<128x56xf32, #tpu.memory_space<vmem>>) dst(%dma_wait3A_416 : memref<128x56xf32, #tpu.memory_space<vmem_shared>>)
      tpu.yield
    }) : () -> ()
    %mul3A_5 = arith.constant 640 : i32
    %mul3A_6 = arith.muli %arg1, %mul3A_5 : i32
    %add3A_7 = arith.constant 128 : i32
    %add3A_8 = arith.addi %mul3A_6, %add3A_7 : i32
    "tpu.region"() ({
      %run_scoped3A = tpu.sem_alloc : memref<!tpu.dma_semaphore, #tpu.memory_space<semaphore_mem>>
      %dma_start3A_409 = arith.constant 0 : i32
      %dma_start3A_410 = tpu.memref_slice %arg18[%add3A_8, %dma_start3A_409] : memref<10240x56xf32, #tpu.memory_space<vmem_shared>> -> memref<128x56xf32, #tpu.memory_space<vmem_shared>>
      %dma_start3A_411 = arith.constant 0 : i32
      %dma_start3A_412 = tpu.memref_slice %arg18[%add3A_8, %dma_start3A_411] : memref<10240x56xf32, #tpu.memory_space<vmem_shared>> -> memref<128x56xf32, #tpu.memory_space<vmem_shared>>
      tpu.enqueue_dma source(%arg17 : memref<128x56xf32, #tpu.memory_space<vmem>>) target(%dma_start3A_412 : memref<128x56xf32, #tpu.memory_space<vmem_shared>>) target_semaphore(%run_scoped3A : memref<!tpu.dma_semaphore, #tpu.memory_space<semaphore_mem>>)
      %dma_wait3A_413 = arith.constant 0 : i32
      %dma_wait3A_414 = tpu.memref_slice %arg18[%add3A_8, %dma_wait3A_413] : memref<10240x56xf32, #tpu.memory_space<vmem_shared>> -> memref<128x56xf32, #tpu.memory_space<vmem_shared>>
      %dma_wait3A_415 = arith.constant 0 : i32
      %dma_wait3A_416 = tpu.memref_slice %arg18[%add3A_8, %dma_wait3A_415] : memref<10240x56xf32, #tpu.memory_space<vmem_shared>> -> memref<128x56xf32, #tpu.memory_space<vmem_shared>>
      tpu.wait_dma2 semaphore(%run_scoped3A : memref<!tpu.dma_semaphore, #tpu.memory_space<semaphore_mem>>) src(%arg17 : memref<128x56xf32, #tpu.memory_space<vmem>>) dst(%dma_wait3A_416 : memref<128x56xf32, #tpu.memory_space<vmem_shared>>)
      tpu.yield
    }) : () -> ()
    %mul3A_9 = arith.constant 640 : i32
    %mul3A_10 = arith.muli %arg1, %mul3A_9 : i32
    %add3A_11 = arith.constant 256 : i32
    %add3A_12 = arith.addi %mul3A_10, %add3A_11 : i32
    "tpu.region"() ({
      %run_scoped3A = tpu.sem_alloc : memref<!tpu.dma_semaphore, #tpu.memory_space<semaphore_mem>>
      %dma_start3A_409 = arith.constant 0 : i32
      %dma_start3A_410 = tpu.memref_slice %arg18[%add3A_12, %dma_start3A_409] : memref<10240x56xf32, #tpu.memory_space<vmem_shared>> -> memref<128x56xf32, #tpu.memory_space<vmem_shared>>
      %dma_start3A_411 = arith.constant 0 : i32
      %dma_start3A_412 = tpu.memref_slice %arg18[%add3A_12, %dma_start3A_411] : memref<10240x56xf32, #tpu.memory_space<vmem_shared>> -> memref<128x56xf32, #tpu.memory_space<vmem_shared>>
      tpu.enqueue_dma source(%arg17 : memref<128x56xf32, #tpu.memory_space<vmem>>) target(%dma_start3A_412 : memref<128x56xf32, #tpu.memory_space<vmem_shared>>) target_semaphore(%run_scoped3A : memref<!tpu.dma_semaphore, #tpu.memory_space<semaphore_mem>>)
      %dma_wait3A_413 = arith.constant 0 : i32
      %dma_wait3A_414 = tpu.memref_slice %arg18[%add3A_12, %dma_wait3A_413] : memref<10240x56xf32, #tpu.memory_space<vmem_shared>> -> memref<128x56xf32, #tpu.memory_space<vmem_shared>>
      %dma_wait3A_415 = arith.constant 0 : i32
      %dma_wait3A_416 = tpu.memref_slice %arg18[%add3A_12, %dma_wait3A_415] : memref<10240x56xf32, #tpu.memory_space<vmem_shared>> -> memref<128x56xf32, #tpu.memory_space<vmem_shared>>
      tpu.wait_dma2 semaphore(%run_scoped3A : memref<!tpu.dma_semaphore, #tpu.memory_space<semaphore_mem>>) src(%arg17 : memref<128x56xf32, #tpu.memory_space<vmem>>) dst(%dma_wait3A_416 : memref<128x56xf32, #tpu.memory_space<vmem_shared>>)
      tpu.yield
    }) : () -> ()
    %mul3A_13 = arith.constant 640 : i32
    %mul3A_14 = arith.muli %arg1, %mul3A_13 : i32
    %add3A_15 = arith.constant 384 : i32
    %add3A_16 = arith.addi %mul3A_14, %add3A_15 : i32
    "tpu.region"() ({
      %run_scoped3A = tpu.sem_alloc : memref<!tpu.dma_semaphore, #tpu.memory_space<semaphore_mem>>
      %dma_start3A_409 = arith.constant 0 : i32
      %dma_start3A_410 = tpu.memref_slice %arg18[%add3A_16, %dma_start3A_409] : memref<10240x56xf32, #tpu.memory_space<vmem_shared>> -> memref<128x56xf32, #tpu.memory_space<vmem_shared>>
      %dma_start3A_411 = arith.constant 0 : i32
      %dma_start3A_412 = tpu.memref_slice %arg18[%add3A_16, %dma_start3A_411] : memref<10240x56xf32, #tpu.memory_space<vmem_shared>> -> memref<128x56xf32, #tpu.memory_space<vmem_shared>>
      tpu.enqueue_dma source(%arg17 : memref<128x56xf32, #tpu.memory_space<vmem>>) target(%dma_start3A_412 : memref<128x56xf32, #tpu.memory_space<vmem_shared>>) target_semaphore(%run_scoped3A : memref<!tpu.dma_semaphore, #tpu.memory_space<semaphore_mem>>)
      %dma_wait3A_413 = arith.constant 0 : i32
      %dma_wait3A_414 = tpu.memref_slice %arg18[%add3A_16, %dma_wait3A_413] : memref<10240x56xf32, #tpu.memory_space<vmem_shared>> -> memref<128x56xf32, #tpu.memory_space<vmem_shared>>
      %dma_wait3A_415 = arith.constant 0 : i32
      %dma_wait3A_416 = tpu.memref_slice %arg18[%add3A_16, %dma_wait3A_415] : memref<10240x56xf32, #tpu.memory_space<vmem_shared>> -> memref<128x56xf32, #tpu.memory_space<vmem_shared>>
      tpu.wait_dma2 semaphore(%run_scoped3A : memref<!tpu.dma_semaphore, #tpu.memory_space<semaphore_mem>>) src(%arg17 : memref<128x56xf32, #tpu.memory_space<vmem>>) dst(%dma_wait3A_416 : memref<128x56xf32, #tpu.memory_space<vmem_shared>>)
      tpu.yield
    }) : () -> ()
    %mul3A_17 = arith.constant 640 : i32
    %mul3A_18 = arith.muli %arg1, %mul3A_17 : i32
    %add3A_19 = arith.constant 512 : i32
    %add3A_20 = arith.addi %mul3A_18, %add3A_19 : i32
    "tpu.region"() ({
      %run_scoped3A = tpu.sem_alloc : memref<!tpu.dma_semaphore, #tpu.memory_space<semaphore_mem>>
      %dma_start3A_409 = arith.constant 0 : i32
      %dma_start3A_410 = tpu.memref_slice %arg18[%add3A_20, %dma_start3A_409] : memref<10240x56xf32, #tpu.memory_space<vmem_shared>> -> memref<128x56xf32, #tpu.memory_space<vmem_shared>>
      %dma_start3A_411 = arith.constant 0 : i32
      %dma_start3A_412 = tpu.memref_slice %arg18[%add3A_20, %dma_start3A_411] : memref<10240x56xf32, #tpu.memory_space<vmem_shared>> -> memref<128x56xf32, #tpu.memory_space<vmem_shared>>
      tpu.enqueue_dma source(%arg17 : memref<128x56xf32, #tpu.memory_space<vmem>>) target(%dma_start3A_412 : memref<128x56xf32, #tpu.memory_space<vmem_shared>>) target_semaphore(%run_scoped3A : memref<!tpu.dma_semaphore, #tpu.memory_space<semaphore_mem>>)
      %dma_wait3A_413 = arith.constant 0 : i32
      %dma_wait3A_414 = tpu.memref_slice %arg18[%add3A_20, %dma_wait3A_413] : memref<10240x56xf32, #tpu.memory_space<vmem_shared>> -> memref<128x56xf32, #tpu.memory_space<vmem_shared>>
      %dma_wait3A_415 = arith.constant 0 : i32
      %dma_wait3A_416 = tpu.memref_slice %arg18[%add3A_20, %dma_wait3A_415] : memref<10240x56xf32, #tpu.memory_space<vmem_shared>> -> memref<128x56xf32, #tpu.memory_space<vmem_shared>>
      tpu.wait_dma2 semaphore(%run_scoped3A : memref<!tpu.dma_semaphore, #tpu.memory_space<semaphore_mem>>) src(%arg17 : memref<128x56xf32, #tpu.memory_space<vmem>>) dst(%dma_wait3A_416 : memref<128x56xf32, #tpu.memory_space<vmem_shared>>)
      tpu.yield
    }) : () -> ()
    "tpu.region"() ({
      %run_scoped3A = tpu.sem_alloc : memref<!tpu.dma_semaphore, #tpu.memory_space<semaphore_mem>>
      %dma_start3A_409 = arith.constant 0 : i32
      %dma_start3A_410 = arith.constant 0 : i32
      %dma_start3A_411 = tpu.memref_slice %arg3[%add3A, %dma_start3A_409, %dma_start3A_410] : memref<32x125x80xi32, #tpu.memory_space<hbm>> -> memref<1x125x80xi32, #tpu.memory_space<hbm>>
      %dma_start3A_412 = tpu.memref_squeeze %dma_start3A_411 : memref<1x125x80xi32, #tpu.memory_space<hbm>> -> memref<125x80xi32, #tpu.memory_space<hbm>>
      %dma_start3A_413 = arith.constant 0 : i32
      %dma_start3A_414 = arith.constant 0 : i32
      %dma_start3A_415 = tpu.memref_slice %arg3[%add3A, %dma_start3A_413, %dma_start3A_414] : memref<32x125x80xi32, #tpu.memory_space<hbm>> -> memref<1x125x80xi32, #tpu.memory_space<hbm>>
      %dma_start3A_416 = tpu.memref_squeeze %dma_start3A_415 : memref<1x125x80xi32, #tpu.memory_space<hbm>> -> memref<125x80xi32, #tpu.memory_space<hbm>>
      tpu.enqueue_dma source(%dma_start3A_416 : memref<125x80xi32, #tpu.memory_space<hbm>>) target(%arg7 : memref<125x80xi32, #tpu.memory_space<vmem>>) target_semaphore(%run_scoped3A : memref<!tpu.dma_semaphore, #tpu.memory_space<semaphore_mem>>)
      %dma_wait3A_417 = arith.constant 0 : i32
      %dma_wait3A_418 = arith.constant 0 : i32
      %dma_wait3A_419 = tpu.memref_slice %arg3[%add3A, %dma_wait3A_417, %dma_wait3A_418] : memref<32x125x80xi32, #tpu.memory_space<hbm>> -> memref<1x125x80xi32, #tpu.memory_space<hbm>>
      %dma_wait3A_420 = tpu.memref_squeeze %dma_wait3A_419 : memref<1x125x80xi32, #tpu.memory_space<hbm>> -> memref<125x80xi32, #tpu.memory_space<hbm>>
      %dma_wait3A_421 = arith.constant 0 : i32
      %dma_wait3A_422 = arith.constant 0 : i32
      %dma_wait3A_423 = tpu.memref_slice %arg3[%add3A, %dma_wait3A_421, %dma_wait3A_422] : memref<32x125x80xi32, #tpu.memory_space<hbm>> -> memref<1x125x80xi32, #tpu.memory_space<hbm>>
      %dma_wait3A_424 = tpu.memref_squeeze %dma_wait3A_423 : memref<1x125x80xi32, #tpu.memory_space<hbm>> -> memref<125x80xi32, #tpu.memory_space<hbm>>
      tpu.wait_dma2 semaphore(%run_scoped3A : memref<!tpu.dma_semaphore, #tpu.memory_space<semaphore_mem>>) src(%dma_wait3A_424 : memref<125x80xi32, #tpu.memory_space<hbm>>) dst(%arg7 : memref<125x80xi32, #tpu.memory_space<vmem>>)
      tpu.yield
    }) : () -> ()
    "tpu.region"() ({
      %run_scoped3A = tpu.sem_alloc : memref<!tpu.dma_semaphore, #tpu.memory_space<semaphore_mem>>
      %dma_start3A_409 = arith.constant 0 : i32
      %dma_start3A_410 = arith.constant 0 : i32
      %dma_start3A_411 = tpu.memref_slice %arg4[%add3A, %dma_start3A_409, %dma_start3A_410] : memref<32x125x80xi32, #tpu.memory_space<hbm>> -> memref<1x125x80xi32, #tpu.memory_space<hbm>>
      %dma_start3A_412 = tpu.memref_squeeze %dma_start3A_411 : memref<1x125x80xi32, #tpu.memory_space<hbm>> -> memref<125x80xi32, #tpu.memory_space<hbm>>
      %dma_start3A_413 = arith.constant 0 : i32
      %dma_start3A_414 = arith.constant 0 : i32
      %dma_start3A_415 = tpu.memref_slice %arg4[%add3A, %dma_start3A_413, %dma_start3A_414] : memref<32x125x80xi32, #tpu.memory_space<hbm>> -> memref<1x125x80xi32, #tpu.memory_space<hbm>>
      %dma_start3A_416 = tpu.memref_squeeze %dma_start3A_415 : memref<1x125x80xi32, #tpu.memory_space<hbm>> -> memref<125x80xi32, #tpu.memory_space<hbm>>
      tpu.enqueue_dma source(%dma_start3A_416 : memref<125x80xi32, #tpu.memory_space<hbm>>) target(%arg8 : memref<125x80xi32, #tpu.memory_space<vmem>>) target_semaphore(%run_scoped3A : memref<!tpu.dma_semaphore, #tpu.memory_space<semaphore_mem>>)
      %dma_wait3A_417 = arith.constant 0 : i32
      %dma_wait3A_418 = arith.constant 0 : i32
      %dma_wait3A_419 = tpu.memref_slice %arg4[%add3A, %dma_wait3A_417, %dma_wait3A_418] : memref<32x125x80xi32, #tpu.memory_space<hbm>> -> memref<1x125x80xi32, #tpu.memory_space<hbm>>
      %dma_wait3A_420 = tpu.memref_squeeze %dma_wait3A_419 : memref<1x125x80xi32, #tpu.memory_space<hbm>> -> memref<125x80xi32, #tpu.memory_space<hbm>>
      %dma_wait3A_421 = arith.constant 0 : i32
      %dma_wait3A_422 = arith.constant 0 : i32
      %dma_wait3A_423 = tpu.memref_slice %arg4[%add3A, %dma_wait3A_421, %dma_wait3A_422] : memref<32x125x80xi32, #tpu.memory_space<hbm>> -> memref<1x125x80xi32, #tpu.memory_space<hbm>>
      %dma_wait3A_424 = tpu.memref_squeeze %dma_wait3A_423 : memref<1x125x80xi32, #tpu.memory_space<hbm>> -> memref<125x80xi32, #tpu.memory_space<hbm>>
      tpu.wait_dma2 semaphore(%run_scoped3A : memref<!tpu.dma_semaphore, #tpu.memory_space<semaphore_mem>>) src(%dma_wait3A_424 : memref<125x80xi32, #tpu.memory_space<hbm>>) dst(%arg8 : memref<125x80xi32, #tpu.memory_space<vmem>>)
      tpu.yield
    }) : () -> ()
    %barrier3A = arith.constant 0 : index
    tpu.barrier barrier_id(%barrier3A)
    %dma_start3A = arith.constant 0 : i32
    %dma_start3A_21 = arith.constant 0 : i32
    %dma_start3A_22 = tpu.memref_slice %arg7[%dma_start3A, %dma_start3A_21] : memref<125x80xi32, #tpu.memory_space<vmem>> -> memref<1x80xi32, #tpu.memory_space<vmem>>
    %dma_start3A_23 = tpu.memref_squeeze %dma_start3A_22 : memref<1x80xi32, #tpu.memory_space<vmem>> -> memref<80xi32, #tpu.memory_space<vmem>>
    %dma_start3A_24 = arith.constant 0 : i32
    %dma_start3A_25 = arith.constant 0 : i32
    %dma_start3A_26 = tpu.memref_slice %arg2[%dma_start3A_24, %dma_start3A_25] : memref<10000x56xf32, #tpu.memory_space<hbm>> -> memref<10000x56xf32, #tpu.memory_space<hbm>>
    tpu.enqueue_indirect_dma source(%dma_start3A_26 : memref<10000x56xf32, #tpu.memory_space<hbm>>) target(%arg9 : memref<80x56xf32, #tpu.memory_space<vmem>>) offsets(%dma_start3A_23 : memref<80xi32, #tpu.memory_space<vmem>>) semaphore(%arg19 : memref<!tpu.dma_semaphore, #tpu.memory_space<semaphore_mem>>)
    %dma_start3A_27 = arith.constant 1 : i32
    %dma_start3A_28 = arith.constant 0 : i32
    %dma_start3A_29 = tpu.memref_slice %arg7[%dma_start3A_27, %dma_start3A_28] : memref<125x80xi32, #tpu.memory_space<vmem>> -> memref<1x80xi32, #tpu.memory_space<vmem>>
    %dma_start3A_30 = tpu.memref_squeeze %dma_start3A_29 : memref<1x80xi32, #tpu.memory_space<vmem>> -> memref<80xi32, #tpu.memory_space<vmem>>
    %dma_start3A_31 = arith.constant 0 : i32
    %dma_start3A_32 = arith.constant 0 : i32
    %dma_start3A_33 = tpu.memref_slice %arg2[%dma_start3A_31, %dma_start3A_32] : memref<10000x56xf32, #tpu.memory_space<hbm>> -> memref<10000x56xf32, #tpu.memory_space<hbm>>
    tpu.enqueue_indirect_dma source(%dma_start3A_33 : memref<10000x56xf32, #tpu.memory_space<hbm>>) target(%arg10 : memref<80x56xf32, #tpu.memory_space<vmem>>) offsets(%dma_start3A_30 : memref<80xi32, #tpu.memory_space<vmem>>) semaphore(%arg20 : memref<!tpu.dma_semaphore, #tpu.memory_space<semaphore_mem>>)
    %dma_start3A_34 = arith.constant 2 : i32
    %dma_start3A_35 = arith.constant 0 : i32
    %dma_start3A_36 = tpu.memref_slice %arg7[%dma_start3A_34, %dma_start3A_35] : memref<125x80xi32, #tpu.memory_space<vmem>> -> memref<1x80xi32, #tpu.memory_space<vmem>>
    %dma_start3A_37 = tpu.memref_squeeze %dma_start3A_36 : memref<1x80xi32, #tpu.memory_space<vmem>> -> memref<80xi32, #tpu.memory_space<vmem>>
    %dma_start3A_38 = arith.constant 0 : i32
    %dma_start3A_39 = arith.constant 0 : i32
    %dma_start3A_40 = tpu.memref_slice %arg2[%dma_start3A_38, %dma_start3A_39] : memref<10000x56xf32, #tpu.memory_space<hbm>> -> memref<10000x56xf32, #tpu.memory_space<hbm>>
    tpu.enqueue_indirect_dma source(%dma_start3A_40 : memref<10000x56xf32, #tpu.memory_space<hbm>>) target(%arg11 : memref<80x56xf32, #tpu.memory_space<vmem>>) offsets(%dma_start3A_37 : memref<80xi32, #tpu.memory_space<vmem>>) semaphore(%arg21 : memref<!tpu.dma_semaphore, #tpu.memory_space<semaphore_mem>>)
    %dma_start3A_41 = arith.constant 3 : i32
    %dma_start3A_42 = arith.constant 0 : i32
    %dma_start3A_43 = tpu.memref_slice %arg7[%dma_start3A_41, %dma_start3A_42] : memref<125x80xi32, #tpu.memory_space<vmem>> -> memref<1x80xi32, #tpu.memory_space<vmem>>
    %dma_start3A_44 = tpu.memref_squeeze %dma_start3A_43 : memref<1x80xi32, #tpu.memory_space<vmem>> -> memref<80xi32, #tpu.memory_space<vmem>>
    %dma_start3A_45 = arith.constant 0 : i32
    %dma_start3A_46 = arith.constant 0 : i32
    %dma_start3A_47 = tpu.memref_slice %arg2[%dma_start3A_45, %dma_start3A_46] : memref<10000x56xf32, #tpu.memory_space<hbm>> -> memref<10000x56xf32, #tpu.memory_space<hbm>>
    tpu.enqueue_indirect_dma source(%dma_start3A_47 : memref<10000x56xf32, #tpu.memory_space<hbm>>) target(%arg12 : memref<80x56xf32, #tpu.memory_space<vmem>>) offsets(%dma_start3A_44 : memref<80xi32, #tpu.memory_space<vmem>>) semaphore(%arg22 : memref<!tpu.dma_semaphore, #tpu.memory_space<semaphore_mem>>)
    %dma_start3A_48 = arith.constant 4 : i32
    %dma_start3A_49 = arith.constant 0 : i32
    %dma_start3A_50 = tpu.memref_slice %arg7[%dma_start3A_48, %dma_start3A_49] : memref<125x80xi32, #tpu.memory_space<vmem>> -> memref<1x80xi32, #tpu.memory_space<vmem>>
    %dma_start3A_51 = tpu.memref_squeeze %dma_start3A_50 : memref<1x80xi32, #tpu.memory_space<vmem>> -> memref<80xi32, #tpu.memory_space<vmem>>
    %dma_start3A_52 = arith.constant 0 : i32
    %dma_start3A_53 = arith.constant 0 : i32
    %dma_start3A_54 = tpu.memref_slice %arg2[%dma_start3A_52, %dma_start3A_53] : memref<10000x56xf32, #tpu.memory_space<hbm>> -> memref<10000x56xf32, #tpu.memory_space<hbm>>
    tpu.enqueue_indirect_dma source(%dma_start3A_54 : memref<10000x56xf32, #tpu.memory_space<hbm>>) target(%arg13 : memref<80x56xf32, #tpu.memory_space<vmem>>) offsets(%dma_start3A_51 : memref<80xi32, #tpu.memory_space<vmem>>) semaphore(%arg23 : memref<!tpu.dma_semaphore, #tpu.memory_space<semaphore_mem>>)
    %dma_start3A_55 = arith.constant 5 : i32
    %dma_start3A_56 = arith.constant 0 : i32
    %dma_start3A_57 = tpu.memref_slice %arg7[%dma_start3A_55, %dma_start3A_56] : memref<125x80xi32, #tpu.memory_space<vmem>> -> memref<1x80xi32, #tpu.memory_space<vmem>>
    %dma_start3A_58 = tpu.memref_squeeze %dma_start3A_57 : memref<1x80xi32, #tpu.memory_space<vmem>> -> memref<80xi32, #tpu.memory_space<vmem>>
    %dma_start3A_59 = arith.constant 0 : i32
    %dma_start3A_60 = arith.constant 0 : i32
    %dma_start3A_61 = tpu.memref_slice %arg2[%dma_start3A_59, %dma_start3A_60] : memref<10000x56xf32, #tpu.memory_space<hbm>> -> memref<10000x56xf32, #tpu.memory_space<hbm>>
    tpu.enqueue_indirect_dma source(%dma_start3A_61 : memref<10000x56xf32, #tpu.memory_space<hbm>>) target(%arg14 : memref<80x56xf32, #tpu.memory_space<vmem>>) offsets(%dma_start3A_58 : memref<80xi32, #tpu.memory_space<vmem>>) semaphore(%arg24 : memref<!tpu.dma_semaphore, #tpu.memory_space<semaphore_mem>>)
    %dma_start3A_62 = arith.constant 6 : i32
    %dma_start3A_63 = arith.constant 0 : i32
    %dma_start3A_64 = tpu.memref_slice %arg7[%dma_start3A_62, %dma_start3A_63] : memref<125x80xi32, #tpu.memory_space<vmem>> -> memref<1x80xi32, #tpu.memory_space<vmem>>
    %dma_start3A_65 = tpu.memref_squeeze %dma_start3A_64 : memref<1x80xi32, #tpu.memory_space<vmem>> -> memref<80xi32, #tpu.memory_space<vmem>>
    %dma_start3A_66 = arith.constant 0 : i32
    %dma_start3A_67 = arith.constant 0 : i32
    %dma_start3A_68 = tpu.memref_slice %arg2[%dma_start3A_66, %dma_start3A_67] : memref<10000x56xf32, #tpu.memory_space<hbm>> -> memref<10000x56xf32, #tpu.memory_space<hbm>>
    tpu.enqueue_indirect_dma source(%dma_start3A_68 : memref<10000x56xf32, #tpu.memory_space<hbm>>) target(%arg15 : memref<80x56xf32, #tpu.memory_space<vmem>>) offsets(%dma_start3A_65 : memref<80xi32, #tpu.memory_space<vmem>>) semaphore(%arg25 : memref<!tpu.dma_semaphore, #tpu.memory_space<semaphore_mem>>)
    %dma_start3A_69 = arith.constant 7 : i32
    %dma_start3A_70 = arith.constant 0 : i32
    %dma_start3A_71 = tpu.memref_slice %arg7[%dma_start3A_69, %dma_start3A_70] : memref<125x80xi32, #tpu.memory_space<vmem>> -> memref<1x80xi32, #tpu.memory_space<vmem>>
    %dma_start3A_72 = tpu.memref_squeeze %dma_start3A_71 : memref<1x80xi32, #tpu.memory_space<vmem>> -> memref<80xi32, #tpu.memory_space<vmem>>
    %dma_start3A_73 = arith.constant 0 : i32
    %dma_start3A_74 = arith.constant 0 : i32
    %dma_start3A_75 = tpu.memref_slice %arg2[%dma_start3A_73, %dma_start3A_74] : memref<10000x56xf32, #tpu.memory_space<hbm>> -> memref<10000x56xf32, #tpu.memory_space<hbm>>
    tpu.enqueue_indirect_dma source(%dma_start3A_75 : memref<10000x56xf32, #tpu.memory_space<hbm>>) target(%arg16 : memref<80x56xf32, #tpu.memory_space<vmem>>) offsets(%dma_start3A_72 : memref<80xi32, #tpu.memory_space<vmem>>) semaphore(%arg26 : memref<!tpu.dma_semaphore, #tpu.memory_space<semaphore_mem>>)
    %scan3A = arith.constant 0 : i32
    %scan3A_76 = arith.constant 0 : i32
    %scan3A_77 = arith.constant 14 : i32
    %scan3A_78 = arith.addi %scan3A_76, %scan3A_77 : i32
    %scan3A_79 = arith.constant 1 : i32
    scf.for %scan3A_409 = %scan3A_76 to %scan3A_78 step %scan3A_79  : i32 {
      %mul3A_410 = arith.constant 8 : i32
      %mul3A_411 = arith.muli %mul3A_410, %scan3A_409 : i32
      %add3A_412 = arith.constant 0 : i32
      %add3A_413 = arith.addi %mul3A_411, %add3A_412 : i32
      %dma_wait3A_414 = arith.constant 0 : i32
      %dma_wait3A_415 = tpu.memref_slice %arg7[%add3A_413, %dma_wait3A_414] : memref<125x80xi32, #tpu.memory_space<vmem>> -> memref<1x80xi32, #tpu.memory_space<vmem>>
      %dma_wait3A_416 = tpu.memref_squeeze %dma_wait3A_415 : memref<1x80xi32, #tpu.memory_space<vmem>> -> memref<80xi32, #tpu.memory_space<vmem>>
      %dma_wait3A_417 = arith.constant 0 : i32
      %dma_wait3A_418 = arith.constant 0 : i32
      %dma_wait3A_419 = tpu.memref_slice %arg2[%dma_wait3A_417, %dma_wait3A_418] : memref<10000x56xf32, #tpu.memory_space<hbm>> -> memref<10000x56xf32, #tpu.memory_space<hbm>>
      tpu.wait_indirect_dma semaphore(%arg19 : memref<!tpu.dma_semaphore, #tpu.memory_space<semaphore_mem>>) src(%dma_wait3A_419 : memref<10000x56xf32, #tpu.memory_space<hbm>>) dst(%arg9 : memref<80x56xf32, #tpu.memory_space<vmem>>)
      %add3A_420 = arith.constant 0 : i32
      %add3A_421 = arith.addi %mul3A_411, %add3A_420 : i32
      %dma_start3A_422 = arith.constant 0 : i32
      %dma_start3A_423 = tpu.memref_slice %arg8[%add3A_421, %dma_start3A_422] : memref<125x80xi32, #tpu.memory_space<vmem>> -> memref<1x80xi32, #tpu.memory_space<vmem>>
      %dma_start3A_424 = tpu.memref_squeeze %dma_start3A_423 : memref<1x80xi32, #tpu.memory_space<vmem>> -> memref<80xi32, #tpu.memory_space<vmem>>
      %dma_start3A_425 = arith.constant 0 : i32
      %dma_start3A_426 = arith.constant 0 : i32
      %dma_start3A_427 = tpu.memref_slice %arg18[%dma_start3A_425, %dma_start3A_426] : memref<10240x56xf32, #tpu.memory_space<vmem_shared>> -> memref<10240x56xf32, #tpu.memory_space<vmem_shared>>
      tpu.enqueue_indirect_dma source(%arg9 : memref<80x56xf32, #tpu.memory_space<vmem>>) target(%dma_start3A_427 : memref<10240x56xf32, #tpu.memory_space<vmem_shared>>) offsets(%dma_start3A_424 : memref<80xi32, #tpu.memory_space<vmem>>) semaphore(%arg27 : memref<!tpu.dma_semaphore, #tpu.memory_space<semaphore_mem>>) {add = true}
      %add3A_428 = arith.constant 1 : i32
      %add3A_429 = arith.addi %mul3A_411, %add3A_428 : i32
      %dma_wait3A_430 = arith.constant 0 : i32
      %dma_wait3A_431 = tpu.memref_slice %arg7[%add3A_429, %dma_wait3A_430] : memref<125x80xi32, #tpu.memory_space<vmem>> -> memref<1x80xi32, #tpu.memory_space<vmem>>
      %dma_wait3A_432 = tpu.memref_squeeze %dma_wait3A_431 : memref<1x80xi32, #tpu.memory_space<vmem>> -> memref<80xi32, #tpu.memory_space<vmem>>
      %dma_wait3A_433 = arith.constant 0 : i32
      %dma_wait3A_434 = arith.constant 0 : i32
      %dma_wait3A_435 = tpu.memref_slice %arg2[%dma_wait3A_433, %dma_wait3A_434] : memref<10000x56xf32, #tpu.memory_space<hbm>> -> memref<10000x56xf32, #tpu.memory_space<hbm>>
      tpu.wait_indirect_dma semaphore(%arg20 : memref<!tpu.dma_semaphore, #tpu.memory_space<semaphore_mem>>) src(%dma_wait3A_435 : memref<10000x56xf32, #tpu.memory_space<hbm>>) dst(%arg10 : memref<80x56xf32, #tpu.memory_space<vmem>>)
      %add3A_436 = arith.constant 1 : i32
      %add3A_437 = arith.addi %mul3A_411, %add3A_436 : i32
      %dma_start3A_438 = arith.constant 0 : i32
      %dma_start3A_439 = tpu.memref_slice %arg8[%add3A_437, %dma_start3A_438] : memref<125x80xi32, #tpu.memory_space<vmem>> -> memref<1x80xi32, #tpu.memory_space<vmem>>
      %dma_start3A_440 = tpu.memref_squeeze %dma_start3A_439 : memref<1x80xi32, #tpu.memory_space<vmem>> -> memref<80xi32, #tpu.memory_space<vmem>>
      %dma_start3A_441 = arith.constant 0 : i32
      %dma_start3A_442 = arith.constant 0 : i32
      %dma_start3A_443 = tpu.memref_slice %arg18[%dma_start3A_441, %dma_start3A_442] : memref<10240x56xf32, #tpu.memory_space<vmem_shared>> -> memref<10240x56xf32, #tpu.memory_space<vmem_shared>>
      tpu.enqueue_indirect_dma source(%arg10 : memref<80x56xf32, #tpu.memory_space<vmem>>) target(%dma_start3A_443 : memref<10240x56xf32, #tpu.memory_space<vmem_shared>>) offsets(%dma_start3A_440 : memref<80xi32, #tpu.memory_space<vmem>>) semaphore(%arg28 : memref<!tpu.dma_semaphore, #tpu.memory_space<semaphore_mem>>) {add = true}
      %add3A_444 = arith.constant 2 : i32
      %add3A_445 = arith.addi %mul3A_411, %add3A_444 : i32
      %dma_wait3A_446 = arith.constant 0 : i32
      %dma_wait3A_447 = tpu.memref_slice %arg7[%add3A_445, %dma_wait3A_446] : memref<125x80xi32, #tpu.memory_space<vmem>> -> memref<1x80xi32, #tpu.memory_space<vmem>>
      %dma_wait3A_448 = tpu.memref_squeeze %dma_wait3A_447 : memref<1x80xi32, #tpu.memory_space<vmem>> -> memref<80xi32, #tpu.memory_space<vmem>>
      %dma_wait3A_449 = arith.constant 0 : i32
      %dma_wait3A_450 = arith.constant 0 : i32
      %dma_wait3A_451 = tpu.memref_slice %arg2[%dma_wait3A_449, %dma_wait3A_450] : memref<10000x56xf32, #tpu.memory_space<hbm>> -> memref<10000x56xf32, #tpu.memory_space<hbm>>
      tpu.wait_indirect_dma semaphore(%arg21 : memref<!tpu.dma_semaphore, #tpu.memory_space<semaphore_mem>>) src(%dma_wait3A_451 : memref<10000x56xf32, #tpu.memory_space<hbm>>) dst(%arg11 : memref<80x56xf32, #tpu.memory_space<vmem>>)
      %add3A_452 = arith.constant 2 : i32
      %add3A_453 = arith.addi %mul3A_411, %add3A_452 : i32
      %dma_start3A_454 = arith.constant 0 : i32
      %dma_start3A_455 = tpu.memref_slice %arg8[%add3A_453, %dma_start3A_454] : memref<125x80xi32, #tpu.memory_space<vmem>> -> memref<1x80xi32, #tpu.memory_space<vmem>>
      %dma_start3A_456 = tpu.memref_squeeze %dma_start3A_455 : memref<1x80xi32, #tpu.memory_space<vmem>> -> memref<80xi32, #tpu.memory_space<vmem>>
      %dma_start3A_457 = arith.constant 0 : i32
      %dma_start3A_458 = arith.constant 0 : i32
      %dma_start3A_459 = tpu.memref_slice %arg18[%dma_start3A_457, %dma_start3A_458] : memref<10240x56xf32, #tpu.memory_space<vmem_shared>> -> memref<10240x56xf32, #tpu.memory_space<vmem_shared>>
      tpu.enqueue_indirect_dma source(%arg11 : memref<80x56xf32, #tpu.memory_space<vmem>>) target(%dma_start3A_459 : memref<10240x56xf32, #tpu.memory_space<vmem_shared>>) offsets(%dma_start3A_456 : memref<80xi32, #tpu.memory_space<vmem>>) semaphore(%arg29 : memref<!tpu.dma_semaphore, #tpu.memory_space<semaphore_mem>>) {add = true}
      %add3A_460 = arith.constant 3 : i32
      %add3A_461 = arith.addi %mul3A_411, %add3A_460 : i32
      %dma_wait3A_462 = arith.constant 0 : i32
      %dma_wait3A_463 = tpu.memref_slice %arg7[%add3A_461, %dma_wait3A_462] : memref<125x80xi32, #tpu.memory_space<vmem>> -> memref<1x80xi32, #tpu.memory_space<vmem>>
      %dma_wait3A_464 = tpu.memref_squeeze %dma_wait3A_463 : memref<1x80xi32, #tpu.memory_space<vmem>> -> memref<80xi32, #tpu.memory_space<vmem>>
      %dma_wait3A_465 = arith.constant 0 : i32
      %dma_wait3A_466 = arith.constant 0 : i32
      %dma_wait3A_467 = tpu.memref_slice %arg2[%dma_wait3A_465, %dma_wait3A_466] : memref<10000x56xf32, #tpu.memory_space<hbm>> -> memref<10000x56xf32, #tpu.memory_space<hbm>>
      tpu.wait_indirect_dma semaphore(%arg22 : memref<!tpu.dma_semaphore, #tpu.memory_space<semaphore_mem>>) src(%dma_wait3A_467 : memref<10000x56xf32, #tpu.memory_space<hbm>>) dst(%arg12 : memref<80x56xf32, #tpu.memory_space<vmem>>)
      %add3A_468 = arith.constant 3 : i32
      %add3A_469 = arith.addi %mul3A_411, %add3A_468 : i32
      %dma_start3A_470 = arith.constant 0 : i32
      %dma_start3A_471 = tpu.memref_slice %arg8[%add3A_469, %dma_start3A_470] : memref<125x80xi32, #tpu.memory_space<vmem>> -> memref<1x80xi32, #tpu.memory_space<vmem>>
      %dma_start3A_472 = tpu.memref_squeeze %dma_start3A_471 : memref<1x80xi32, #tpu.memory_space<vmem>> -> memref<80xi32, #tpu.memory_space<vmem>>
      %dma_start3A_473 = arith.constant 0 : i32
      %dma_start3A_474 = arith.constant 0 : i32
      %dma_start3A_475 = tpu.memref_slice %arg18[%dma_start3A_473, %dma_start3A_474] : memref<10240x56xf32, #tpu.memory_space<vmem_shared>> -> memref<10240x56xf32, #tpu.memory_space<vmem_shared>>
      tpu.enqueue_indirect_dma source(%arg12 : memref<80x56xf32, #tpu.memory_space<vmem>>) target(%dma_start3A_475 : memref<10240x56xf32, #tpu.memory_space<vmem_shared>>) offsets(%dma_start3A_472 : memref<80xi32, #tpu.memory_space<vmem>>) semaphore(%arg30 : memref<!tpu.dma_semaphore, #tpu.memory_space<semaphore_mem>>) {add = true}
      %add3A_476 = arith.constant 4 : i32
      %add3A_477 = arith.addi %mul3A_411, %add3A_476 : i32
      %dma_wait3A_478 = arith.constant 0 : i32
      %dma_wait3A_479 = tpu.memref_slice %arg7[%add3A_477, %dma_wait3A_478] : memref<125x80xi32, #tpu.memory_space<vmem>> -> memref<1x80xi32, #tpu.memory_space<vmem>>
      %dma_wait3A_480 = tpu.memref_squeeze %dma_wait3A_479 : memref<1x80xi32, #tpu.memory_space<vmem>> -> memref<80xi32, #tpu.memory_space<vmem>>
      %dma_wait3A_481 = arith.constant 0 : i32
      %dma_wait3A_482 = arith.constant 0 : i32
      %dma_wait3A_483 = tpu.memref_slice %arg2[%dma_wait3A_481, %dma_wait3A_482] : memref<10000x56xf32, #tpu.memory_space<hbm>> -> memref<10000x56xf32, #tpu.memory_space<hbm>>
      tpu.wait_indirect_dma semaphore(%arg23 : memref<!tpu.dma_semaphore, #tpu.memory_space<semaphore_mem>>) src(%dma_wait3A_483 : memref<10000x56xf32, #tpu.memory_space<hbm>>) dst(%arg13 : memref<80x56xf32, #tpu.memory_space<vmem>>)
      %add3A_484 = arith.constant 4 : i32
      %add3A_485 = arith.addi %mul3A_411, %add3A_484 : i32
      %dma_start3A_486 = arith.constant 0 : i32
      %dma_start3A_487 = tpu.memref_slice %arg8[%add3A_485, %dma_start3A_486] : memref<125x80xi32, #tpu.memory_space<vmem>> -> memref<1x80xi32, #tpu.memory_space<vmem>>
      %dma_start3A_488 = tpu.memref_squeeze %dma_start3A_487 : memref<1x80xi32, #tpu.memory_space<vmem>> -> memref<80xi32, #tpu.memory_space<vmem>>
      %dma_start3A_489 = arith.constant 0 : i32
      %dma_start3A_490 = arith.constant 0 : i32
      %dma_start3A_491 = tpu.memref_slice %arg18[%dma_start3A_489, %dma_start3A_490] : memref<10240x56xf32, #tpu.memory_space<vmem_shared>> -> memref<10240x56xf32, #tpu.memory_space<vmem_shared>>
      tpu.enqueue_indirect_dma source(%arg13 : memref<80x56xf32, #tpu.memory_space<vmem>>) target(%dma_start3A_491 : memref<10240x56xf32, #tpu.memory_space<vmem_shared>>) offsets(%dma_start3A_488 : memref<80xi32, #tpu.memory_space<vmem>>) semaphore(%arg31 : memref<!tpu.dma_semaphore, #tpu.memory_space<semaphore_mem>>) {add = true}
      %add3A_492 = arith.constant 5 : i32
      %add3A_493 = arith.addi %mul3A_411, %add3A_492 : i32
      %dma_wait3A_494 = arith.constant 0 : i32
      %dma_wait3A_495 = tpu.memref_slice %arg7[%add3A_493, %dma_wait3A_494] : memref<125x80xi32, #tpu.memory_space<vmem>> -> memref<1x80xi32, #tpu.memory_space<vmem>>
      %dma_wait3A_496 = tpu.memref_squeeze %dma_wait3A_495 : memref<1x80xi32, #tpu.memory_space<vmem>> -> memref<80xi32, #tpu.memory_space<vmem>>
      %dma_wait3A_497 = arith.constant 0 : i32
      %dma_wait3A_498 = arith.constant 0 : i32
      %dma_wait3A_499 = tpu.memref_slice %arg2[%dma_wait3A_497, %dma_wait3A_498] : memref<10000x56xf32, #tpu.memory_space<hbm>> -> memref<10000x56xf32, #tpu.memory_space<hbm>>
      tpu.wait_indirect_dma semaphore(%arg24 : memref<!tpu.dma_semaphore, #tpu.memory_space<semaphore_mem>>) src(%dma_wait3A_499 : memref<10000x56xf32, #tpu.memory_space<hbm>>) dst(%arg14 : memref<80x56xf32, #tpu.memory_space<vmem>>)
      %add3A_500 = arith.constant 5 : i32
      %add3A_501 = arith.addi %mul3A_411, %add3A_500 : i32
      %dma_start3A_502 = arith.constant 0 : i32
      %dma_start3A_503 = tpu.memref_slice %arg8[%add3A_501, %dma_start3A_502] : memref<125x80xi32, #tpu.memory_space<vmem>> -> memref<1x80xi32, #tpu.memory_space<vmem>>
      %dma_start3A_504 = tpu.memref_squeeze %dma_start3A_503 : memref<1x80xi32, #tpu.memory_space<vmem>> -> memref<80xi32, #tpu.memory_space<vmem>>
      %dma_start3A_505 = arith.constant 0 : i32
      %dma_start3A_506 = arith.constant 0 : i32
      %dma_start3A_507 = tpu.memref_slice %arg18[%dma_start3A_505, %dma_start3A_506] : memref<10240x56xf32, #tpu.memory_space<vmem_shared>> -> memref<10240x56xf32, #tpu.memory_space<vmem_shared>>
      tpu.enqueue_indirect_dma source(%arg14 : memref<80x56xf32, #tpu.memory_space<vmem>>) target(%dma_start3A_507 : memref<10240x56xf32, #tpu.memory_space<vmem_shared>>) offsets(%dma_start3A_504 : memref<80xi32, #tpu.memory_space<vmem>>) semaphore(%arg32 : memref<!tpu.dma_semaphore, #tpu.memory_space<semaphore_mem>>) {add = true}
      %add3A_508 = arith.constant 6 : i32
      %add3A_509 = arith.addi %mul3A_411, %add3A_508 : i32
      %dma_wait3A_510 = arith.constant 0 : i32
      %dma_wait3A_511 = tpu.memref_slice %arg7[%add3A_509, %dma_wait3A_510] : memref<125x80xi32, #tpu.memory_space<vmem>> -> memref<1x80xi32, #tpu.memory_space<vmem>>
      %dma_wait3A_512 = tpu.memref_squeeze %dma_wait3A_511 : memref<1x80xi32, #tpu.memory_space<vmem>> -> memref<80xi32, #tpu.memory_space<vmem>>
      %dma_wait3A_513 = arith.constant 0 : i32
      %dma_wait3A_514 = arith.constant 0 : i32
      %dma_wait3A_515 = tpu.memref_slice %arg2[%dma_wait3A_513, %dma_wait3A_514] : memref<10000x56xf32, #tpu.memory_space<hbm>> -> memref<10000x56xf32, #tpu.memory_space<hbm>>
      tpu.wait_indirect_dma semaphore(%arg25 : memref<!tpu.dma_semaphore, #tpu.memory_space<semaphore_mem>>) src(%dma_wait3A_515 : memref<10000x56xf32, #tpu.memory_space<hbm>>) dst(%arg15 : memref<80x56xf32, #tpu.memory_space<vmem>>)
      %add3A_516 = arith.constant 6 : i32
      %add3A_517 = arith.addi %mul3A_411, %add3A_516 : i32
      %dma_start3A_518 = arith.constant 0 : i32
      %dma_start3A_519 = tpu.memref_slice %arg8[%add3A_517, %dma_start3A_518] : memref<125x80xi32, #tpu.memory_space<vmem>> -> memref<1x80xi32, #tpu.memory_space<vmem>>
      %dma_start3A_520 = tpu.memref_squeeze %dma_start3A_519 : memref<1x80xi32, #tpu.memory_space<vmem>> -> memref<80xi32, #tpu.memory_space<vmem>>
      %dma_start3A_521 = arith.constant 0 : i32
      %dma_start3A_522 = arith.constant 0 : i32
      %dma_start3A_523 = tpu.memref_slice %arg18[%dma_start3A_521, %dma_start3A_522] : memref<10240x56xf32, #tpu.memory_space<vmem_shared>> -> memref<10240x56xf32, #tpu.memory_space<vmem_shared>>
      tpu.enqueue_indirect_dma source(%arg15 : memref<80x56xf32, #tpu.memory_space<vmem>>) target(%dma_start3A_523 : memref<10240x56xf32, #tpu.memory_space<vmem_shared>>) offsets(%dma_start3A_520 : memref<80xi32, #tpu.memory_space<vmem>>) semaphore(%arg33 : memref<!tpu.dma_semaphore, #tpu.memory_space<semaphore_mem>>) {add = true}
      %add3A_524 = arith.constant 7 : i32
      %add3A_525 = arith.addi %mul3A_411, %add3A_524 : i32
      %dma_wait3A_526 = arith.constant 0 : i32
      %dma_wait3A_527 = tpu.memref_slice %arg7[%add3A_525, %dma_wait3A_526] : memref<125x80xi32, #tpu.memory_space<vmem>> -> memref<1x80xi32, #tpu.memory_space<vmem>>
      %dma_wait3A_528 = tpu.memref_squeeze %dma_wait3A_527 : memref<1x80xi32, #tpu.memory_space<vmem>> -> memref<80xi32, #tpu.memory_space<vmem>>
      %dma_wait3A_529 = arith.constant 0 : i32
      %dma_wait3A_530 = arith.constant 0 : i32
      %dma_wait3A_531 = tpu.memref_slice %arg2[%dma_wait3A_529, %dma_wait3A_530] : memref<10000x56xf32, #tpu.memory_space<hbm>> -> memref<10000x56xf32, #tpu.memory_space<hbm>>
      tpu.wait_indirect_dma semaphore(%arg26 : memref<!tpu.dma_semaphore, #tpu.memory_space<semaphore_mem>>) src(%dma_wait3A_531 : memref<10000x56xf32, #tpu.memory_space<hbm>>) dst(%arg16 : memref<80x56xf32, #tpu.memory_space<vmem>>)
      %add3A_532 = arith.constant 7 : i32
      %add3A_533 = arith.addi %mul3A_411, %add3A_532 : i32
      %dma_start3A_534 = arith.constant 0 : i32
      %dma_start3A_535 = tpu.memref_slice %arg8[%add3A_533, %dma_start3A_534] : memref<125x80xi32, #tpu.memory_space<vmem>> -> memref<1x80xi32, #tpu.memory_space<vmem>>
      %dma_start3A_536 = tpu.memref_squeeze %dma_start3A_535 : memref<1x80xi32, #tpu.memory_space<vmem>> -> memref<80xi32, #tpu.memory_space<vmem>>
      %dma_start3A_537 = arith.constant 0 : i32
      %dma_start3A_538 = arith.constant 0 : i32
      %dma_start3A_539 = tpu.memref_slice %arg18[%dma_start3A_537, %dma_start3A_538] : memref<10240x56xf32, #tpu.memory_space<vmem_shared>> -> memref<10240x56xf32, #tpu.memory_space<vmem_shared>>
      tpu.enqueue_indirect_dma source(%arg16 : memref<80x56xf32, #tpu.memory_space<vmem>>) target(%dma_start3A_539 : memref<10240x56xf32, #tpu.memory_space<vmem_shared>>) offsets(%dma_start3A_536 : memref<80xi32, #tpu.memory_space<vmem>>) semaphore(%arg34 : memref<!tpu.dma_semaphore, #tpu.memory_space<semaphore_mem>>) {add = true}
      %add3A_540 = arith.constant 0 : i32
      %add3A_541 = arith.addi %mul3A_411, %add3A_540 : i32
      %dma_wait3A_542 = arith.constant 0 : i32
      %dma_wait3A_543 = tpu.memref_slice %arg8[%add3A_541, %dma_wait3A_542] : memref<125x80xi32, #tpu.memory_space<vmem>> -> memref<1x80xi32, #tpu.memory_space<vmem>>
      %dma_wait3A_544 = tpu.memref_squeeze %dma_wait3A_543 : memref<1x80xi32, #tpu.memory_space<vmem>> -> memref<80xi32, #tpu.memory_space<vmem>>
      %dma_wait3A_545 = arith.constant 0 : i32
      %dma_wait3A_546 = arith.constant 0 : i32
      %dma_wait3A_547 = tpu.memref_slice %arg18[%dma_wait3A_545, %dma_wait3A_546] : memref<10240x56xf32, #tpu.memory_space<vmem_shared>> -> memref<10240x56xf32, #tpu.memory_space<vmem_shared>>
      tpu.wait_indirect_dma semaphore(%arg27 : memref<!tpu.dma_semaphore, #tpu.memory_space<semaphore_mem>>) src(%arg9 : memref<80x56xf32, #tpu.memory_space<vmem>>) dst(%dma_wait3A_547 : memref<10240x56xf32, #tpu.memory_space<vmem_shared>>)
      %add3A_548 = arith.constant 8 : i32
      %add3A_549 = arith.addi %mul3A_411, %add3A_548 : i32
      %add3A_550 = arith.constant 0 : i32
      %add3A_551 = arith.addi %add3A_549, %add3A_550 : i32
      %dma_start3A_552 = arith.constant 0 : i32
      %dma_start3A_553 = tpu.memref_slice %arg7[%add3A_551, %dma_start3A_552] : memref<125x80xi32, #tpu.memory_space<vmem>> -> memref<1x80xi32, #tpu.memory_space<vmem>>
      %dma_start3A_554 = tpu.memref_squeeze %dma_start3A_553 : memref<1x80xi32, #tpu.memory_space<vmem>> -> memref<80xi32, #tpu.memory_space<vmem>>
      %dma_start3A_555 = arith.constant 0 : i32
      %dma_start3A_556 = arith.constant 0 : i32
      %dma_start3A_557 = tpu.memref_slice %arg2[%dma_start3A_555, %dma_start3A_556] : memref<10000x56xf32, #tpu.memory_space<hbm>> -> memref<10000x56xf32, #tpu.memory_space<hbm>>
      tpu.enqueue_indirect_dma source(%dma_start3A_557 : memref<10000x56xf32, #tpu.memory_space<hbm>>) target(%arg9 : memref<80x56xf32, #tpu.memory_space<vmem>>) offsets(%dma_start3A_554 : memref<80xi32, #tpu.memory_space<vmem>>) semaphore(%arg19 : memref<!tpu.dma_semaphore, #tpu.memory_space<semaphore_mem>>)
      %add3A_558 = arith.constant 1 : i32
      %add3A_559 = arith.addi %mul3A_411, %add3A_558 : i32
      %dma_wait3A_560 = arith.constant 0 : i32
      %dma_wait3A_561 = tpu.memref_slice %arg8[%add3A_559, %dma_wait3A_560] : memref<125x80xi32, #tpu.memory_space<vmem>> -> memref<1x80xi32, #tpu.memory_space<vmem>>
      %dma_wait3A_562 = tpu.memref_squeeze %dma_wait3A_561 : memref<1x80xi32, #tpu.memory_space<vmem>> -> memref<80xi32, #tpu.memory_space<vmem>>
      %dma_wait3A_563 = arith.constant 0 : i32
      %dma_wait3A_564 = arith.constant 0 : i32
      %dma_wait3A_565 = tpu.memref_slice %arg18[%dma_wait3A_563, %dma_wait3A_564] : memref<10240x56xf32, #tpu.memory_space<vmem_shared>> -> memref<10240x56xf32, #tpu.memory_space<vmem_shared>>
      tpu.wait_indirect_dma semaphore(%arg28 : memref<!tpu.dma_semaphore, #tpu.memory_space<semaphore_mem>>) src(%arg10 : memref<80x56xf32, #tpu.memory_space<vmem>>) dst(%dma_wait3A_565 : memref<10240x56xf32, #tpu.memory_space<vmem_shared>>)
      %add3A_566 = arith.constant 8 : i32
      %add3A_567 = arith.addi %mul3A_411, %add3A_566 : i32
      %add3A_568 = arith.constant 1 : i32
      %add3A_569 = arith.addi %add3A_567, %add3A_568 : i32
      %dma_start3A_570 = arith.constant 0 : i32
      %dma_start3A_571 = tpu.memref_slice %arg7[%add3A_569, %dma_start3A_570] : memref<125x80xi32, #tpu.memory_space<vmem>> -> memref<1x80xi32, #tpu.memory_space<vmem>>
      %dma_start3A_572 = tpu.memref_squeeze %dma_start3A_571 : memref<1x80xi32, #tpu.memory_space<vmem>> -> memref<80xi32, #tpu.memory_space<vmem>>
      %dma_start3A_573 = arith.constant 0 : i32
      %dma_start3A_574 = arith.constant 0 : i32
      %dma_start3A_575 = tpu.memref_slice %arg2[%dma_start3A_573, %dma_start3A_574] : memref<10000x56xf32, #tpu.memory_space<hbm>> -> memref<10000x56xf32, #tpu.memory_space<hbm>>
      tpu.enqueue_indirect_dma source(%dma_start3A_575 : memref<10000x56xf32, #tpu.memory_space<hbm>>) target(%arg10 : memref<80x56xf32, #tpu.memory_space<vmem>>) offsets(%dma_start3A_572 : memref<80xi32, #tpu.memory_space<vmem>>) semaphore(%arg20 : memref<!tpu.dma_semaphore, #tpu.memory_space<semaphore_mem>>)
      %add3A_576 = arith.constant 2 : i32
      %add3A_577 = arith.addi %mul3A_411, %add3A_576 : i32
      %dma_wait3A_578 = arith.constant 0 : i32
      %dma_wait3A_579 = tpu.memref_slice %arg8[%add3A_577, %dma_wait3A_578] : memref<125x80xi32, #tpu.memory_space<vmem>> -> memref<1x80xi32, #tpu.memory_space<vmem>>
      %dma_wait3A_580 = tpu.memref_squeeze %dma_wait3A_579 : memref<1x80xi32, #tpu.memory_space<vmem>> -> memref<80xi32, #tpu.memory_space<vmem>>
      %dma_wait3A_581 = arith.constant 0 : i32
      %dma_wait3A_582 = arith.constant 0 : i32
      %dma_wait3A_583 = tpu.memref_slice %arg18[%dma_wait3A_581, %dma_wait3A_582] : memref<10240x56xf32, #tpu.memory_space<vmem_shared>> -> memref<10240x56xf32, #tpu.memory_space<vmem_shared>>
      tpu.wait_indirect_dma semaphore(%arg29 : memref<!tpu.dma_semaphore, #tpu.memory_space<semaphore_mem>>) src(%arg11 : memref<80x56xf32, #tpu.memory_space<vmem>>) dst(%dma_wait3A_583 : memref<10240x56xf32, #tpu.memory_space<vmem_shared>>)
      %add3A_584 = arith.constant 8 : i32
      %add3A_585 = arith.addi %mul3A_411, %add3A_584 : i32
      %add3A_586 = arith.constant 2 : i32
      %add3A_587 = arith.addi %add3A_585, %add3A_586 : i32
      %dma_start3A_588 = arith.constant 0 : i32
      %dma_start3A_589 = tpu.memref_slice %arg7[%add3A_587, %dma_start3A_588] : memref<125x80xi32, #tpu.memory_space<vmem>> -> memref<1x80xi32, #tpu.memory_space<vmem>>
      %dma_start3A_590 = tpu.memref_squeeze %dma_start3A_589 : memref<1x80xi32, #tpu.memory_space<vmem>> -> memref<80xi32, #tpu.memory_space<vmem>>
      %dma_start3A_591 = arith.constant 0 : i32
      %dma_start3A_592 = arith.constant 0 : i32
      %dma_start3A_593 = tpu.memref_slice %arg2[%dma_start3A_591, %dma_start3A_592] : memref<10000x56xf32, #tpu.memory_space<hbm>> -> memref<10000x56xf32, #tpu.memory_space<hbm>>
      tpu.enqueue_indirect_dma source(%dma_start3A_593 : memref<10000x56xf32, #tpu.memory_space<hbm>>) target(%arg11 : memref<80x56xf32, #tpu.memory_space<vmem>>) offsets(%dma_start3A_590 : memref<80xi32, #tpu.memory_space<vmem>>) semaphore(%arg21 : memref<!tpu.dma_semaphore, #tpu.memory_space<semaphore_mem>>)
      %add3A_594 = arith.constant 3 : i32
      %add3A_595 = arith.addi %mul3A_411, %add3A_594 : i32
      %dma_wait3A_596 = arith.constant 0 : i32
      %dma_wait3A_597 = tpu.memref_slice %arg8[%add3A_595, %dma_wait3A_596] : memref<125x80xi32, #tpu.memory_space<vmem>> -> memref<1x80xi32, #tpu.memory_space<vmem>>
      %dma_wait3A_598 = tpu.memref_squeeze %dma_wait3A_597 : memref<1x80xi32, #tpu.memory_space<vmem>> -> memref<80xi32, #tpu.memory_space<vmem>>
      %dma_wait3A_599 = arith.constant 0 : i32
      %dma_wait3A_600 = arith.constant 0 : i32
      %dma_wait3A_601 = tpu.memref_slice %arg18[%dma_wait3A_599, %dma_wait3A_600] : memref<10240x56xf32, #tpu.memory_space<vmem_shared>> -> memref<10240x56xf32, #tpu.memory_space<vmem_shared>>
      tpu.wait_indirect_dma semaphore(%arg30 : memref<!tpu.dma_semaphore, #tpu.memory_space<semaphore_mem>>) src(%arg12 : memref<80x56xf32, #tpu.memory_space<vmem>>) dst(%dma_wait3A_601 : memref<10240x56xf32, #tpu.memory_space<vmem_shared>>)
      %add3A_602 = arith.constant 8 : i32
      %add3A_603 = arith.addi %mul3A_411, %add3A_602 : i32
      %add3A_604 = arith.constant 3 : i32
      %add3A_605 = arith.addi %add3A_603, %add3A_604 : i32
      %dma_start3A_606 = arith.constant 0 : i32
      %dma_start3A_607 = tpu.memref_slice %arg7[%add3A_605, %dma_start3A_606] : memref<125x80xi32, #tpu.memory_space<vmem>> -> memref<1x80xi32, #tpu.memory_space<vmem>>
      %dma_start3A_608 = tpu.memref_squeeze %dma_start3A_607 : memref<1x80xi32, #tpu.memory_space<vmem>> -> memref<80xi32, #tpu.memory_space<vmem>>
      %dma_start3A_609 = arith.constant 0 : i32
      %dma_start3A_610 = arith.constant 0 : i32
      %dma_start3A_611 = tpu.memref_slice %arg2[%dma_start3A_609, %dma_start3A_610] : memref<10000x56xf32, #tpu.memory_space<hbm>> -> memref<10000x56xf32, #tpu.memory_space<hbm>>
      tpu.enqueue_indirect_dma source(%dma_start3A_611 : memref<10000x56xf32, #tpu.memory_space<hbm>>) target(%arg12 : memref<80x56xf32, #tpu.memory_space<vmem>>) offsets(%dma_start3A_608 : memref<80xi32, #tpu.memory_space<vmem>>) semaphore(%arg22 : memref<!tpu.dma_semaphore, #tpu.memory_space<semaphore_mem>>)
      %add3A_612 = arith.constant 4 : i32
      %add3A_613 = arith.addi %mul3A_411, %add3A_612 : i32
      %dma_wait3A_614 = arith.constant 0 : i32
      %dma_wait3A_615 = tpu.memref_slice %arg8[%add3A_613, %dma_wait3A_614] : memref<125x80xi32, #tpu.memory_space<vmem>> -> memref<1x80xi32, #tpu.memory_space<vmem>>
      %dma_wait3A_616 = tpu.memref_squeeze %dma_wait3A_615 : memref<1x80xi32, #tpu.memory_space<vmem>> -> memref<80xi32, #tpu.memory_space<vmem>>
      %dma_wait3A_617 = arith.constant 0 : i32
      %dma_wait3A_618 = arith.constant 0 : i32
      %dma_wait3A_619 = tpu.memref_slice %arg18[%dma_wait3A_617, %dma_wait3A_618] : memref<10240x56xf32, #tpu.memory_space<vmem_shared>> -> memref<10240x56xf32, #tpu.memory_space<vmem_shared>>
      tpu.wait_indirect_dma semaphore(%arg31 : memref<!tpu.dma_semaphore, #tpu.memory_space<semaphore_mem>>) src(%arg13 : memref<80x56xf32, #tpu.memory_space<vmem>>) dst(%dma_wait3A_619 : memref<10240x56xf32, #tpu.memory_space<vmem_shared>>)
      %add3A_620 = arith.constant 8 : i32
      %add3A_621 = arith.addi %mul3A_411, %add3A_620 : i32
      %add3A_622 = arith.constant 4 : i32
      %add3A_623 = arith.addi %add3A_621, %add3A_622 : i32
      %dma_start3A_624 = arith.constant 0 : i32
      %dma_start3A_625 = tpu.memref_slice %arg7[%add3A_623, %dma_start3A_624] : memref<125x80xi32, #tpu.memory_space<vmem>> -> memref<1x80xi32, #tpu.memory_space<vmem>>
      %dma_start3A_626 = tpu.memref_squeeze %dma_start3A_625 : memref<1x80xi32, #tpu.memory_space<vmem>> -> memref<80xi32, #tpu.memory_space<vmem>>
      %dma_start3A_627 = arith.constant 0 : i32
      %dma_start3A_628 = arith.constant 0 : i32
      %dma_start3A_629 = tpu.memref_slice %arg2[%dma_start3A_627, %dma_start3A_628] : memref<10000x56xf32, #tpu.memory_space<hbm>> -> memref<10000x56xf32, #tpu.memory_space<hbm>>
      tpu.enqueue_indirect_dma source(%dma_start3A_629 : memref<10000x56xf32, #tpu.memory_space<hbm>>) target(%arg13 : memref<80x56xf32, #tpu.memory_space<vmem>>) offsets(%dma_start3A_626 : memref<80xi32, #tpu.memory_space<vmem>>) semaphore(%arg23 : memref<!tpu.dma_semaphore, #tpu.memory_space<semaphore_mem>>)
      %add3A_630 = arith.constant 5 : i32
      %add3A_631 = arith.addi %mul3A_411, %add3A_630 : i32
      %dma_wait3A_632 = arith.constant 0 : i32
      %dma_wait3A_633 = tpu.memref_slice %arg8[%add3A_631, %dma_wait3A_632] : memref<125x80xi32, #tpu.memory_space<vmem>> -> memref<1x80xi32, #tpu.memory_space<vmem>>
      %dma_wait3A_634 = tpu.memref_squeeze %dma_wait3A_633 : memref<1x80xi32, #tpu.memory_space<vmem>> -> memref<80xi32, #tpu.memory_space<vmem>>
      %dma_wait3A_635 = arith.constant 0 : i32
      %dma_wait3A_636 = arith.constant 0 : i32
      %dma_wait3A_637 = tpu.memref_slice %arg18[%dma_wait3A_635, %dma_wait3A_636] : memref<10240x56xf32, #tpu.memory_space<vmem_shared>> -> memref<10240x56xf32, #tpu.memory_space<vmem_shared>>
      tpu.wait_indirect_dma semaphore(%arg32 : memref<!tpu.dma_semaphore, #tpu.memory_space<semaphore_mem>>) src(%arg14 : memref<80x56xf32, #tpu.memory_space<vmem>>) dst(%dma_wait3A_637 : memref<10240x56xf32, #tpu.memory_space<vmem_shared>>)
      %add3A_638 = arith.constant 8 : i32
      %add3A_639 = arith.addi %mul3A_411, %add3A_638 : i32
      %add3A_640 = arith.constant 5 : i32
      %add3A_641 = arith.addi %add3A_639, %add3A_640 : i32
      %dma_start3A_642 = arith.constant 0 : i32
      %dma_start3A_643 = tpu.memref_slice %arg7[%add3A_641, %dma_start3A_642] : memref<125x80xi32, #tpu.memory_space<vmem>> -> memref<1x80xi32, #tpu.memory_space<vmem>>
      %dma_start3A_644 = tpu.memref_squeeze %dma_start3A_643 : memref<1x80xi32, #tpu.memory_space<vmem>> -> memref<80xi32, #tpu.memory_space<vmem>>
      %dma_start3A_645 = arith.constant 0 : i32
      %dma_start3A_646 = arith.constant 0 : i32
      %dma_start3A_647 = tpu.memref_slice %arg2[%dma_start3A_645, %dma_start3A_646] : memref<10000x56xf32, #tpu.memory_space<hbm>> -> memref<10000x56xf32, #tpu.memory_space<hbm>>
      tpu.enqueue_indirect_dma source(%dma_start3A_647 : memref<10000x56xf32, #tpu.memory_space<hbm>>) target(%arg14 : memref<80x56xf32, #tpu.memory_space<vmem>>) offsets(%dma_start3A_644 : memref<80xi32, #tpu.memory_space<vmem>>) semaphore(%arg24 : memref<!tpu.dma_semaphore, #tpu.memory_space<semaphore_mem>>)
      %add3A_648 = arith.constant 6 : i32
      %add3A_649 = arith.addi %mul3A_411, %add3A_648 : i32
      %dma_wait3A_650 = arith.constant 0 : i32
      %dma_wait3A_651 = tpu.memref_slice %arg8[%add3A_649, %dma_wait3A_650] : memref<125x80xi32, #tpu.memory_space<vmem>> -> memref<1x80xi32, #tpu.memory_space<vmem>>
      %dma_wait3A_652 = tpu.memref_squeeze %dma_wait3A_651 : memref<1x80xi32, #tpu.memory_space<vmem>> -> memref<80xi32, #tpu.memory_space<vmem>>
      %dma_wait3A_653 = arith.constant 0 : i32
      %dma_wait3A_654 = arith.constant 0 : i32
      %dma_wait3A_655 = tpu.memref_slice %arg18[%dma_wait3A_653, %dma_wait3A_654] : memref<10240x56xf32, #tpu.memory_space<vmem_shared>> -> memref<10240x56xf32, #tpu.memory_space<vmem_shared>>
      tpu.wait_indirect_dma semaphore(%arg33 : memref<!tpu.dma_semaphore, #tpu.memory_space<semaphore_mem>>) src(%arg15 : memref<80x56xf32, #tpu.memory_space<vmem>>) dst(%dma_wait3A_655 : memref<10240x56xf32, #tpu.memory_space<vmem_shared>>)
      %add3A_656 = arith.constant 8 : i32
      %add3A_657 = arith.addi %mul3A_411, %add3A_656 : i32
      %add3A_658 = arith.constant 6 : i32
      %add3A_659 = arith.addi %add3A_657, %add3A_658 : i32
      %dma_start3A_660 = arith.constant 0 : i32
      %dma_start3A_661 = tpu.memref_slice %arg7[%add3A_659, %dma_start3A_660] : memref<125x80xi32, #tpu.memory_space<vmem>> -> memref<1x80xi32, #tpu.memory_space<vmem>>
      %dma_start3A_662 = tpu.memref_squeeze %dma_start3A_661 : memref<1x80xi32, #tpu.memory_space<vmem>> -> memref<80xi32, #tpu.memory_space<vmem>>
      %dma_start3A_663 = arith.constant 0 : i32
      %dma_start3A_664 = arith.constant 0 : i32
      %dma_start3A_665 = tpu.memref_slice %arg2[%dma_start3A_663, %dma_start3A_664] : memref<10000x56xf32, #tpu.memory_space<hbm>> -> memref<10000x56xf32, #tpu.memory_space<hbm>>
      tpu.enqueue_indirect_dma source(%dma_start3A_665 : memref<10000x56xf32, #tpu.memory_space<hbm>>) target(%arg15 : memref<80x56xf32, #tpu.memory_space<vmem>>) offsets(%dma_start3A_662 : memref<80xi32, #tpu.memory_space<vmem>>) semaphore(%arg25 : memref<!tpu.dma_semaphore, #tpu.memory_space<semaphore_mem>>)
      %add3A_666 = arith.constant 7 : i32
      %add3A_667 = arith.addi %mul3A_411, %add3A_666 : i32
      %dma_wait3A_668 = arith.constant 0 : i32
      %dma_wait3A_669 = tpu.memref_slice %arg8[%add3A_667, %dma_wait3A_668] : memref<125x80xi32, #tpu.memory_space<vmem>> -> memref<1x80xi32, #tpu.memory_space<vmem>>
      %dma_wait3A_670 = tpu.memref_squeeze %dma_wait3A_669 : memref<1x80xi32, #tpu.memory_space<vmem>> -> memref<80xi32, #tpu.memory_space<vmem>>
      %dma_wait3A_671 = arith.constant 0 : i32
      %dma_wait3A_672 = arith.constant 0 : i32
      %dma_wait3A_673 = tpu.memref_slice %arg18[%dma_wait3A_671, %dma_wait3A_672] : memref<10240x56xf32, #tpu.memory_space<vmem_shared>> -> memref<10240x56xf32, #tpu.memory_space<vmem_shared>>
      tpu.wait_indirect_dma semaphore(%arg34 : memref<!tpu.dma_semaphore, #tpu.memory_space<semaphore_mem>>) src(%arg16 : memref<80x56xf32, #tpu.memory_space<vmem>>) dst(%dma_wait3A_673 : memref<10240x56xf32, #tpu.memory_space<vmem_shared>>)
      %add3A_674 = arith.constant 8 : i32
      %add3A_675 = arith.addi %mul3A_411, %add3A_674 : i32
      %add3A_676 = arith.constant 7 : i32
      %add3A_677 = arith.addi %add3A_675, %add3A_676 : i32
      %dma_start3A_678 = arith.constant 0 : i32
      %dma_start3A_679 = tpu.memref_slice %arg7[%add3A_677, %dma_start3A_678] : memref<125x80xi32, #tpu.memory_space<vmem>> -> memref<1x80xi32, #tpu.memory_space<vmem>>
      %dma_start3A_680 = tpu.memref_squeeze %dma_start3A_679 : memref<1x80xi32, #tpu.memory_space<vmem>> -> memref<80xi32, #tpu.memory_space<vmem>>
      %dma_start3A_681 = arith.constant 0 : i32
      %dma_start3A_682 = arith.constant 0 : i32
      %dma_start3A_683 = tpu.memref_slice %arg2[%dma_start3A_681, %dma_start3A_682] : memref<10000x56xf32, #tpu.memory_space<hbm>> -> memref<10000x56xf32, #tpu.memory_space<hbm>>
      tpu.enqueue_indirect_dma source(%dma_start3A_683 : memref<10000x56xf32, #tpu.memory_space<hbm>>) target(%arg16 : memref<80x56xf32, #tpu.memory_space<vmem>>) offsets(%dma_start3A_680 : memref<80xi32, #tpu.memory_space<vmem>>) semaphore(%arg26 : memref<!tpu.dma_semaphore, #tpu.memory_space<semaphore_mem>>)
    }
    %scan3A_80 = arith.constant 14 : i32
    %dma_wait3A = arith.constant 112 : i32
    %dma_wait3A_81 = arith.constant 0 : i32
    %dma_wait3A_82 = tpu.memref_slice %arg7[%dma_wait3A, %dma_wait3A_81] : memref<125x80xi32, #tpu.memory_space<vmem>> -> memref<1x80xi32, #tpu.memory_space<vmem>>
    %dma_wait3A_83 = tpu.memref_squeeze %dma_wait3A_82 : memref<1x80xi32, #tpu.memory_space<vmem>> -> memref<80xi32, #tpu.memory_space<vmem>>
    %dma_wait3A_84 = arith.constant 0 : i32
    %dma_wait3A_85 = arith.constant 0 : i32
    %dma_wait3A_86 = tpu.memref_slice %arg2[%dma_wait3A_84, %dma_wait3A_85] : memref<10000x56xf32, #tpu.memory_space<hbm>> -> memref<10000x56xf32, #tpu.memory_space<hbm>>
    tpu.wait_indirect_dma semaphore(%arg19 : memref<!tpu.dma_semaphore, #tpu.memory_space<semaphore_mem>>) src(%dma_wait3A_86 : memref<10000x56xf32, #tpu.memory_space<hbm>>) dst(%arg9 : memref<80x56xf32, #tpu.memory_space<vmem>>)
    %dma_start3A_87 = arith.constant 112 : i32
    %dma_start3A_88 = arith.constant 0 : i32
    %dma_start3A_89 = tpu.memref_slice %arg8[%dma_start3A_87, %dma_start3A_88] : memref<125x80xi32, #tpu.memory_space<vmem>> -> memref<1x80xi32, #tpu.memory_space<vmem>>
    %dma_start3A_90 = tpu.memref_squeeze %dma_start3A_89 : memref<1x80xi32, #tpu.memory_space<vmem>> -> memref<80xi32, #tpu.memory_space<vmem>>
    %dma_start3A_91 = arith.constant 0 : i32
    %dma_start3A_92 = arith.constant 0 : i32
    %dma_start3A_93 = tpu.memref_slice %arg18[%dma_start3A_91, %dma_start3A_92] : memref<10240x56xf32, #tpu.memory_space<vmem_shared>> -> memref<10240x56xf32, #tpu.memory_space<vmem_shared>>
    tpu.enqueue_indirect_dma source(%arg9 : memref<80x56xf32, #tpu.memory_space<vmem>>) target(%dma_start3A_93 : memref<10240x56xf32, #tpu.memory_space<vmem_shared>>) offsets(%dma_start3A_90 : memref<80xi32, #tpu.memory_space<vmem>>) semaphore(%arg27 : memref<!tpu.dma_semaphore, #tpu.memory_space<semaphore_mem>>) {add = true}
    %dma_wait3A_94 = arith.constant 113 : i32
    %dma_wait3A_95 = arith.constant 0 : i32
    %dma_wait3A_96 = tpu.memref_slice %arg7[%dma_wait3A_94, %dma_wait3A_95] : memref<125x80xi32, #tpu.memory_space<vmem>> -> memref<1x80xi32, #tpu.memory_space<vmem>>
    %dma_wait3A_97 = tpu.memref_squeeze %dma_wait3A_96 : memref<1x80xi32, #tpu.memory_space<vmem>> -> memref<80xi32, #tpu.memory_space<vmem>>
    %dma_wait3A_98 = arith.constant 0 : i32
    %dma_wait3A_99 = arith.constant 0 : i32
    %dma_wait3A_100 = tpu.memref_slice %arg2[%dma_wait3A_98, %dma_wait3A_99] : memref<10000x56xf32, #tpu.memory_space<hbm>> -> memref<10000x56xf32, #tpu.memory_space<hbm>>
    tpu.wait_indirect_dma semaphore(%arg20 : memref<!tpu.dma_semaphore, #tpu.memory_space<semaphore_mem>>) src(%dma_wait3A_100 : memref<10000x56xf32, #tpu.memory_space<hbm>>) dst(%arg10 : memref<80x56xf32, #tpu.memory_space<vmem>>)
    %dma_start3A_101 = arith.constant 113 : i32
    %dma_start3A_102 = arith.constant 0 : i32
    %dma_start3A_103 = tpu.memref_slice %arg8[%dma_start3A_101, %dma_start3A_102] : memref<125x80xi32, #tpu.memory_space<vmem>> -> memref<1x80xi32, #tpu.memory_space<vmem>>
    %dma_start3A_104 = tpu.memref_squeeze %dma_start3A_103 : memref<1x80xi32, #tpu.memory_space<vmem>> -> memref<80xi32, #tpu.memory_space<vmem>>
    %dma_start3A_105 = arith.constant 0 : i32
    %dma_start3A_106 = arith.constant 0 : i32
    %dma_start3A_107 = tpu.memref_slice %arg18[%dma_start3A_105, %dma_start3A_106] : memref<10240x56xf32, #tpu.memory_space<vmem_shared>> -> memref<10240x56xf32, #tpu.memory_space<vmem_shared>>
    tpu.enqueue_indirect_dma source(%arg10 : memref<80x56xf32, #tpu.memory_space<vmem>>) target(%dma_start3A_107 : memref<10240x56xf32, #tpu.memory_space<vmem_shared>>) offsets(%dma_start3A_104 : memref<80xi32, #tpu.memory_space<vmem>>) semaphore(%arg28 : memref<!tpu.dma_semaphore, #tpu.memory_space<semaphore_mem>>) {add = true}
    %dma_wait3A_108 = arith.constant 114 : i32
    %dma_wait3A_109 = arith.constant 0 : i32
    %dma_wait3A_110 = tpu.memref_slice %arg7[%dma_wait3A_108, %dma_wait3A_109] : memref<125x80xi32, #tpu.memory_space<vmem>> -> memref<1x80xi32, #tpu.memory_space<vmem>>
    %dma_wait3A_111 = tpu.memref_squeeze %dma_wait3A_110 : memref<1x80xi32, #tpu.memory_space<vmem>> -> memref<80xi32, #tpu.memory_space<vmem>>
    %dma_wait3A_112 = arith.constant 0 : i32
    %dma_wait3A_113 = arith.constant 0 : i32
    %dma_wait3A_114 = tpu.memref_slice %arg2[%dma_wait3A_112, %dma_wait3A_113] : memref<10000x56xf32, #tpu.memory_space<hbm>> -> memref<10000x56xf32, #tpu.memory_space<hbm>>
    tpu.wait_indirect_dma semaphore(%arg21 : memref<!tpu.dma_semaphore, #tpu.memory_space<semaphore_mem>>) src(%dma_wait3A_114 : memref<10000x56xf32, #tpu.memory_space<hbm>>) dst(%arg11 : memref<80x56xf32, #tpu.memory_space<vmem>>)
    %dma_start3A_115 = arith.constant 114 : i32
    %dma_start3A_116 = arith.constant 0 : i32
    %dma_start3A_117 = tpu.memref_slice %arg8[%dma_start3A_115, %dma_start3A_116] : memref<125x80xi32, #tpu.memory_space<vmem>> -> memref<1x80xi32, #tpu.memory_space<vmem>>
    %dma_start3A_118 = tpu.memref_squeeze %dma_start3A_117 : memref<1x80xi32, #tpu.memory_space<vmem>> -> memref<80xi32, #tpu.memory_space<vmem>>
    %dma_start3A_119 = arith.constant 0 : i32
    %dma_start3A_120 = arith.constant 0 : i32
    %dma_start3A_121 = tpu.memref_slice %arg18[%dma_start3A_119, %dma_start3A_120] : memref<10240x56xf32, #tpu.memory_space<vmem_shared>> -> memref<10240x56xf32, #tpu.memory_space<vmem_shared>>
    tpu.enqueue_indirect_dma source(%arg11 : memref<80x56xf32, #tpu.memory_space<vmem>>) target(%dma_start3A_121 : memref<10240x56xf32, #tpu.memory_space<vmem_shared>>) offsets(%dma_start3A_118 : memref<80xi32, #tpu.memory_space<vmem>>) semaphore(%arg29 : memref<!tpu.dma_semaphore, #tpu.memory_space<semaphore_mem>>) {add = true}
    %dma_wait3A_122 = arith.constant 115 : i32
    %dma_wait3A_123 = arith.constant 0 : i32
    %dma_wait3A_124 = tpu.memref_slice %arg7[%dma_wait3A_122, %dma_wait3A_123] : memref<125x80xi32, #tpu.memory_space<vmem>> -> memref<1x80xi32, #tpu.memory_space<vmem>>
    %dma_wait3A_125 = tpu.memref_squeeze %dma_wait3A_124 : memref<1x80xi32, #tpu.memory_space<vmem>> -> memref<80xi32, #tpu.memory_space<vmem>>
    %dma_wait3A_126 = arith.constant 0 : i32
    %dma_wait3A_127 = arith.constant 0 : i32
    %dma_wait3A_128 = tpu.memref_slice %arg2[%dma_wait3A_126, %dma_wait3A_127] : memref<10000x56xf32, #tpu.memory_space<hbm>> -> memref<10000x56xf32, #tpu.memory_space<hbm>>
    tpu.wait_indirect_dma semaphore(%arg22 : memref<!tpu.dma_semaphore, #tpu.memory_space<semaphore_mem>>) src(%dma_wait3A_128 : memref<10000x56xf32, #tpu.memory_space<hbm>>) dst(%arg12 : memref<80x56xf32, #tpu.memory_space<vmem>>)
    %dma_start3A_129 = arith.constant 115 : i32
    %dma_start3A_130 = arith.constant 0 : i32
    %dma_start3A_131 = tpu.memref_slice %arg8[%dma_start3A_129, %dma_start3A_130] : memref<125x80xi32, #tpu.memory_space<vmem>> -> memref<1x80xi32, #tpu.memory_space<vmem>>
    %dma_start3A_132 = tpu.memref_squeeze %dma_start3A_131 : memref<1x80xi32, #tpu.memory_space<vmem>> -> memref<80xi32, #tpu.memory_space<vmem>>
    %dma_start3A_133 = arith.constant 0 : i32
    %dma_start3A_134 = arith.constant 0 : i32
    %dma_start3A_135 = tpu.memref_slice %arg18[%dma_start3A_133, %dma_start3A_134] : memref<10240x56xf32, #tpu.memory_space<vmem_shared>> -> memref<10240x56xf32, #tpu.memory_space<vmem_shared>>
    tpu.enqueue_indirect_dma source(%arg12 : memref<80x56xf32, #tpu.memory_space<vmem>>) target(%dma_start3A_135 : memref<10240x56xf32, #tpu.memory_space<vmem_shared>>) offsets(%dma_start3A_132 : memref<80xi32, #tpu.memory_space<vmem>>) semaphore(%arg30 : memref<!tpu.dma_semaphore, #tpu.memory_space<semaphore_mem>>) {add = true}
    %dma_wait3A_136 = arith.constant 116 : i32
    %dma_wait3A_137 = arith.constant 0 : i32
    %dma_wait3A_138 = tpu.memref_slice %arg7[%dma_wait3A_136, %dma_wait3A_137] : memref<125x80xi32, #tpu.memory_space<vmem>> -> memref<1x80xi32, #tpu.memory_space<vmem>>
    %dma_wait3A_139 = tpu.memref_squeeze %dma_wait3A_138 : memref<1x80xi32, #tpu.memory_space<vmem>> -> memref<80xi32, #tpu.memory_space<vmem>>
    %dma_wait3A_140 = arith.constant 0 : i32
    %dma_wait3A_141 = arith.constant 0 : i32
    %dma_wait3A_142 = tpu.memref_slice %arg2[%dma_wait3A_140, %dma_wait3A_141] : memref<10000x56xf32, #tpu.memory_space<hbm>> -> memref<10000x56xf32, #tpu.memory_space<hbm>>
    tpu.wait_indirect_dma semaphore(%arg23 : memref<!tpu.dma_semaphore, #tpu.memory_space<semaphore_mem>>) src(%dma_wait3A_142 : memref<10000x56xf32, #tpu.memory_space<hbm>>) dst(%arg13 : memref<80x56xf32, #tpu.memory_space<vmem>>)
    %dma_start3A_143 = arith.constant 116 : i32
    %dma_start3A_144 = arith.constant 0 : i32
    %dma_start3A_145 = tpu.memref_slice %arg8[%dma_start3A_143, %dma_start3A_144] : memref<125x80xi32, #tpu.memory_space<vmem>> -> memref<1x80xi32, #tpu.memory_space<vmem>>
    %dma_start3A_146 = tpu.memref_squeeze %dma_start3A_145 : memref<1x80xi32, #tpu.memory_space<vmem>> -> memref<80xi32, #tpu.memory_space<vmem>>
    %dma_start3A_147 = arith.constant 0 : i32
    %dma_start3A_148 = arith.constant 0 : i32
    %dma_start3A_149 = tpu.memref_slice %arg18[%dma_start3A_147, %dma_start3A_148] : memref<10240x56xf32, #tpu.memory_space<vmem_shared>> -> memref<10240x56xf32, #tpu.memory_space<vmem_shared>>
    tpu.enqueue_indirect_dma source(%arg13 : memref<80x56xf32, #tpu.memory_space<vmem>>) target(%dma_start3A_149 : memref<10240x56xf32, #tpu.memory_space<vmem_shared>>) offsets(%dma_start3A_146 : memref<80xi32, #tpu.memory_space<vmem>>) semaphore(%arg31 : memref<!tpu.dma_semaphore, #tpu.memory_space<semaphore_mem>>) {add = true}
    %dma_wait3A_150 = arith.constant 117 : i32
    %dma_wait3A_151 = arith.constant 0 : i32
    %dma_wait3A_152 = tpu.memref_slice %arg7[%dma_wait3A_150, %dma_wait3A_151] : memref<125x80xi32, #tpu.memory_space<vmem>> -> memref<1x80xi32, #tpu.memory_space<vmem>>
    %dma_wait3A_153 = tpu.memref_squeeze %dma_wait3A_152 : memref<1x80xi32, #tpu.memory_space<vmem>> -> memref<80xi32, #tpu.memory_space<vmem>>
    %dma_wait3A_154 = arith.constant 0 : i32
    %dma_wait3A_155 = arith.constant 0 : i32
    %dma_wait3A_156 = tpu.memref_slice %arg2[%dma_wait3A_154, %dma_wait3A_155] : memref<10000x56xf32, #tpu.memory_space<hbm>> -> memref<10000x56xf32, #tpu.memory_space<hbm>>
    tpu.wait_indirect_dma semaphore(%arg24 : memref<!tpu.dma_semaphore, #tpu.memory_space<semaphore_mem>>) src(%dma_wait3A_156 : memref<10000x56xf32, #tpu.memory_space<hbm>>) dst(%arg14 : memref<80x56xf32, #tpu.memory_space<vmem>>)
    %dma_start3A_157 = arith.constant 117 : i32
    %dma_start3A_158 = arith.constant 0 : i32
    %dma_start3A_159 = tpu.memref_slice %arg8[%dma_start3A_157, %dma_start3A_158] : memref<125x80xi32, #tpu.memory_space<vmem>> -> memref<1x80xi32, #tpu.memory_space<vmem>>
    %dma_start3A_160 = tpu.memref_squeeze %dma_start3A_159 : memref<1x80xi32, #tpu.memory_space<vmem>> -> memref<80xi32, #tpu.memory_space<vmem>>
    %dma_start3A_161 = arith.constant 0 : i32
    %dma_start3A_162 = arith.constant 0 : i32
    %dma_start3A_163 = tpu.memref_slice %arg18[%dma_start3A_161, %dma_start3A_162] : memref<10240x56xf32, #tpu.memory_space<vmem_shared>> -> memref<10240x56xf32, #tpu.memory_space<vmem_shared>>
    tpu.enqueue_indirect_dma source(%arg14 : memref<80x56xf32, #tpu.memory_space<vmem>>) target(%dma_start3A_163 : memref<10240x56xf32, #tpu.memory_space<vmem_shared>>) offsets(%dma_start3A_160 : memref<80xi32, #tpu.memory_space<vmem>>) semaphore(%arg32 : memref<!tpu.dma_semaphore, #tpu.memory_space<semaphore_mem>>) {add = true}
    %dma_wait3A_164 = arith.constant 118 : i32
    %dma_wait3A_165 = arith.constant 0 : i32
    %dma_wait3A_166 = tpu.memref_slice %arg7[%dma_wait3A_164, %dma_wait3A_165] : memref<125x80xi32, #tpu.memory_space<vmem>> -> memref<1x80xi32, #tpu.memory_space<vmem>>
    %dma_wait3A_167 = tpu.memref_squeeze %dma_wait3A_166 : memref<1x80xi32, #tpu.memory_space<vmem>> -> memref<80xi32, #tpu.memory_space<vmem>>
    %dma_wait3A_168 = arith.constant 0 : i32
    %dma_wait3A_169 = arith.constant 0 : i32
    %dma_wait3A_170 = tpu.memref_slice %arg2[%dma_wait3A_168, %dma_wait3A_169] : memref<10000x56xf32, #tpu.memory_space<hbm>> -> memref<10000x56xf32, #tpu.memory_space<hbm>>
    tpu.wait_indirect_dma semaphore(%arg25 : memref<!tpu.dma_semaphore, #tpu.memory_space<semaphore_mem>>) src(%dma_wait3A_170 : memref<10000x56xf32, #tpu.memory_space<hbm>>) dst(%arg15 : memref<80x56xf32, #tpu.memory_space<vmem>>)
    %dma_start3A_171 = arith.constant 118 : i32
    %dma_start3A_172 = arith.constant 0 : i32
    %dma_start3A_173 = tpu.memref_slice %arg8[%dma_start3A_171, %dma_start3A_172] : memref<125x80xi32, #tpu.memory_space<vmem>> -> memref<1x80xi32, #tpu.memory_space<vmem>>
    %dma_start3A_174 = tpu.memref_squeeze %dma_start3A_173 : memref<1x80xi32, #tpu.memory_space<vmem>> -> memref<80xi32, #tpu.memory_space<vmem>>
    %dma_start3A_175 = arith.constant 0 : i32
    %dma_start3A_176 = arith.constant 0 : i32
    %dma_start3A_177 = tpu.memref_slice %arg18[%dma_start3A_175, %dma_start3A_176] : memref<10240x56xf32, #tpu.memory_space<vmem_shared>> -> memref<10240x56xf32, #tpu.memory_space<vmem_shared>>
    tpu.enqueue_indirect_dma source(%arg15 : memref<80x56xf32, #tpu.memory_space<vmem>>) target(%dma_start3A_177 : memref<10240x56xf32, #tpu.memory_space<vmem_shared>>) offsets(%dma_start3A_174 : memref<80xi32, #tpu.memory_space<vmem>>) semaphore(%arg33 : memref<!tpu.dma_semaphore, #tpu.memory_space<semaphore_mem>>) {add = true}
    %dma_wait3A_178 = arith.constant 119 : i32
    %dma_wait3A_179 = arith.constant 0 : i32
    %dma_wait3A_180 = tpu.memref_slice %arg7[%dma_wait3A_178, %dma_wait3A_179] : memref<125x80xi32, #tpu.memory_space<vmem>> -> memref<1x80xi32, #tpu.memory_space<vmem>>
    %dma_wait3A_181 = tpu.memref_squeeze %dma_wait3A_180 : memref<1x80xi32, #tpu.memory_space<vmem>> -> memref<80xi32, #tpu.memory_space<vmem>>
    %dma_wait3A_182 = arith.constant 0 : i32
    %dma_wait3A_183 = arith.constant 0 : i32
    %dma_wait3A_184 = tpu.memref_slice %arg2[%dma_wait3A_182, %dma_wait3A_183] : memref<10000x56xf32, #tpu.memory_space<hbm>> -> memref<10000x56xf32, #tpu.memory_space<hbm>>
    tpu.wait_indirect_dma semaphore(%arg26 : memref<!tpu.dma_semaphore, #tpu.memory_space<semaphore_mem>>) src(%dma_wait3A_184 : memref<10000x56xf32, #tpu.memory_space<hbm>>) dst(%arg16 : memref<80x56xf32, #tpu.memory_space<vmem>>)
    %dma_start3A_185 = arith.constant 119 : i32
    %dma_start3A_186 = arith.constant 0 : i32
    %dma_start3A_187 = tpu.memref_slice %arg8[%dma_start3A_185, %dma_start3A_186] : memref<125x80xi32, #tpu.memory_space<vmem>> -> memref<1x80xi32, #tpu.memory_space<vmem>>
    %dma_start3A_188 = tpu.memref_squeeze %dma_start3A_187 : memref<1x80xi32, #tpu.memory_space<vmem>> -> memref<80xi32, #tpu.memory_space<vmem>>
    %dma_start3A_189 = arith.constant 0 : i32
    %dma_start3A_190 = arith.constant 0 : i32
    %dma_start3A_191 = tpu.memref_slice %arg18[%dma_start3A_189, %dma_start3A_190] : memref<10240x56xf32, #tpu.memory_space<vmem_shared>> -> memref<10240x56xf32, #tpu.memory_space<vmem_shared>>
    tpu.enqueue_indirect_dma source(%arg16 : memref<80x56xf32, #tpu.memory_space<vmem>>) target(%dma_start3A_191 : memref<10240x56xf32, #tpu.memory_space<vmem_shared>>) offsets(%dma_start3A_188 : memref<80xi32, #tpu.memory_space<vmem>>) semaphore(%arg34 : memref<!tpu.dma_semaphore, #tpu.memory_space<semaphore_mem>>) {add = true}
    %dma_wait3A_192 = arith.constant 112 : i32
    %dma_wait3A_193 = arith.constant 0 : i32
    %dma_wait3A_194 = tpu.memref_slice %arg8[%dma_wait3A_192, %dma_wait3A_193] : memref<125x80xi32, #tpu.memory_space<vmem>> -> memref<1x80xi32, #tpu.memory_space<vmem>>
    %dma_wait3A_195 = tpu.memref_squeeze %dma_wait3A_194 : memref<1x80xi32, #tpu.memory_space<vmem>> -> memref<80xi32, #tpu.memory_space<vmem>>
    %dma_wait3A_196 = arith.constant 0 : i32
    %dma_wait3A_197 = arith.constant 0 : i32
    %dma_wait3A_198 = tpu.memref_slice %arg18[%dma_wait3A_196, %dma_wait3A_197] : memref<10240x56xf32, #tpu.memory_space<vmem_shared>> -> memref<10240x56xf32, #tpu.memory_space<vmem_shared>>
    tpu.wait_indirect_dma semaphore(%arg27 : memref<!tpu.dma_semaphore, #tpu.memory_space<semaphore_mem>>) src(%arg9 : memref<80x56xf32, #tpu.memory_space<vmem>>) dst(%dma_wait3A_198 : memref<10240x56xf32, #tpu.memory_space<vmem_shared>>)
    %dma_start3A_199 = arith.constant 120 : i32
    %dma_start3A_200 = arith.constant 0 : i32
    %dma_start3A_201 = tpu.memref_slice %arg7[%dma_start3A_199, %dma_start3A_200] : memref<125x80xi32, #tpu.memory_space<vmem>> -> memref<1x80xi32, #tpu.memory_space<vmem>>
    %dma_start3A_202 = tpu.memref_squeeze %dma_start3A_201 : memref<1x80xi32, #tpu.memory_space<vmem>> -> memref<80xi32, #tpu.memory_space<vmem>>
    %dma_start3A_203 = arith.constant 0 : i32
    %dma_start3A_204 = arith.constant 0 : i32
    %dma_start3A_205 = tpu.memref_slice %arg2[%dma_start3A_203, %dma_start3A_204] : memref<10000x56xf32, #tpu.memory_space<hbm>> -> memref<10000x56xf32, #tpu.memory_space<hbm>>
    tpu.enqueue_indirect_dma source(%dma_start3A_205 : memref<10000x56xf32, #tpu.memory_space<hbm>>) target(%arg9 : memref<80x56xf32, #tpu.memory_space<vmem>>) offsets(%dma_start3A_202 : memref<80xi32, #tpu.memory_space<vmem>>) semaphore(%arg19 : memref<!tpu.dma_semaphore, #tpu.memory_space<semaphore_mem>>)
    %dma_wait3A_206 = arith.constant 113 : i32
    %dma_wait3A_207 = arith.constant 0 : i32
    %dma_wait3A_208 = tpu.memref_slice %arg8[%dma_wait3A_206, %dma_wait3A_207] : memref<125x80xi32, #tpu.memory_space<vmem>> -> memref<1x80xi32, #tpu.memory_space<vmem>>
    %dma_wait3A_209 = tpu.memref_squeeze %dma_wait3A_208 : memref<1x80xi32, #tpu.memory_space<vmem>> -> memref<80xi32, #tpu.memory_space<vmem>>
    %dma_wait3A_210 = arith.constant 0 : i32
    %dma_wait3A_211 = arith.constant 0 : i32
    %dma_wait3A_212 = tpu.memref_slice %arg18[%dma_wait3A_210, %dma_wait3A_211] : memref<10240x56xf32, #tpu.memory_space<vmem_shared>> -> memref<10240x56xf32, #tpu.memory_space<vmem_shared>>
    tpu.wait_indirect_dma semaphore(%arg28 : memref<!tpu.dma_semaphore, #tpu.memory_space<semaphore_mem>>) src(%arg10 : memref<80x56xf32, #tpu.memory_space<vmem>>) dst(%dma_wait3A_212 : memref<10240x56xf32, #tpu.memory_space<vmem_shared>>)
    %dma_start3A_213 = arith.constant 121 : i32
    %dma_start3A_214 = arith.constant 0 : i32
    %dma_start3A_215 = tpu.memref_slice %arg7[%dma_start3A_213, %dma_start3A_214] : memref<125x80xi32, #tpu.memory_space<vmem>> -> memref<1x80xi32, #tpu.memory_space<vmem>>
    %dma_start3A_216 = tpu.memref_squeeze %dma_start3A_215 : memref<1x80xi32, #tpu.memory_space<vmem>> -> memref<80xi32, #tpu.memory_space<vmem>>
    %dma_start3A_217 = arith.constant 0 : i32
    %dma_start3A_218 = arith.constant 0 : i32
    %dma_start3A_219 = tpu.memref_slice %arg2[%dma_start3A_217, %dma_start3A_218] : memref<10000x56xf32, #tpu.memory_space<hbm>> -> memref<10000x56xf32, #tpu.memory_space<hbm>>
    tpu.enqueue_indirect_dma source(%dma_start3A_219 : memref<10000x56xf32, #tpu.memory_space<hbm>>) target(%arg10 : memref<80x56xf32, #tpu.memory_space<vmem>>) offsets(%dma_start3A_216 : memref<80xi32, #tpu.memory_space<vmem>>) semaphore(%arg20 : memref<!tpu.dma_semaphore, #tpu.memory_space<semaphore_mem>>)
    %dma_wait3A_220 = arith.constant 114 : i32
    %dma_wait3A_221 = arith.constant 0 : i32
    %dma_wait3A_222 = tpu.memref_slice %arg8[%dma_wait3A_220, %dma_wait3A_221] : memref<125x80xi32, #tpu.memory_space<vmem>> -> memref<1x80xi32, #tpu.memory_space<vmem>>
    %dma_wait3A_223 = tpu.memref_squeeze %dma_wait3A_222 : memref<1x80xi32, #tpu.memory_space<vmem>> -> memref<80xi32, #tpu.memory_space<vmem>>
    %dma_wait3A_224 = arith.constant 0 : i32
    %dma_wait3A_225 = arith.constant 0 : i32
    %dma_wait3A_226 = tpu.memref_slice %arg18[%dma_wait3A_224, %dma_wait3A_225] : memref<10240x56xf32, #tpu.memory_space<vmem_shared>> -> memref<10240x56xf32, #tpu.memory_space<vmem_shared>>
    tpu.wait_indirect_dma semaphore(%arg29 : memref<!tpu.dma_semaphore, #tpu.memory_space<semaphore_mem>>) src(%arg11 : memref<80x56xf32, #tpu.memory_space<vmem>>) dst(%dma_wait3A_226 : memref<10240x56xf32, #tpu.memory_space<vmem_shared>>)
    %dma_start3A_227 = arith.constant 122 : i32
    %dma_start3A_228 = arith.constant 0 : i32
    %dma_start3A_229 = tpu.memref_slice %arg7[%dma_start3A_227, %dma_start3A_228] : memref<125x80xi32, #tpu.memory_space<vmem>> -> memref<1x80xi32, #tpu.memory_space<vmem>>
    %dma_start3A_230 = tpu.memref_squeeze %dma_start3A_229 : memref<1x80xi32, #tpu.memory_space<vmem>> -> memref<80xi32, #tpu.memory_space<vmem>>
    %dma_start3A_231 = arith.constant 0 : i32
    %dma_start3A_232 = arith.constant 0 : i32
    %dma_start3A_233 = tpu.memref_slice %arg2[%dma_start3A_231, %dma_start3A_232] : memref<10000x56xf32, #tpu.memory_space<hbm>> -> memref<10000x56xf32, #tpu.memory_space<hbm>>
    tpu.enqueue_indirect_dma source(%dma_start3A_233 : memref<10000x56xf32, #tpu.memory_space<hbm>>) target(%arg11 : memref<80x56xf32, #tpu.memory_space<vmem>>) offsets(%dma_start3A_230 : memref<80xi32, #tpu.memory_space<vmem>>) semaphore(%arg21 : memref<!tpu.dma_semaphore, #tpu.memory_space<semaphore_mem>>)
    %dma_wait3A_234 = arith.constant 115 : i32
    %dma_wait3A_235 = arith.constant 0 : i32
    %dma_wait3A_236 = tpu.memref_slice %arg8[%dma_wait3A_234, %dma_wait3A_235] : memref<125x80xi32, #tpu.memory_space<vmem>> -> memref<1x80xi32, #tpu.memory_space<vmem>>
    %dma_wait3A_237 = tpu.memref_squeeze %dma_wait3A_236 : memref<1x80xi32, #tpu.memory_space<vmem>> -> memref<80xi32, #tpu.memory_space<vmem>>
    %dma_wait3A_238 = arith.constant 0 : i32
    %dma_wait3A_239 = arith.constant 0 : i32
    %dma_wait3A_240 = tpu.memref_slice %arg18[%dma_wait3A_238, %dma_wait3A_239] : memref<10240x56xf32, #tpu.memory_space<vmem_shared>> -> memref<10240x56xf32, #tpu.memory_space<vmem_shared>>
    tpu.wait_indirect_dma semaphore(%arg30 : memref<!tpu.dma_semaphore, #tpu.memory_space<semaphore_mem>>) src(%arg12 : memref<80x56xf32, #tpu.memory_space<vmem>>) dst(%dma_wait3A_240 : memref<10240x56xf32, #tpu.memory_space<vmem_shared>>)
    %dma_start3A_241 = arith.constant 123 : i32
    %dma_start3A_242 = arith.constant 0 : i32
    %dma_start3A_243 = tpu.memref_slice %arg7[%dma_start3A_241, %dma_start3A_242] : memref<125x80xi32, #tpu.memory_space<vmem>> -> memref<1x80xi32, #tpu.memory_space<vmem>>
    %dma_start3A_244 = tpu.memref_squeeze %dma_start3A_243 : memref<1x80xi32, #tpu.memory_space<vmem>> -> memref<80xi32, #tpu.memory_space<vmem>>
    %dma_start3A_245 = arith.constant 0 : i32
    %dma_start3A_246 = arith.constant 0 : i32
    %dma_start3A_247 = tpu.memref_slice %arg2[%dma_start3A_245, %dma_start3A_246] : memref<10000x56xf32, #tpu.memory_space<hbm>> -> memref<10000x56xf32, #tpu.memory_space<hbm>>
    tpu.enqueue_indirect_dma source(%dma_start3A_247 : memref<10000x56xf32, #tpu.memory_space<hbm>>) target(%arg12 : memref<80x56xf32, #tpu.memory_space<vmem>>) offsets(%dma_start3A_244 : memref<80xi32, #tpu.memory_space<vmem>>) semaphore(%arg22 : memref<!tpu.dma_semaphore, #tpu.memory_space<semaphore_mem>>)
    %dma_wait3A_248 = arith.constant 116 : i32
    %dma_wait3A_249 = arith.constant 0 : i32
    %dma_wait3A_250 = tpu.memref_slice %arg8[%dma_wait3A_248, %dma_wait3A_249] : memref<125x80xi32, #tpu.memory_space<vmem>> -> memref<1x80xi32, #tpu.memory_space<vmem>>
    %dma_wait3A_251 = tpu.memref_squeeze %dma_wait3A_250 : memref<1x80xi32, #tpu.memory_space<vmem>> -> memref<80xi32, #tpu.memory_space<vmem>>
    %dma_wait3A_252 = arith.constant 0 : i32
    %dma_wait3A_253 = arith.constant 0 : i32
    %dma_wait3A_254 = tpu.memref_slice %arg18[%dma_wait3A_252, %dma_wait3A_253] : memref<10240x56xf32, #tpu.memory_space<vmem_shared>> -> memref<10240x56xf32, #tpu.memory_space<vmem_shared>>
    tpu.wait_indirect_dma semaphore(%arg31 : memref<!tpu.dma_semaphore, #tpu.memory_space<semaphore_mem>>) src(%arg13 : memref<80x56xf32, #tpu.memory_space<vmem>>) dst(%dma_wait3A_254 : memref<10240x56xf32, #tpu.memory_space<vmem_shared>>)
    %dma_start3A_255 = arith.constant 124 : i32
    %dma_start3A_256 = arith.constant 0 : i32
    %dma_start3A_257 = tpu.memref_slice %arg7[%dma_start3A_255, %dma_start3A_256] : memref<125x80xi32, #tpu.memory_space<vmem>> -> memref<1x80xi32, #tpu.memory_space<vmem>>
    %dma_start3A_258 = tpu.memref_squeeze %dma_start3A_257 : memref<1x80xi32, #tpu.memory_space<vmem>> -> memref<80xi32, #tpu.memory_space<vmem>>
    %dma_start3A_259 = arith.constant 0 : i32
    %dma_start3A_260 = arith.constant 0 : i32
    %dma_start3A_261 = tpu.memref_slice %arg2[%dma_start3A_259, %dma_start3A_260] : memref<10000x56xf32, #tpu.memory_space<hbm>> -> memref<10000x56xf32, #tpu.memory_space<hbm>>
    tpu.enqueue_indirect_dma source(%dma_start3A_261 : memref<10000x56xf32, #tpu.memory_space<hbm>>) target(%arg13 : memref<80x56xf32, #tpu.memory_space<vmem>>) offsets(%dma_start3A_258 : memref<80xi32, #tpu.memory_space<vmem>>) semaphore(%arg23 : memref<!tpu.dma_semaphore, #tpu.memory_space<semaphore_mem>>)
    %dma_wait3A_262 = arith.constant 117 : i32
    %dma_wait3A_263 = arith.constant 0 : i32
    %dma_wait3A_264 = tpu.memref_slice %arg8[%dma_wait3A_262, %dma_wait3A_263] : memref<125x80xi32, #tpu.memory_space<vmem>> -> memref<1x80xi32, #tpu.memory_space<vmem>>
    %dma_wait3A_265 = tpu.memref_squeeze %dma_wait3A_264 : memref<1x80xi32, #tpu.memory_space<vmem>> -> memref<80xi32, #tpu.memory_space<vmem>>
    %dma_wait3A_266 = arith.constant 0 : i32
    %dma_wait3A_267 = arith.constant 0 : i32
    %dma_wait3A_268 = tpu.memref_slice %arg18[%dma_wait3A_266, %dma_wait3A_267] : memref<10240x56xf32, #tpu.memory_space<vmem_shared>> -> memref<10240x56xf32, #tpu.memory_space<vmem_shared>>
    tpu.wait_indirect_dma semaphore(%arg32 : memref<!tpu.dma_semaphore, #tpu.memory_space<semaphore_mem>>) src(%arg14 : memref<80x56xf32, #tpu.memory_space<vmem>>) dst(%dma_wait3A_268 : memref<10240x56xf32, #tpu.memory_space<vmem_shared>>)
    %dma_wait3A_269 = arith.constant 118 : i32
    %dma_wait3A_270 = arith.constant 0 : i32
    %dma_wait3A_271 = tpu.memref_slice %arg8[%dma_wait3A_269, %dma_wait3A_270] : memref<125x80xi32, #tpu.memory_space<vmem>> -> memref<1x80xi32, #tpu.memory_space<vmem>>
    %dma_wait3A_272 = tpu.memref_squeeze %dma_wait3A_271 : memref<1x80xi32, #tpu.memory_space<vmem>> -> memref<80xi32, #tpu.memory_space<vmem>>
    %dma_wait3A_273 = arith.constant 0 : i32
    %dma_wait3A_274 = arith.constant 0 : i32
    %dma_wait3A_275 = tpu.memref_slice %arg18[%dma_wait3A_273, %dma_wait3A_274] : memref<10240x56xf32, #tpu.memory_space<vmem_shared>> -> memref<10240x56xf32, #tpu.memory_space<vmem_shared>>
    tpu.wait_indirect_dma semaphore(%arg33 : memref<!tpu.dma_semaphore, #tpu.memory_space<semaphore_mem>>) src(%arg15 : memref<80x56xf32, #tpu.memory_space<vmem>>) dst(%dma_wait3A_275 : memref<10240x56xf32, #tpu.memory_space<vmem_shared>>)
    %dma_wait3A_276 = arith.constant 119 : i32
    %dma_wait3A_277 = arith.constant 0 : i32
    %dma_wait3A_278 = tpu.memref_slice %arg8[%dma_wait3A_276, %dma_wait3A_277] : memref<125x80xi32, #tpu.memory_space<vmem>> -> memref<1x80xi32, #tpu.memory_space<vmem>>
    %dma_wait3A_279 = tpu.memref_squeeze %dma_wait3A_278 : memref<1x80xi32, #tpu.memory_space<vmem>> -> memref<80xi32, #tpu.memory_space<vmem>>
    %dma_wait3A_280 = arith.constant 0 : i32
    %dma_wait3A_281 = arith.constant 0 : i32
    %dma_wait3A_282 = tpu.memref_slice %arg18[%dma_wait3A_280, %dma_wait3A_281] : memref<10240x56xf32, #tpu.memory_space<vmem_shared>> -> memref<10240x56xf32, #tpu.memory_space<vmem_shared>>
    tpu.wait_indirect_dma semaphore(%arg34 : memref<!tpu.dma_semaphore, #tpu.memory_space<semaphore_mem>>) src(%arg16 : memref<80x56xf32, #tpu.memory_space<vmem>>) dst(%dma_wait3A_282 : memref<10240x56xf32, #tpu.memory_space<vmem_shared>>)
    %dma_wait3A_283 = arith.constant 120 : i32
    %dma_wait3A_284 = arith.constant 0 : i32
    %dma_wait3A_285 = tpu.memref_slice %arg7[%dma_wait3A_283, %dma_wait3A_284] : memref<125x80xi32, #tpu.memory_space<vmem>> -> memref<1x80xi32, #tpu.memory_space<vmem>>
    %dma_wait3A_286 = tpu.memref_squeeze %dma_wait3A_285 : memref<1x80xi32, #tpu.memory_space<vmem>> -> memref<80xi32, #tpu.memory_space<vmem>>
    %dma_wait3A_287 = arith.constant 0 : i32
    %dma_wait3A_288 = arith.constant 0 : i32
    %dma_wait3A_289 = tpu.memref_slice %arg2[%dma_wait3A_287, %dma_wait3A_288] : memref<10000x56xf32, #tpu.memory_space<hbm>> -> memref<10000x56xf32, #tpu.memory_space<hbm>>
    tpu.wait_indirect_dma semaphore(%arg19 : memref<!tpu.dma_semaphore, #tpu.memory_space<semaphore_mem>>) src(%dma_wait3A_289 : memref<10000x56xf32, #tpu.memory_space<hbm>>) dst(%arg9 : memref<80x56xf32, #tpu.memory_space<vmem>>)
    %dma_start3A_290 = arith.constant 120 : i32
    %dma_start3A_291 = arith.constant 0 : i32
    %dma_start3A_292 = tpu.memref_slice %arg8[%dma_start3A_290, %dma_start3A_291] : memref<125x80xi32, #tpu.memory_space<vmem>> -> memref<1x80xi32, #tpu.memory_space<vmem>>
    %dma_start3A_293 = tpu.memref_squeeze %dma_start3A_292 : memref<1x80xi32, #tpu.memory_space<vmem>> -> memref<80xi32, #tpu.memory_space<vmem>>
    %dma_start3A_294 = arith.constant 0 : i32
    %dma_start3A_295 = arith.constant 0 : i32
    %dma_start3A_296 = tpu.memref_slice %arg18[%dma_start3A_294, %dma_start3A_295] : memref<10240x56xf32, #tpu.memory_space<vmem_shared>> -> memref<10240x56xf32, #tpu.memory_space<vmem_shared>>
    tpu.enqueue_indirect_dma source(%arg9 : memref<80x56xf32, #tpu.memory_space<vmem>>) target(%dma_start3A_296 : memref<10240x56xf32, #tpu.memory_space<vmem_shared>>) offsets(%dma_start3A_293 : memref<80xi32, #tpu.memory_space<vmem>>) semaphore(%arg27 : memref<!tpu.dma_semaphore, #tpu.memory_space<semaphore_mem>>) {add = true}
    %dma_wait3A_297 = arith.constant 121 : i32
    %dma_wait3A_298 = arith.constant 0 : i32
    %dma_wait3A_299 = tpu.memref_slice %arg7[%dma_wait3A_297, %dma_wait3A_298] : memref<125x80xi32, #tpu.memory_space<vmem>> -> memref<1x80xi32, #tpu.memory_space<vmem>>
    %dma_wait3A_300 = tpu.memref_squeeze %dma_wait3A_299 : memref<1x80xi32, #tpu.memory_space<vmem>> -> memref<80xi32, #tpu.memory_space<vmem>>
    %dma_wait3A_301 = arith.constant 0 : i32
    %dma_wait3A_302 = arith.constant 0 : i32
    %dma_wait3A_303 = tpu.memref_slice %arg2[%dma_wait3A_301, %dma_wait3A_302] : memref<10000x56xf32, #tpu.memory_space<hbm>> -> memref<10000x56xf32, #tpu.memory_space<hbm>>
    tpu.wait_indirect_dma semaphore(%arg20 : memref<!tpu.dma_semaphore, #tpu.memory_space<semaphore_mem>>) src(%dma_wait3A_303 : memref<10000x56xf32, #tpu.memory_space<hbm>>) dst(%arg10 : memref<80x56xf32, #tpu.memory_space<vmem>>)
    %dma_start3A_304 = arith.constant 121 : i32
    %dma_start3A_305 = arith.constant 0 : i32
    %dma_start3A_306 = tpu.memref_slice %arg8[%dma_start3A_304, %dma_start3A_305] : memref<125x80xi32, #tpu.memory_space<vmem>> -> memref<1x80xi32, #tpu.memory_space<vmem>>
    %dma_start3A_307 = tpu.memref_squeeze %dma_start3A_306 : memref<1x80xi32, #tpu.memory_space<vmem>> -> memref<80xi32, #tpu.memory_space<vmem>>
    %dma_start3A_308 = arith.constant 0 : i32
    %dma_start3A_309 = arith.constant 0 : i32
    %dma_start3A_310 = tpu.memref_slice %arg18[%dma_start3A_308, %dma_start3A_309] : memref<10240x56xf32, #tpu.memory_space<vmem_shared>> -> memref<10240x56xf32, #tpu.memory_space<vmem_shared>>
    tpu.enqueue_indirect_dma source(%arg10 : memref<80x56xf32, #tpu.memory_space<vmem>>) target(%dma_start3A_310 : memref<10240x56xf32, #tpu.memory_space<vmem_shared>>) offsets(%dma_start3A_307 : memref<80xi32, #tpu.memory_space<vmem>>) semaphore(%arg28 : memref<!tpu.dma_semaphore, #tpu.memory_space<semaphore_mem>>) {add = true}
    %dma_wait3A_311 = arith.constant 122 : i32
    %dma_wait3A_312 = arith.constant 0 : i32
    %dma_wait3A_313 = tpu.memref_slice %arg7[%dma_wait3A_311, %dma_wait3A_312] : memref<125x80xi32, #tpu.memory_space<vmem>> -> memref<1x80xi32, #tpu.memory_space<vmem>>
    %dma_wait3A_314 = tpu.memref_squeeze %dma_wait3A_313 : memref<1x80xi32, #tpu.memory_space<vmem>> -> memref<80xi32, #tpu.memory_space<vmem>>
    %dma_wait3A_315 = arith.constant 0 : i32
    %dma_wait3A_316 = arith.constant 0 : i32
    %dma_wait3A_317 = tpu.memref_slice %arg2[%dma_wait3A_315, %dma_wait3A_316] : memref<10000x56xf32, #tpu.memory_space<hbm>> -> memref<10000x56xf32, #tpu.memory_space<hbm>>
    tpu.wait_indirect_dma semaphore(%arg21 : memref<!tpu.dma_semaphore, #tpu.memory_space<semaphore_mem>>) src(%dma_wait3A_317 : memref<10000x56xf32, #tpu.memory_space<hbm>>) dst(%arg11 : memref<80x56xf32, #tpu.memory_space<vmem>>)
    %dma_start3A_318 = arith.constant 122 : i32
    %dma_start3A_319 = arith.constant 0 : i32
    %dma_start3A_320 = tpu.memref_slice %arg8[%dma_start3A_318, %dma_start3A_319] : memref<125x80xi32, #tpu.memory_space<vmem>> -> memref<1x80xi32, #tpu.memory_space<vmem>>
    %dma_start3A_321 = tpu.memref_squeeze %dma_start3A_320 : memref<1x80xi32, #tpu.memory_space<vmem>> -> memref<80xi32, #tpu.memory_space<vmem>>
    %dma_start3A_322 = arith.constant 0 : i32
    %dma_start3A_323 = arith.constant 0 : i32
    %dma_start3A_324 = tpu.memref_slice %arg18[%dma_start3A_322, %dma_start3A_323] : memref<10240x56xf32, #tpu.memory_space<vmem_shared>> -> memref<10240x56xf32, #tpu.memory_space<vmem_shared>>
    tpu.enqueue_indirect_dma source(%arg11 : memref<80x56xf32, #tpu.memory_space<vmem>>) target(%dma_start3A_324 : memref<10240x56xf32, #tpu.memory_space<vmem_shared>>) offsets(%dma_start3A_321 : memref<80xi32, #tpu.memory_space<vmem>>) semaphore(%arg29 : memref<!tpu.dma_semaphore, #tpu.memory_space<semaphore_mem>>) {add = true}
    %dma_wait3A_325 = arith.constant 123 : i32
    %dma_wait3A_326 = arith.constant 0 : i32
    %dma_wait3A_327 = tpu.memref_slice %arg7[%dma_wait3A_325, %dma_wait3A_326] : memref<125x80xi32, #tpu.memory_space<vmem>> -> memref<1x80xi32, #tpu.memory_space<vmem>>
    %dma_wait3A_328 = tpu.memref_squeeze %dma_wait3A_327 : memref<1x80xi32, #tpu.memory_space<vmem>> -> memref<80xi32, #tpu.memory_space<vmem>>
    %dma_wait3A_329 = arith.constant 0 : i32
    %dma_wait3A_330 = arith.constant 0 : i32
    %dma_wait3A_331 = tpu.memref_slice %arg2[%dma_wait3A_329, %dma_wait3A_330] : memref<10000x56xf32, #tpu.memory_space<hbm>> -> memref<10000x56xf32, #tpu.memory_space<hbm>>
    tpu.wait_indirect_dma semaphore(%arg22 : memref<!tpu.dma_semaphore, #tpu.memory_space<semaphore_mem>>) src(%dma_wait3A_331 : memref<10000x56xf32, #tpu.memory_space<hbm>>) dst(%arg12 : memref<80x56xf32, #tpu.memory_space<vmem>>)
    %dma_start3A_332 = arith.constant 123 : i32
    %dma_start3A_333 = arith.constant 0 : i32
    %dma_start3A_334 = tpu.memref_slice %arg8[%dma_start3A_332, %dma_start3A_333] : memref<125x80xi32, #tpu.memory_space<vmem>> -> memref<1x80xi32, #tpu.memory_space<vmem>>
    %dma_start3A_335 = tpu.memref_squeeze %dma_start3A_334 : memref<1x80xi32, #tpu.memory_space<vmem>> -> memref<80xi32, #tpu.memory_space<vmem>>
    %dma_start3A_336 = arith.constant 0 : i32
    %dma_start3A_337 = arith.constant 0 : i32
    %dma_start3A_338 = tpu.memref_slice %arg18[%dma_start3A_336, %dma_start3A_337] : memref<10240x56xf32, #tpu.memory_space<vmem_shared>> -> memref<10240x56xf32, #tpu.memory_space<vmem_shared>>
    tpu.enqueue_indirect_dma source(%arg12 : memref<80x56xf32, #tpu.memory_space<vmem>>) target(%dma_start3A_338 : memref<10240x56xf32, #tpu.memory_space<vmem_shared>>) offsets(%dma_start3A_335 : memref<80xi32, #tpu.memory_space<vmem>>) semaphore(%arg30 : memref<!tpu.dma_semaphore, #tpu.memory_space<semaphore_mem>>) {add = true}
    %dma_wait3A_339 = arith.constant 124 : i32
    %dma_wait3A_340 = arith.constant 0 : i32
    %dma_wait3A_341 = tpu.memref_slice %arg7[%dma_wait3A_339, %dma_wait3A_340] : memref<125x80xi32, #tpu.memory_space<vmem>> -> memref<1x80xi32, #tpu.memory_space<vmem>>
    %dma_wait3A_342 = tpu.memref_squeeze %dma_wait3A_341 : memref<1x80xi32, #tpu.memory_space<vmem>> -> memref<80xi32, #tpu.memory_space<vmem>>
    %dma_wait3A_343 = arith.constant 0 : i32
    %dma_wait3A_344 = arith.constant 0 : i32
    %dma_wait3A_345 = tpu.memref_slice %arg2[%dma_wait3A_343, %dma_wait3A_344] : memref<10000x56xf32, #tpu.memory_space<hbm>> -> memref<10000x56xf32, #tpu.memory_space<hbm>>
    tpu.wait_indirect_dma semaphore(%arg23 : memref<!tpu.dma_semaphore, #tpu.memory_space<semaphore_mem>>) src(%dma_wait3A_345 : memref<10000x56xf32, #tpu.memory_space<hbm>>) dst(%arg13 : memref<80x56xf32, #tpu.memory_space<vmem>>)
    %dma_start3A_346 = arith.constant 124 : i32
    %dma_start3A_347 = arith.constant 0 : i32
    %dma_start3A_348 = tpu.memref_slice %arg8[%dma_start3A_346, %dma_start3A_347] : memref<125x80xi32, #tpu.memory_space<vmem>> -> memref<1x80xi32, #tpu.memory_space<vmem>>
    %dma_start3A_349 = tpu.memref_squeeze %dma_start3A_348 : memref<1x80xi32, #tpu.memory_space<vmem>> -> memref<80xi32, #tpu.memory_space<vmem>>
    %dma_start3A_350 = arith.constant 0 : i32
    %dma_start3A_351 = arith.constant 0 : i32
    %dma_start3A_352 = tpu.memref_slice %arg18[%dma_start3A_350, %dma_start3A_351] : memref<10240x56xf32, #tpu.memory_space<vmem_shared>> -> memref<10240x56xf32, #tpu.memory_space<vmem_shared>>
    tpu.enqueue_indirect_dma source(%arg13 : memref<80x56xf32, #tpu.memory_space<vmem>>) target(%dma_start3A_352 : memref<10240x56xf32, #tpu.memory_space<vmem_shared>>) offsets(%dma_start3A_349 : memref<80xi32, #tpu.memory_space<vmem>>) semaphore(%arg31 : memref<!tpu.dma_semaphore, #tpu.memory_space<semaphore_mem>>) {add = true}
    %dma_wait3A_353 = arith.constant 120 : i32
    %dma_wait3A_354 = arith.constant 0 : i32
    %dma_wait3A_355 = tpu.memref_slice %arg8[%dma_wait3A_353, %dma_wait3A_354] : memref<125x80xi32, #tpu.memory_space<vmem>> -> memref<1x80xi32, #tpu.memory_space<vmem>>
    %dma_wait3A_356 = tpu.memref_squeeze %dma_wait3A_355 : memref<1x80xi32, #tpu.memory_space<vmem>> -> memref<80xi32, #tpu.memory_space<vmem>>
    %dma_wait3A_357 = arith.constant 0 : i32
    %dma_wait3A_358 = arith.constant 0 : i32
    %dma_wait3A_359 = tpu.memref_slice %arg18[%dma_wait3A_357, %dma_wait3A_358] : memref<10240x56xf32, #tpu.memory_space<vmem_shared>> -> memref<10240x56xf32, #tpu.memory_space<vmem_shared>>
    tpu.wait_indirect_dma semaphore(%arg27 : memref<!tpu.dma_semaphore, #tpu.memory_space<semaphore_mem>>) src(%arg9 : memref<80x56xf32, #tpu.memory_space<vmem>>) dst(%dma_wait3A_359 : memref<10240x56xf32, #tpu.memory_space<vmem_shared>>)
    %dma_wait3A_360 = arith.constant 121 : i32
    %dma_wait3A_361 = arith.constant 0 : i32
    %dma_wait3A_362 = tpu.memref_slice %arg8[%dma_wait3A_360, %dma_wait3A_361] : memref<125x80xi32, #tpu.memory_space<vmem>> -> memref<1x80xi32, #tpu.memory_space<vmem>>
    %dma_wait3A_363 = tpu.memref_squeeze %dma_wait3A_362 : memref<1x80xi32, #tpu.memory_space<vmem>> -> memref<80xi32, #tpu.memory_space<vmem>>
    %dma_wait3A_364 = arith.constant 0 : i32
    %dma_wait3A_365 = arith.constant 0 : i32
    %dma_wait3A_366 = tpu.memref_slice %arg18[%dma_wait3A_364, %dma_wait3A_365] : memref<10240x56xf32, #tpu.memory_space<vmem_shared>> -> memref<10240x56xf32, #tpu.memory_space<vmem_shared>>
    tpu.wait_indirect_dma semaphore(%arg28 : memref<!tpu.dma_semaphore, #tpu.memory_space<semaphore_mem>>) src(%arg10 : memref<80x56xf32, #tpu.memory_space<vmem>>) dst(%dma_wait3A_366 : memref<10240x56xf32, #tpu.memory_space<vmem_shared>>)
    %dma_wait3A_367 = arith.constant 122 : i32
    %dma_wait3A_368 = arith.constant 0 : i32
    %dma_wait3A_369 = tpu.memref_slice %arg8[%dma_wait3A_367, %dma_wait3A_368] : memref<125x80xi32, #tpu.memory_space<vmem>> -> memref<1x80xi32, #tpu.memory_space<vmem>>
    %dma_wait3A_370 = tpu.memref_squeeze %dma_wait3A_369 : memref<1x80xi32, #tpu.memory_space<vmem>> -> memref<80xi32, #tpu.memory_space<vmem>>
    %dma_wait3A_371 = arith.constant 0 : i32
    %dma_wait3A_372 = arith.constant 0 : i32
    %dma_wait3A_373 = tpu.memref_slice %arg18[%dma_wait3A_371, %dma_wait3A_372] : memref<10240x56xf32, #tpu.memory_space<vmem_shared>> -> memref<10240x56xf32, #tpu.memory_space<vmem_shared>>
    tpu.wait_indirect_dma semaphore(%arg29 : memref<!tpu.dma_semaphore, #tpu.memory_space<semaphore_mem>>) src(%arg11 : memref<80x56xf32, #tpu.memory_space<vmem>>) dst(%dma_wait3A_373 : memref<10240x56xf32, #tpu.memory_space<vmem_shared>>)
    %dma_wait3A_374 = arith.constant 123 : i32
    %dma_wait3A_375 = arith.constant 0 : i32
    %dma_wait3A_376 = tpu.memref_slice %arg8[%dma_wait3A_374, %dma_wait3A_375] : memref<125x80xi32, #tpu.memory_space<vmem>> -> memref<1x80xi32, #tpu.memory_space<vmem>>
    %dma_wait3A_377 = tpu.memref_squeeze %dma_wait3A_376 : memref<1x80xi32, #tpu.memory_space<vmem>> -> memref<80xi32, #tpu.memory_space<vmem>>
    %dma_wait3A_378 = arith.constant 0 : i32
    %dma_wait3A_379 = arith.constant 0 : i32
    %dma_wait3A_380 = tpu.memref_slice %arg18[%dma_wait3A_378, %dma_wait3A_379] : memref<10240x56xf32, #tpu.memory_space<vmem_shared>> -> memref<10240x56xf32, #tpu.memory_space<vmem_shared>>
    tpu.wait_indirect_dma semaphore(%arg30 : memref<!tpu.dma_semaphore, #tpu.memory_space<semaphore_mem>>) src(%arg12 : memref<80x56xf32, #tpu.memory_space<vmem>>) dst(%dma_wait3A_380 : memref<10240x56xf32, #tpu.memory_space<vmem_shared>>)
    %dma_wait3A_381 = arith.constant 124 : i32
    %dma_wait3A_382 = arith.constant 0 : i32
    %dma_wait3A_383 = tpu.memref_slice %arg8[%dma_wait3A_381, %dma_wait3A_382] : memref<125x80xi32, #tpu.memory_space<vmem>> -> memref<1x80xi32, #tpu.memory_space<vmem>>
    %dma_wait3A_384 = tpu.memref_squeeze %dma_wait3A_383 : memref<1x80xi32, #tpu.memory_space<vmem>> -> memref<80xi32, #tpu.memory_space<vmem>>
    %dma_wait3A_385 = arith.constant 0 : i32
    %dma_wait3A_386 = arith.constant 0 : i32
    %dma_wait3A_387 = tpu.memref_slice %arg18[%dma_wait3A_385, %dma_wait3A_386] : memref<10240x56xf32, #tpu.memory_space<vmem_shared>> -> memref<10240x56xf32, #tpu.memory_space<vmem_shared>>
    tpu.wait_indirect_dma semaphore(%arg31 : memref<!tpu.dma_semaphore, #tpu.memory_space<semaphore_mem>>) src(%arg13 : memref<80x56xf32, #tpu.memory_space<vmem>>) dst(%dma_wait3A_387 : memref<10240x56xf32, #tpu.memory_space<vmem_shared>>)
    %barrier3A_388 = arith.constant 0 : index
    tpu.barrier barrier_id(%barrier3A_388)
    %mul3A_389 = arith.constant 640 : i32
    %mul3A_390 = arith.muli %arg1, %mul3A_389 : i32
    %add3A_391 = arith.constant 0 : i32
    %add3A_392 = arith.addi %mul3A_390, %add3A_391 : i32
    "tpu.region"() ({
      %run_scoped3A = tpu.sem_alloc : memref<!tpu.dma_semaphore, #tpu.memory_space<semaphore_mem>>
      %dma_start3A_409 = arith.constant 0 : i32
      %dma_start3A_410 = tpu.memref_slice %arg6[%arg0, %add3A_392, %dma_start3A_409] : memref<2x10240x56xf32, #tpu.memory_space<hbm>> -> memref<1x128x56xf32, #tpu.memory_space<hbm>>
      %dma_start3A_411 = tpu.memref_squeeze %dma_start3A_410 : memref<1x128x56xf32, #tpu.memory_space<hbm>> -> memref<128x56xf32, #tpu.memory_space<hbm>>
      %dma_start3A_412 = arith.constant 0 : i32
      %dma_start3A_413 = tpu.memref_slice %arg18[%add3A_392, %dma_start3A_412] : memref<10240x56xf32, #tpu.memory_space<vmem_shared>> -> memref<128x56xf32, #tpu.memory_space<vmem_shared>>
      tpu.enqueue_dma source(%dma_start3A_413 : memref<128x56xf32, #tpu.memory_space<vmem_shared>>) target(%dma_start3A_411 : memref<128x56xf32, #tpu.memory_space<hbm>>) target_semaphore(%run_scoped3A : memref<!tpu.dma_semaphore, #tpu.memory_space<semaphore_mem>>)
      %dma_wait3A_414 = arith.constant 0 : i32
      %dma_wait3A_415 = tpu.memref_slice %arg6[%arg0, %add3A_392, %dma_wait3A_414] : memref<2x10240x56xf32, #tpu.memory_space<hbm>> -> memref<1x128x56xf32, #tpu.memory_space<hbm>>
      %dma_wait3A_416 = tpu.memref_squeeze %dma_wait3A_415 : memref<1x128x56xf32, #tpu.memory_space<hbm>> -> memref<128x56xf32, #tpu.memory_space<hbm>>
      %dma_wait3A_417 = arith.constant 0 : i32
      %dma_wait3A_418 = tpu.memref_slice %arg18[%add3A_392, %dma_wait3A_417] : memref<10240x56xf32, #tpu.memory_space<vmem_shared>> -> memref<128x56xf32, #tpu.memory_space<vmem_shared>>
      tpu.wait_dma2 semaphore(%run_scoped3A : memref<!tpu.dma_semaphore, #tpu.memory_space<semaphore_mem>>) src(%dma_wait3A_418 : memref<128x56xf32, #tpu.memory_space<vmem_shared>>) dst(%dma_wait3A_416 : memref<128x56xf32, #tpu.memory_space<hbm>>)
      tpu.yield
    }) : () -> ()
    %mul3A_393 = arith.constant 640 : i32
    %mul3A_394 = arith.muli %arg1, %mul3A_393 : i32
    %add3A_395 = arith.constant 128 : i32
    %add3A_396 = arith.addi %mul3A_394, %add3A_395 : i32
    "tpu.region"() ({
      %run_scoped3A = tpu.sem_alloc : memref<!tpu.dma_semaphore, #tpu.memory_space<semaphore_mem>>
      %dma_start3A_409 = arith.constant 0 : i32
      %dma_start3A_410 = tpu.memref_slice %arg6[%arg0, %add3A_396, %dma_start3A_409] : memref<2x10240x56xf32, #tpu.memory_space<hbm>> -> memref<1x128x56xf32, #tpu.memory_space<hbm>>
      %dma_start3A_411 = tpu.memref_squeeze %dma_start3A_410 : memref<1x128x56xf32, #tpu.memory_space<hbm>> -> memref<128x56xf32, #tpu.memory_space<hbm>>
      %dma_start3A_412 = arith.constant 0 : i32
      %dma_start3A_413 = tpu.memref_slice %arg18[%add3A_396, %dma_start3A_412] : memref<10240x56xf32, #tpu.memory_space<vmem_shared>> -> memref<128x56xf32, #tpu.memory_space<vmem_shared>>
      tpu.enqueue_dma source(%dma_start3A_413 : memref<128x56xf32, #tpu.memory_space<vmem_shared>>) target(%dma_start3A_411 : memref<128x56xf32, #tpu.memory_space<hbm>>) target_semaphore(%run_scoped3A : memref<!tpu.dma_semaphore, #tpu.memory_space<semaphore_mem>>)
      %dma_wait3A_414 = arith.constant 0 : i32
      %dma_wait3A_415 = tpu.memref_slice %arg6[%arg0, %add3A_396, %dma_wait3A_414] : memref<2x10240x56xf32, #tpu.memory_space<hbm>> -> memref<1x128x56xf32, #tpu.memory_space<hbm>>
      %dma_wait3A_416 = tpu.memref_squeeze %dma_wait3A_415 : memref<1x128x56xf32, #tpu.memory_space<hbm>> -> memref<128x56xf32, #tpu.memory_space<hbm>>
      %dma_wait3A_417 = arith.constant 0 : i32
      %dma_wait3A_418 = tpu.memref_slice %arg18[%add3A_396, %dma_wait3A_417] : memref<10240x56xf32, #tpu.memory_space<vmem_shared>> -> memref<128x56xf32, #tpu.memory_space<vmem_shared>>
      tpu.wait_dma2 semaphore(%run_scoped3A : memref<!tpu.dma_semaphore, #tpu.memory_space<semaphore_mem>>) src(%dma_wait3A_418 : memref<128x56xf32, #tpu.memory_space<vmem_shared>>) dst(%dma_wait3A_416 : memref<128x56xf32, #tpu.memory_space<hbm>>)
      tpu.yield
    }) : () -> ()
    %mul3A_397 = arith.constant 640 : i32
    %mul3A_398 = arith.muli %arg1, %mul3A_397 : i32
    %add3A_399 = arith.constant 256 : i32
    %add3A_400 = arith.addi %mul3A_398, %add3A_399 : i32
    "tpu.region"() ({
      %run_scoped3A = tpu.sem_alloc : memref<!tpu.dma_semaphore, #tpu.memory_space<semaphore_mem>>
      %dma_start3A_409 = arith.constant 0 : i32
      %dma_start3A_410 = tpu.memref_slice %arg6[%arg0, %add3A_400, %dma_start3A_409] : memref<2x10240x56xf32, #tpu.memory_space<hbm>> -> memref<1x128x56xf32, #tpu.memory_space<hbm>>
      %dma_start3A_411 = tpu.memref_squeeze %dma_start3A_410 : memref<1x128x56xf32, #tpu.memory_space<hbm>> -> memref<128x56xf32, #tpu.memory_space<hbm>>
      %dma_start3A_412 = arith.constant 0 : i32
      %dma_start3A_413 = tpu.memref_slice %arg18[%add3A_400, %dma_start3A_412] : memref<10240x56xf32, #tpu.memory_space<vmem_shared>> -> memref<128x56xf32, #tpu.memory_space<vmem_shared>>
      tpu.enqueue_dma source(%dma_start3A_413 : memref<128x56xf32, #tpu.memory_space<vmem_shared>>) target(%dma_start3A_411 : memref<128x56xf32, #tpu.memory_space<hbm>>) target_semaphore(%run_scoped3A : memref<!tpu.dma_semaphore, #tpu.memory_space<semaphore_mem>>)
      %dma_wait3A_414 = arith.constant 0 : i32
      %dma_wait3A_415 = tpu.memref_slice %arg6[%arg0, %add3A_400, %dma_wait3A_414] : memref<2x10240x56xf32, #tpu.memory_space<hbm>> -> memref<1x128x56xf32, #tpu.memory_space<hbm>>
      %dma_wait3A_416 = tpu.memref_squeeze %dma_wait3A_415 : memref<1x128x56xf32, #tpu.memory_space<hbm>> -> memref<128x56xf32, #tpu.memory_space<hbm>>
      %dma_wait3A_417 = arith.constant 0 : i32
      %dma_wait3A_418 = tpu.memref_slice %arg18[%add3A_400, %dma_wait3A_417] : memref<10240x56xf32, #tpu.memory_space<vmem_shared>> -> memref<128x56xf32, #tpu.memory_space<vmem_shared>>
      tpu.wait_dma2 semaphore(%run_scoped3A : memref<!tpu.dma_semaphore, #tpu.memory_space<semaphore_mem>>) src(%dma_wait3A_418 : memref<128x56xf32, #tpu.memory_space<vmem_shared>>) dst(%dma_wait3A_416 : memref<128x56xf32, #tpu.memory_space<hbm>>)
      tpu.yield
    }) : () -> ()
    %mul3A_401 = arith.constant 640 : i32
    %mul3A_402 = arith.muli %arg1, %mul3A_401 : i32
    %add3A_403 = arith.constant 384 : i32
    %add3A_404 = arith.addi %mul3A_402, %add3A_403 : i32
    "tpu.region"() ({
      %run_scoped3A = tpu.sem_alloc : memref<!tpu.dma_semaphore, #tpu.memory_space<semaphore_mem>>
      %dma_start3A_409 = arith.constant 0 : i32
      %dma_start3A_410 = tpu.memref_slice %arg6[%arg0, %add3A_404, %dma_start3A_409] : memref<2x10240x56xf32, #tpu.memory_space<hbm>> -> memref<1x128x56xf32, #tpu.memory_space<hbm>>
      %dma_start3A_411 = tpu.memref_squeeze %dma_start3A_410 : memref<1x128x56xf32, #tpu.memory_space<hbm>> -> memref<128x56xf32, #tpu.memory_space<hbm>>
      %dma_start3A_412 = arith.constant 0 : i32
      %dma_start3A_413 = tpu.memref_slice %arg18[%add3A_404, %dma_start3A_412] : memref<10240x56xf32, #tpu.memory_space<vmem_shared>> -> memref<128x56xf32, #tpu.memory_space<vmem_shared>>
      tpu.enqueue_dma source(%dma_start3A_413 : memref<128x56xf32, #tpu.memory_space<vmem_shared>>) target(%dma_start3A_411 : memref<128x56xf32, #tpu.memory_space<hbm>>) target_semaphore(%run_scoped3A : memref<!tpu.dma_semaphore, #tpu.memory_space<semaphore_mem>>)
      %dma_wait3A_414 = arith.constant 0 : i32
      %dma_wait3A_415 = tpu.memref_slice %arg6[%arg0, %add3A_404, %dma_wait3A_414] : memref<2x10240x56xf32, #tpu.memory_space<hbm>> -> memref<1x128x56xf32, #tpu.memory_space<hbm>>
      %dma_wait3A_416 = tpu.memref_squeeze %dma_wait3A_415 : memref<1x128x56xf32, #tpu.memory_space<hbm>> -> memref<128x56xf32, #tpu.memory_space<hbm>>
      %dma_wait3A_417 = arith.constant 0 : i32
      %dma_wait3A_418 = tpu.memref_slice %arg18[%add3A_404, %dma_wait3A_417] : memref<10240x56xf32, #tpu.memory_space<vmem_shared>> -> memref<128x56xf32, #tpu.memory_space<vmem_shared>>
      tpu.wait_dma2 semaphore(%run_scoped3A : memref<!tpu.dma_semaphore, #tpu.memory_space<semaphore_mem>>) src(%dma_wait3A_418 : memref<128x56xf32, #tpu.memory_space<vmem_shared>>) dst(%dma_wait3A_416 : memref<128x56xf32, #tpu.memory_space<hbm>>)
      tpu.yield
    }) : () -> ()
    %mul3A_405 = arith.constant 640 : i32
    %mul3A_406 = arith.muli %arg1, %mul3A_405 : i32
    %add3A_407 = arith.constant 512 : i32
    %add3A_408 = arith.addi %mul3A_406, %add3A_407 : i32
    "tpu.region"() ({
      %run_scoped3A = tpu.sem_alloc : memref<!tpu.dma_semaphore, #tpu.memory_space<semaphore_mem>>
      %dma_start3A_409 = arith.constant 0 : i32
      %dma_start3A_410 = tpu.memref_slice %arg6[%arg0, %add3A_408, %dma_start3A_409] : memref<2x10240x56xf32, #tpu.memory_space<hbm>> -> memref<1x128x56xf32, #tpu.memory_space<hbm>>
      %dma_start3A_411 = tpu.memref_squeeze %dma_start3A_410 : memref<1x128x56xf32, #tpu.memory_space<hbm>> -> memref<128x56xf32, #tpu.memory_space<hbm>>
      %dma_start3A_412 = arith.constant 0 : i32
      %dma_start3A_413 = tpu.memref_slice %arg18[%add3A_408, %dma_start3A_412] : memref<10240x56xf32, #tpu.memory_space<vmem_shared>> -> memref<128x56xf32, #tpu.memory_space<vmem_shared>>
      tpu.enqueue_dma source(%dma_start3A_413 : memref<128x56xf32, #tpu.memory_space<vmem_shared>>) target(%dma_start3A_411 : memref<128x56xf32, #tpu.memory_space<hbm>>) target_semaphore(%run_scoped3A : memref<!tpu.dma_semaphore, #tpu.memory_space<semaphore_mem>>)
      %dma_wait3A_414 = arith.constant 0 : i32
      %dma_wait3A_415 = tpu.memref_slice %arg6[%arg0, %add3A_408, %dma_wait3A_414] : memref<2x10240x56xf32, #tpu.memory_space<hbm>> -> memref<1x128x56xf32, #tpu.memory_space<hbm>>
      %dma_wait3A_416 = tpu.memref_squeeze %dma_wait3A_415 : memref<1x128x56xf32, #tpu.memory_space<hbm>> -> memref<128x56xf32, #tpu.memory_space<hbm>>
      %dma_wait3A_417 = arith.constant 0 : i32
      %dma_wait3A_418 = tpu.memref_slice %arg18[%add3A_408, %dma_wait3A_417] : memref<10240x56xf32, #tpu.memory_space<vmem_shared>> -> memref<128x56xf32, #tpu.memory_space<vmem_shared>>
      tpu.wait_dma2 semaphore(%run_scoped3A : memref<!tpu.dma_semaphore, #tpu.memory_space<semaphore_mem>>) src(%dma_wait3A_418 : memref<128x56xf32, #tpu.memory_space<vmem_shared>>) dst(%dma_wait3A_416 : memref<128x56xf32, #tpu.memory_space<hbm>>)
      tpu.yield
    }) : () -> ()
    return
  }
}

module attributes {stable_mosaic.version = 14 : i64} {
  func.func @_t1_body(%arg0: memref<10000x128xf32, #tpu.memory_space<vmem>>, %arg1: memref<128x56xf32, #tpu.memory_space<vmem>>, %arg2: memref<2x10240x8xf32, #tpu.memory_space<vmem>>, %arg3: memref<10000x56xf32, #tpu.memory_space<vmem>>) attributes {dimension_semantics = [], scalar_prefetch = 0 : i64, scratch_operands = 0 : i64, tpu.core_type = #tpu.core_type<tc>} {
    %get3A = arith.constant 0 : index
    %get3A_0 = arith.constant 0 : index
    %get3A_1 = vector.load %arg0[%get3A, %get3A_0] : memref<10000x128xf32, #tpu.memory_space<vmem>>, vector<10000x128xf32>
    %get3A_2 = arith.constant 0 : index
    %get3A_3 = arith.constant 0 : index
    %get3A_4 = vector.load %arg1[%get3A_2, %get3A_3] : memref<128x56xf32, #tpu.memory_space<vmem>>, vector<128x56xf32>
    %dot_general3A = arith.constant dense<0.000000e+00> : vector<10000x56xf32>
    %dot_general3A_5 = tpu.matmul %get3A_1, %get3A_4, %dot_general3A {dimension_numbers = #tpu.dot_dimension_numbers<[1], [0], [0], [1], [0, 0, 1, 1], [], []>, transpose_lhs_hint = false} : vector<10000x128xf32>, vector<128x56xf32>, vector<10000x56xf32> -> vector<10000x56xf32>
    %get3A_6 = arith.constant 0 : index
    %get3A_7 = arith.constant 0 : index
    %get3A_8 = arith.constant 0 : index
    %get3A_9 = vector.load %arg2[%get3A_6, %get3A_7, %get3A_8] : memref<2x10240x8xf32, #tpu.memory_space<vmem>>, vector<1x10000x1xf32>
    %get3A_10 = vector.shape_cast %get3A_9 : vector<1x10000x1xf32> to vector<10000x1xf32>
    %get3A_11 = arith.constant 1 : index
    %get3A_12 = arith.constant 0 : index
    %get3A_13 = arith.constant 0 : index
    %get3A_14 = vector.load %arg2[%get3A_11, %get3A_12, %get3A_13] : memref<2x10240x8xf32, #tpu.memory_space<vmem>>, vector<1x10000x1xf32>
    %get3A_15 = vector.shape_cast %get3A_14 : vector<1x10000x1xf32> to vector<10000x1xf32>
    %add3A = arith.addf %get3A_10, %get3A_15 : vector<10000x1xf32>
    %add3A_16 = arith.constant 1.000000e+00 : f32
    %add3A_17 = vector.broadcast %add3A_16 : f32 to vector<10000x1xf32>
    %add3A_18 = arith.addf %add3A, %add3A_17 : vector<10000x1xf32>
    %rsqrt3A = math.rsqrt %add3A_18 : vector<10000x1xf32>
    %mul3A = vector.broadcast %rsqrt3A : vector<10000x1xf32> to vector<10000x56xf32>
    %mul3A_19 = arith.mulf %dot_general3A_5, %mul3A : vector<10000x56xf32>
    %swap3A = arith.constant 0 : index
    %swap3A_20 = arith.constant 0 : index
    %swap3A_21 = vector.load %arg3[%swap3A, %swap3A_20] : memref<10000x56xf32, #tpu.memory_space<vmem>>, vector<10000x56xf32>
    tpu.vector_store %arg3[%swap3A, %swap3A_20], %mul3A_19 {strides = array<i32>} : memref<10000x56xf32, #tpu.memory_space<vmem>>, vector<10000x56xf32>,
    return
  }
}

module attributes {stable_mosaic.version = 14 : i64} {
  func.func @_t2_body(%arg0: memref<2x10240x56xf32, #tpu.memory_space<vmem>>, %arg1: memref<10000x56xf32, #tpu.memory_space<vmem>>, %arg2: memref<2x10240x8xf32, #tpu.memory_space<vmem>>, %arg3: memref<1x56xf32, #tpu.memory_space<vmem>>, %arg4: memref<56x40xf32, #tpu.memory_space<vmem>>, %arg5: memref<10000x40xf32, #tpu.memory_space<vmem>>) attributes {dimension_semantics = [], scalar_prefetch = 0 : i64, scratch_operands = 0 : i64, tpu.core_type = #tpu.core_type<tc>} {
    %get3A = arith.constant 0 : index
    %get3A_0 = arith.constant 0 : index
    %get3A_1 = arith.constant 0 : index
    %get3A_2 = vector.load %arg2[%get3A, %get3A_0, %get3A_1] : memref<2x10240x8xf32, #tpu.memory_space<vmem>>, vector<1x10000x1xf32>
    %get3A_3 = vector.shape_cast %get3A_2 : vector<1x10000x1xf32> to vector<10000x1xf32>
    %get3A_4 = arith.constant 1 : index
    %get3A_5 = arith.constant 0 : index
    %get3A_6 = arith.constant 0 : index
    %get3A_7 = vector.load %arg2[%get3A_4, %get3A_5, %get3A_6] : memref<2x10240x8xf32, #tpu.memory_space<vmem>>, vector<1x10000x1xf32>
    %get3A_8 = vector.shape_cast %get3A_7 : vector<1x10000x1xf32> to vector<10000x1xf32>
    %add3A = arith.addf %get3A_3, %get3A_8 : vector<10000x1xf32>
    %add3A_9 = arith.constant 1.000000e+00 : f32
    %add3A_10 = vector.broadcast %add3A_9 : f32 to vector<10000x1xf32>
    %add3A_11 = arith.addf %add3A, %add3A_10 : vector<10000x1xf32>
    %rsqrt3A = math.rsqrt %add3A_11 : vector<10000x1xf32>
    %get3A_12 = arith.constant 0 : index
    %get3A_13 = arith.constant 0 : index
    %get3A_14 = arith.constant 0 : index
    %get3A_15 = vector.load %arg0[%get3A_12, %get3A_13, %get3A_14] : memref<2x10240x56xf32, #tpu.memory_space<vmem>>, vector<1x10000x56xf32>
    %get3A_16 = vector.shape_cast %get3A_15 : vector<1x10000x56xf32> to vector<10000x56xf32>
    %get3A_17 = arith.constant 1 : index
    %get3A_18 = arith.constant 0 : index
    %get3A_19 = arith.constant 0 : index
    %get3A_20 = vector.load %arg0[%get3A_17, %get3A_18, %get3A_19] : memref<2x10240x56xf32, #tpu.memory_space<vmem>>, vector<1x10000x56xf32>
    %get3A_21 = vector.shape_cast %get3A_20 : vector<1x10000x56xf32> to vector<10000x56xf32>
    %add3A_22 = arith.addf %get3A_16, %get3A_21 : vector<10000x56xf32>
    %get3A_23 = arith.constant 0 : index
    %get3A_24 = arith.constant 0 : index
    %get3A_25 = vector.load %arg1[%get3A_23, %get3A_24] : memref<10000x56xf32, #tpu.memory_space<vmem>>, vector<10000x56xf32>
    %add3A_26 = arith.addf %add3A_22, %get3A_25 : vector<10000x56xf32>
    %mul3A = vector.broadcast %rsqrt3A : vector<10000x1xf32> to vector<10000x56xf32>
    %mul3A_27 = arith.mulf %mul3A, %add3A_26 : vector<10000x56xf32>
    %get3A_28 = arith.constant 0 : index
    %get3A_29 = arith.constant 0 : index
    %get3A_30 = vector.load %arg3[%get3A_28, %get3A_29] : memref<1x56xf32, #tpu.memory_space<vmem>>, vector<1x56xf32>
    %add3A_31 = vector.broadcast %get3A_30 : vector<1x56xf32> to vector<10000x56xf32>
    %add3A_32 = arith.addf %mul3A_27, %add3A_31 : vector<10000x56xf32>
    %max3A = arith.constant 0.000000e+00 : f32
    %max3A_33 = vector.broadcast %max3A : f32 to vector<10000x56xf32>
    %max3A_34 = arith.maximumf %add3A_32, %max3A_33 : vector<10000x56xf32>
    %get3A_35 = arith.constant 0 : index
    %get3A_36 = arith.constant 0 : index
    %get3A_37 = vector.load %arg4[%get3A_35, %get3A_36] : memref<56x40xf32, #tpu.memory_space<vmem>>, vector<56x40xf32>
    %dot_general3A = arith.constant dense<0.000000e+00> : vector<10000x40xf32>
    %dot_general3A_38 = tpu.matmul %max3A_34, %get3A_37, %dot_general3A {dimension_numbers = #tpu.dot_dimension_numbers<[1], [0], [0], [1], [0, 0, 1, 1], [], []>, transpose_lhs_hint = false} : vector<10000x56xf32>, vector<56x40xf32>, vector<10000x40xf32> -> vector<10000x40xf32>
    %mul3A_39 = vector.broadcast %rsqrt3A : vector<10000x1xf32> to vector<10000x40xf32>
    %mul3A_40 = arith.mulf %dot_general3A_38, %mul3A_39 : vector<10000x40xf32>
    %swap3A = arith.constant 0 : index
    %swap3A_41 = arith.constant 0 : index
    %swap3A_42 = vector.load %arg5[%swap3A, %swap3A_41] : memref<10000x40xf32, #tpu.memory_space<vmem>>, vector<10000x40xf32>
    tpu.vector_store %arg5[%swap3A, %swap3A_41], %mul3A_40 {strides = array<i32>} : memref<10000x40xf32, #tpu.memory_space<vmem>>, vector<10000x40xf32>,
    return
  }
}

module attributes {stable_mosaic.version = 14 : i64} {
  func.func @_t3_body(%arg0: memref<2x10240x40xf32, #tpu.memory_space<vmem>>, %arg1: memref<10000x40xf32, #tpu.memory_space<vmem>>, %arg2: memref<2x10240x8xf32, #tpu.memory_space<vmem>>, %arg3: memref<1x40xf32, #tpu.memory_space<vmem>>, %arg4: memref<10000x40xf32, #tpu.memory_space<vmem>>) attributes {dimension_semantics = [], scalar_prefetch = 0 : i64, scratch_operands = 0 : i64, tpu.core_type = #tpu.core_type<tc>} {
    %get3A = arith.constant 0 : index
    %get3A_0 = arith.constant 0 : index
    %get3A_1 = arith.constant 0 : index
    %get3A_2 = vector.load %arg2[%get3A, %get3A_0, %get3A_1] : memref<2x10240x8xf32, #tpu.memory_space<vmem>>, vector<1x10000x1xf32>
    %get3A_3 = vector.shape_cast %get3A_2 : vector<1x10000x1xf32> to vector<10000x1xf32>
    %get3A_4 = arith.constant 1 : index
    %get3A_5 = arith.constant 0 : index
    %get3A_6 = arith.constant 0 : index
    %get3A_7 = vector.load %arg2[%get3A_4, %get3A_5, %get3A_6] : memref<2x10240x8xf32, #tpu.memory_space<vmem>>, vector<1x10000x1xf32>
    %get3A_8 = vector.shape_cast %get3A_7 : vector<1x10000x1xf32> to vector<10000x1xf32>
    %add3A = arith.addf %get3A_3, %get3A_8 : vector<10000x1xf32>
    %add3A_9 = arith.constant 1.000000e+00 : f32
    %add3A_10 = vector.broadcast %add3A_9 : f32 to vector<10000x1xf32>
    %add3A_11 = arith.addf %add3A, %add3A_10 : vector<10000x1xf32>
    %rsqrt3A = math.rsqrt %add3A_11 : vector<10000x1xf32>
    %get3A_12 = arith.constant 0 : index
    %get3A_13 = arith.constant 0 : index
    %get3A_14 = arith.constant 0 : index
    %get3A_15 = vector.load %arg0[%get3A_12, %get3A_13, %get3A_14] : memref<2x10240x40xf32, #tpu.memory_space<vmem>>, vector<1x10000x40xf32>
    %get3A_16 = vector.shape_cast %get3A_15 : vector<1x10000x40xf32> to vector<10000x40xf32>
    %get3A_17 = arith.constant 1 : index
    %get3A_18 = arith.constant 0 : index
    %get3A_19 = arith.constant 0 : index
    %get3A_20 = vector.load %arg0[%get3A_17, %get3A_18, %get3A_19] : memref<2x10240x40xf32, #tpu.memory_space<vmem>>, vector<1x10000x40xf32>
    %get3A_21 = vector.shape_cast %get3A_20 : vector<1x10000x40xf32> to vector<10000x40xf32>
    %add3A_22 = arith.addf %get3A_16, %get3A_21 : vector<10000x40xf32>
    %get3A_23 = arith.constant 0 : index
    %get3A_24 = arith.constant 0 : index
    %get3A_25 = vector.load %arg1[%get3A_23, %get3A_24] : memref<10000x40xf32, #tpu.memory_space<vmem>>, vector<10000x40xf32>
    %add3A_26 = arith.addf %add3A_22, %get3A_25 : vector<10000x40xf32>
    %mul3A = vector.broadcast %rsqrt3A : vector<10000x1xf32> to vector<10000x40xf32>
    %mul3A_27 = arith.mulf %mul3A, %add3A_26 : vector<10000x40xf32>
    %get3A_28 = arith.constant 0 : index
    %get3A_29 = arith.constant 0 : index
    %get3A_30 = vector.load %arg3[%get3A_28, %get3A_29] : memref<1x40xf32, #tpu.memory_space<vmem>>, vector<1x40xf32>
    %add3A_31 = vector.broadcast %get3A_30 : vector<1x40xf32> to vector<10000x40xf32>
    %add3A_32 = arith.addf %mul3A_27, %add3A_31 : vector<10000x40xf32>
    %reduce_max3A = arith.constant dense<0xFF800000> : vector<10000xf32>
    %reduce_max3A_33 = vector.multi_reduction <maximumf>, %add3A_32, %reduce_max3A [1] : vector<10000x40xf32> to vector<10000xf32>
    %broadcast_in_dim3A = vector.shape_cast %reduce_max3A_33 : vector<10000xf32> to vector<10000x1xf32>
    %sub3A = vector.broadcast %broadcast_in_dim3A : vector<10000x1xf32> to vector<10000x40xf32>
    %sub3A_34 = arith.subf %add3A_32, %sub3A : vector<10000x40xf32>
    %exp3A = math.exp %sub3A_34 : vector<10000x40xf32>
    %reduce_sum3A = arith.constant dense<0.000000e+00> : vector<10000xf32>
    %reduce_sum3A_35 = vector.multi_reduction <add>, %exp3A, %reduce_sum3A [1] : vector<10000x40xf32> to vector<10000xf32>
    %broadcast_in_dim3A_36 = vector.shape_cast %reduce_sum3A_35 : vector<10000xf32> to vector<10000x1xf32>
    %log3A = math.log %broadcast_in_dim3A_36 : vector<10000x1xf32>
    %sub3A_37 = vector.broadcast %broadcast_in_dim3A : vector<10000x1xf32> to vector<10000x40xf32>
    %sub3A_38 = arith.subf %add3A_32, %sub3A_37 : vector<10000x40xf32>
    %sub3A_39 = vector.broadcast %log3A : vector<10000x1xf32> to vector<10000x40xf32>
    %sub3A_40 = arith.subf %sub3A_38, %sub3A_39 : vector<10000x40xf32>
    %swap3A = arith.constant 0 : index
    %swap3A_41 = arith.constant 0 : index
    %swap3A_42 = vector.load %arg4[%swap3A, %swap3A_41] : memref<10000x40xf32, #tpu.memory_space<vmem>>, vector<10000x40xf32>
    tpu.vector_store %arg4[%swap3A, %swap3A_41], %sub3A_40 {strides = array<i32>} : memref<10000x40xf32, #tpu.memory_space<vmem>>, vector<10000x40xf32>,
    return
  }
}

</mosaic_0001>

<sc_bundles>
// kernel: kernel.11.cloned.1.call-start
scs
__scs_entry_jumppad:
0x0: {  	(pc) =	sbr.rel $0x88, $3  }
0x1: {  	(tag) =	ssettag $0x0;
	lr =	simm.s32 $0x1  }
0x2: {  	[smem:$0x3F9B] =	sst lr;
	_ =	strace $0xD0000000  }
0x3: {  	_ = 	snop  }
0x4: {  	_ = 	snop  }
0x5: {  	_ = 	snop  }
0x6: {  	_ = 	snop  }
0x7: {  	_ = 	snop  }
__scs_overlays_trampoline_lowered:
0x8: {  	[smem:$0x3FAA] =	sst s0  }
0x9: {  	[smem:$0x3FAB] =	sst s1  }
0xa: {  	[smem:$0x3FAC] =	sst s2  }
0xb: {  	[smem:$0x3FAD] =	sst s3  }
0xc: {  	[smem:$0x3FAE] =	sst s4  }
0xd: {  	[smem:$0x3FAF] =	sst s5  }
0xe: {  	[smem:$0x3FB0] =	sst s6  }
0xf: {  	[smem:$0x3FB1] =	sst s7  }
0x10: {  	[smem:$0x3FB2] =	sst s8  }
0x11: {  	[smem:$0x3FB3] =	sst s9;
	s0 =	simm.s32 @!p0 $0x0  }
0x12: {  	s1 =	sld [smem:$0x3F99];
	s0 =	simm.s32 @p0 $0x1  }
0x13: {  	[smem:$0x3FB4] =	sst s0;
	s0 =	simm.s32 @!p1 $0x0  }
0x14: {  	s2 =	sld [smem:$0x3F98];
	s0 =	simm.s32 @p1 $0x1  }
0x15: {  	[smem:$0x3FB5] =	sst s0;
	s0 =	simm.s32 @!p2 $0x0  }
0x16: {  	s3 =	sld [smem:$0x3FDB];
	s0 =	simm.s32 @p2 $0x1  }
0x17: {  	s4 =	simm.s32 $0x1BF5;
	[smem:$0x3FB7] =	sst s0  }
0x18: {  	s0 =	sld [smem:$0x3F9A];
	_ =	swait.ge [sflag:s4], $0x0  }
0x19: {  	s7 =	sld [smem:$0x3F9B]  }
0x1a: {  	s8 =	sadd.s32 $0xFFFFE003, lr  }
0x1b: {  	s9 =	sadd.s32 $0xFFFFFEF7, lr;
	s5 =	simm.s32 $0xFFFFFFFF;
	p2 =	slt.u32 s8, $0xFFFFF086  }
0x1c: {  	p1 =	slt.u32 s9, $0xF7A;
	s5 =	simm.s32 @!p2 $0x0  }
0x1d: {  	s5 =	simm.s32 @p1 $0x1;
	p0 =	seq.s32 s7, s2  }
0x1e: {  	s7 =	smul.u32 @!p0 $0xF7A, s2;
	p2 =	seq.s32 @!p0 s5, $0x0  }
0x1f: {  	s9 =	smul.u32 $0xF7A, s1;
	s8 =	simm.s32 @!p0 $0x1BF5;
	p2 =	por !p2, p0  }
0x20: {  	[sflag:s8] =	ssyncset.s32 @!p0 $0xFFFFF086;
	s6 =	sadd.s32 @!p0 s3, s7;
	s7 =	simm.s32 @!p0 $0x108  }
0x21: {  	s3 =	sadd.s32 s3, s9;
	s6 =	sadd.s32 @!p0 $0x88, s6;
	s7 =	simm.s32 @p2 $0x1082  }
0x22: {  	[simem:s7], [sflag:s8] =	dma.local @!p0 [hbm:s6], $0xF7A  }
0x23: {  	s9 =	sor.u32 $0xD0000000, s2;
	s6 =	simm.s32 $0x108;
	_ =	swait.ge @!p0 [sflag:s8], $0x0  }
0x24: {  	s3 =	sadd.s32 $0x88, s3;
	s6 =	simm.s32 @!p1 $0x1082;
	[sflag:s4] =	ssyncset.s32 $0xFFFFF086  }
0x25: {  	[simem:s6], [sflag:s4] =	dma.local [hbm:s3], $0xF7A  }
0x26: {  	[smem:$0x3F9B] =	sst s1;
	(tag) =	ssettag s2;
	_ =	strace s9  }
0x27: {  	s1 =	sld [smem:$0x3FAB]  }
0x28: {  	s2 =	sld [smem:$0x3FAC]  }
0x29: {  	s4 =	sld [smem:$0x3FAE]  }
0x2a: {  	p0 =	seq.s32 s5, $0x0;
	s5 =	sld [smem:$0x3FAF]  }
0x2b: {  	s6 =	sld [smem:$0x3FB0]  }
0x2c: {  	s7 =	sld [smem:$0x3FB1]  }
0x2d: {  	s3 =	simm.s32 $0x108;
	s8 =	sld [smem:$0x3FB2]  }
0x2e: {  	s3 =	simm.s32 @!p0 $0x1082;
	s9 =	sld [smem:$0x3FB3]  }
0x2f: {  	lr =	sadd.s32 s0, s3;
	s0 =	sld [smem:$0x3FAA]  }
0x30: {  	s3 =	sld [smem:$0x3FAD]  }
0x31: {  	[smem:$0x3FB6] =	sst s10  }
0x32: {  	s10 =	sld [smem:$0x3FB4];
	_ =	sdelay $0x3  }
0x33: {  	p0 =	seq.s32 s10, $0x1;
	s10 =	sld [smem:$0x3FB6];
	_ =	sdelay $0x3  }
0x34: {  	[smem:$0x3FB6] =	sst s10  }
0x35: {  	s10 =	sld [smem:$0x3FB5];
	_ =	sdelay $0x3  }
0x36: {  	p1 =	seq.s32 s10, $0x1;
	s10 =	sld [smem:$0x3FB6];
	_ =	sdelay $0x3  }
0x37: {  	[smem:$0x3FB6] =	sst s10  }
0x38: {  	s10 =	sld [smem:$0x3FB7]  }
0x39: {  	_ = 	snop;
	(pc) =	sbr.ind lr, $3  }
0x3a: {  	_ = 	snop  }
0x3b: {  	_ = 	snop  }
0x3c: {  	p2 =	seq.s32 s10, $0x1;
	s10 =	sld [smem:$0x3FB6]  }
0x3d: {  	_ =	shalt  }
0x3e: {  	_ =	shalt  }
0x3f: {  	_ =	shalt  }
0x40: {  	_ =	shalt  }
0x41: {  	_ =	shalt  }
0x42: {  	_ =	shalt  }
0x43: {  	_ =	shalt  }
0x44: {  	_ =	shalt  }
0x45: {  	_ =	shalt  }
0x46: {  	_ =	shalt  }
0x47: {  	_ =	shalt  }
0x48: {  	_ =	shalt  }
0x49: {  	_ =	shalt  }
0x4a: {  	_ =	shalt  }
0x4b: {  	_ =	shalt  }
0x4c: {  	_ =	shalt  }
0x4d: {  	_ =	shalt  }
0x4e: {  	_ =	shalt  }
0x4f: {  	_ =	shalt  }
0x50: {  	_ =	shalt  }
0x51: {  	_ =	shalt  }
0x52: {  	_ =	shalt  }
0x53: {  	_ =	shalt  }
0x54: {  	_ =	shalt  }
0x55: {  	_ =	shalt  }
0x56: {  	_ =	shalt  }
0x57: {  	_ =	shalt  }
0x58: {  	_ =	shalt  }
0x59: {  	_ =	shalt  }
0x5a: {  	_ =	shalt  }
0x5b: {  	_ =	shalt  }
0x5c: {  	_ =	shalt  }
0x5d: {  	_ =	shalt  }
0x5e: {  	_ =	shalt  }
0x5f: {  	_ =	shalt  }
0x60: {  	_ =	shalt  }
0x61: {  	_ =	shalt  }
0x62: {  	_ =	shalt  }
0x63: {  	_ =	shalt  }
0x64: {  	_ =	shalt  }
0x65: {  	_ =	shalt  }
0x66: {  	_ =	shalt  }
0x67: {  	_ =	shalt  }
0x68: {  	_ =	shalt  }
0x69: {  	_ =	shalt  }
0x6a: {  	_ =	shalt  }
0x6b: {  	_ =	shalt  }
0x6c: {  	_ =	shalt  }
0x6d: {  	_ =	shalt  }
0x6e: {  	_ =	shalt  }
0x6f: {  	_ =	shalt  }
0x70: {  	_ =	shalt  }
0x71: {  	_ =	shalt  }
0x72: {  	_ =	shalt  }
0x73: {  	_ =	shalt  }
0x74: {  	_ =	shalt  }
0x75: {  	_ =	shalt  }
0x76: {  	_ =	shalt  }
0x77: {  	_ =	shalt  }
0x78: {  	_ =	shalt  }
0x79: {  	_ =	shalt  }
0x7a: {  	_ =	shalt  }
0x7b: {  	_ =	shalt  }
0x7c: {  	_ =	shalt  }
0x7d: {  	_ =	shalt  }
0x7e: {  	_ =	shalt  }
0x7f: {  	_ =	shalt  }
0x80: {  	_ =	shalt  }
0x81: {  	_ =	shalt  }
0x82: {  	_ =	shalt  }
0x83: {  	_ =	shalt  }
0x84: {  	_ =	shalt  }
0x85: {  	_ =	shalt  }
0x86: {  	_ =	shalt  }
0x87: {  	_ =	shalt  }
.Lfunc_end0:
.L_simem_size_0:
called_computation.1_lowered:
.L_overlay_start_0:
0x88: {  	s2 =	sld [smem:$0x3FD9]  }
0x89: {  	s3 =	sld [smem:$0x3FFE];
	_ =	sdelay $0x1  }
0x8a: {  	s1 =	srdreg.scid  }
0x8b: {  	s0 =	sand.u32 $0x1, s1  }
0x8c: {  	s17 =	sshll.u32 s0, $0xA;
	s2 =	sadd.s32 s3, s2  }
0x8d: {  	s2 =	sadd.s32 s2, s17  }
0x8e: {  	[smem:$0x3FC2] =	sst s2  }
0x8f: {  	_ = 	snop  }
0x90: {  	s2 =	sld [smem:$0x3FD0];
	(tm) =	ssettm $0x1  }
0x91: {  	s18 =	sld [smem:$0x3FFB];
	_ =	sdelay $0x3  }
0x92: {  	_ =	strace s18  }
0x93: {  	s3 =	sld [smem:$0x3FFC];
	_ =	sdelay $0x3  }
0x94: {  	_ =	strace s3  }
0x95: {  	s3 =	sld [smem:$0x3FFD];
	_ =	sdelay $0x3  }
0x96: {  	_ =	strace s3  }
0x97: {  	_ =	strace $0x8FFFFFFF  }
0x98: {  	s19 =	sld [smem:$0x3FDB];
	_ =	sdelay $0x1  }
0x99: {  	s4 =	simm.s32 $_scs_section_size  }
0x9a: {  	s5 =	simm.s32 $_size__tile_overlayer_lowered;
	s6 =	simm.s32 $_tile_overlayer_lowered  }
0x9b: {  	s22 =	simm.s32 $0x1BFF;
	s21 =	sshll.u32 s6, $0x1;
	s3 =	sadd.s32 s4, s19  }
0x9c: {  	s7 =	simm.s32 $0x0;
	s20 =	sshll.u32 s5, $0x1;
	s5 =	sadd.s32 s21, s3  }
0x9d: {  	[timem:s7], [sflag:s22] =	dma.local [hbm:s5], s20  }
0x9e: {  	_ =	swait.ge [sflag:s22], s20  }
0x9f: {  	s4 =	ssub.s32 $0x0, s20;
	[sflag:s22] =	ssyncset.done $0x0  }
0xa0: {  	[sflag:s22] =	ssyncadd.s32 s4;
	_ =	sdelay $0x1  }
0xa1: {  	s23 =	simm.s32 $0x1B8B  }
0xa2: {  	_ =	swait.ge [sflag:s23], $0x1  }
0xa3: {  	[sflag:s23] =	ssyncset.done $0x0  }
0xa4: {  	s25 =	simm.s32 $0x1B8E;
	s24 =	sld [smem:$0x3FFE];
	[sflag:s23] =	ssyncadd.s32 $0xFFFFFFFF  }
0xa5: {  	s26 =	simm.s32 $execute0_lowered;
	[smem:$0x3FD2] =	sst s25  }
0xa6: {  	s5 =	sshll.u32 s26, $0x1;
	_ =	strace $0x80000049;
	[dreg:$0x1] =	wrdreg $0xFFFFFFFF  }
0xa7: {  	s28 =	simm.s32 $_size_execute0_lowered;
	s3 =	sadd.s32 s3, s5;
	[dreg:$0x0] =	wrdreg $0x0  }
0xa8: {  	s5 =	sshll.u32 s28, $0x1;
	[dreg:$0x2] =	wrdreg s3  }
0xa9: {  	[dreg:$0x3] =	wrdreg s5  }
0xaa: {  	[dreg:$0x4] =	wrdreg $0xC0  }
0xab: {  	_ =	task [dreg:s7], $0x5FFFF  }
0xac: {  	[dreg:$0x1] =	wrdreg $0xFFFFFFFF  }
0xad: {  	[dreg:$0x0] =	wrdreg $0x60  }
0xae: {  	[dreg:$0x2] =	wrdreg s24  }
0xaf: {  	[dreg:$0x3] =	wrdreg s2  }
0xb0: {  	[dreg:$0x4] =	wrdreg $0xF6200  }
0xb1: {  	[dreg:$0x5] =	wrdreg $0x9  }
0xb2: {  	_ =	task.clear_ibuf [dreg:s7], $0x6FFFF;
	_ =	strace $0x90000049  }
0xb3: {  	s29 =	simm.s32 $0x9;
	_ =	strace $0x8000004B  }
0xb4: {  	_ =	swait.ge [sflag:s29], $0x1  }
0xb5: {  	[sflag:s29] =	ssyncadd.s32 $0xFFFFFFFF  }
0xb6: {  	_ =	strace $0x9000004B  }
0xb7: {  	_ =	sfence  }
0xb8: {  	s30 =	sld [smem:$0x0];
	_ =	sdelay $0x2  }
0xb9: {  	s31 =	sshll.u32 s1, $0xD;
	s1 =	sshrl.u32 s1, $0x2  }
0xba: {  	s3 =	sand.u32 $0x4000, s31;
	s1 =	sadd.s32 s1, s30  }
0xbb: {  	s0 =	sor.u32 s3, s0;
	s1 =	sshll.u32 s1, $0x11  }
0xbc: {  	s0 =	sor.u32 s1, s0  }
0xbd: {  	s0 =	sadd.s32 $0x8F2B, s0  }
0xbe: {  	[sflag:s0] =	ssyncadd.remote.s32 $0x1  }
0xbf: {  	_ =	sfence.sel $0xFFFF  }
0xc0: {  	[dreg:$0x0] =	wrdreg $0xFFFFFFFF;
	(pc) =	sbr.abs _section_cstart, $3  }
0xc1: {  	[dreg:$0x1] =	wrdreg $0xFFFFFFFF  }
0xc2: {  	_ =	task.clear_ibuf [dreg:s7], $0x2FFFF;
	_ =	strace $0x9FFFFFFF  }
0xc3: {  	(tm) =	ssettm $0x7FFFFFFF  }
tec
execute0_lowered:
.L_overlay_start_1:
0x0: {  	(tag) =	ssettag $0x1  }
0x1: {  	s0 =	rddreg [dreg:$0x0];
	s1 =	srdreg.scid  }
0x2: {  	s3 =	rddreg [dreg:$0x2];
	s4 =	stileid.u32  }
0x3: {  	s5 =	simm.s32 $0x0;
	s29 =	simm.s32 $0x82A0;
	s31 =	simm.s32 $0x9420  }
0x4: {  	s28 =	simm.s32 $0xC8A0;
	s30 =	simm.s32 $0x1;
	s12 =	simm.s32 $0x6  }
0x5: {  	s13 =	simm.s32 $0x7;
	s14 =	simm.s32 $0x8;
	s15 =	simm.s32 $0x9  }
0x6: {  	s1 =	sand.u32 $0x1, s1;
	[smem:$0x7FF] =	sst s5;
	s5 =	sadd.s32 $0x8C800, s0  }
0x7: {  	s2 =	sshll.u32 s1, $0x4;
	s6 =	ssub.s32 $0x2, s1;
	s1 =	smul.u32 $0x8C000, s1  }
0x8: {  	s2 =	sor.u32 s4, s2;
	s4 =	smul.u32 $0x8C00, s4;
	s7 =	sshrl.u32 s6, $0x1  }
0x9: {  	_ =	strace $0x8000004A;
	s2 =	smul.u32 $0x4E2, s2;
	s6 =	ssub.s32 s6, s7  }
0xa: {  	s7 =	simm.s32 $0xF;
	s8 =	sadd.s32 $0x1C00, s4;
	s16 =	sadd.s32 s4, s3  }
0xb: {  	s18 =	sadd.s32 $0x3800, s4;
	s9 =	sadd.s32 $0x5400, s4;
	s20 =	sadd.s32 $0x7000, s4  }
0xc: {  	s4 =	sadd.s32 s4, s1;
	s26 =	smax.u32 s6, $0x1;
	s6 =	simm.s32 $0xE  }
0xd: {  	s2 =	sadd.s32 s2, s0;
	s0 =	sadd.s32 $0x9DA00, s0;
	[dreg:$0x4] =	wrdreg s16  }
0xe: {  	s17 =	sadd.s32 s8, s3;
	s10 =	sadd.s32 s18, s3;
	s19 =	sadd.s32 s9, s3  }
0xf: {  	s8 =	sadd.s32 s1, s8;
	s4 =	sshrl.u32 s4, $0x3;
	[dreg:$0x10] =	wrdreg s26  }
0x10: {  	s23 =	sadd.s32 s1, s18;
	s24 =	sadd.s32 s1, s9;
	[dreg:$0x5] =	wrdreg s17  }
0x11: {  	s1 =	sadd.s32 s1, s20;
	s26 =	simm.s32 $0x7120;
	[dreg:$0x6] =	wrdreg s10  }
0x12: {  	s16 =	simm.s32 $0xA;
	s18 =	simm.s32 $0xC;
	[dreg:$0x7] =	wrdreg s19  }
0x13: {  	s19 =	sadd.s32 s20, s3;
	s11 =	sadd.s32 $0x1400, s2;
	s8 =	sshrl.u32 s8, $0x3  }
0x14: {  	s2 =	sadd.s32 $0xB200, s2;
	s21 =	sadd.s32 s0, s4;
	s4 =	sshrl.u32 s24, $0x3  }
0x15: {  	s1 =	sshrl.u32 s1, $0x3;
	s24 =	simm.s32 $0x5FA0;
	[dreg:$0x9] =	wrdreg s11  }
0x16: {  	s17 =	simm.s32 $0xB;
	s20 =	simm.s32 $0x0;
	[dreg:$0xa] =	wrdreg s2  }
0x17: {  	[dreg:$0xb] =	wrdreg s21;
	s22 =	sadd.s32 s0, s8;
	s2 =	sshrl.u32 s23, $0x3  }
0x18: {  	s25 =	sadd.s32 s0, s4;
	s23 =	simm.s32 $0x4E20;
	s21 =	simm.s32 $0xB720  }
0x19: {  	s11 =	simm.s32 $0x5;
	s4 =	simm.s32 $0xD;
	[dreg:$0x8] =	wrdreg s19  }
0x1a: {  	s8 =	simm.s32 $0x10;
	[dreg:$0xc] =	wrdreg s22;
	s2 =	sadd.s32 s0, s2  }
0x1b: {  	[dreg:$0xe] =	wrdreg s25;
	s0 =	sadd.s32 s0, s1;
	s22 =	simm.s32 $0x50  }
0x1c: {  	s1 =	simm.s32 $0x3;
	s25 =	simm.s32 $0x4;
	[dreg:$0xd] =	wrdreg s2  }
0x1d: {  	[dreg:$0xf] =	wrdreg s0;
	s2 =	simm.s32 $0xA5A0;
	s0 =	simm.s32 $0x2  }
.LBB2_1:
0x1e: {  	[dreg:$0x11] =	wrdreg s20  }
0x1f: {  	s9 =	rddreg [dreg:$0x1]  }
0x20: {  	s10 =	simm.s32 $0x11;
	s20 =	simm.s32 $0xDA20;
	s19 =	simm.s32 $0x0  }
0x21: {  	[tilespmem:s20], [sflag:$0x11] =	stream.linear.gather [hbm4b:s9+s19], $0x1C00, $0x38;
	[tilespmem:$0x18220] =	vst v63  }
0x22: {  	_ =	swait.ge [sflag:s10], $0x1C00  }
0x23: {  	[sflag:s10] =	ssyncset.done $0x0  }
0x24: {  	s19 =	rddreg [dreg:$0x4];
	[sflag:s10] =	ssyncadd.s32 $0xFFFFE400  }
0x25: {  	[spmem:s19] =	stream.linear.scatter [tilespmem:s20], [sflag:$0x11], $0x1C00, $0x38;
	[tilespmem:$0x18220] =	vst v63  }
0x26: {  	_ =	swait.ge [sflag:s10], $0x1C00  }
0x27: {  	[sflag:s10] =	ssyncset.done $0x0  }
0x28: {  	s19 =	rddreg [dreg:$0x5];
	[sflag:s10] =	ssyncadd.s32 $0xFFFFE400  }
0x29: {  	[spmem:s19] =	stream.linear.scatter [tilespmem:s20], [sflag:$0x11], $0x1C00, $0x38;
	[tilespmem:$0x18220] =	vst v63  }
0x2a: {  	_ =	swait.ge [sflag:s10], $0x1C00  }
0x2b: {  	[sflag:s10] =	ssyncset.done $0x0  }
0x2c: {  	s19 =	rddreg [dreg:$0x6];
	[sflag:s10] =	ssyncadd.s32 $0xFFFFE400  }
0x2d: {  	[spmem:s19] =	stream.linear.scatter [tilespmem:s20], [sflag:$0x11], $0x1C00, $0x38;
	[tilespmem:$0x18220] =	vst v63  }
0x2e: {  	_ =	swait.ge [sflag:s10], $0x1C00  }
0x2f: {  	[sflag:s10] =	ssyncset.done $0x0  }
0x30: {  	s19 =	rddreg [dreg:$0x7];
	[sflag:s10] =	ssyncadd.s32 $0xFFFFE400  }
0x31: {  	[spmem:s19] =	stream.linear.scatter [tilespmem:s20], [sflag:$0x11], $0x1C00, $0x38;
	[tilespmem:$0x18220] =	vst v63  }
0x32: {  	_ =	swait.ge [sflag:s10], $0x1C00  }
0x33: {  	[sflag:s10] =	ssyncset.done $0x0  }
0x34: {  	s19 =	rddreg [dreg:$0x8];
	[sflag:s10] =	ssyncadd.s32 $0xFFFFE400  }
0x35: {  	[spmem:s19] =	stream.linear.scatter [tilespmem:s20], [sflag:$0x11], $0x1C00, $0x38;
	[tilespmem:$0x18220] =	vst v63  }
0x36: {  	_ =	swait.ge [sflag:s10], $0x1C00  }
0x37: {  	[sflag:s10] =	ssyncset.done $0x0  }
0x38: {  	s20 =	simm.s32 $0x0;
	s19 =	rddreg [dreg:$0x9];
	[sflag:s10] =	ssyncadd.s32 $0xFFFFE400  }
0x39: {  	[tilespmem:s20], [sflag:$0x11] =	stream.linear.gather [hbm4b:s19+s20], $0x2710, $0x38;
	[tilespmem:$0x18220] =	vst v63  }
0x3a: {  	_ =	swait.ge [sflag:s10], $0x2710  }
0x3b: {  	[sflag:s10] =	ssyncset.done $0x0  }
0x3c: {  	s19 =	simm.s32 $0x2710;
	s9 =	rddreg [dreg:$0xa];
	[sflag:s10] =	ssyncadd.s32 $0xFFFFD8F0  }
0x3d: {  	[tilespmem:s19], [sflag:$0x11] =	stream.linear.gather [hbm4b:s9+s20], $0x2710, $0x38;
	[tilespmem:$0x18220] =	vst v63  }
0x3e: {  	_ =	swait.ge [sflag:s10], $0x2710  }
0x3f: {  	[sflag:s10] =	ssyncset.done $0x0  }
0x40: {  	[sflag:s10] =	ssyncadd.s32 $0xFFFFD8F0  }
0x41: {  	s20 =	simm.s32 $0x0;
	[bflag:$0x0] =	sbarrier.arrive $0xFFFF  }
0x42: {  	[tilespmem:s23], [sflag:$0x1] =	stream.indirect.gather [hbm4b:s5+s22], $0x38, s20, s22, $0xb8;
	[tilespmem:$0x18220] =	vst v63  }
0x43: {  	_ = 	snop  }
0x44: {  	[tilespmem:s24], [sflag:$0x2] =	stream.indirect.gather [hbm4b:s5+s22], $0x38, s22, s22, $0xb8;
	[tilespmem:$0x18220] =	vst v63  }
0x45: {  	s10 =	simm.s32 $0xA0  }
0x46: {  	[tilespmem:s26], [sflag:$0x3] =	stream.indirect.gather [hbm4b:s5+s22], $0x38, s10, s22, $0xb8;
	[tilespmem:$0x18220] =	vst v63  }
0x47: {  	s19 =	simm.s32 $0xF0  }
0x48: {  	[tilespmem:s29], [sflag:$0x4] =	stream.indirect.gather [hbm4b:s5+s22], $0x38, s19, s22, $0xb8;
	[tilespmem:$0x18220] =	vst v63  }
0x49: {  	s20 =	simm.s32 $0x140  }
0x4a: {  	[tilespmem:s31], [sflag:$0x5] =	stream.indirect.gather [hbm4b:s5+s22], $0x38, s20, s22, $0xb8;
	[tilespmem:$0x18220] =	vst v63  }
0x4b: {  	s10 =	simm.s32 $0x190  }
0x4c: {  	[tilespmem:s2], [sflag:$0x6] =	stream.indirect.gather [hbm4b:s5+s22], $0x38, s10, s22, $0xb8;
	[tilespmem:$0x18220] =	vst v63  }
0x4d: {  	s19 =	simm.s32 $0x1E0  }
0x4e: {  	[tilespmem:s21], [sflag:$0x7] =	stream.indirect.gather [hbm4b:s5+s22], $0x38, s19, s22, $0xb8;
	[tilespmem:$0x18220] =	vst v63  }
0x4f: {  	s20 =	simm.s32 $0x230  }
0x50: {  	[tilespmem:s28], [sflag:$0x8] =	stream.indirect.gather [hbm4b:s5+s22], $0x38, s20, s22, $0xb8;
	[tilespmem:$0x18220] =	vst v63  }
0x51: {  	_ =	swait.ge [sflag:s30], $0x1180  }
0x52: {  	[sflag:s30] =	ssyncset.done $0x0  }
0x53: {  	s9 =	simm.s32 $0x2710;
	[sflag:s30] =	ssyncadd.s32 $0xFFFFEE80  }
0x54: {  	[spmem:s3] =	stream.indirect.scatter.add.f32 [tilespmem:s23], [sflag:$0x9], $0x38, s9, s22, $0xb8;
	[tilespmem:$0x18220] =	vst v63  }
0x55: {  	_ =	swait.ge [sflag:s0], $0x1180  }
0x56: {  	[sflag:s0] =	ssyncset.done $0x0  }
0x57: {  	s19 =	simm.s32 $0x2760;
	[sflag:s0] =	ssyncadd.s32 $0xFFFFEE80  }
0x58: {  	[spmem:s3] =	stream.indirect.scatter.add.f32 [tilespmem:s24], [sflag:$0xA], $0x38, s19, s22, $0xb8;
	[tilespmem:$0x18220] =	vst v63  }
0x59: {  	_ =	swait.ge [sflag:s1], $0x1180  }
0x5a: {  	[sflag:s1] =	ssyncset.done $0x0  }
0x5b: {  	s20 =	simm.s32 $0x27B0;
	[sflag:s1] =	ssyncadd.s32 $0xFFFFEE80  }
0x5c: {  	[spmem:s3] =	stream.indirect.scatter.add.f32 [tilespmem:s26], [sflag:$0xB], $0x38, s20, s22, $0xb8;
	[tilespmem:$0x18220] =	vst v63  }
0x5d: {  	_ =	swait.ge [sflag:s25], $0x1180  }
0x5e: {  	[sflag:s25] =	ssyncset.done $0x0  }
0x5f: {  	s9 =	simm.s32 $0x2800;
	[sflag:s25] =	ssyncadd.s32 $0xFFFFEE80  }
0x60: {  	[spmem:s3] =	stream.indirect.scatter.add.f32 [tilespmem:s29], [sflag:$0xC], $0x38, s9, s22, $0xb8;
	[tilespmem:$0x18220] =	vst v63  }
0x61: {  	_ =	swait.ge [sflag:s11], $0x1180  }
0x62: {  	[sflag:s11] =	ssyncset.done $0x0  }
0x63: {  	s19 =	simm.s32 $0x2850;
	[sflag:s11] =	ssyncadd.s32 $0xFFFFEE80  }
0x64: {  	[spmem:s3] =	stream.indirect.scatter.add.f32 [tilespmem:s31], [sflag:$0xD], $0x38, s19, s22, $0xb8;
	[tilespmem:$0x18220] =	vst v63  }
0x65: {  	_ =	swait.ge [sflag:s12], $0x1180  }
0x66: {  	[sflag:s12] =	ssyncset.done $0x0  }
0x67: {  	s20 =	simm.s32 $0x28A0;
	[sflag:s12] =	ssyncadd.s32 $0xFFFFEE80  }
0x68: {  	[spmem:s3] =	stream.indirect.scatter.add.f32 [tilespmem:s2], [sflag:$0xE], $0x38, s20, s22, $0xb8;
	[tilespmem:$0x18220] =	vst v63  }
0x69: {  	_ =	swait.ge [sflag:s13], $0x1180  }
0x6a: {  	[sflag:s13] =	ssyncset.done $0x0  }
0x6b: {  	s9 =	simm.s32 $0x28F0;
	[sflag:s13] =	ssyncadd.s32 $0xFFFFEE80  }
0x6c: {  	[spmem:s3] =	stream.indirect.scatter.add.f32 [tilespmem:s21], [sflag:$0xF], $0x38, s9, s22, $0xb8;
	[tilespmem:$0x18220] =	vst v63  }
0x6d: {  	_ =	swait.ge [sflag:s14], $0x1180  }
0x6e: {  	[sflag:s14] =	ssyncset.done $0x0  }
0x6f: {  	s19 =	simm.s32 $0x2940;
	[sflag:s14] =	ssyncadd.s32 $0xFFFFEE80  }
0x70: {  	[spmem:s3] =	stream.indirect.scatter.add.f32 [tilespmem:s28], [sflag:$0x10], $0x38, s19, s22, $0xb8;
	[tilespmem:$0x18220] =	vst v63  }
0x71: {  	_ =	swait.ge [sflag:s15], $0x1180  }
0x72: {  	[sflag:s15] =	ssyncset.done $0x0  }
0x73: {  	s20 =	simm.s32 $0x280;
	[sflag:s15] =	ssyncadd.s32 $0xFFFFEE80  }
0x74: {  	[tilespmem:s23], [sflag:$0x1] =	stream.indirect.gather [hbm4b:s5+s22], $0x38, s20, s22, $0xb8;
	[tilespmem:$0x18220] =	vst v63  }
0x75: {  	_ =	swait.ge [sflag:s16], $0x1180  }
0x76: {  	[sflag:s16] =	ssyncset.done $0x0  }
0x77: {  	s9 =	simm.s32 $0x2D0;
	[sflag:s16] =	ssyncadd.s32 $0xFFFFEE80  }
0x78: {  	[tilespmem:s24], [sflag:$0x2] =	stream.indirect.gather [hbm4b:s5+s22], $0x38, s9, s22, $0xb8;
	[tilespmem:$0x18220] =	vst v63  }
0x79: {  	_ =	swait.ge [sflag:s17], $0x1180  }
0x7a: {  	[sflag:s17] =	ssyncset.done $0x0  }
0x7b: {  	s19 =	simm.s32 $0x320;
	[sflag:s17] =	ssyncadd.s32 $0xFFFFEE80  }
0x7c: {  	[tilespmem:s26], [sflag:$0x3] =	stream.indirect.gather [hbm4b:s5+s22], $0x38, s19, s22, $0xb8;
	[tilespmem:$0x18220] =	vst v63  }
0x7d: {  	_ =	swait.ge [sflag:s18], $0x1180  }
0x7e: {  	[sflag:s18] =	ssyncset.done $0x0  }
0x7f: {  	s20 =	simm.s32 $0x370;
	[sflag:s18] =	ssyncadd.s32 $0xFFFFEE80  }
0x80: {  	[tilespmem:s29], [sflag:$0x4] =	stream.indirect.gather [hbm4b:s5+s22], $0x38, s20, s22, $0xb8;
	[tilespmem:$0x18220] =	vst v63  }
0x81: {  	_ =	swait.ge [sflag:s4], $0x1180  }
0x82: {  	[sflag:s4] =	ssyncset.done $0x0  }
0x83: {  	s9 =	simm.s32 $0x3C0;
	[sflag:s4] =	ssyncadd.s32 $0xFFFFEE80  }
0x84: {  	[tilespmem:s31], [sflag:$0x5] =	stream.indirect.gather [hbm4b:s5+s22], $0x38, s9, s22, $0xb8;
	[tilespmem:$0x18220] =	vst v63  }
0x85: {  	_ =	swait.ge [sflag:s6], $0x1180  }
0x86: {  	[sflag:s6] =	ssyncset.done $0x0  }
0x87: {  	s19 =	simm.s32 $0x410;
	[sflag:s6] =	ssyncadd.s32 $0xFFFFEE80  }
0x88: {  	[tilespmem:s2], [sflag:$0x6] =	stream.indirect.gather [hbm4b:s5+s22], $0x38, s19, s22, $0xb8;
	[tilespmem:$0x18220] =	vst v63  }
0x89: {  	_ =	swait.ge [sflag:s7], $0x1180  }
0x8a: {  	[sflag:s7] =	ssyncset.done $0x0  }
0x8b: {  	s20 =	simm.s32 $0x460;
	[sflag:s7] =	ssyncadd.s32 $0xFFFFEE80  }
0x8c: {  	[tilespmem:s21], [sflag:$0x7] =	stream.indirect.gather [hbm4b:s5+s22], $0x38, s20, s22, $0xb8;
	[tilespmem:$0x18220] =	vst v63  }
0x8d: {  	_ =	swait.ge [sflag:s8], $0x1180  }
0x8e: {  	[sflag:s8] =	ssyncset.done $0x0  }
0x8f: {  	s10 =	simm.s32 $0xA00;
	s19 =	simm.s32 $0x4B0;
	[sflag:s8] =	ssyncadd.s32 $0xFFFFEE80  }
.LBB2_2:
0x90: {  	[tilespmem:s28], [sflag:$0x8] =	stream.indirect.gather [hbm4b:s5+s22], $0x38, s19, s22, $0xb8;
	[tilespmem:$0x18220] =	vst v63  }
0x91: {  	s19 =	smov.u32 s10  }
0x92: {  	p0 =	sne.s32 s10, $0x8200;
	s10 =	sadd.s32 $0xA00, s10;
	_ =	swait.ge [sflag:s30], $0x1180  }
0x93: {  	s19 =	sshra.s32 s19, $0x2;
	[sflag:s30] =	ssyncset.done $0x0  }
0x94: {  	s9 =	sadd.s32 $0x2710, s19;
	[sflag:s30] =	ssyncadd.s32 $0xFFFFEE80  }
0x95: {  	[spmem:s3] =	stream.indirect.scatter.add.f32 [tilespmem:s23], [sflag:$0x9], $0x38, s9, s22, $0xb8;
	[tilespmem:$0x18220] =	vst v63  }
0x96: {  	_ =	swait.ge [sflag:s0], $0x1180  }
0x97: {  	[sflag:s0] =	ssyncset.done $0x0  }
0x98: {  	s9 =	sadd.s32 $0x2760, s19;
	[sflag:s0] =	ssyncadd.s32 $0xFFFFEE80  }
0x99: {  	[spmem:s3] =	stream.indirect.scatter.add.f32 [tilespmem:s24], [sflag:$0xA], $0x38, s9, s22, $0xb8;
	[tilespmem:$0x18220] =	vst v63  }
0x9a: {  	_ =	swait.ge [sflag:s1], $0x1180  }
0x9b: {  	[sflag:s1] =	ssyncset.done $0x0  }
0x9c: {  	s9 =	sadd.s32 $0x27B0, s19;
	[sflag:s1] =	ssyncadd.s32 $0xFFFFEE80  }
0x9d: {  	[spmem:s3] =	stream.indirect.scatter.add.f32 [tilespmem:s26], [sflag:$0xB], $0x38, s9, s22, $0xb8;
	[tilespmem:$0x18220] =	vst v63  }
0x9e: {  	_ =	swait.ge [sflag:s25], $0x1180  }
0x9f: {  	[sflag:s25] =	ssyncset.done $0x0  }
0xa0: {  	s9 =	sadd.s32 $0x2800, s19;
	[sflag:s25] =	ssyncadd.s32 $0xFFFFEE80  }
0xa1: {  	[spmem:s3] =	stream.indirect.scatter.add.f32 [tilespmem:s29], [sflag:$0xC], $0x38, s9, s22, $0xb8;
	[tilespmem:$0x18220] =	vst v63  }
0xa2: {  	_ =	swait.ge [sflag:s11], $0x1180  }
0xa3: {  	[sflag:s11] =	ssyncset.done $0x0  }
0xa4: {  	s9 =	sadd.s32 $0x2850, s19;
	[sflag:s11] =	ssyncadd.s32 $0xFFFFEE80  }
0xa5: {  	[spmem:s3] =	stream.indirect.scatter.add.f32 [tilespmem:s31], [sflag:$0xD], $0x38, s9, s22, $0xb8;
	[tilespmem:$0x18220] =	vst v63  }
0xa6: {  	_ =	swait.ge [sflag:s12], $0x1180  }
0xa7: {  	[sflag:s12] =	ssyncset.done $0x0  }
0xa8: {  	s9 =	sadd.s32 $0x28A0, s19;
	[sflag:s12] =	ssyncadd.s32 $0xFFFFEE80  }
0xa9: {  	[spmem:s3] =	stream.indirect.scatter.add.f32 [tilespmem:s2], [sflag:$0xE], $0x38, s9, s22, $0xb8;
	[tilespmem:$0x18220] =	vst v63  }
0xaa: {  	_ =	swait.ge [sflag:s13], $0x1180  }
0xab: {  	[sflag:s13] =	ssyncset.done $0x0  }
0xac: {  	s9 =	sadd.s32 $0x28F0, s19;
	[sflag:s13] =	ssyncadd.s32 $0xFFFFEE80  }
0xad: {  	[spmem:s3] =	stream.indirect.scatter.add.f32 [tilespmem:s21], [sflag:$0xF], $0x38, s9, s22, $0xb8;
	[tilespmem:$0x18220] =	vst v63  }
0xae: {  	_ =	swait.ge [sflag:s14], $0x1180  }
0xaf: {  	[sflag:s14] =	ssyncset.done $0x0  }
0xb0: {  	s9 =	sadd.s32 $0x2940, s19;
	[sflag:s14] =	ssyncadd.s32 $0xFFFFEE80  }
0xb1: {  	[spmem:s3] =	stream.indirect.scatter.add.f32 [tilespmem:s28], [sflag:$0x10], $0x38, s9, s22, $0xb8;
	[tilespmem:$0x18220] =	vst v63  }
0xb2: {  	_ =	swait.ge [sflag:s15], $0x1180  }
0xb3: {  	[sflag:s15] =	ssyncset.done $0x0  }
0xb4: {  	s9 =	sadd.s32 $0x280, s19;
	[sflag:s15] =	ssyncadd.s32 $0xFFFFEE80  }
0xb5: {  	[tilespmem:s23], [sflag:$0x1] =	stream.indirect.gather [hbm4b:s5+s22], $0x38, s9, s22, $0xb8;
	[tilespmem:$0x18220] =	vst v63  }
0xb6: {  	_ =	swait.ge [sflag:s16], $0x1180  }
0xb7: {  	[sflag:s16] =	ssyncset.done $0x0  }
0xb8: {  	s9 =	sadd.s32 $0x2D0, s19;
	[sflag:s16] =	ssyncadd.s32 $0xFFFFEE80  }
0xb9: {  	[tilespmem:s24], [sflag:$0x2] =	stream.indirect.gather [hbm4b:s5+s22], $0x38, s9, s22, $0xb8;
	[tilespmem:$0x18220] =	vst v63  }
0xba: {  	_ =	swait.ge [sflag:s17], $0x1180  }
0xbb: {  	[sflag:s17] =	ssyncset.done $0x0  }
0xbc: {  	s9 =	sadd.s32 $0x320, s19;
	[sflag:s17] =	ssyncadd.s32 $0xFFFFEE80  }
0xbd: {  	[tilespmem:s26], [sflag:$0x3] =	stream.indirect.gather [hbm4b:s5+s22], $0x38, s9, s22, $0xb8;
	[tilespmem:$0x18220] =	vst v63  }
0xbe: {  	_ =	swait.ge [sflag:s18], $0x1180  }
0xbf: {  	[sflag:s18] =	ssyncset.done $0x0  }
0xc0: {  	s9 =	sadd.s32 $0x370, s19;
	[sflag:s18] =	ssyncadd.s32 $0xFFFFEE80  }
0xc1: {  	[tilespmem:s29], [sflag:$0x4] =	stream.indirect.gather [hbm4b:s5+s22], $0x38, s9, s22, $0xb8;
	[tilespmem:$0x18220] =	vst v63  }
0xc2: {  	_ =	swait.ge [sflag:s4], $0x1180  }
0xc3: {  	[sflag:s4] =	ssyncset.done $0x0  }
0xc4: {  	s9 =	sadd.s32 $0x3C0, s19;
	[sflag:s4] =	ssyncadd.s32 $0xFFFFEE80  }
0xc5: {  	[tilespmem:s31], [sflag:$0x5] =	stream.indirect.gather [hbm4b:s5+s22], $0x38, s9, s22, $0xb8;
	[tilespmem:$0x18220] =	vst v63  }
0xc6: {  	_ =	swait.ge [sflag:s6], $0x1180  }
0xc7: {  	[sflag:s6] =	ssyncset.done $0x0  }
0xc8: {  	s9 =	sadd.s32 $0x410, s19;
	[sflag:s6] =	ssyncadd.s32 $0xFFFFEE80  }
0xc9: {  	[tilespmem:s2], [sflag:$0x6] =	stream.indirect.gather [hbm4b:s5+s22], $0x38, s9, s22, $0xb8;
	[tilespmem:$0x18220] =	vst v63  }
0xca: {  	_ =	swait.ge [sflag:s7], $0x1180  }
0xcb: {  	[sflag:s7] =	ssyncset.done $0x0  }
.Ltmp0:
0xcc: {  	s9 =	sadd.s32 $0x460, s19;
	[sflag:s7] =	ssyncadd.s32 $0xFFFFEE80;
	(pc) =	sbr.rel @p0 .LBB2_2-.Ltmp0, $4  }
0xcd: {  	[tilespmem:s21], [sflag:$0x7] =	stream.indirect.gather [hbm4b:s5+s22], $0x38, s9, s22, $0xb8;
	[tilespmem:$0x18220] =	vst v63  }
0xce: {  	_ =	swait.ge [sflag:s8], $0x1180  }
0xcf: {  	[sflag:s8] =	ssyncset.done $0x0  }
0xd0: {  	s19 =	sadd.s32 $0x4B0, s19;
	[sflag:s8] =	ssyncadd.s32 $0xFFFFEE80  }
0xd1: {  	[tilespmem:s28], [sflag:$0x8] =	stream.indirect.gather [hbm4b:s5+s22], $0x38, s19, s22, $0xb8;
	[tilespmem:$0x18220] =	vst v63  }
0xd2: {  	_ =	swait.ge [sflag:s30], $0x1180  }
0xd3: {  	[sflag:s30] =	ssyncset.done $0x0  }
0xd4: {  	s9 =	simm.s32 $0x4A10;
	[sflag:s30] =	ssyncadd.s32 $0xFFFFEE80  }
0xd5: {  	[spmem:s3] =	stream.indirect.scatter.add.f32 [tilespmem:s23], [sflag:$0x9], $0x38, s9, s22, $0xb8;
	[tilespmem:$0x18220] =	vst v63  }
0xd6: {  	_ =	swait.ge [sflag:s0], $0x1180  }
0xd7: {  	[sflag:s0] =	ssyncset.done $0x0  }
0xd8: {  	s20 =	simm.s32 $0x4A60;
	[sflag:s0] =	ssyncadd.s32 $0xFFFFEE80  }
0xd9: {  	[spmem:s3] =	stream.indirect.scatter.add.f32 [tilespmem:s24], [sflag:$0xA], $0x38, s20, s22, $0xb8;
	[tilespmem:$0x18220] =	vst v63  }
0xda: {  	_ =	swait.ge [sflag:s1], $0x1180  }
0xdb: {  	[sflag:s1] =	ssyncset.done $0x0  }
0xdc: {  	s10 =	simm.s32 $0x4AB0;
	[sflag:s1] =	ssyncadd.s32 $0xFFFFEE80  }
0xdd: {  	[spmem:s3] =	stream.indirect.scatter.add.f32 [tilespmem:s26], [sflag:$0xB], $0x38, s10, s22, $0xb8;
	[tilespmem:$0x18220] =	vst v63  }
0xde: {  	_ =	swait.ge [sflag:s25], $0x1180  }
0xdf: {  	[sflag:s25] =	ssyncset.done $0x0  }
0xe0: {  	s19 =	simm.s32 $0x4B00;
	[sflag:s25] =	ssyncadd.s32 $0xFFFFEE80  }
0xe1: {  	[spmem:s3] =	stream.indirect.scatter.add.f32 [tilespmem:s29], [sflag:$0xC], $0x38, s19, s22, $0xb8;
	[tilespmem:$0x18220] =	vst v63  }
0xe2: {  	_ =	swait.ge [sflag:s11], $0x1180  }
0xe3: {  	[sflag:s11] =	ssyncset.done $0x0  }
0xe4: {  	s20 =	simm.s32 $0x4B50;
	[sflag:s11] =	ssyncadd.s32 $0xFFFFEE80  }
0xe5: {  	[spmem:s3] =	stream.indirect.scatter.add.f32 [tilespmem:s31], [sflag:$0xD], $0x38, s20, s22, $0xb8;
	[tilespmem:$0x18220] =	vst v63  }
0xe6: {  	_ =	swait.ge [sflag:s12], $0x1180  }
0xe7: {  	[sflag:s12] =	ssyncset.done $0x0  }
0xe8: {  	s10 =	simm.s32 $0x4BA0;
	[sflag:s12] =	ssyncadd.s32 $0xFFFFEE80  }
0xe9: {  	[spmem:s3] =	stream.indirect.scatter.add.f32 [tilespmem:s2], [sflag:$0xE], $0x38, s10, s22, $0xb8;
	[tilespmem:$0x18220] =	vst v63  }
0xea: {  	_ =	swait.ge [sflag:s13], $0x1180  }
0xeb: {  	[sflag:s13] =	ssyncset.done $0x0  }
0xec: {  	s19 =	simm.s32 $0x4BF0;
	[sflag:s13] =	ssyncadd.s32 $0xFFFFEE80  }
0xed: {  	[spmem:s3] =	stream.indirect.scatter.add.f32 [tilespmem:s21], [sflag:$0xF], $0x38, s19, s22, $0xb8;
	[tilespmem:$0x18220] =	vst v63  }
0xee: {  	_ =	swait.ge [sflag:s14], $0x1180  }
0xef: {  	[sflag:s14] =	ssyncset.done $0x0  }
0xf0: {  	s20 =	simm.s32 $0x4C40;
	[sflag:s14] =	ssyncadd.s32 $0xFFFFEE80  }
0xf1: {  	[spmem:s3] =	stream.indirect.scatter.add.f32 [tilespmem:s28], [sflag:$0x10], $0x38, s20, s22, $0xb8;
	[tilespmem:$0x18220] =	vst v63  }
0xf2: {  	_ =	swait.ge [sflag:s15], $0x1180  }
0xf3: {  	[sflag:s15] =	ssyncset.done $0x0  }
0xf4: {  	s10 =	simm.s32 $0x2580;
	[sflag:s15] =	ssyncadd.s32 $0xFFFFEE80  }
0xf5: {  	[tilespmem:s23], [sflag:$0x1] =	stream.indirect.gather [hbm4b:s5+s22], $0x38, s10, s22, $0xb8;
	[tilespmem:$0x18220] =	vst v63  }
0xf6: {  	_ =	swait.ge [sflag:s16], $0x1180  }
0xf7: {  	[sflag:s16] =	ssyncset.done $0x0  }
0xf8: {  	s19 =	simm.s32 $0x25D0;
	[sflag:s16] =	ssyncadd.s32 $0xFFFFEE80  }
0xf9: {  	[tilespmem:s24], [sflag:$0x2] =	stream.indirect.gather [hbm4b:s5+s22], $0x38, s19, s22, $0xb8;
	[tilespmem:$0x18220] =	vst v63  }
0xfa: {  	_ =	swait.ge [sflag:s17], $0x1180  }
0xfb: {  	[sflag:s17] =	ssyncset.done $0x0  }
0xfc: {  	s20 =	simm.s32 $0x2620;
	[sflag:s17] =	ssyncadd.s32 $0xFFFFEE80  }
0xfd: {  	[tilespmem:s26], [sflag:$0x3] =	stream.indirect.gather [hbm4b:s5+s22], $0x38, s20, s22, $0xb8;
	[tilespmem:$0x18220] =	vst v63  }
0xfe: {  	_ =	swait.ge [sflag:s18], $0x1180  }
0xff: {  	[sflag:s18] =	ssyncset.done $0x0  }
0x100: {  	s10 =	simm.s32 $0x2670;
	[sflag:s18] =	ssyncadd.s32 $0xFFFFEE80  }
0x101: {  	[tilespmem:s29], [sflag:$0x4] =	stream.indirect.gather [hbm4b:s5+s22], $0x38, s10, s22, $0xb8;
	[tilespmem:$0x18220] =	vst v63  }
0x102: {  	_ =	swait.ge [sflag:s4], $0x1180  }
0x103: {  	[sflag:s4] =	ssyncset.done $0x0  }
0x104: {  	s19 =	simm.s32 $0x26C0;
	[sflag:s4] =	ssyncadd.s32 $0xFFFFEE80  }
0x105: {  	[tilespmem:s31], [sflag:$0x5] =	stream.indirect.gather [hbm4b:s5+s22], $0x38, s19, s22, $0xb8;
	[tilespmem:$0x18220] =	vst v63  }
0x106: {  	_ =	swait.ge [sflag:s6], $0x1180  }
0x107: {  	[sflag:s6] =	ssyncset.done $0x0  }
0x108: {  	[sflag:s6] =	ssyncadd.s32 $0xFFFFEE80  }
0x109: {  	_ =	swait.ge [sflag:s7], $0x1180  }
0x10a: {  	[sflag:s7] =	ssyncset.done $0x0  }
0x10b: {  	[sflag:s7] =	ssyncadd.s32 $0xFFFFEE80  }
0x10c: {  	_ =	swait.ge [sflag:s8], $0x1180  }
0x10d: {  	[sflag:s8] =	ssyncset.done $0x0  }
0x10e: {  	[sflag:s8] =	ssyncadd.s32 $0xFFFFEE80  }
0x10f: {  	_ =	swait.ge [sflag:s30], $0x1180  }
0x110: {  	[sflag:s30] =	ssyncset.done $0x0  }
0x111: {  	s20 =	simm.s32 $0x4C90;
	[sflag:s30] =	ssyncadd.s32 $0xFFFFEE80  }
0x112: {  	[spmem:s3] =	stream.indirect.scatter.add.f32 [tilespmem:s23], [sflag:$0x9], $0x38, s20, s22, $0xb8;
	[tilespmem:$0x18220] =	vst v63  }
0x113: {  	_ =	swait.ge [sflag:s0], $0x1180  }
0x114: {  	[sflag:s0] =	ssyncset.done $0x0  }
0x115: {  	s10 =	simm.s32 $0x4CE0;
	[sflag:s0] =	ssyncadd.s32 $0xFFFFEE80  }
0x116: {  	[spmem:s3] =	stream.indirect.scatter.add.f32 [tilespmem:s24], [sflag:$0xA], $0x38, s10, s22, $0xb8;
	[tilespmem:$0x18220] =	vst v63  }
0x117: {  	_ =	swait.ge [sflag:s1], $0x1180  }
0x118: {  	[sflag:s1] =	ssyncset.done $0x0  }
0x119: {  	s19 =	simm.s32 $0x4D30;
	[sflag:s1] =	ssyncadd.s32 $0xFFFFEE80  }
0x11a: {  	[spmem:s3] =	stream.indirect.scatter.add.f32 [tilespmem:s26], [sflag:$0xB], $0x38, s19, s22, $0xb8;
	[tilespmem:$0x18220] =	vst v63  }
0x11b: {  	_ =	swait.ge [sflag:s25], $0x1180  }
0x11c: {  	[sflag:s25] =	ssyncset.done $0x0  }
0x11d: {  	s20 =	simm.s32 $0x4D80;
	[sflag:s25] =	ssyncadd.s32 $0xFFFFEE80  }
0x11e: {  	[spmem:s3] =	stream.indirect.scatter.add.f32 [tilespmem:s29], [sflag:$0xC], $0x38, s20, s22, $0xb8;
	[tilespmem:$0x18220] =	vst v63  }
0x11f: {  	_ =	swait.ge [sflag:s11], $0x1180  }
0x120: {  	[sflag:s11] =	ssyncset.done $0x0  }
0x121: {  	s10 =	simm.s32 $0x4DD0;
	[sflag:s11] =	ssyncadd.s32 $0xFFFFEE80  }
0x122: {  	[spmem:s3] =	stream.indirect.scatter.add.f32 [tilespmem:s31], [sflag:$0xD], $0x38, s10, s22, $0xb8;
	[tilespmem:$0x18220] =	vst v63  }
0x123: {  	_ =	swait.ge [sflag:s15], $0x1180  }
0x124: {  	[sflag:s15] =	ssyncset.done $0x0  }
0x125: {  	[sflag:s15] =	ssyncadd.s32 $0xFFFFEE80  }
0x126: {  	_ =	swait.ge [sflag:s16], $0x1180  }
0x127: {  	[sflag:s16] =	ssyncset.done $0x0  }
0x128: {  	[sflag:s16] =	ssyncadd.s32 $0xFFFFEE80  }
0x129: {  	_ =	swait.ge [sflag:s17], $0x1180  }
0x12a: {  	[sflag:s17] =	ssyncset.done $0x0  }
0x12b: {  	[sflag:s17] =	ssyncadd.s32 $0xFFFFEE80  }
0x12c: {  	_ =	swait.ge [sflag:s18], $0x1180  }
0x12d: {  	[sflag:s18] =	ssyncset.done $0x0  }
0x12e: {  	[sflag:s18] =	ssyncadd.s32 $0xFFFFEE80  }
0x12f: {  	_ =	swait.ge [sflag:s4], $0x1180  }
0x130: {  	[sflag:s4] =	ssyncset.done $0x0  }
0x131: {  	[sflag:s4] =	ssyncadd.s32 $0xFFFFEE80  }
0x132: {  	s19 =	stileid.u32;
	[bflag:$0x0] =	sbarrier.arrive $0xFFFF  }
0x133: {  	s9 =	sshll.u32 s19, $0x6;
	s10 =	rddreg [dreg:$0x4]  }
0x134: {  	s9 =	sor.u32 $0x1C11, s9;
	s20 =	rddreg [dreg:$0xb];
	s10 =	sshrl.u32 s10, $0x3  }
0x135: {  	[hbm:s20], [sflag:s9] =	dma.local [spmem:s10], $0x380  }
0x136: {  	s20 =	simm.s32 $0x11  }
0x137: {  	_ =	swait.ge [sflag:s20], $0x380  }
0x138: {  	[sflag:s20] =	ssyncset.done $0x0;
	s19 =	rddreg [dreg:$0x5]  }
0x139: {  	[sflag:s20] =	ssyncadd.s32 $0xFFFFFC80;
	s10 =	sshrl.u32 s19, $0x3;
	s19 =	rddreg [dreg:$0xc]  }
0x13a: {  	[hbm:s19], [sflag:s9] =	dma.local [spmem:s10], $0x380  }
0x13b: {  	_ =	swait.ge [sflag:s20], $0x380  }
0x13c: {  	[sflag:s20] =	ssyncset.done $0x0;
	s19 =	rddreg [dreg:$0x6]  }
0x13d: {  	[sflag:s20] =	ssyncadd.s32 $0xFFFFFC80;
	s10 =	sshrl.u32 s19, $0x3;
	s19 =	rddreg [dreg:$0xd]  }
0x13e: {  	[hbm:s19], [sflag:s9] =	dma.local [spmem:s10], $0x380  }
0x13f: {  	_ =	swait.ge [sflag:s20], $0x380  }
0x140: {  	[sflag:s20] =	ssyncset.done $0x0;
	s19 =	rddreg [dreg:$0x7]  }
0x141: {  	[sflag:s20] =	ssyncadd.s32 $0xFFFFFC80;
	s10 =	sshrl.u32 s19, $0x3;
	s19 =	rddreg [dreg:$0xe]  }
0x142: {  	[hbm:s19], [sflag:s9] =	dma.local [spmem:s10], $0x380  }
0x143: {  	_ =	swait.ge [sflag:s20], $0x380  }
0x144: {  	s10 =	rddreg [dreg:$0x8]  }
0x145: {  	[sflag:s20] =	ssyncset.done $0x0;
	s19 =	rddreg [dreg:$0xf]  }
0x146: {  	[sflag:s20] =	ssyncadd.s32 $0xFFFFFC80;
	s20 =	sshrl.u32 s10, $0x3;
	s10 =	simm.s32 $0x11  }
0x147: {  	[hbm:s19], [sflag:s9] =	dma.local [spmem:s20], $0x380  }
0x148: {  	_ =	swait.ge [sflag:s10], $0x380  }
0x149: {  	s9 =	rddreg [dreg:$0x11]  }
0x14a: {  	s19 =	rddreg [dreg:$0x10];
	s20 =	sadd.s32 $0x1, s9  }
0x14b: {  	p0 =	sne.s32 s20, s19  }
.Ltmp1:
0x14c: {  	_ = 	snop;
	(pc) =	sbr.rel @p0 .LBB2_1-.Ltmp1, $3  }
0x14d: {  	_ =	sdelay $0x1  }
0x14e: {  	[sflag:s10] =	ssyncset.done $0x0  }
0x14f: {  	[sflag:s10] =	ssyncadd.s32 $0xFFFFFC80  }
0x150: {  	_ =	sfence.sel $0x180000  }
0x151: {  	[bflag:$0x0] =	sbarrier.arrive $0xFFFF  }
0x152: {  	_ =	strace $0x9000004A  }
0x153: {  	s0 =	stileid.u32;
	[bflag:$0x2] =	sbarrier.arrive $0xFFFF  }
0x154: {  	p0 =	sne.s32 s0, $0x0;
	s0 =	rddreg [dreg:$0x3]  }
0x155: {  	s0 =	sadd.s32 @!p0 $0x100000, s0  }
0x156: {  	[sflag:s0] =	ssyncadd.tile.s32 @!p0 $0x1;
	_ =	shalt  }
.Lfunc_end2:
_tile_overlayer_lowered:
.L_overlay_start_2:
0x157: {  	(tag) =	ssettag $0x2  }
0x158: {  	s0 =	rddreg [dreg:$0x0];
	s2 =	stileid.u32  }
0x159: {  	s1 =	rddreg [dreg:$0x1];
	p0 =	sne.s32 s2, $0x0  }
0x15a: {  	s3 =	rddreg [dreg:$0x2];
	[bflag:$0x3] =	sbarrier.arrive $0xFFFF;
	s2 =	simm.s32 @!p0 $0x1C11  }
0x15b: {  	[timem:s3], [sflag:s2] =	dma.local @!p0 [hbm:s0], s1  }
0x15c: {  	s0 =	simm.s32 @!p0 $0x11  }
0x15d: {  	_ =	swait.ge @!p0 [sflag:s0], s1  }
0x15e: {  	s1 =	ssub.s32 @!p0 $0x0, s1;
	[sflag:s0] =	ssyncset.done @!p0 $0x0  }
0x15f: {  	[sflag:s0] =	ssyncadd.s32 @!p0 s1  }
0x160: {  	[bflag:$0x3] =	sbarrier.arrive $0xFFFF  }
0x161: {  	_ =	shalt  }

// kernel: kernel.14.cloned.1.call-start
scs
__scs_entry_jumppad:
0x0: {  	(pc) =	sbr.rel $0x88, $3  }
0x1: {  	(tag) =	ssettag $0x0;
	lr =	simm.s32 $0x1  }
0x2: {  	[smem:$0x3F9B] =	sst lr;
	_ =	strace $0xD0000000  }
0x3: {  	_ = 	snop  }
0x4: {  	_ = 	snop  }
0x5: {  	_ = 	snop  }
0x6: {  	_ = 	snop  }
0x7: {  	_ = 	snop  }
__scs_overlays_trampoline_lowered:
0x8: {  	[smem:$0x3FAA] =	sst s0  }
0x9: {  	[smem:$0x3FAB] =	sst s1  }
0xa: {  	[smem:$0x3FAC] =	sst s2  }
0xb: {  	[smem:$0x3FAD] =	sst s3  }
0xc: {  	[smem:$0x3FAE] =	sst s4  }
0xd: {  	[smem:$0x3FAF] =	sst s5  }
0xe: {  	[smem:$0x3FB0] =	sst s6  }
0xf: {  	[smem:$0x3FB1] =	sst s7  }
0x10: {  	[smem:$0x3FB2] =	sst s8  }
0x11: {  	[smem:$0x3FB3] =	sst s9;
	s0 =	simm.s32 @!p0 $0x0  }
0x12: {  	s1 =	sld [smem:$0x3F99];
	s0 =	simm.s32 @p0 $0x1  }
0x13: {  	[smem:$0x3FB4] =	sst s0;
	s0 =	simm.s32 @!p1 $0x0  }
0x14: {  	s2 =	sld [smem:$0x3F98];
	s0 =	simm.s32 @p1 $0x1  }
0x15: {  	[smem:$0x3FB5] =	sst s0;
	s0 =	simm.s32 @!p2 $0x0  }
0x16: {  	s3 =	sld [smem:$0x3FDB];
	s0 =	simm.s32 @p2 $0x1  }
0x17: {  	s4 =	simm.s32 $0x1BF5;
	[smem:$0x3FB7] =	sst s0  }
0x18: {  	s0 =	sld [smem:$0x3F9A];
	_ =	swait.ge [sflag:s4], $0x0  }
0x19: {  	s7 =	sld [smem:$0x3F9B]  }
0x1a: {  	s8 =	sadd.s32 $0xFFFFE003, lr  }
0x1b: {  	s9 =	sadd.s32 $0xFFFFFEF7, lr;
	s5 =	simm.s32 $0xFFFFFFFF;
	p2 =	slt.u32 s8, $0xFFFFF086  }
0x1c: {  	p1 =	slt.u32 s9, $0xF7A;
	s5 =	simm.s32 @!p2 $0x0  }
0x1d: {  	s5 =	simm.s32 @p1 $0x1;
	p0 =	seq.s32 s7, s2  }
0x1e: {  	s7 =	smul.u32 @!p0 $0xF7A, s2;
	p2 =	seq.s32 @!p0 s5, $0x0  }
0x1f: {  	s9 =	smul.u32 $0xF7A, s1;
	s8 =	simm.s32 @!p0 $0x1BF5;
	p2 =	por !p2, p0  }
0x20: {  	[sflag:s8] =	ssyncset.s32 @!p0 $0xFFFFF086;
	s6 =	sadd.s32 @!p0 s3, s7;
	s7 =	simm.s32 @!p0 $0x108  }
0x21: {  	s3 =	sadd.s32 s3, s9;
	s6 =	sadd.s32 @!p0 $0x88, s6;
	s7 =	simm.s32 @p2 $0x1082  }
0x22: {  	[simem:s7], [sflag:s8] =	dma.local @!p0 [hbm:s6], $0xF7A  }
0x23: {  	s9 =	sor.u32 $0xD0000000, s2;
	s6 =	simm.s32 $0x108;
	_ =	swait.ge @!p0 [sflag:s8], $0x0  }
0x24: {  	s3 =	sadd.s32 $0x88, s3;
	s6 =	simm.s32 @!p1 $0x1082;
	[sflag:s4] =	ssyncset.s32 $0xFFFFF086  }
0x25: {  	[simem:s6], [sflag:s4] =	dma.local [hbm:s3], $0xF7A  }
0x26: {  	[smem:$0x3F9B] =	sst s1;
	(tag) =	ssettag s2;
	_ =	strace s9  }
0x27: {  	s1 =	sld [smem:$0x3FAB]  }
0x28: {  	s2 =	sld [smem:$0x3FAC]  }
0x29: {  	s4 =	sld [smem:$0x3FAE]  }
0x2a: {  	p0 =	seq.s32 s5, $0x0;
	s5 =	sld [smem:$0x3FAF]  }
0x2b: {  	s6 =	sld [smem:$0x3FB0]  }
0x2c: {  	s7 =	sld [smem:$0x3FB1]  }
0x2d: {  	s3 =	simm.s32 $0x108;
	s8 =	sld [smem:$0x3FB2]  }
0x2e: {  	s3 =	simm.s32 @!p0 $0x1082;
	s9 =	sld [smem:$0x3FB3]  }
0x2f: {  	lr =	sadd.s32 s0, s3;
	s0 =	sld [smem:$0x3FAA]  }
0x30: {  	s3 =	sld [smem:$0x3FAD]  }
0x31: {  	[smem:$0x3FB6] =	sst s10  }
0x32: {  	s10 =	sld [smem:$0x3FB4];
	_ =	sdelay $0x3  }
0x33: {  	p0 =	seq.s32 s10, $0x1;
	s10 =	sld [smem:$0x3FB6];
	_ =	sdelay $0x3  }
0x34: {  	[smem:$0x3FB6] =	sst s10  }
0x35: {  	s10 =	sld [smem:$0x3FB5];
	_ =	sdelay $0x3  }
0x36: {  	p1 =	seq.s32 s10, $0x1;
	s10 =	sld [smem:$0x3FB6];
	_ =	sdelay $0x3  }
0x37: {  	[smem:$0x3FB6] =	sst s10  }
0x38: {  	s10 =	sld [smem:$0x3FB7]  }
0x39: {  	_ = 	snop;
	(pc) =	sbr.ind lr, $3  }
0x3a: {  	_ = 	snop  }
0x3b: {  	_ = 	snop  }
0x3c: {  	p2 =	seq.s32 s10, $0x1;
	s10 =	sld [smem:$0x3FB6]  }
0x3d: {  	_ =	shalt  }
0x3e: {  	_ =	shalt  }
0x3f: {  	_ =	shalt  }
0x40: {  	_ =	shalt  }
0x41: {  	_ =	shalt  }
0x42: {  	_ =	shalt  }
0x43: {  	_ =	shalt  }
0x44: {  	_ =	shalt  }
0x45: {  	_ =	shalt  }
0x46: {  	_ =	shalt  }
0x47: {  	_ =	shalt  }
0x48: {  	_ =	shalt  }
0x49: {  	_ =	shalt  }
0x4a: {  	_ =	shalt  }
0x4b: {  	_ =	shalt  }
0x4c: {  	_ =	shalt  }
0x4d: {  	_ =	shalt  }
0x4e: {  	_ =	shalt  }
0x4f: {  	_ =	shalt  }
0x50: {  	_ =	shalt  }
0x51: {  	_ =	shalt  }
0x52: {  	_ =	shalt  }
0x53: {  	_ =	shalt  }
0x54: {  	_ =	shalt  }
0x55: {  	_ =	shalt  }
0x56: {  	_ =	shalt  }
0x57: {  	_ =	shalt  }
0x58: {  	_ =	shalt  }
0x59: {  	_ =	shalt  }
0x5a: {  	_ =	shalt  }
0x5b: {  	_ =	shalt  }
0x5c: {  	_ =	shalt  }
0x5d: {  	_ =	shalt  }
0x5e: {  	_ =	shalt  }
0x5f: {  	_ =	shalt  }
0x60: {  	_ =	shalt  }
0x61: {  	_ =	shalt  }
0x62: {  	_ =	shalt  }
0x63: {  	_ =	shalt  }
0x64: {  	_ =	shalt  }
0x65: {  	_ =	shalt  }
0x66: {  	_ =	shalt  }
0x67: {  	_ =	shalt  }
0x68: {  	_ =	shalt  }
0x69: {  	_ =	shalt  }
0x6a: {  	_ =	shalt  }
0x6b: {  	_ =	shalt  }
0x6c: {  	_ =	shalt  }
0x6d: {  	_ =	shalt  }
0x6e: {  	_ =	shalt  }
0x6f: {  	_ =	shalt  }
0x70: {  	_ =	shalt  }
0x71: {  	_ =	shalt  }
0x72: {  	_ =	shalt  }
0x73: {  	_ =	shalt  }
0x74: {  	_ =	shalt  }
0x75: {  	_ =	shalt  }
0x76: {  	_ =	shalt  }
0x77: {  	_ =	shalt  }
0x78: {  	_ =	shalt  }
0x79: {  	_ =	shalt  }
0x7a: {  	_ =	shalt  }
0x7b: {  	_ =	shalt  }
0x7c: {  	_ =	shalt  }
0x7d: {  	_ =	shalt  }
0x7e: {  	_ =	shalt  }
0x7f: {  	_ =	shalt  }
0x80: {  	_ =	shalt  }
0x81: {  	_ =	shalt  }
0x82: {  	_ =	shalt  }
0x83: {  	_ =	shalt  }
0x84: {  	_ =	shalt  }
0x85: {  	_ =	shalt  }
0x86: {  	_ =	shalt  }
0x87: {  	_ =	shalt  }
.Lfunc_end0:
.L_simem_size_0:
called_computation.2_lowered:
.L_overlay_start_0:
0x88: {  	s2 =	sld [smem:$0x3FD9]  }
0x89: {  	s3 =	sld [smem:$0x3FFE];
	_ =	sdelay $0x1  }
0x8a: {  	s1 =	srdreg.scid  }
0x8b: {  	s0 =	sand.u32 $0x1, s1  }
0x8c: {  	s17 =	sshll.u32 s0, $0xA;
	s2 =	sadd.s32 s3, s2  }
0x8d: {  	s2 =	sadd.s32 s2, s17  }
0x8e: {  	[smem:$0x3FC2] =	sst s2  }
0x8f: {  	_ = 	snop  }
0x90: {  	s2 =	sld [smem:$0x3FD0];
	(tm) =	ssettm $0x1  }
0x91: {  	s18 =	sld [smem:$0x3FFB];
	_ =	sdelay $0x3  }
0x92: {  	_ =	strace s18  }
0x93: {  	s3 =	sld [smem:$0x3FFC];
	_ =	sdelay $0x3  }
0x94: {  	_ =	strace s3  }
0x95: {  	s3 =	sld [smem:$0x3FFD];
	_ =	sdelay $0x3  }
0x96: {  	_ =	strace s3  }
0x97: {  	_ =	strace $0x8FFFFFFF  }
0x98: {  	s19 =	sld [smem:$0x3FDB];
	_ =	sdelay $0x1  }
0x99: {  	s4 =	simm.s32 $_scs_section_size  }
0x9a: {  	s5 =	simm.s32 $_size__tile_overlayer_lowered;
	s6 =	simm.s32 $_tile_overlayer_lowered  }
0x9b: {  	s22 =	simm.s32 $0x1BFF;
	s21 =	sshll.u32 s6, $0x1;
	s3 =	sadd.s32 s4, s19  }
0x9c: {  	s7 =	simm.s32 $0x0;
	s20 =	sshll.u32 s5, $0x1;
	s5 =	sadd.s32 s21, s3  }
0x9d: {  	[timem:s7], [sflag:s22] =	dma.local [hbm:s5], s20  }
0x9e: {  	_ =	swait.ge [sflag:s22], s20  }
0x9f: {  	s4 =	ssub.s32 $0x0, s20;
	[sflag:s22] =	ssyncset.done $0x0  }
0xa0: {  	[sflag:s22] =	ssyncadd.s32 s4;
	_ =	sdelay $0x1  }
0xa1: {  	s23 =	simm.s32 $0x1B8B  }
0xa2: {  	_ =	swait.ge [sflag:s23], $0x1  }
0xa3: {  	[sflag:s23] =	ssyncset.done $0x0  }
0xa4: {  	s25 =	simm.s32 $0x1B8E;
	s24 =	sld [smem:$0x3FFE];
	[sflag:s23] =	ssyncadd.s32 $0xFFFFFFFF  }
0xa5: {  	s26 =	simm.s32 $execute0_lowered;
	[smem:$0x3FD2] =	sst s25  }
0xa6: {  	s5 =	sshll.u32 s26, $0x1;
	_ =	strace $0x8000004C;
	[dreg:$0x1] =	wrdreg $0xFFFFFFFF  }
0xa7: {  	s28 =	simm.s32 $_size_execute0_lowered;
	s3 =	sadd.s32 s3, s5;
	[dreg:$0x0] =	wrdreg $0x0  }
0xa8: {  	s5 =	sshll.u32 s28, $0x1;
	[dreg:$0x2] =	wrdreg s3  }
0xa9: {  	[dreg:$0x3] =	wrdreg s5  }
0xaa: {  	[dreg:$0x4] =	wrdreg $0xC0  }
0xab: {  	_ =	task [dreg:s7], $0x5FFFF  }
0xac: {  	[dreg:$0x1] =	wrdreg $0xFFFFFFFF  }
0xad: {  	[dreg:$0x0] =	wrdreg $0x60  }
0xae: {  	[dreg:$0x2] =	wrdreg s2  }
0xaf: {  	[dreg:$0x3] =	wrdreg s24  }
0xb0: {  	[dreg:$0x4] =	wrdreg $0xC6200  }
0xb1: {  	[dreg:$0x5] =	wrdreg $0x9  }
0xb2: {  	_ =	task.clear_ibuf [dreg:s7], $0x6FFFF;
	_ =	strace $0x9000004C  }
0xb3: {  	s29 =	simm.s32 $0x9;
	_ =	strace $0x8000004E  }
0xb4: {  	_ =	swait.ge [sflag:s29], $0x1  }
0xb5: {  	[sflag:s29] =	ssyncadd.s32 $0xFFFFFFFF  }
0xb6: {  	_ =	strace $0x9000004E  }
0xb7: {  	_ =	sfence  }
0xb8: {  	s30 =	sld [smem:$0x0];
	_ =	sdelay $0x2  }
0xb9: {  	s31 =	sshll.u32 s1, $0xD;
	s1 =	sshrl.u32 s1, $0x2  }
0xba: {  	s3 =	sand.u32 $0x4000, s31;
	s1 =	sadd.s32 s1, s30  }
0xbb: {  	s0 =	sor.u32 s3, s0;
	s1 =	sshll.u32 s1, $0x11  }
0xbc: {  	s0 =	sor.u32 s1, s0  }
0xbd: {  	s0 =	sadd.s32 $0x8F2B, s0  }
0xbe: {  	[sflag:s0] =	ssyncadd.remote.s32 $0x1  }
0xbf: {  	_ =	sfence.sel $0xFFFF  }
0xc0: {  	[dreg:$0x0] =	wrdreg $0xFFFFFFFF;
	(pc) =	sbr.abs _section_cstart, $3  }
0xc1: {  	[dreg:$0x1] =	wrdreg $0xFFFFFFFF  }
0xc2: {  	_ =	task.clear_ibuf [dreg:s7], $0x2FFFF;
	_ =	strace $0x9FFFFFFF  }
0xc3: {  	(tm) =	ssettm $0x7FFFFFFF  }
tec
execute0_lowered:
.L_overlay_start_1:
0x0: {  	(tag) =	ssettag $0x1  }
0x1: {  	s0 =	rddreg [dreg:$0x0]  }
0x2: {  	s1 =	srdreg.scid;
	s2 =	rddreg [dreg:$0x1]  }
0x3: {  	s3 =	rddreg [dreg:$0x2];
	s5 =	stileid.u32;
	s6 =	simm.s32 $0x0  }
0x4: {  	s29 =	simm.s32 $0x73A0;
	s31 =	simm.s32 $0x8020;
	s30 =	simm.s32 $0xA5A0  }
0x5: {  	s28 =	simm.s32 $0x3;
	s12 =	simm.s32 $0x6;
	s1 =	sand.u32 $0x1, s1  }
0x6: {  	[smem:$0x7FF] =	sst s6;
	s13 =	sadd.s32 $0x15000, s2;
	s4 =	sshll.u32 s1, $0x4  }
0x7: {  	_ =	strace $0x8000004D;
	s14 =	ssub.s32 $0x2, s1;
	s1 =	smul.u32 $0x64000, s1  }
0x8: {  	[dreg:$0x4] =	wrdreg s13;
	s4 =	sor.u32 s5, s4;
	s5 =	smul.u32 $0x6400, s5  }
0x9: {  	s13 =	simm.s32 $0x7;
	s7 =	sshrl.u32 s14, $0x1;
	s4 =	smul.u32 $0x4E2, s4  }
0xa: {  	s6 =	ssub.s32 s14, s7;
	s14 =	simm.s32 $0x8;
	s7 =	simm.s32 $0xF  }
0xb: {  	s8 =	sadd.s32 $0x1400, s5;
	s15 =	sadd.s32 s5, s3;
	s17 =	sadd.s32 $0x2800, s5  }
0xc: {  	s9 =	sadd.s32 $0x3C00, s5;
	s19 =	sadd.s32 $0x5000, s5;
	s5 =	sadd.s32 s5, s1  }
0xd: {  	s26 =	smax.u32 s6, $0x1;
	s6 =	simm.s32 $0xE;
	s4 =	sadd.s32 s4, s2  }
0xe: {  	s2 =	sadd.s32 $0x65600, s2;
	[dreg:$0x5] =	wrdreg s15;
	s16 =	sadd.s32 s8, s3  }
0xf: {  	s10 =	sadd.s32 s17, s3;
	s18 =	sadd.s32 s9, s3;
	s11 =	sadd.s32 s19, s3  }
0x10: {  	s8 =	sadd.s32 s1, s8;
	s5 =	sshrl.u32 s5, $0x3;
	[dreg:$0x11] =	wrdreg s26  }
0x11: {  	s23 =	sadd.s32 s1, s17;
	s24 =	sadd.s32 s1, s9;
	[dreg:$0x6] =	wrdreg s16  }
0x12: {  	s1 =	sadd.s32 s1, s19;
	s26 =	simm.s32 $0x6720;
	[dreg:$0x7] =	wrdreg s10  }
0x13: {  	s15 =	simm.s32 $0x9;
	s17 =	simm.s32 $0xB;
	[dreg:$0x8] =	wrdreg s18  }
0x14: {  	[dreg:$0x9] =	wrdreg s11;
	s20 =	sadd.s32 $0x1400, s4;
	s8 =	sshrl.u32 s8, $0x3  }
0x15: {  	s4 =	sadd.s32 $0xB200, s4;
	s21 =	sadd.s32 s2, s5;
	s5 =	sshrl.u32 s24, $0x3  }
0x16: {  	s1 =	sshrl.u32 s1, $0x3;
	s24 =	simm.s32 $0x5AA0;
	[dreg:$0xa] =	wrdreg s20  }
0x17: {  	s11 =	simm.s32 $0x5;
	s16 =	simm.s32 $0xA;
	[dreg:$0xb] =	wrdreg s4  }
0x18: {  	s18 =	simm.s32 $0xC;
	s10 =	simm.s32 $0x0;
	[dreg:$0xc] =	wrdreg s21  }
0x19: {  	s22 =	sadd.s32 s2, s8;
	s4 =	sshrl.u32 s23, $0x3;
	s25 =	sadd.s32 s2, s5  }
0x1a: {  	s1 =	sadd.s32 s2, s1;
	s23 =	simm.s32 $0x4E20;
	[dreg:$0xd] =	wrdreg s22  }
0x1b: {  	s21 =	simm.s32 $0x2;
	s5 =	simm.s32 $0x4;
	[dreg:$0xf] =	wrdreg s25  }
0x1c: {  	s8 =	simm.s32 $0x10;
	s4 =	sadd.s32 s2, s4;
	[dreg:$0x10] =	wrdreg s1  }
0x1d: {  	s22 =	simm.s32 $0x50;
	s2 =	simm.s32 $0x8CA0;
	s25 =	simm.s32 $0x9920  }
0x1e: {  	s1 =	simm.s32 $0x1;
	[dreg:$0xe] =	wrdreg s4;
	s4 =	simm.s32 $0xD  }
.LBB2_1:
0x1f: {  	[dreg:$0x12] =	wrdreg s10;
	s9 =	simm.s32 $0x11  }
0x20: {  	s10 =	rddreg [dreg:$0x4];
	s19 =	simm.s32 $0xB220;
	s20 =	simm.s32 $0x0  }
0x21: {  	[tilespmem:s19], [sflag:$0x11] =	stream.linear.gather [hbm4b:s10+s20], $0x1400, $0x38;
	[tilespmem:$0x12A20] =	vst v63  }
0x22: {  	_ =	swait.ge [sflag:s9], $0x1400  }
0x23: {  	[sflag:s9] =	ssyncset.done $0x0  }
0x24: {  	s20 =	rddreg [dreg:$0x5];
	[sflag:s9] =	ssyncadd.s32 $0xFFFFEC00  }
0x25: {  	[spmem:s20] =	stream.linear.scatter [tilespmem:s19], [sflag:$0x11], $0x1400, $0x38;
	[tilespmem:$0x12A20] =	vst v63  }
0x26: {  	_ =	swait.ge [sflag:s9], $0x1400  }
0x27: {  	[sflag:s9] =	ssyncset.done $0x0  }
0x28: {  	s20 =	rddreg [dreg:$0x6];
	[sflag:s9] =	ssyncadd.s32 $0xFFFFEC00  }
0x29: {  	[spmem:s20] =	stream.linear.scatter [tilespmem:s19], [sflag:$0x11], $0x1400, $0x38;
	[tilespmem:$0x12A20] =	vst v63  }
0x2a: {  	_ =	swait.ge [sflag:s9], $0x1400  }
0x2b: {  	[sflag:s9] =	ssyncset.done $0x0  }
0x2c: {  	s20 =	rddreg [dreg:$0x7];
	[sflag:s9] =	ssyncadd.s32 $0xFFFFEC00  }
0x2d: {  	[spmem:s20] =	stream.linear.scatter [tilespmem:s19], [sflag:$0x11], $0x1400, $0x38;
	[tilespmem:$0x12A20] =	vst v63  }
0x2e: {  	_ =	swait.ge [sflag:s9], $0x1400  }
0x2f: {  	[sflag:s9] =	ssyncset.done $0x0  }
0x30: {  	s20 =	rddreg [dreg:$0x8];
	[sflag:s9] =	ssyncadd.s32 $0xFFFFEC00  }
0x31: {  	[spmem:s20] =	stream.linear.scatter [tilespmem:s19], [sflag:$0x11], $0x1400, $0x38;
	[tilespmem:$0x12A20] =	vst v63  }
0x32: {  	_ =	swait.ge [sflag:s9], $0x1400  }
0x33: {  	[sflag:s9] =	ssyncset.done $0x0  }
0x34: {  	s20 =	rddreg [dreg:$0x9];
	[sflag:s9] =	ssyncadd.s32 $0xFFFFEC00  }
0x35: {  	[spmem:s20] =	stream.linear.scatter [tilespmem:s19], [sflag:$0x11], $0x1400, $0x38;
	[tilespmem:$0x12A20] =	vst v63  }
0x36: {  	_ =	swait.ge [sflag:s9], $0x1400  }
0x37: {  	[sflag:s9] =	ssyncset.done $0x0  }
0x38: {  	s20 =	simm.s32 $0x0;
	s19 =	rddreg [dreg:$0xa];
	[sflag:s9] =	ssyncadd.s32 $0xFFFFEC00  }
0x39: {  	[tilespmem:s20], [sflag:$0x11] =	stream.linear.gather [hbm4b:s19+s20], $0x2710, $0x38;
	[tilespmem:$0x12A20] =	vst v63  }
0x3a: {  	_ =	swait.ge [sflag:s9], $0x2710  }
0x3b: {  	[sflag:s9] =	ssyncset.done $0x0  }
0x3c: {  	s19 =	simm.s32 $0x2710;
	s10 =	rddreg [dreg:$0xb];
	[sflag:s9] =	ssyncadd.s32 $0xFFFFD8F0  }
0x3d: {  	[tilespmem:s19], [sflag:$0x11] =	stream.linear.gather [hbm4b:s10+s20], $0x2710, $0x38;
	[tilespmem:$0x12A20] =	vst v63  }
0x3e: {  	_ =	swait.ge [sflag:s9], $0x2710  }
0x3f: {  	[sflag:s9] =	ssyncset.done $0x0  }
0x40: {  	[sflag:s9] =	ssyncadd.s32 $0xFFFFD8F0  }
0x41: {  	s20 =	simm.s32 $0x0;
	[bflag:$0x0] =	sbarrier.arrive $0xFFFF  }
0x42: {  	[tilespmem:s23], [sflag:$0x1] =	stream.indirect.gather [hbm4b:s0+s22], $0x28, s20, s22, $0xb8;
	[tilespmem:$0x12A20] =	vst v63  }
0x43: {  	_ = 	snop  }
0x44: {  	[tilespmem:s24], [sflag:$0x2] =	stream.indirect.gather [hbm4b:s0+s22], $0x28, s22, s22, $0xb8;
	[tilespmem:$0x12A20] =	vst v63  }
0x45: {  	s10 =	simm.s32 $0xA0  }
0x46: {  	[tilespmem:s26], [sflag:$0x3] =	stream.indirect.gather [hbm4b:s0+s22], $0x28, s10, s22, $0xb8;
	[tilespmem:$0x12A20] =	vst v63  }
0x47: {  	s19 =	simm.s32 $0xF0  }
0x48: {  	[tilespmem:s29], [sflag:$0x4] =	stream.indirect.gather [hbm4b:s0+s22], $0x28, s19, s22, $0xb8;
	[tilespmem:$0x12A20] =	vst v63  }
0x49: {  	s20 =	simm.s32 $0x140  }
0x4a: {  	[tilespmem:s31], [sflag:$0x5] =	stream.indirect.gather [hbm4b:s0+s22], $0x28, s20, s22, $0xb8;
	[tilespmem:$0x12A20] =	vst v63  }
0x4b: {  	s10 =	simm.s32 $0x190  }
0x4c: {  	[tilespmem:s2], [sflag:$0x6] =	stream.indirect.gather [hbm4b:s0+s22], $0x28, s10, s22, $0xb8;
	[tilespmem:$0x12A20] =	vst v63  }
0x4d: {  	s19 =	simm.s32 $0x1E0  }
0x4e: {  	[tilespmem:s25], [sflag:$0x7] =	stream.indirect.gather [hbm4b:s0+s22], $0x28, s19, s22, $0xb8;
	[tilespmem:$0x12A20] =	vst v63  }
0x4f: {  	s20 =	simm.s32 $0x230  }
0x50: {  	[tilespmem:s30], [sflag:$0x8] =	stream.indirect.gather [hbm4b:s0+s22], $0x28, s20, s22, $0xb8;
	[tilespmem:$0x12A20] =	vst v63  }
0x51: {  	_ =	swait.ge [sflag:s1], $0xC80  }
0x52: {  	[sflag:s1] =	ssyncset.done $0x0  }
0x53: {  	s9 =	simm.s32 $0x2710;
	[sflag:s1] =	ssyncadd.s32 $0xFFFFF380  }
0x54: {  	[spmem:s3] =	stream.indirect.scatter.add.f32 [tilespmem:s23], [sflag:$0x9], $0x28, s9, s22, $0xb8;
	[tilespmem:$0x12A20] =	vst v63  }
0x55: {  	_ =	swait.ge [sflag:s21], $0xC80  }
0x56: {  	[sflag:s21] =	ssyncset.done $0x0  }
0x57: {  	s19 =	simm.s32 $0x2760;
	[sflag:s21] =	ssyncadd.s32 $0xFFFFF380  }
0x58: {  	[spmem:s3] =	stream.indirect.scatter.add.f32 [tilespmem:s24], [sflag:$0xA], $0x28, s19, s22, $0xb8;
	[tilespmem:$0x12A20] =	vst v63  }
0x59: {  	_ =	swait.ge [sflag:s28], $0xC80  }
0x5a: {  	[sflag:s28] =	ssyncset.done $0x0  }
0x5b: {  	s20 =	simm.s32 $0x27B0;
	[sflag:s28] =	ssyncadd.s32 $0xFFFFF380  }
0x5c: {  	[spmem:s3] =	stream.indirect.scatter.add.f32 [tilespmem:s26], [sflag:$0xB], $0x28, s20, s22, $0xb8;
	[tilespmem:$0x12A20] =	vst v63  }
0x5d: {  	_ =	swait.ge [sflag:s5], $0xC80  }
0x5e: {  	[sflag:s5] =	ssyncset.done $0x0  }
0x5f: {  	s9 =	simm.s32 $0x2800;
	[sflag:s5] =	ssyncadd.s32 $0xFFFFF380  }
0x60: {  	[spmem:s3] =	stream.indirect.scatter.add.f32 [tilespmem:s29], [sflag:$0xC], $0x28, s9, s22, $0xb8;
	[tilespmem:$0x12A20] =	vst v63  }
0x61: {  	_ =	swait.ge [sflag:s11], $0xC80  }
0x62: {  	[sflag:s11] =	ssyncset.done $0x0  }
0x63: {  	s19 =	simm.s32 $0x2850;
	[sflag:s11] =	ssyncadd.s32 $0xFFFFF380  }
0x64: {  	[spmem:s3] =	stream.indirect.scatter.add.f32 [tilespmem:s31], [sflag:$0xD], $0x28, s19, s22, $0xb8;
	[tilespmem:$0x12A20] =	vst v63  }
0x65: {  	_ =	swait.ge [sflag:s12], $0xC80  }
0x66: {  	[sflag:s12] =	ssyncset.done $0x0  }
0x67: {  	s20 =	simm.s32 $0x28A0;
	[sflag:s12] =	ssyncadd.s32 $0xFFFFF380  }
0x68: {  	[spmem:s3] =	stream.indirect.scatter.add.f32 [tilespmem:s2], [sflag:$0xE], $0x28, s20, s22, $0xb8;
	[tilespmem:$0x12A20] =	vst v63  }
0x69: {  	_ =	swait.ge [sflag:s13], $0xC80  }
0x6a: {  	[sflag:s13] =	ssyncset.done $0x0  }
0x6b: {  	s9 =	simm.s32 $0x28F0;
	[sflag:s13] =	ssyncadd.s32 $0xFFFFF380  }
0x6c: {  	[spmem:s3] =	stream.indirect.scatter.add.f32 [tilespmem:s25], [sflag:$0xF], $0x28, s9, s22, $0xb8;
	[tilespmem:$0x12A20] =	vst v63  }
0x6d: {  	_ =	swait.ge [sflag:s14], $0xC80  }
0x6e: {  	[sflag:s14] =	ssyncset.done $0x0  }
0x6f: {  	s19 =	simm.s32 $0x2940;
	[sflag:s14] =	ssyncadd.s32 $0xFFFFF380  }
0x70: {  	[spmem:s3] =	stream.indirect.scatter.add.f32 [tilespmem:s30], [sflag:$0x10], $0x28, s19, s22, $0xb8;
	[tilespmem:$0x12A20] =	vst v63  }
0x71: {  	_ =	swait.ge [sflag:s15], $0xC80  }
0x72: {  	[sflag:s15] =	ssyncset.done $0x0  }
0x73: {  	s20 =	simm.s32 $0x280;
	[sflag:s15] =	ssyncadd.s32 $0xFFFFF380  }
0x74: {  	[tilespmem:s23], [sflag:$0x1] =	stream.indirect.gather [hbm4b:s0+s22], $0x28, s20, s22, $0xb8;
	[tilespmem:$0x12A20] =	vst v63  }
0x75: {  	_ =	swait.ge [sflag:s16], $0xC80  }
0x76: {  	[sflag:s16] =	ssyncset.done $0x0  }
0x77: {  	s9 =	simm.s32 $0x2D0;
	[sflag:s16] =	ssyncadd.s32 $0xFFFFF380  }
0x78: {  	[tilespmem:s24], [sflag:$0x2] =	stream.indirect.gather [hbm4b:s0+s22], $0x28, s9, s22, $0xb8;
	[tilespmem:$0x12A20] =	vst v63  }
0x79: {  	_ =	swait.ge [sflag:s17], $0xC80  }
0x7a: {  	[sflag:s17] =	ssyncset.done $0x0  }
0x7b: {  	s19 =	simm.s32 $0x320;
	[sflag:s17] =	ssyncadd.s32 $0xFFFFF380  }
0x7c: {  	[tilespmem:s26], [sflag:$0x3] =	stream.indirect.gather [hbm4b:s0+s22], $0x28, s19, s22, $0xb8;
	[tilespmem:$0x12A20] =	vst v63  }
0x7d: {  	_ =	swait.ge [sflag:s18], $0xC80  }
0x7e: {  	[sflag:s18] =	ssyncset.done $0x0  }
0x7f: {  	s20 =	simm.s32 $0x370;
	[sflag:s18] =	ssyncadd.s32 $0xFFFFF380  }
0x80: {  	[tilespmem:s29], [sflag:$0x4] =	stream.indirect.gather [hbm4b:s0+s22], $0x28, s20, s22, $0xb8;
	[tilespmem:$0x12A20] =	vst v63  }
0x81: {  	_ =	swait.ge [sflag:s4], $0xC80  }
0x82: {  	[sflag:s4] =	ssyncset.done $0x0  }
0x83: {  	s9 =	simm.s32 $0x3C0;
	[sflag:s4] =	ssyncadd.s32 $0xFFFFF380  }
0x84: {  	[tilespmem:s31], [sflag:$0x5] =	stream.indirect.gather [hbm4b:s0+s22], $0x28, s9, s22, $0xb8;
	[tilespmem:$0x12A20] =	vst v63  }
0x85: {  	_ =	swait.ge [sflag:s6], $0xC80  }
0x86: {  	[sflag:s6] =	ssyncset.done $0x0  }
0x87: {  	s19 =	simm.s32 $0x410;
	[sflag:s6] =	ssyncadd.s32 $0xFFFFF380  }
0x88: {  	[tilespmem:s2], [sflag:$0x6] =	stream.indirect.gather [hbm4b:s0+s22], $0x28, s19, s22, $0xb8;
	[tilespmem:$0x12A20] =	vst v63  }
0x89: {  	_ =	swait.ge [sflag:s7], $0xC80  }
0x8a: {  	[sflag:s7] =	ssyncset.done $0x0  }
0x8b: {  	s20 =	simm.s32 $0x460;
	[sflag:s7] =	ssyncadd.s32 $0xFFFFF380  }
0x8c: {  	[tilespmem:s25], [sflag:$0x7] =	stream.indirect.gather [hbm4b:s0+s22], $0x28, s20, s22, $0xb8;
	[tilespmem:$0x12A20] =	vst v63  }
0x8d: {  	_ =	swait.ge [sflag:s8], $0xC80  }
0x8e: {  	[sflag:s8] =	ssyncset.done $0x0  }
0x8f: {  	s10 =	simm.s32 $0xA00;
	s19 =	simm.s32 $0x4B0;
	[sflag:s8] =	ssyncadd.s32 $0xFFFFF380  }
.LBB2_2:
0x90: {  	[tilespmem:s30], [sflag:$0x8] =	stream.indirect.gather [hbm4b:s0+s22], $0x28, s19, s22, $0xb8;
	[tilespmem:$0x12A20] =	vst v63  }
0x91: {  	s19 =	smov.u32 s10  }
0x92: {  	p0 =	sne.s32 s10, $0x8200;
	s10 =	sadd.s32 $0xA00, s10;
	_ =	swait.ge [sflag:s1], $0xC80  }
0x93: {  	s19 =	sshra.s32 s19, $0x2;
	[sflag:s1] =	ssyncset.done $0x0  }
0x94: {  	s9 =	sadd.s32 $0x2710, s19;
	[sflag:s1] =	ssyncadd.s32 $0xFFFFF380  }
0x95: {  	[spmem:s3] =	stream.indirect.scatter.add.f32 [tilespmem:s23], [sflag:$0x9], $0x28, s9, s22, $0xb8;
	[tilespmem:$0x12A20] =	vst v63  }
0x96: {  	_ =	swait.ge [sflag:s21], $0xC80  }
0x97: {  	[sflag:s21] =	ssyncset.done $0x0  }
0x98: {  	s9 =	sadd.s32 $0x2760, s19;
	[sflag:s21] =	ssyncadd.s32 $0xFFFFF380  }
0x99: {  	[spmem:s3] =	stream.indirect.scatter.add.f32 [tilespmem:s24], [sflag:$0xA], $0x28, s9, s22, $0xb8;
	[tilespmem:$0x12A20] =	vst v63  }
0x9a: {  	_ =	swait.ge [sflag:s28], $0xC80  }
0x9b: {  	[sflag:s28] =	ssyncset.done $0x0  }
0x9c: {  	s9 =	sadd.s32 $0x27B0, s19;
	[sflag:s28] =	ssyncadd.s32 $0xFFFFF380  }
0x9d: {  	[spmem:s3] =	stream.indirect.scatter.add.f32 [tilespmem:s26], [sflag:$0xB], $0x28, s9, s22, $0xb8;
	[tilespmem:$0x12A20] =	vst v63  }
0x9e: {  	_ =	swait.ge [sflag:s5], $0xC80  }
0x9f: {  	[sflag:s5] =	ssyncset.done $0x0  }
0xa0: {  	s9 =	sadd.s32 $0x2800, s19;
	[sflag:s5] =	ssyncadd.s32 $0xFFFFF380  }
0xa1: {  	[spmem:s3] =	stream.indirect.scatter.add.f32 [tilespmem:s29], [sflag:$0xC], $0x28, s9, s22, $0xb8;
	[tilespmem:$0x12A20] =	vst v63  }
0xa2: {  	_ =	swait.ge [sflag:s11], $0xC80  }
0xa3: {  	[sflag:s11] =	ssyncset.done $0x0  }
0xa4: {  	s9 =	sadd.s32 $0x2850, s19;
	[sflag:s11] =	ssyncadd.s32 $0xFFFFF380  }
0xa5: {  	[spmem:s3] =	stream.indirect.scatter.add.f32 [tilespmem:s31], [sflag:$0xD], $0x28, s9, s22, $0xb8;
	[tilespmem:$0x12A20] =	vst v63  }
0xa6: {  	_ =	swait.ge [sflag:s12], $0xC80  }
0xa7: {  	[sflag:s12] =	ssyncset.done $0x0  }
0xa8: {  	s9 =	sadd.s32 $0x28A0, s19;
	[sflag:s12] =	ssyncadd.s32 $0xFFFFF380  }
0xa9: {  	[spmem:s3] =	stream.indirect.scatter.add.f32 [tilespmem:s2], [sflag:$0xE], $0x28, s9, s22, $0xb8;
	[tilespmem:$0x12A20] =	vst v63  }
0xaa: {  	_ =	swait.ge [sflag:s13], $0xC80  }
0xab: {  	[sflag:s13] =	ssyncset.done $0x0  }
0xac: {  	s9 =	sadd.s32 $0x28F0, s19;
	[sflag:s13] =	ssyncadd.s32 $0xFFFFF380  }
0xad: {  	[spmem:s3] =	stream.indirect.scatter.add.f32 [tilespmem:s25], [sflag:$0xF], $0x28, s9, s22, $0xb8;
	[tilespmem:$0x12A20] =	vst v63  }
0xae: {  	_ =	swait.ge [sflag:s14], $0xC80  }
0xaf: {  	[sflag:s14] =	ssyncset.done $0x0  }
0xb0: {  	s9 =	sadd.s32 $0x2940, s19;
	[sflag:s14] =	ssyncadd.s32 $0xFFFFF380  }
0xb1: {  	[spmem:s3] =	stream.indirect.scatter.add.f32 [tilespmem:s30], [sflag:$0x10], $0x28, s9, s22, $0xb8;
	[tilespmem:$0x12A20] =	vst v63  }
0xb2: {  	_ =	swait.ge [sflag:s15], $0xC80  }
0xb3: {  	[sflag:s15] =	ssyncset.done $0x0  }
0xb4: {  	s9 =	sadd.s32 $0x280, s19;
	[sflag:s15] =	ssyncadd.s32 $0xFFFFF380  }
0xb5: {  	[tilespmem:s23], [sflag:$0x1] =	stream.indirect.gather [hbm4b:s0+s22], $0x28, s9, s22, $0xb8;
	[tilespmem:$0x12A20] =	vst v63  }
0xb6: {  	_ =	swait.ge [sflag:s16], $0xC80  }
0xb7: {  	[sflag:s16] =	ssyncset.done $0x0  }
0xb8: {  	s9 =	sadd.s32 $0x2D0, s19;
	[sflag:s16] =	ssyncadd.s32 $0xFFFFF380  }
0xb9: {  	[tilespmem:s24], [sflag:$0x2] =	stream.indirect.gather [hbm4b:s0+s22], $0x28, s9, s22, $0xb8;
	[tilespmem:$0x12A20] =	vst v63  }
0xba: {  	_ =	swait.ge [sflag:s17], $0xC80  }
0xbb: {  	[sflag:s17] =	ssyncset.done $0x0  }
0xbc: {  	s9 =	sadd.s32 $0x320, s19;
	[sflag:s17] =	ssyncadd.s32 $0xFFFFF380  }
0xbd: {  	[tilespmem:s26], [sflag:$0x3] =	stream.indirect.gather [hbm4b:s0+s22], $0x28, s9, s22, $0xb8;
	[tilespmem:$0x12A20] =	vst v63  }
0xbe: {  	_ =	swait.ge [sflag:s18], $0xC80  }
0xbf: {  	[sflag:s18] =	ssyncset.done $0x0  }
0xc0: {  	s9 =	sadd.s32 $0x370, s19;
	[sflag:s18] =	ssyncadd.s32 $0xFFFFF380  }
0xc1: {  	[tilespmem:s29], [sflag:$0x4] =	stream.indirect.gather [hbm4b:s0+s22], $0x28, s9, s22, $0xb8;
	[tilespmem:$0x12A20] =	vst v63  }
0xc2: {  	_ =	swait.ge [sflag:s4], $0xC80  }
0xc3: {  	[sflag:s4] =	ssyncset.done $0x0  }
0xc4: {  	s9 =	sadd.s32 $0x3C0, s19;
	[sflag:s4] =	ssyncadd.s32 $0xFFFFF380  }
0xc5: {  	[tilespmem:s31], [sflag:$0x5] =	stream.indirect.gather [hbm4b:s0+s22], $0x28, s9, s22, $0xb8;
	[tilespmem:$0x12A20] =	vst v63  }
0xc6: {  	_ =	swait.ge [sflag:s6], $0xC80  }
0xc7: {  	[sflag:s6] =	ssyncset.done $0x0  }
0xc8: {  	s9 =	sadd.s32 $0x410, s19;
	[sflag:s6] =	ssyncadd.s32 $0xFFFFF380  }
0xc9: {  	[tilespmem:s2], [sflag:$0x6] =	stream.indirect.gather [hbm4b:s0+s22], $0x28, s9, s22, $0xb8;
	[tilespmem:$0x12A20] =	vst v63  }
0xca: {  	_ =	swait.ge [sflag:s7], $0xC80  }
0xcb: {  	[sflag:s7] =	ssyncset.done $0x0  }
.Ltmp0:
0xcc: {  	s9 =	sadd.s32 $0x460, s19;
	[sflag:s7] =	ssyncadd.s32 $0xFFFFF380;
	(pc) =	sbr.rel @p0 .LBB2_2-.Ltmp0, $4  }
0xcd: {  	[tilespmem:s25], [sflag:$0x7] =	stream.indirect.gather [hbm4b:s0+s22], $0x28, s9, s22, $0xb8;
	[tilespmem:$0x12A20] =	vst v63  }
0xce: {  	_ =	swait.ge [sflag:s8], $0xC80  }
0xcf: {  	[sflag:s8] =	ssyncset.done $0x0  }
0xd0: {  	s19 =	sadd.s32 $0x4B0, s19;
	[sflag:s8] =	ssyncadd.s32 $0xFFFFF380  }
0xd1: {  	[tilespmem:s30], [sflag:$0x8] =	stream.indirect.gather [hbm4b:s0+s22], $0x28, s19, s22, $0xb8;
	[tilespmem:$0x12A20] =	vst v63  }
0xd2: {  	_ =	swait.ge [sflag:s1], $0xC80  }
0xd3: {  	[sflag:s1] =	ssyncset.done $0x0  }
0xd4: {  	s9 =	simm.s32 $0x4A10;
	[sflag:s1] =	ssyncadd.s32 $0xFFFFF380  }
0xd5: {  	[spmem:s3] =	stream.indirect.scatter.add.f32 [tilespmem:s23], [sflag:$0x9], $0x28, s9, s22, $0xb8;
	[tilespmem:$0x12A20] =	vst v63  }
0xd6: {  	_ =	swait.ge [sflag:s21], $0xC80  }
0xd7: {  	[sflag:s21] =	ssyncset.done $0x0  }
0xd8: {  	s19 =	simm.s32 $0x4A60;
	[sflag:s21] =	ssyncadd.s32 $0xFFFFF380  }
0xd9: {  	[spmem:s3] =	stream.indirect.scatter.add.f32 [tilespmem:s24], [sflag:$0xA], $0x28, s19, s22, $0xb8;
	[tilespmem:$0x12A20] =	vst v63  }
0xda: {  	_ =	swait.ge [sflag:s28], $0xC80  }
0xdb: {  	[sflag:s28] =	ssyncset.done $0x0  }
0xdc: {  	s20 =	simm.s32 $0x4AB0;
	[sflag:s28] =	ssyncadd.s32 $0xFFFFF380  }
0xdd: {  	[spmem:s3] =	stream.indirect.scatter.add.f32 [tilespmem:s26], [sflag:$0xB], $0x28, s20, s22, $0xb8;
	[tilespmem:$0x12A20] =	vst v63  }
0xde: {  	_ =	swait.ge [sflag:s5], $0xC80  }
0xdf: {  	[sflag:s5] =	ssyncset.done $0x0  }
0xe0: {  	s10 =	simm.s32 $0x4B00;
	[sflag:s5] =	ssyncadd.s32 $0xFFFFF380  }
0xe1: {  	[spmem:s3] =	stream.indirect.scatter.add.f32 [tilespmem:s29], [sflag:$0xC], $0x28, s10, s22, $0xb8;
	[tilespmem:$0x12A20] =	vst v63  }
0xe2: {  	_ =	swait.ge [sflag:s11], $0xC80  }
0xe3: {  	[sflag:s11] =	ssyncset.done $0x0  }
0xe4: {  	s19 =	simm.s32 $0x4B50;
	[sflag:s11] =	ssyncadd.s32 $0xFFFFF380  }
0xe5: {  	[spmem:s3] =	stream.indirect.scatter.add.f32 [tilespmem:s31], [sflag:$0xD], $0x28, s19, s22, $0xb8;
	[tilespmem:$0x12A20] =	vst v63  }
0xe6: {  	_ =	swait.ge [sflag:s12], $0xC80  }
0xe7: {  	[sflag:s12] =	ssyncset.done $0x0  }
0xe8: {  	s20 =	simm.s32 $0x4BA0;
	[sflag:s12] =	ssyncadd.s32 $0xFFFFF380  }
0xe9: {  	[spmem:s3] =	stream.indirect.scatter.add.f32 [tilespmem:s2], [sflag:$0xE], $0x28, s20, s22, $0xb8;
	[tilespmem:$0x12A20] =	vst v63  }
0xea: {  	_ =	swait.ge [sflag:s13], $0xC80  }
0xeb: {  	[sflag:s13] =	ssyncset.done $0x0  }
0xec: {  	s10 =	simm.s32 $0x4BF0;
	[sflag:s13] =	ssyncadd.s32 $0xFFFFF380  }
0xed: {  	[spmem:s3] =	stream.indirect.scatter.add.f32 [tilespmem:s25], [sflag:$0xF], $0x28, s10, s22, $0xb8;
	[tilespmem:$0x12A20] =	vst v63  }
0xee: {  	_ =	swait.ge [sflag:s14], $0xC80  }
0xef: {  	[sflag:s14] =	ssyncset.done $0x0  }
0xf0: {  	s19 =	simm.s32 $0x4C40;
	[sflag:s14] =	ssyncadd.s32 $0xFFFFF380  }
0xf1: {  	[spmem:s3] =	stream.indirect.scatter.add.f32 [tilespmem:s30], [sflag:$0x10], $0x28, s19, s22, $0xb8;
	[tilespmem:$0x12A20] =	vst v63  }
0xf2: {  	_ =	swait.ge [sflag:s15], $0xC80  }
0xf3: {  	[sflag:s15] =	ssyncset.done $0x0  }
0xf4: {  	s20 =	simm.s32 $0x2580;
	[sflag:s15] =	ssyncadd.s32 $0xFFFFF380  }
0xf5: {  	[tilespmem:s23], [sflag:$0x1] =	stream.indirect.gather [hbm4b:s0+s22], $0x28, s20, s22, $0xb8;
	[tilespmem:$0x12A20] =	vst v63  }
0xf6: {  	_ =	swait.ge [sflag:s16], $0xC80  }
0xf7: {  	[sflag:s16] =	ssyncset.done $0x0  }
0xf8: {  	s10 =	simm.s32 $0x25D0;
	[sflag:s16] =	ssyncadd.s32 $0xFFFFF380  }
0xf9: {  	[tilespmem:s24], [sflag:$0x2] =	stream.indirect.gather [hbm4b:s0+s22], $0x28, s10, s22, $0xb8;
	[tilespmem:$0x12A20] =	vst v63  }
0xfa: {  	_ =	swait.ge [sflag:s17], $0xC80  }
0xfb: {  	[sflag:s17] =	ssyncset.done $0x0  }
0xfc: {  	s19 =	simm.s32 $0x2620;
	[sflag:s17] =	ssyncadd.s32 $0xFFFFF380  }
0xfd: {  	[tilespmem:s26], [sflag:$0x3] =	stream.indirect.gather [hbm4b:s0+s22], $0x28, s19, s22, $0xb8;
	[tilespmem:$0x12A20] =	vst v63  }
0xfe: {  	_ =	swait.ge [sflag:s18], $0xC80  }
0xff: {  	[sflag:s18] =	ssyncset.done $0x0  }
0x100: {  	s20 =	simm.s32 $0x2670;
	[sflag:s18] =	ssyncadd.s32 $0xFFFFF380  }
0x101: {  	[tilespmem:s29], [sflag:$0x4] =	stream.indirect.gather [hbm4b:s0+s22], $0x28, s20, s22, $0xb8;
	[tilespmem:$0x12A20] =	vst v63  }
0x102: {  	_ =	swait.ge [sflag:s4], $0xC80  }
0x103: {  	[sflag:s4] =	ssyncset.done $0x0  }
0x104: {  	s10 =	simm.s32 $0x26C0;
	[sflag:s4] =	ssyncadd.s32 $0xFFFFF380  }
0x105: {  	[tilespmem:s31], [sflag:$0x5] =	stream.indirect.gather [hbm4b:s0+s22], $0x28, s10, s22, $0xb8;
	[tilespmem:$0x12A20] =	vst v63  }
0x106: {  	_ =	swait.ge [sflag:s6], $0xC80  }
0x107: {  	[sflag:s6] =	ssyncset.done $0x0  }
0x108: {  	[sflag:s6] =	ssyncadd.s32 $0xFFFFF380  }
0x109: {  	_ =	swait.ge [sflag:s7], $0xC80  }
0x10a: {  	[sflag:s7] =	ssyncset.done $0x0  }
0x10b: {  	[sflag:s7] =	ssyncadd.s32 $0xFFFFF380  }
0x10c: {  	_ =	swait.ge [sflag:s8], $0xC80  }
0x10d: {  	[sflag:s8] =	ssyncset.done $0x0  }
0x10e: {  	[sflag:s8] =	ssyncadd.s32 $0xFFFFF380  }
0x10f: {  	_ =	swait.ge [sflag:s1], $0xC80  }
0x110: {  	[sflag:s1] =	ssyncset.done $0x0  }
0x111: {  	s19 =	simm.s32 $0x4C90;
	[sflag:s1] =	ssyncadd.s32 $0xFFFFF380  }
0x112: {  	[spmem:s3] =	stream.indirect.scatter.add.f32 [tilespmem:s23], [sflag:$0x9], $0x28, s19, s22, $0xb8;
	[tilespmem:$0x12A20] =	vst v63  }
0x113: {  	_ =	swait.ge [sflag:s21], $0xC80  }
0x114: {  	[sflag:s21] =	ssyncset.done $0x0  }
0x115: {  	s20 =	simm.s32 $0x4CE0;
	[sflag:s21] =	ssyncadd.s32 $0xFFFFF380  }
0x116: {  	[spmem:s3] =	stream.indirect.scatter.add.f32 [tilespmem:s24], [sflag:$0xA], $0x28, s20, s22, $0xb8;
	[tilespmem:$0x12A20] =	vst v63  }
0x117: {  	_ =	swait.ge [sflag:s28], $0xC80  }
0x118: {  	[sflag:s28] =	ssyncset.done $0x0  }
0x119: {  	s10 =	simm.s32 $0x4D30;
	[sflag:s28] =	ssyncadd.s32 $0xFFFFF380  }
0x11a: {  	[spmem:s3] =	stream.indirect.scatter.add.f32 [tilespmem:s26], [sflag:$0xB], $0x28, s10, s22, $0xb8;
	[tilespmem:$0x12A20] =	vst v63  }
0x11b: {  	_ =	swait.ge [sflag:s5], $0xC80  }
0x11c: {  	[sflag:s5] =	ssyncset.done $0x0  }
0x11d: {  	s19 =	simm.s32 $0x4D80;
	[sflag:s5] =	ssyncadd.s32 $0xFFFFF380  }
0x11e: {  	[spmem:s3] =	stream.indirect.scatter.add.f32 [tilespmem:s29], [sflag:$0xC], $0x28, s19, s22, $0xb8;
	[tilespmem:$0x12A20] =	vst v63  }
0x11f: {  	_ =	swait.ge [sflag:s11], $0xC80  }
0x120: {  	[sflag:s11] =	ssyncset.done $0x0  }
0x121: {  	s20 =	simm.s32 $0x4DD0;
	[sflag:s11] =	ssyncadd.s32 $0xFFFFF380  }
0x122: {  	[spmem:s3] =	stream.indirect.scatter.add.f32 [tilespmem:s31], [sflag:$0xD], $0x28, s20, s22, $0xb8;
	[tilespmem:$0x12A20] =	vst v63  }
0x123: {  	_ =	swait.ge [sflag:s15], $0xC80  }
0x124: {  	[sflag:s15] =	ssyncset.done $0x0  }
0x125: {  	[sflag:s15] =	ssyncadd.s32 $0xFFFFF380  }
0x126: {  	_ =	swait.ge [sflag:s16], $0xC80  }
0x127: {  	[sflag:s16] =	ssyncset.done $0x0  }
0x128: {  	[sflag:s16] =	ssyncadd.s32 $0xFFFFF380  }
0x129: {  	_ =	swait.ge [sflag:s17], $0xC80  }
0x12a: {  	[sflag:s17] =	ssyncset.done $0x0  }
0x12b: {  	[sflag:s17] =	ssyncadd.s32 $0xFFFFF380  }
0x12c: {  	_ =	swait.ge [sflag:s18], $0xC80  }
0x12d: {  	[sflag:s18] =	ssyncset.done $0x0  }
0x12e: {  	[sflag:s18] =	ssyncadd.s32 $0xFFFFF380  }
0x12f: {  	_ =	swait.ge [sflag:s4], $0xC80  }
0x130: {  	s10 =	stileid.u32;
	[sflag:s4] =	ssyncset.done $0x0  }
0x131: {  	s9 =	sshll.u32 s10, $0x6;
	[sflag:s4] =	ssyncadd.s32 $0xFFFFF380  }
0x132: {  	s20 =	sor.u32 $0x1C11, s9;
	[bflag:$0x0] =	sbarrier.arrive $0xFFFF  }
0x133: {  	[dreg:$0x13] =	wrdreg s20  }
0x134: {  	s19 =	rddreg [dreg:$0x5]  }
0x135: {  	s9 =	rddreg [dreg:$0xc];
	s10 =	sshrl.u32 s19, $0x3  }
0x136: {  	[hbm:s9], [sflag:s20] =	dma.local [spmem:s10], $0x280  }
0x137: {  	s9 =	simm.s32 $0x11  }
0x138: {  	_ =	swait.ge [sflag:s9], $0x280  }
0x139: {  	[sflag:s9] =	ssyncset.done $0x0;
	s19 =	rddreg [dreg:$0x6]  }
0x13a: {  	[sflag:s9] =	ssyncadd.s32 $0xFFFFFD80;
	s10 =	sshrl.u32 s19, $0x3;
	s19 =	rddreg [dreg:$0xd]  }
0x13b: {  	[hbm:s19], [sflag:s20] =	dma.local [spmem:s10], $0x280  }
0x13c: {  	_ =	swait.ge [sflag:s9], $0x280  }
0x13d: {  	[sflag:s9] =	ssyncset.done $0x0;
	s19 =	rddreg [dreg:$0x7]  }
0x13e: {  	[sflag:s9] =	ssyncadd.s32 $0xFFFFFD80;
	s10 =	sshrl.u32 s19, $0x3;
	s19 =	rddreg [dreg:$0xe]  }
0x13f: {  	[hbm:s19], [sflag:s20] =	dma.local [spmem:s10], $0x280  }
0x140: {  	_ =	swait.ge [sflag:s9], $0x280  }
0x141: {  	[sflag:s9] =	ssyncset.done $0x0;
	s19 =	rddreg [dreg:$0x8]  }
0x142: {  	[sflag:s9] =	ssyncadd.s32 $0xFFFFFD80;
	s10 =	sshrl.u32 s19, $0x3;
	s19 =	rddreg [dreg:$0xf]  }
0x143: {  	[hbm:s19], [sflag:s20] =	dma.local [spmem:s10], $0x280  }
0x144: {  	_ =	swait.ge [sflag:s9], $0x280  }
0x145: {  	[sflag:s9] =	ssyncset.done $0x0;
	s19 =	rddreg [dreg:$0x9]  }
0x146: {  	[sflag:s9] =	ssyncadd.s32 $0xFFFFFD80;
	s9 =	rddreg [dreg:$0x10]  }
0x147: {  	s20 =	sshrl.u32 s19, $0x3;
	s19 =	rddreg [dreg:$0x13]  }
0x148: {  	[hbm:s9], [sflag:s19] =	dma.local [spmem:s20], $0x280  }
0x149: {  	s19 =	simm.s32 $0x11  }
0x14a: {  	_ =	swait.ge [sflag:s19], $0x280  }
0x14b: {  	s20 =	rddreg [dreg:$0x12]  }
0x14c: {  	[sflag:s19] =	ssyncset.done $0x0;
	s19 =	rddreg [dreg:$0x11];
	s10 =	sadd.s32 $0x1, s20  }
0x14d: {  	p0 =	sne.s32 s10, s19  }
.Ltmp1:
0x14e: {  	_ = 	snop;
	(pc) =	sbr.rel @p0 .LBB2_1-.Ltmp1, $3  }
0x14f: {  	_ =	sdelay $0x1  }
0x150: {  	s20 =	simm.s32 $0x11  }
0x151: {  	[sflag:s20] =	ssyncadd.s32 $0xFFFFFD80  }
0x152: {  	_ =	sfence.sel $0x180000  }
0x153: {  	[bflag:$0x0] =	sbarrier.arrive $0xFFFF  }
0x154: {  	_ =	strace $0x9000004D  }
0x155: {  	s0 =	stileid.u32;
	[bflag:$0x2] =	sbarrier.arrive $0xFFFF  }
0x156: {  	p0 =	sne.s32 s0, $0x0;
	s0 =	rddreg [dreg:$0x3]  }
0x157: {  	s0 =	sadd.s32 @!p0 $0x100000, s0  }
0x158: {  	[sflag:s0] =	ssyncadd.tile.s32 @!p0 $0x1;
	_ =	shalt  }
.Lfunc_end2:
_tile_overlayer_lowered:
.L_overlay_start_2:
0x159: {  	(tag) =	ssettag $0x2  }
0x15a: {  	s0 =	rddreg [dreg:$0x0];
	s2 =	stileid.u32  }
0x15b: {  	s1 =	rddreg [dreg:$0x1];
	p0 =	sne.s32 s2, $0x0  }
0x15c: {  	s3 =	rddreg [dreg:$0x2];
	[bflag:$0x3] =	sbarrier.arrive $0xFFFF;
	s2 =	simm.s32 @!p0 $0x1C11  }
0x15d: {  	[timem:s3], [sflag:s2] =	dma.local @!p0 [hbm:s0], s1  }
0x15e: {  	s0 =	simm.s32 @!p0 $0x11  }
0x15f: {  	_ =	swait.ge @!p0 [sflag:s0], s1  }
0x160: {  	s1 =	ssub.s32 @!p0 $0x0, s1;
	[sflag:s0] =	ssyncset.done @!p0 $0x0  }
0x161: {  	[sflag:s0] =	ssyncadd.s32 @!p0 s1  }
0x162: {  	[bflag:$0x3] =	sbarrier.arrive $0xFFFF  }
0x163: {  	_ =	shalt  }

// kernel: kernel.8.cloned.1.call-start
scs
__scs_entry_jumppad:
0x0: {  	(pc) =	sbr.rel $0x88, $3  }
0x1: {  	(tag) =	ssettag $0x0;
	lr =	simm.s32 $0x1  }
0x2: {  	[smem:$0x3F9B] =	sst lr;
	_ =	strace $0xD0000000  }
0x3: {  	_ = 	snop  }
0x4: {  	_ = 	snop  }
0x5: {  	_ = 	snop  }
0x6: {  	_ = 	snop  }
0x7: {  	_ = 	snop  }
__scs_overlays_trampoline_lowered:
0x8: {  	[smem:$0x3FAA] =	sst s0  }
0x9: {  	[smem:$0x3FAB] =	sst s1  }
0xa: {  	[smem:$0x3FAC] =	sst s2  }
0xb: {  	[smem:$0x3FAD] =	sst s3  }
0xc: {  	[smem:$0x3FAE] =	sst s4  }
0xd: {  	[smem:$0x3FAF] =	sst s5  }
0xe: {  	[smem:$0x3FB0] =	sst s6  }
0xf: {  	[smem:$0x3FB1] =	sst s7  }
0x10: {  	[smem:$0x3FB2] =	sst s8  }
0x11: {  	[smem:$0x3FB3] =	sst s9;
	s0 =	simm.s32 @!p0 $0x0  }
0x12: {  	s1 =	sld [smem:$0x3F99];
	s0 =	simm.s32 @p0 $0x1  }
0x13: {  	[smem:$0x3FB4] =	sst s0;
	s0 =	simm.s32 @!p1 $0x0  }
0x14: {  	s2 =	sld [smem:$0x3F98];
	s0 =	simm.s32 @p1 $0x1  }
0x15: {  	[smem:$0x3FB5] =	sst s0;
	s0 =	simm.s32 @!p2 $0x0  }
0x16: {  	s3 =	sld [smem:$0x3FDB];
	s0 =	simm.s32 @p2 $0x1  }
0x17: {  	s4 =	simm.s32 $0x1BF5;
	[smem:$0x3FB7] =	sst s0  }
0x18: {  	s0 =	sld [smem:$0x3F9A];
	_ =	swait.ge [sflag:s4], $0x0  }
0x19: {  	s7 =	sld [smem:$0x3F9B]  }
0x1a: {  	s8 =	sadd.s32 $0xFFFFE003, lr  }
0x1b: {  	s9 =	sadd.s32 $0xFFFFFEF7, lr;
	s5 =	simm.s32 $0xFFFFFFFF;
	p2 =	slt.u32 s8, $0xFFFFF086  }
0x1c: {  	p1 =	slt.u32 s9, $0xF7A;
	s5 =	simm.s32 @!p2 $0x0  }
0x1d: {  	s5 =	simm.s32 @p1 $0x1;
	p0 =	seq.s32 s7, s2  }
0x1e: {  	s7 =	smul.u32 @!p0 $0xF7A, s2;
	p2 =	seq.s32 @!p0 s5, $0x0  }
0x1f: {  	s9 =	smul.u32 $0xF7A, s1;
	s8 =	simm.s32 @!p0 $0x1BF5;
	p2 =	por !p2, p0  }
0x20: {  	[sflag:s8] =	ssyncset.s32 @!p0 $0xFFFFF086;
	s6 =	sadd.s32 @!p0 s3, s7;
	s7 =	simm.s32 @!p0 $0x108  }
0x21: {  	s3 =	sadd.s32 s3, s9;
	s6 =	sadd.s32 @!p0 $0x88, s6;
	s7 =	simm.s32 @p2 $0x1082  }
0x22: {  	[simem:s7], [sflag:s8] =	dma.local @!p0 [hbm:s6], $0xF7A  }
0x23: {  	s9 =	sor.u32 $0xD0000000, s2;
	s6 =	simm.s32 $0x108;
	_ =	swait.ge @!p0 [sflag:s8], $0x0  }
0x24: {  	s3 =	sadd.s32 $0x88, s3;
	s6 =	simm.s32 @!p1 $0x1082;
	[sflag:s4] =	ssyncset.s32 $0xFFFFF086  }
0x25: {  	[simem:s6], [sflag:s4] =	dma.local [hbm:s3], $0xF7A  }
0x26: {  	[smem:$0x3F9B] =	sst s1;
	(tag) =	ssettag s2;
	_ =	strace s9  }
0x27: {  	s1 =	sld [smem:$0x3FAB]  }
0x28: {  	s2 =	sld [smem:$0x3FAC]  }
0x29: {  	s4 =	sld [smem:$0x3FAE]  }
0x2a: {  	p0 =	seq.s32 s5, $0x0;
	s5 =	sld [smem:$0x3FAF]  }
0x2b: {  	s6 =	sld [smem:$0x3FB0]  }
0x2c: {  	s7 =	sld [smem:$0x3FB1]  }
0x2d: {  	s3 =	simm.s32 $0x108;
	s8 =	sld [smem:$0x3FB2]  }
0x2e: {  	s3 =	simm.s32 @!p0 $0x1082;
	s9 =	sld [smem:$0x3FB3]  }
0x2f: {  	lr =	sadd.s32 s0, s3;
	s0 =	sld [smem:$0x3FAA]  }
0x30: {  	s3 =	sld [smem:$0x3FAD]  }
0x31: {  	[smem:$0x3FB6] =	sst s10  }
0x32: {  	s10 =	sld [smem:$0x3FB4];
	_ =	sdelay $0x3  }
0x33: {  	p0 =	seq.s32 s10, $0x1;
	s10 =	sld [smem:$0x3FB6];
	_ =	sdelay $0x3  }
0x34: {  	[smem:$0x3FB6] =	sst s10  }
0x35: {  	s10 =	sld [smem:$0x3FB5];
	_ =	sdelay $0x3  }
0x36: {  	p1 =	seq.s32 s10, $0x1;
	s10 =	sld [smem:$0x3FB6];
	_ =	sdelay $0x3  }
0x37: {  	[smem:$0x3FB6] =	sst s10  }
0x38: {  	s10 =	sld [smem:$0x3FB7]  }
0x39: {  	_ = 	snop;
	(pc) =	sbr.ind lr, $3  }
0x3a: {  	_ = 	snop  }
0x3b: {  	_ = 	snop  }
0x3c: {  	p2 =	seq.s32 s10, $0x1;
	s10 =	sld [smem:$0x3FB6]  }
0x3d: {  	_ =	shalt  }
0x3e: {  	_ =	shalt  }
0x3f: {  	_ =	shalt  }
0x40: {  	_ =	shalt  }
0x41: {  	_ =	shalt  }
0x42: {  	_ =	shalt  }
0x43: {  	_ =	shalt  }
0x44: {  	_ =	shalt  }
0x45: {  	_ =	shalt  }
0x46: {  	_ =	shalt  }
0x47: {  	_ =	shalt  }
0x48: {  	_ =	shalt  }
0x49: {  	_ =	shalt  }
0x4a: {  	_ =	shalt  }
0x4b: {  	_ =	shalt  }
0x4c: {  	_ =	shalt  }
0x4d: {  	_ =	shalt  }
0x4e: {  	_ =	shalt  }
0x4f: {  	_ =	shalt  }
0x50: {  	_ =	shalt  }
0x51: {  	_ =	shalt  }
0x52: {  	_ =	shalt  }
0x53: {  	_ =	shalt  }
0x54: {  	_ =	shalt  }
0x55: {  	_ =	shalt  }
0x56: {  	_ =	shalt  }
0x57: {  	_ =	shalt  }
0x58: {  	_ =	shalt  }
0x59: {  	_ =	shalt  }
0x5a: {  	_ =	shalt  }
0x5b: {  	_ =	shalt  }
0x5c: {  	_ =	shalt  }
0x5d: {  	_ =	shalt  }
0x5e: {  	_ =	shalt  }
0x5f: {  	_ =	shalt  }
0x60: {  	_ =	shalt  }
0x61: {  	_ =	shalt  }
0x62: {  	_ =	shalt  }
0x63: {  	_ =	shalt  }
0x64: {  	_ =	shalt  }
0x65: {  	_ =	shalt  }
0x66: {  	_ =	shalt  }
0x67: {  	_ =	shalt  }
0x68: {  	_ =	shalt  }
0x69: {  	_ =	shalt  }
0x6a: {  	_ =	shalt  }
0x6b: {  	_ =	shalt  }
0x6c: {  	_ =	shalt  }
0x6d: {  	_ =	shalt  }
0x6e: {  	_ =	shalt  }
0x6f: {  	_ =	shalt  }
0x70: {  	_ =	shalt  }
0x71: {  	_ =	shalt  }
0x72: {  	_ =	shalt  }
0x73: {  	_ =	shalt  }
0x74: {  	_ =	shalt  }
0x75: {  	_ =	shalt  }
0x76: {  	_ =	shalt  }
0x77: {  	_ =	shalt  }
0x78: {  	_ =	shalt  }
0x79: {  	_ =	shalt  }
0x7a: {  	_ =	shalt  }
0x7b: {  	_ =	shalt  }
0x7c: {  	_ =	shalt  }
0x7d: {  	_ =	shalt  }
0x7e: {  	_ =	shalt  }
0x7f: {  	_ =	shalt  }
0x80: {  	_ =	shalt  }
0x81: {  	_ =	shalt  }
0x82: {  	_ =	shalt  }
0x83: {  	_ =	shalt  }
0x84: {  	_ =	shalt  }
0x85: {  	_ =	shalt  }
0x86: {  	_ =	shalt  }
0x87: {  	_ =	shalt  }
.Lfunc_end0:
.L_simem_size_0:
called_computation_lowered:
.L_overlay_start_0:
0x88: {  	s2 =	sld [smem:$0x3FD9]  }
0x89: {  	s3 =	sld [smem:$0x3FFE];
	_ =	sdelay $0x1  }
0x8a: {  	s1 =	srdreg.scid  }
0x8b: {  	s0 =	sand.u32 $0x1, s1  }
0x8c: {  	s17 =	sshll.u32 s0, $0xA;
	s2 =	sadd.s32 s3, s2  }
0x8d: {  	s2 =	sadd.s32 s2, s17  }
0x8e: {  	[smem:$0x3FC2] =	sst s2  }
0x8f: {  	_ = 	snop  }
0x90: {  	s2 =	sld [smem:$0x3FD0];
	(tm) =	ssettm $0x1  }
0x91: {  	s18 =	sld [smem:$0x3FFB];
	_ =	sdelay $0x3  }
0x92: {  	_ =	strace s18  }
0x93: {  	s3 =	sld [smem:$0x3FFC];
	_ =	sdelay $0x3  }
0x94: {  	_ =	strace s3  }
0x95: {  	s3 =	sld [smem:$0x3FFD];
	_ =	sdelay $0x3  }
0x96: {  	_ =	strace s3  }
0x97: {  	_ =	strace $0x8FFFFFFF  }
0x98: {  	s19 =	sld [smem:$0x3FDB];
	_ =	sdelay $0x1  }
0x99: {  	s4 =	simm.s32 $_scs_section_size  }
0x9a: {  	s5 =	simm.s32 $_size__tile_overlayer_lowered;
	s6 =	simm.s32 $_tile_overlayer_lowered  }
0x9b: {  	s22 =	simm.s32 $0x1BFF;
	s21 =	sshll.u32 s6, $0x1;
	s3 =	sadd.s32 s4, s19  }
0x9c: {  	s7 =	simm.s32 $0x0;
	s20 =	sshll.u32 s5, $0x1;
	s5 =	sadd.s32 s21, s3  }
0x9d: {  	[timem:s7], [sflag:s22] =	dma.local [hbm:s5], s20  }
0x9e: {  	_ =	swait.ge [sflag:s22], s20  }
0x9f: {  	s4 =	ssub.s32 $0x0, s20;
	[sflag:s22] =	ssyncset.done $0x0  }
0xa0: {  	[sflag:s22] =	ssyncadd.s32 s4;
	_ =	sdelay $0x1  }
0xa1: {  	s23 =	simm.s32 $0x1B8B  }
0xa2: {  	_ =	swait.ge [sflag:s23], $0x1  }
0xa3: {  	[sflag:s23] =	ssyncset.done $0x0  }
0xa4: {  	s25 =	simm.s32 $0x1B8E;
	s24 =	sld [smem:$0x3FFE];
	[sflag:s23] =	ssyncadd.s32 $0xFFFFFFFF  }
0xa5: {  	s26 =	simm.s32 $execute0_lowered;
	[smem:$0x3FD2] =	sst s25  }
0xa6: {  	s5 =	sshll.u32 s26, $0x1;
	_ =	strace $0x80000046;
	[dreg:$0x1] =	wrdreg $0xFFFFFFFF  }
0xa7: {  	s28 =	simm.s32 $_size_execute0_lowered;
	s3 =	sadd.s32 s3, s5;
	[dreg:$0x0] =	wrdreg $0x0  }
0xa8: {  	s5 =	sshll.u32 s28, $0x1;
	[dreg:$0x2] =	wrdreg s3  }
0xa9: {  	[dreg:$0x3] =	wrdreg s5  }
0xaa: {  	[dreg:$0x4] =	wrdreg $0xC0  }
0xab: {  	_ =	task [dreg:s7], $0x5FFFF  }
0xac: {  	[dreg:$0x1] =	wrdreg $0xFFFFFFFF  }
0xad: {  	[dreg:$0x0] =	wrdreg $0x60  }
0xae: {  	[dreg:$0x2] =	wrdreg s24  }
0xaf: {  	[dreg:$0x3] =	wrdreg s2  }
0xb0: {  	[dreg:$0x4] =	wrdreg $0x2D900  }
0xb1: {  	[dreg:$0x5] =	wrdreg $0x9  }
0xb2: {  	_ =	task.clear_ibuf [dreg:s7], $0x6FFFF;
	_ =	strace $0x90000046  }
0xb3: {  	s29 =	simm.s32 $0x9;
	_ =	strace $0x80000048  }
0xb4: {  	_ =	swait.ge [sflag:s29], $0x1  }
0xb5: {  	[sflag:s29] =	ssyncadd.s32 $0xFFFFFFFF  }
0xb6: {  	_ =	strace $0x90000048  }
0xb7: {  	_ =	sfence  }
0xb8: {  	s30 =	sld [smem:$0x0];
	_ =	sdelay $0x2  }
0xb9: {  	s31 =	sshll.u32 s1, $0xD;
	s1 =	sshrl.u32 s1, $0x2  }
0xba: {  	s3 =	sand.u32 $0x4000, s31;
	s1 =	sadd.s32 s1, s30  }
0xbb: {  	s0 =	sor.u32 s3, s0;
	s1 =	sshll.u32 s1, $0x11  }
0xbc: {  	s0 =	sor.u32 s1, s0  }
0xbd: {  	s0 =	sadd.s32 $0x8F2B, s0  }
0xbe: {  	[sflag:s0] =	ssyncadd.remote.s32 $0x1  }
0xbf: {  	_ =	sfence.sel $0xFFFF  }
0xc0: {  	[dreg:$0x0] =	wrdreg $0xFFFFFFFF;
	(pc) =	sbr.abs _section_cstart, $3  }
0xc1: {  	[dreg:$0x1] =	wrdreg $0xFFFFFFFF  }
0xc2: {  	_ =	task.clear_ibuf [dreg:s7], $0x2FFFF;
	_ =	strace $0x9FFFFFFF  }
0xc3: {  	(tm) =	ssettm $0x7FFFFFFF  }
tec
execute0_lowered:
.L_overlay_start_1:
0x0: {  	(tag) =	ssettag $0x1  }
0x1: {  	s5 =	rddreg [dreg:$0x0]  }
0x2: {  	s0 =	srdreg.scid;
	s16 =	rddreg [dreg:$0x1]  }
0x3: {  	s2 =	rddreg [dreg:$0x2];
	s1 =	stileid.u32  }
0x4: {  	s3 =	simm.s32 $0x0;
	s21 =	simm.s32 $0x50;
	s22 =	simm.s32 $0x1  }
0x5: {  	s23 =	simm.s32 $0x0;
	s8 =	sand.u32 $0x1, s0;
	s0 =	rddreg [dreg:$0x3]  }
0x6: {  	[smem:$0x7FF] =	sst s3;
	s11 =	smul.u32 $0x1400, s1;
	s4 =	sshll.u32 s8, $0x4  }
0x7: {  	_ =	strace $0x80000047;
	s6 =	ssub.s32 $0x2, s8;
	s18 =	smul.u32 $0x14000, s8  }
0x8: {  	s4 =	sor.u32 s1, s4;
	s7 =	sshrl.u32 s6, $0x1;
	s13 =	sadd.s32 $0x400, s11  }
0x9: {  	s14 =	sadd.s32 $0x800, s11;
	s15 =	sadd.s32 $0xC00, s11;
	s19 =	sadd.s32 $0x1000, s11  }
0xa: {  	s4 =	smul.u32 $0x4E2, s4;
	s17 =	ssub.s32 s6, s7;
	s6 =	sadd.s32 s11, s2  }
0xb: {  	s7 =	sadd.s32 s13, s2;
	s8 =	sadd.s32 s14, s2;
	s9 =	sadd.s32 s15, s2  }
0xc: {  	s10 =	sadd.s32 s19, s2;
	s20 =	sadd.s32 s11, s18;
	s13 =	sadd.s32 s18, s13  }
0xd: {  	s14 =	sadd.s32 s18, s14;
	s15 =	sadd.s32 s18, s15;
	s18 =	sadd.s32 s18, s19  }
0xe: {  	s19 =	simm.s32 $0x2;
	s31 =	sshrl.u32 s20, $0x3;
	s13 =	sshrl.u32 s13, $0x3  }
0xf: {  	s14 =	sshrl.u32 s14, $0x3;
	s15 =	sshrl.u32 s15, $0x3;
	s18 =	sshrl.u32 s18, $0x3  }
0x10: {  	s17 =	smax.u32 s17, $0x1;
	s20 =	simm.s32 $0x2710;
	s12 =	sadd.s32 s4, s5  }
0x11: {  	s4 =	sadd.s32 $0x15200, s5;
	s5 =	sadd.s32 $0x15000, s5;
	s13 =	sadd.s32 s16, s13  }
0x12: {  	s14 =	sadd.s32 s16, s14;
	s15 =	sadd.s32 s16, s15;
	s11 =	sadd.s32 $0xB200, s12  }
0x13: {  	s12 =	sadd.s32 s16, s31;
	s16 =	sadd.s32 s16, s18;
	s18 =	simm.s32 $0x2990  }
.LBB2_1:
0x14: {  	[tilespmem:s18], [sflag:$0x2] =	stream.linear.gather [hbm4b:s5+s3], $0x400, $0x38;
	[tilespmem:$0x4190] =	vst v63  }
0x15: {  	_ =	swait.ge [sflag:s19], $0x400  }
0x16: {  	[sflag:s19] =	ssyncset.done $0x0  }
0x17: {  	[sflag:s19] =	ssyncadd.s32 $0xFFFFFC00  }
0x18: {  	[spmem:s6] =	stream.linear.scatter [tilespmem:s18], [sflag:$0x2], $0x400, $0x38;
	[tilespmem:$0x4190] =	vst v63  }
0x19: {  	_ =	swait.ge [sflag:s19], $0x400  }
0x1a: {  	[sflag:s19] =	ssyncset.done $0x0  }
0x1b: {  	[sflag:s19] =	ssyncadd.s32 $0xFFFFFC00  }
0x1c: {  	[spmem:s7] =	stream.linear.scatter [tilespmem:s18], [sflag:$0x2], $0x400, $0x38;
	[tilespmem:$0x4190] =	vst v63  }
0x1d: {  	_ =	swait.ge [sflag:s19], $0x400  }
0x1e: {  	[sflag:s19] =	ssyncset.done $0x0  }
0x1f: {  	[sflag:s19] =	ssyncadd.s32 $0xFFFFFC00  }
0x20: {  	[spmem:s8] =	stream.linear.scatter [tilespmem:s18], [sflag:$0x2], $0x400, $0x38;
	[tilespmem:$0x4190] =	vst v63  }
0x21: {  	_ =	swait.ge [sflag:s19], $0x400  }
0x22: {  	[sflag:s19] =	ssyncset.done $0x0  }
0x23: {  	[sflag:s19] =	ssyncadd.s32 $0xFFFFFC00  }
0x24: {  	[spmem:s9] =	stream.linear.scatter [tilespmem:s18], [sflag:$0x2], $0x400, $0x38;
	[tilespmem:$0x4190] =	vst v63  }
0x25: {  	_ =	swait.ge [sflag:s19], $0x400  }
0x26: {  	[sflag:s19] =	ssyncset.done $0x0  }
0x27: {  	[sflag:s19] =	ssyncadd.s32 $0xFFFFFC00  }
0x28: {  	[spmem:s10] =	stream.linear.scatter [tilespmem:s18], [sflag:$0x2], $0x400, $0x38;
	[tilespmem:$0x4190] =	vst v63  }
0x29: {  	_ =	swait.ge [sflag:s19], $0x400  }
0x2a: {  	[sflag:s19] =	ssyncset.done $0x0  }
0x2b: {  	[sflag:s19] =	ssyncadd.s32 $0xFFFFFC00  }
0x2c: {  	[tilespmem:s20], [sflag:$0x2] =	stream.linear.gather [hbm4b:s4+s3], $0x280, $0x38;
	[tilespmem:$0x4190] =	vst v63  }
0x2d: {  	_ =	swait.ge [sflag:s19], $0x280  }
0x2e: {  	[sflag:s19] =	ssyncset.done $0x0  }
0x2f: {  	[sflag:s19] =	ssyncadd.s32 $0xFFFFFD80  }
0x30: {  	[tilespmem:s3], [sflag:$0x2] =	stream.linear.gather [hbm4b:s11+s3], $0x2710, $0x38;
	[tilespmem:$0x4190] =	vst v63  }
0x31: {  	_ =	swait.ge [sflag:s19], $0x2710  }
0x32: {  	[sflag:s19] =	ssyncset.done $0x0  }
0x33: {  	[sflag:s19] =	ssyncadd.s32 $0xFFFFD8F0  }
0x34: {  	s24 =	simm.s32 $0x0;
	[bflag:$0x0] =	sbarrier.arrive $0xFFFF  }
.LBB2_2:
0x35: {  	p0 =	sne.s32 s24, $0x9B00  }
.Ltmp0:
0x36: {  	_ = 	snop;
	(pc) =	sbr.rel @p0 .LBB2_2-.Ltmp0, $3  }
0x37: {  	_ =	sdelay $0x1  }
0x38: {  	s25 =	sshra.s32 s24, $0x2;
	s24 =	sadd.s32 $0x140, s24  }
0x39: {  	[spmem:s2] =	stream.indirect.scatter.add.f32 [tilespmem:s20], [sflag:$0x1], $0x8, s25, s21, $0xb8;
	[tilespmem:$0x4190] =	vst v63  }
0x3a: {  	_ =	swait.ge [sflag:s22], $0x280  }
0x3b: {  	s24 =	simm.s32 $0x7C;
	[sflag:s22] =	ssyncset.done $0x0  }
.LBB2_4:
0x3c: {  	p0 =	sne.s32 s24, $0x1;
	s24 =	sadd.s32 $0xFFFFFFFF, s24;
	[sflag:s22] =	ssyncadd.s32 $0xFFFFFD80  }
.Ltmp1:
0x3d: {  	(pc) =	sbr.rel @p0 .LBB2_4-.Ltmp1, $3  }
0x3e: {  	_ =	sdelay $0x1  }
0x3f: {  	_ =	swait.ge [sflag:s22], $0x280  }
0x40: {  	[sflag:s22] =	ssyncset.done $0x0  }
0x41: {  	[sflag:s22] =	ssyncadd.s32 $0xFFFFFD80;
	s24 =	sshll.u32 s1, $0x6  }
0x42: {  	s25 =	sshrl.u32 s6, $0x3;
	[bflag:$0x0] =	sbarrier.arrive $0xFFFF;
	s24 =	sor.u32 $0x1C02, s24  }
0x43: {  	[hbm:s12], [sflag:s24] =	dma.local [spmem:s25], $0x80  }
0x44: {  	_ =	swait.ge [sflag:s19], $0x80  }
0x45: {  	[sflag:s19] =	ssyncset.done $0x0  }
0x46: {  	s28 =	sshrl.u32 s7, $0x3;
	[sflag:s19] =	ssyncadd.s32 $0xFFFFFF80  }
0x47: {  	[hbm:s13], [sflag:s24] =	dma.local [spmem:s28], $0x80  }
0x48: {  	_ =	swait.ge [sflag:s19], $0x80  }
0x49: {  	[sflag:s19] =	ssyncset.done $0x0  }
0x4a: {  	s29 =	sshrl.u32 s8, $0x3;
	[sflag:s19] =	ssyncadd.s32 $0xFFFFFF80  }
0x4b: {  	[hbm:s14], [sflag:s24] =	dma.local [spmem:s29], $0x80  }
0x4c: {  	_ =	swait.ge [sflag:s19], $0x80  }
0x4d: {  	[sflag:s19] =	ssyncset.done $0x0  }
0x4e: {  	s30 =	sshrl.u32 s9, $0x3;
	[sflag:s19] =	ssyncadd.s32 $0xFFFFFF80  }
0x4f: {  	[hbm:s15], [sflag:s24] =	dma.local [spmem:s30], $0x80  }
0x50: {  	s23 =	sadd.s32 $0x1, s23;
	_ =	swait.ge [sflag:s19], $0x80  }
0x51: {  	p0 =	sne.s32 s23, s17;
	[sflag:s19] =	ssyncset.done $0x0  }
.Ltmp2:
0x52: {  	s31 =	sshrl.u32 s10, $0x3;
	[sflag:s19] =	ssyncadd.s32 $0xFFFFFF80;
	(pc) =	sbr.rel @p0 .LBB2_1-.Ltmp2, $4  }
0x53: {  	[hbm:s16], [sflag:s24] =	dma.local [spmem:s31], $0x80  }
0x54: {  	_ =	swait.ge [sflag:s19], $0x80  }
0x55: {  	[sflag:s19] =	ssyncset.done $0x0  }
0x56: {  	[sflag:s19] =	ssyncadd.s32 $0xFFFFFF80  }
0x57: {  	_ =	sfence.sel $0x180000  }
0x58: {  	[bflag:$0x0] =	sbarrier.arrive $0xFFFF  }
0x59: {  	p0 =	sne.s32 s1, $0x0;
	_ =	strace $0x90000047  }
0x5a: {  	s0 =	sadd.s32 @!p0 $0x100000, s0;
	[bflag:$0x2] =	sbarrier.arrive $0xFFFF  }
0x5b: {  	[sflag:s0] =	ssyncadd.tile.s32 @!p0 $0x1;
	_ =	shalt  }
.Lfunc_end2:
_tile_overlayer_lowered:
.L_overlay_start_2:
0x5c: {  	(tag) =	ssettag $0x2  }
0x5d: {  	s0 =	rddreg [dreg:$0x0];
	s2 =	stileid.u32  }
0x5e: {  	s1 =	rddreg [dreg:$0x1];
	p0 =	sne.s32 s2, $0x0  }
0x5f: {  	s3 =	rddreg [dreg:$0x2];
	[bflag:$0x3] =	sbarrier.arrive $0xFFFF;
	s2 =	simm.s32 @!p0 $0x1C02  }
0x60: {  	[timem:s3], [sflag:s2] =	dma.local @!p0 [hbm:s0], s1  }
0x61: {  	s0 =	simm.s32 @!p0 $0x2  }
0x62: {  	_ =	swait.ge @!p0 [sflag:s0], s1  }
0x63: {  	s1 =	ssub.s32 @!p0 $0x0, s1;
	[sflag:s0] =	ssyncset.done @!p0 $0x0  }
0x64: {  	[sflag:s0] =	ssyncadd.s32 @!p0 s1  }
0x65: {  	[bflag:$0x3] =	sbarrier.arrive $0xFFFF  }
0x66: {  	_ =	shalt  }

</sc_bundles>
